<compile_context>
chip_gen: v7x
topology: tpu7x:2x2x1
jax: 0.10.2.dev20260603
libtpu: 0.0.44.dev20260713+nightly
codegen_flags: <defaults>
</compile_context>

<pallas_src>
import functools

import jax
import jax.numpy as jnp
from jax import lax
from jax.experimental import pallas as pl
from jax.experimental.pallas import tpu as pltpu
from jax.experimental.pallas import tpu_sc as plsc

K_NB = 128
LANES = 128
_BIG_IDX = 2**30
SS = 16
CAP = 4096
SC_NC = 2
SC_NS = 16
SC_L = 16
SC_G = 8


def _lex_less(av, ai, bv, bi):
    return (av < bv) | ((av == bv) & (ai < bi))


def _partner(v, j):
    rp = jnp.roll(v, -j, axis=-1)
    rm = jnp.roll(v, j, axis=-1)
    return rp, rm


def _cmpex(v, i, lane, j, up):
    vp_p, vp_m = _partner(v, j)
    ip_p, ip_m = _partner(i, j)
    lower = (lane & j) == 0
    pv = jnp.where(lower, vp_p, vp_m)
    pi = jnp.where(lower, ip_p, ip_m)
    less = _lex_less(v, i, pv, pi)
    keep_self = (lower == up) == less
    return jnp.where(keep_self, v, pv), jnp.where(keep_self, i, pi)


def _sort_lanes(v, i, lane, ascending):
    for kk in (2, 4, 8, 16, 32, 64, 128):
        blk_up = (lane & kk) == 0
        if not ascending:
            blk_up = jnp.logical_not(blk_up)
        jj = kk // 2
        while jj >= 1:
            v, i = _cmpex(v, i, lane, jj, blk_up)
            jj //= 2
    return v, i


def _merge_desc_into_asc(bufv, bufi, cv, ci, lane):
    less = _lex_less(bufv, bufi, cv, ci)
    nv = jnp.where(less, bufv, cv)
    ni = jnp.where(less, bufi, ci)
    true_up = lane >= 0
    for j in (64, 32, 16, 8, 4, 2, 1):
        nv, ni = _cmpex(nv, ni, lane, j, true_up)
    return nv, ni



def _cmpex_v(v, lane, j, up):
    vp_p, vp_m = _partner(v, j)
    lower = (lane & j) == 0
    pv = jnp.where(lower, vp_p, vp_m)
    keep_self = (lower == up) == (v < pv)
    return jnp.where(keep_self, v, pv)


def _sort_lanes_v(v, lane, ascending):
    for kk in (2, 4, 8, 16, 32, 64, 128):
        blk_up = (lane & kk) == 0
        if not ascending:
            blk_up = jnp.logical_not(blk_up)
        jj = kk // 2
        while jj >= 1:
            v = _cmpex_v(v, lane, jj, blk_up)
            jj //= 2
    return v


def _merge_desc_into_asc_v(bufv, cv, lane):
    nv = jnp.minimum(bufv, cv)
    true_up = lane >= 0
    for j in (64, 32, 16, 8, 4, 2, 1):
        nv = _cmpex_v(nv, lane, j, true_up)
    return nv



def _score_body(n_chunks, v_real, x_ref, w_ref, xsq_ref, wsq_ref,
                d2_ref, t_ref, bufv):
    j = pl.program_id(1)

    @pl.when(j == 0)
    def _init():
        bufv[...] = jnp.full(bufv.shape, jnp.inf, jnp.float32)

    xb = x_ref[...]
    wb = w_ref[...]
    wsq = wsq_ref[0]
    xsq = xsq_ref[...]
    mm = lax.dot_general(
        xb, wb, (((1,), (1,)), ((), ())),
        preferred_element_type=jnp.float32)
    s = (xsq - 2.0 * mm) + wsq

    shape = s.shape
    lane = lax.broadcasted_iota(jnp.int32, shape, 1)
    col = lane + j * LANES
    s = jnp.where(col < v_real, s, jnp.inf)
    d2_ref[...] = s

    @pl.when(j % SS == 0)
    def _merge():
        cv = _sort_lanes_v(s, lane, ascending=False)
        bufv[...] = _merge_desc_into_asc_v(bufv[...], cv, lane)

    @pl.when(j == n_chunks - 1)
    def _fin():
        t_ref[...] = bufv[:, K_NB - 1:K_NB]



def _sc_filter_body(qpw, vpad, d2_hbm, t_hbm, cv_hbm, ci_hbm,
                    row_v, t_v, cvb, cib):
    wid = lax.axis_index("s") * SC_NC + lax.axis_index("c")
    base = wid * qpw
    pltpu.sync_copy(t_hbm.at[pl.ds(base, qpw)], t_v)

    inf16 = jnp.full((SC_L,), jnp.inf, jnp.float32)
    big16 = jnp.full((SC_L,), _BIG_IDX, jnp.int32)
    iota16 = lax.iota(jnp.int32, SC_L)

    def per_query(qi, carry):
        qg = base + qi
        pltpu.sync_copy(d2_hbm.at[qg], row_v)
        tblk = t_v[pl.ds((qi // SC_L) * SC_L, SC_L)]
        tsel = jnp.where(iota16 == qi % SC_L, tblk, -jnp.inf)
        thr = jnp.max(tsel)

        def init_step(n, c):
            cvb[pl.ds(n * SC_L, SC_L)] = inf16
            cib[pl.ds(n * SC_L, SC_L)] = big16
            return c
        lax.fori_loop(0, (CAP + SC_L) // SC_L, init_step, 0)

        def scan_group(g, ptr):
            vs, ms, cnts = [], [], []
            for u in range(SC_G):
                v = row_v[pl.ds((g * SC_G + u) * SC_L, SC_L)]
                m = v <= thr
                vs.append(v)
                ms.append(m)
                cnts.append(jnp.max(plsc.all_reduce_population_count(m)))
            for u in range(SC_G):
                gi = iota16 + (g * SC_G + u) * SC_L
                plsc.store_compressed(cvb.at[pl.ds(ptr, SC_L)], vs[u],
                                      mask=ms[u])
                plsc.store_compressed(cib.at[pl.ds(ptr, SC_L)], gi,
                                      mask=ms[u])
                ptr = jnp.minimum(ptr + cnts[u], CAP)
            return ptr
        lax.fori_loop(0, vpad // (SC_L * SC_G), scan_group, jnp.int32(0))

        pltpu.sync_copy(cvb.at[pl.ds(0, CAP)], cv_hbm.at[qg])
        pltpu.sync_copy(cib.at[pl.ds(0, CAP)], ci_hbm.at[qg])
        return carry

    lax.fori_loop(0, qpw, per_query, 0)



def _finish_body(n_chunks, cv_ref, ci_ref, d_ref, i_ref, bufv, bufi):
    j = pl.program_id(1)

    @pl.when(j == 0)
    def _init():
        bufv[...] = jnp.full(bufv.shape, jnp.inf, jnp.float32)
        bufi[...] = jnp.full(bufi.shape, _BIG_IDX, jnp.int32)

    v = cv_ref[...]
    live = jnp.any(v[:, 0:1] != jnp.inf)

    @pl.when(live)
    def _do_merge():
        idx = ci_ref[...]
        lane = lax.broadcasted_iota(jnp.int32, v.shape, 1)
        cv, ci = _sort_lanes(v, idx, lane, ascending=False)
        nv, ni = _merge_desc_into_asc(bufv[...], bufi[...], cv, ci, lane)
        bufv[...] = nv
        bufi[...] = ni

    @pl.when(j == n_chunks - 1)
    def _fin():
        d_ref[...] = bufv[...]
        i_ref[...] = bufi[...]


NH = 4


def kernel(x, W):
    B, d = x.shape
    V, _ = W.shape
    n_chunks = -(-V // LANES)
    if n_chunks % SS:
        n_chunks += SS - n_chunks % SS
    v_pad = n_chunks * LANES
    xsq = jnp.sum(x * x, axis=1, keepdims=True)
    wsq = jnp.sum(W * W, axis=1)
    if v_pad != V:
        W = jnp.pad(W, ((0, v_pad - V), (0, 0)))
        wsq = jnp.pad(wsq, (0, v_pad - V))
    wsq3 = wsq.reshape(n_chunks, 1, LANES)
    bb = 256
    hb = B // NH

    body = functools.partial(_score_body, n_chunks, V)
    n_workers = SC_NC * SC_NS
    qpw = hb // n_workers
    mesh = plsc.VectorSubcoreMesh(core_axis_name="c", subcore_axis_name="s")
    sc_body = functools.partial(_sc_filter_body, qpw, v_pad)
    fin_chunks = CAP // LANES
    fbody = functools.partial(_finish_body, fin_chunks)

    ds, is_ = [], []
    for h in range(NH):
        xh = x[h * hb:(h + 1) * hb]
        xsqh = xsq[h * hb:(h + 1) * hb]
        d2, t = pl.pallas_call(
            body,
            grid=(hb // bb, n_chunks),
            in_specs=[
                pl.BlockSpec((bb, d), lambda i, j: (i, 0)),
                pl.BlockSpec((LANES, d), lambda i, j: (j, 0)),
                pl.BlockSpec((bb, 1), lambda i, j: (i, 0)),
                pl.BlockSpec((1, 1, LANES), lambda i, j: (j, 0, 0)),
            ],
            out_specs=[
                pl.BlockSpec((bb, LANES), lambda i, j: (i, j)),
                pl.BlockSpec((bb, 1), lambda i, j: (i, 0)),
            ],
            out_shape=[
                jax.ShapeDtypeStruct((hb, v_pad), jnp.float32),
                jax.ShapeDtypeStruct((hb, 1), jnp.float32),
            ],
            scratch_shapes=[
                pltpu.VMEM((bb, LANES), jnp.float32),
            ],
            compiler_params=pltpu.CompilerParams(
                dimension_semantics=("arbitrary", "arbitrary")),
        )(xh, W, xsqh, wsq3)

        cand_v, cand_i = pl.kernel(
            sc_body,
            out_type=[
                jax.ShapeDtypeStruct((hb, CAP), jnp.float32),
                jax.ShapeDtypeStruct((hb, CAP), jnp.int32),
            ],
            mesh=mesh,
            scratch_types=[
                pltpu.VMEM((v_pad,), jnp.float32),
                pltpu.VMEM((qpw,), jnp.float32),
                pltpu.VMEM((CAP + SC_L,), jnp.float32),
                pltpu.VMEM((CAP + SC_L,), jnp.int32),
            ],
            compiler_params=pltpu.CompilerParams(needs_layout_passes=False),
        )(d2, t.reshape(hb))

        D, I = pl.pallas_call(
            fbody,
            grid=(hb // bb, fin_chunks),
            in_specs=[
                pl.BlockSpec((bb, LANES), lambda i, j: (i, j)),
                pl.BlockSpec((bb, LANES), lambda i, j: (i, j)),
            ],
            out_specs=[
                pl.BlockSpec((bb, K_NB), lambda i, j: (i, 0)),
                pl.BlockSpec((bb, K_NB), lambda i, j: (i, 0)),
            ],
            out_shape=[
                jax.ShapeDtypeStruct((hb, K_NB), jnp.float32),
                jax.ShapeDtypeStruct((hb, K_NB), jnp.int32),
            ],
            scratch_shapes=[
                pltpu.VMEM((bb, LANES), jnp.float32),
                pltpu.VMEM((bb, LANES), jnp.int32),
            ],
            compiler_params=pltpu.CompilerParams(
                dimension_semantics=("arbitrary", "arbitrary")),
        )(cand_v, cand_i)
        ds.append(D)
        is_.append(I)

    return x, jnp.concatenate(ds, axis=0), jnp.concatenate(is_, axis=0)

# --- scband reference (transcript-rebuilt; emitter-appended) ---
"""Pipeline reference for scband-approx-destiny-linear-24721831756478 (READ-ONLY COPY).

The authoritative reference and input builder live on the scoring server;
editing this copy changes nothing except your own understanding.
"""

import jax, jax.numpy as jnp
import numpy as np

K_NEIGHBORS = 128

def setup_inputs(seed: int = 0) -> dict:
    key = jax.random.key(seed)
    k1, k2 = jax.random.split(key)
    # queries: batch_size x in_features
    x = jax.random.normal(k1, (1024, 128), dtype=jnp.float32)
    # learned parameter: linear.weight with shape [out_features, in_features] = [100000, 128];
    # faiss index is built over these rows (dim = weights.shape[1] = 128)
    W = jax.random.normal(k2, (100000, 128), dtype=jnp.float32)
    return {"x": x, "W": W}

def reference(x, W):
    # Faithful (exact) version of the faiss IVF-Flat L2 search performed in forward().
    # faiss Flat/IVF-Flat default metric is squared L2; search writes D (distances,
    # smallest first) and I (row indices into W). The torch forward returns x unchanged
    # with (D, I) as side-effect buffers; we return all three.
    x_sq = jnp.sum(x * x, axis=1, keepdims=True)            # [B, 1]
    w_sq = jnp.sum(W * W, axis=1)                           # [V]
    d2 = x_sq - 2.0 * (x @ W.T) + w_sq[None, :]             # [B, V] squared L2 distances
    neg_d, I = jax.lax.top_k(-d2, K_NEIGHBORS)              # smallest distances first
    D = -neg_d                                              # [B, k]
    return x, D, I

if __name__ == "__main__":
    import jax
    _d = setup_inputs()
    print(jax.jit(kernel)(*tuple(_d.values())))

</pallas_src>

<mosaic_0001>
#map = affine_map<(d0, d1) -> (0, 0)>
#map1 = affine_map<(d0, d1) -> (0)>
module attributes {stable_mosaic.version = 14 : i64} {
  func.func @_sc_filter_body(%arg0: i32, %arg1: i32, %arg2: memref<256x100352xf32, #tpu.memory_space<hbm>>, %arg3: memref<256xf32, #tpu.memory_space<hbm>>, %arg4: memref<256x4096xf32, #tpu.memory_space<hbm>>, %arg5: memref<256x4096xi32, #tpu.memory_space<hbm>>, %arg6: memref<100352xf32, #tpu.memory_space<vmem>>, %arg7: memref<8xf32, #tpu.memory_space<vmem>>, %arg8: memref<4112xf32, #tpu.memory_space<vmem>>, %arg9: memref<4112xi32, #tpu.memory_space<vmem>>) attributes {dimension_semantics = [#tpu.dimension_semantics<core_parallel>, #tpu.dimension_semantics<subcore_parallel>], iteration_bounds = array<i64: 2, 16>, scalar_prefetch = 0 : i64, scratch_operands = 4 : i64, tpu.core_type = #tpu.core_type<sc_vector_subcore>, window_params = [{transform_indices = #map}, {transform_indices = #map1}, {transform_indices = #map}, {transform_indices = #map}]} {
    %mul3A = arith.constant 2 : i32
    %mul3A_0 = arith.muli %arg1, %mul3A : i32
    %add3A = arith.addi %mul3A_0, %arg0 : i32
    %mul3A_1 = arith.constant 8 : i32
    %mul3A_2 = arith.muli %add3A, %mul3A_1 : i32
    "tpu.region"() ({
      %run_scoped3A = tpu.sem_alloc : memref<!tpu.dma_semaphore, #tpu.memory_space<semaphore_mem>>
      %dma_start3A = tpu.memref_slice %arg3[%mul3A_2] : memref<256xf32, #tpu.memory_space<hbm>> -> memref<8xf32, #tpu.memory_space<hbm>>
      %dma_start3A_11 = tpu.memref_slice %arg3[%mul3A_2] : memref<256xf32, #tpu.memory_space<hbm>> -> memref<8xf32, #tpu.memory_space<hbm>>
      tpu.enqueue_dma source(%dma_start3A_11 : memref<8xf32, #tpu.memory_space<hbm>>) target(%arg7 : memref<8xf32, #tpu.memory_space<vmem>>) target_semaphore(%run_scoped3A : memref<!tpu.dma_semaphore, #tpu.memory_space<semaphore_mem>>)
      %dma_wait3A = tpu.memref_slice %arg3[%mul3A_2] : memref<256xf32, #tpu.memory_space<hbm>> -> memref<8xf32, #tpu.memory_space<hbm>>
      %dma_wait3A_12 = tpu.memref_slice %arg3[%mul3A_2] : memref<256xf32, #tpu.memory_space<hbm>> -> memref<8xf32, #tpu.memory_space<hbm>>
      tpu.wait_dma2 semaphore(%run_scoped3A : memref<!tpu.dma_semaphore, #tpu.memory_space<semaphore_mem>>) src(%dma_wait3A_12 : memref<8xf32, #tpu.memory_space<hbm>>) dst(%arg7 : memref<8xf32, #tpu.memory_space<vmem>>)
      tpu.yield
    }) : () -> ()
    %broadcast_in_dim3A = arith.constant 0x7F800000 : f32
    %broadcast_in_dim3A_3 = vector.broadcast %broadcast_in_dim3A : f32 to vector<16xf32>
    %broadcast_in_dim3A_4 = arith.constant 1073741824 : i32
    %broadcast_in_dim3A_5 = vector.broadcast %broadcast_in_dim3A_4 : i32 to vector<16xi32>
    %iota3A = tpu.iota {dimensions = array<i32: 0>} : vector<16xi32>
    %scan3A = arith.constant 0 : i32
    %scan3A_6 = arith.constant 0 : i32
    %scan3A_7 = arith.constant 8 : i32
    %scan3A_8 = arith.addi %scan3A_6, %scan3A_7 : i32
    %scan3A_9 = arith.constant 1 : i32
    scf.for %scan3A_11 = %scan3A_6 to %scan3A_8 step %scan3A_9  : i32 {
      %add3A_12 = arith.addi %mul3A_2, %scan3A_11 : i32
      "tpu.region"() ({
        %run_scoped3A = tpu.sem_alloc : memref<!tpu.dma_semaphore, #tpu.memory_space<semaphore_mem>>
        %dma_start3A = arith.constant 0 : i32
        %dma_start3A_67 = tpu.memref_slice %arg2[%add3A_12, %dma_start3A] : memref<256x100352xf32, #tpu.memory_space<hbm>> -> memref<1x100352xf32, #tpu.memory_space<hbm>>
        %dma_start3A_68 = tpu.memref_squeeze %dma_start3A_67 : memref<1x100352xf32, #tpu.memory_space<hbm>> -> memref<100352xf32, #tpu.memory_space<hbm>>
        %dma_start3A_69 = arith.constant 0 : i32
        %dma_start3A_70 = tpu.memref_slice %arg2[%add3A_12, %dma_start3A_69] : memref<256x100352xf32, #tpu.memory_space<hbm>> -> memref<1x100352xf32, #tpu.memory_space<hbm>>
        %dma_start3A_71 = tpu.memref_squeeze %dma_start3A_70 : memref<1x100352xf32, #tpu.memory_space<hbm>> -> memref<100352xf32, #tpu.memory_space<hbm>>
        tpu.enqueue_dma source(%dma_start3A_71 : memref<100352xf32, #tpu.memory_space<hbm>>) target(%arg6 : memref<100352xf32, #tpu.memory_space<vmem>>) target_semaphore(%run_scoped3A : memref<!tpu.dma_semaphore, #tpu.memory_space<semaphore_mem>>)
        %dma_wait3A = arith.constant 0 : i32
        %dma_wait3A_72 = tpu.memref_slice %arg2[%add3A_12, %dma_wait3A] : memref<256x100352xf32, #tpu.memory_space<hbm>> -> memref<1x100352xf32, #tpu.memory_space<hbm>>
        %dma_wait3A_73 = tpu.memref_squeeze %dma_wait3A_72 : memref<1x100352xf32, #tpu.memory_space<hbm>> -> memref<100352xf32, #tpu.memory_space<hbm>>
        %dma_wait3A_74 = arith.constant 0 : i32
        %dma_wait3A_75 = tpu.memref_slice %arg2[%add3A_12, %dma_wait3A_74] : memref<256x100352xf32, #tpu.memory_space<hbm>> -> memref<1x100352xf32, #tpu.memory_space<hbm>>
        %dma_wait3A_76 = tpu.memref_squeeze %dma_wait3A_75 : memref<1x100352xf32, #tpu.memory_space<hbm>> -> memref<100352xf32, #tpu.memory_space<hbm>>
        tpu.wait_dma2 semaphore(%run_scoped3A : memref<!tpu.dma_semaphore, #tpu.memory_space<semaphore_mem>>) src(%dma_wait3A_76 : memref<100352xf32, #tpu.memory_space<hbm>>) dst(%arg6 : memref<100352xf32, #tpu.memory_space<vmem>>)
        tpu.yield
      }) : () -> ()
      %jit3A = arith.constant 16 : i32
      %div3A = arith.divsi %scan3A_11, %jit3A : i32
      %sign3A = arith.constant 0 : i32
      %sign3A_13 = arith.cmpi sgt, %scan3A_11, %sign3A : i32
      %sign3A_14 = arith.extui %sign3A_13 : i1 to i32
      %sign3A_15 = arith.constant 0 : i32
      %sign3A_16 = arith.cmpi slt, %scan3A_11, %sign3A_15 : i32
      %sign3A_17 = arith.extui %sign3A_16 : i1 to i32
      %sign3A_18 = arith.subi %sign3A_14, %sign3A_17 : i32
      %sign3A_19 = arith.constant 0 : i32
      %sign3A_20 = arith.cmpi sgt, %jit3A, %sign3A_19 : i32
      %sign3A_21 = arith.extui %sign3A_20 : i1 to i32
      %sign3A_22 = arith.constant 0 : i32
      %sign3A_23 = arith.cmpi slt, %jit3A, %sign3A_22 : i32
      %sign3A_24 = arith.extui %sign3A_23 : i1 to i32
      %sign3A_25 = arith.subi %sign3A_21, %sign3A_24 : i32
      %ne3A = arith.cmpi ne, %sign3A_18, %sign3A_25 : i32
      %rem3A = arith.remsi %scan3A_11, %jit3A : i32
      %ne3A_26 = arith.constant 0 : i32
      %ne3A_27 = arith.cmpi ne, %rem3A, %ne3A_26 : i32
      %and3A = arith.andi %ne3A, %ne3A_27 : i1
      %sub3A = arith.constant 1 : i32
      %sub3A_28 = arith.subi %div3A, %sub3A : i32
      %select_n3A = arith.select %and3A, %sub3A_28, %div3A : i32
      %mul3A_29 = arith.constant 16 : i32
      %mul3A_30 = arith.muli %select_n3A, %mul3A_29 : i32
      %get3A = arith.index_cast %mul3A_30 : i32 to index
      %get3A_31 = tpu.vector_load %arg7[%get3A] {strides = array<i32>} : memref<8xf32, #tpu.memory_space<vmem>>, vector<16xf32>,
      %jit3A_32 = arith.constant 16 : i32
      %eq3A = arith.constant 0 : i32
      %eq3A_33 = arith.cmpi eq, %jit3A_32, %eq3A : i32
      %jit3A_34 = arith.constant 1 : i32
      %select_n3A_35 = arith.select %eq3A_33, %jit3A_34, %jit3A_32 : i32
      %rem3A_36 = arith.remsi %scan3A_11, %select_n3A_35 : i32
      %ne3A_37 = arith.constant 0 : i32
      %ne3A_38 = arith.cmpi ne, %rem3A_36, %ne3A_37 : i32
      %lt3A = arith.constant 0 : i32
      %lt3A_39 = arith.cmpi slt, %rem3A_36, %lt3A : i32
      %lt3A_40 = arith.constant 0 : i32
      %lt3A_41 = arith.cmpi slt, %select_n3A_35, %lt3A_40 : i32
      %ne3A_42 = arith.xori %lt3A_39, %lt3A_41 : i1
      %and3A_43 = arith.andi %ne3A_42, %ne3A_38 : i1
      %add3A_44 = arith.addi %rem3A_36, %select_n3A_35 : i32
      %select_n3A_45 = arith.select %and3A_43, %add3A_44, %rem3A_36 : i32
      %eq3A_46 = vector.broadcast %select_n3A_45 : i32 to vector<16xi32>
      %eq3A_47 = arith.cmpi eq, %iota3A, %eq3A_46 : vector<16xi32>
      %jit3A_48 = arith.constant 0xFF800000 : f32
      %broadcast_in_dim3A_49 = vector.broadcast %jit3A_48 : f32 to vector<16xf32>
      %select_n3A_50 = arith.select %eq3A_47, %get3A_31, %broadcast_in_dim3A_49 : vector<16xi1>, vector<16xf32>
      %reduce_max3A = arith.constant true
      %reduce_max3A_51 = vector.broadcast %reduce_max3A : i1 to vector<16xi1>
      %reduce_max3A_52 = tpu.scan <max>, %select_n3A_50 masked %reduce_max3A_51 : vector<16xf32>, vector<16xi1> -> vector<16xf32>
      %reduce_max3A_53 = vector.extract %reduce_max3A_52[15] : f32 from vector<16xf32>
      %scan3A_54 = arith.constant 0 : i32
      %scan3A_55 = arith.constant 0 : i32
      %scan3A_56 = arith.constant 257 : i32
      %scan3A_57 = arith.addi %scan3A_55, %scan3A_56 : i32
      %scan3A_58 = arith.constant 1 : i32
      scf.for %scan3A_67 = %scan3A_55 to %scan3A_57 step %scan3A_58  : i32 {
        %mul3A_68 = arith.constant 16 : i32
        %mul3A_69 = arith.muli %scan3A_67, %mul3A_68 : i32
        %swap3A = arith.index_cast %mul3A_69 : i32 to index
        %swap3A_70 = tpu.vector_load %arg8[%swap3A] {strides = array<i32>} : memref<4112xf32, #tpu.memory_space<vmem>>, vector<16xf32>,
        tpu.vector_store %arg8[%swap3A], %broadcast_in_dim3A_3 {strides = array<i32>} : memref<4112xf32, #tpu.memory_space<vmem>>, vector<16xf32>,
        %mul3A_71 = arith.constant 16 : i32
        %mul3A_72 = arith.muli %scan3A_67, %mul3A_71 : i32
        %swap3A_73 = arith.index_cast %mul3A_72 : i32 to index
        %swap3A_74 = tpu.vector_load %arg9[%swap3A_73] {strides = array<i32>} : memref<4112xi32, #tpu.memory_space<vmem>>, vector<16xi32>,
        tpu.vector_store %arg9[%swap3A_73], %broadcast_in_dim3A_5 {strides = array<i32>} : memref<4112xi32, #tpu.memory_space<vmem>>, vector<16xi32>,
      }
      %scan3A_59 = arith.constant 257 : i32
      %scan3A_60 = arith.constant 0 : i32
      %scan3A_61 = arith.constant 0 : i32
      %scan3A_62 = arith.constant 784 : i32
      %scan3A_63 = arith.addi %scan3A_61, %scan3A_62 : i32
      %scan3A_64 = arith.constant 1 : i32
      %scan3A_65 = scf.for %scan3A_67 = %scan3A_61 to %scan3A_63 step %scan3A_64 iter_args(%scan3A_68 = %scan3A_60) -> (i32)  : i32 {
        %mul3A_69 = arith.constant 8 : i32
        %mul3A_70 = arith.muli %scan3A_67, %mul3A_69 : i32
        %add3A_71 = arith.constant 0 : i32
        %add3A_72 = arith.addi %mul3A_70, %add3A_71 : i32
        %mul3A_73 = arith.constant 16 : i32
        %mul3A_74 = arith.muli %add3A_72, %mul3A_73 : i32
        %get3A_75 = arith.index_cast %mul3A_74 : i32 to index
        %get3A_76 = tpu.vector_load %arg6[%get3A_75] {strides = array<i32>} : memref<100352xf32, #tpu.memory_space<vmem>>, vector<16xf32>,
        %le3A = vector.broadcast %reduce_max3A_53 : f32 to vector<16xf32>
        %le3A_77 = arith.cmpf ole, %get3A_76, %le3A : vector<16xf32>
        %all_reduce_population_count3A = tpu.all_reduce %le3A_77 {dim = 0 : i64, kind = #tpu.reduction_kind<sum>} : vector<16xi1> -> vector<16xi32>
        %reduce_max3A_78 = arith.constant true
        %reduce_max3A_79 = vector.broadcast %reduce_max3A_78 : i1 to vector<16xi1>
        %reduce_max3A_80 = arith.constant -2147483648 : i32
        %reduce_max3A_81 = vector.broadcast %reduce_max3A_80 : i32 to vector<16xi32>
        %reduce_max3A_82 = arith.xori %all_reduce_population_count3A, %reduce_max3A_81 : vector<16xi32>
        %reduce_max3A_83 = tpu.scan <max>, %reduce_max3A_82 masked %reduce_max3A_79 : vector<16xi32>, vector<16xi1> -> vector<16xi32>
        %reduce_max3A_84 = arith.xori %reduce_max3A_83, %reduce_max3A_81 : vector<16xi32>
        %reduce_max3A_85 = vector.extract %reduce_max3A_84[15] : i32 from vector<16xi32>
        %mul3A_86 = arith.constant 8 : i32
        %mul3A_87 = arith.muli %scan3A_67, %mul3A_86 : i32
        %add3A_88 = arith.constant 1 : i32
        %add3A_89 = arith.addi %mul3A_87, %add3A_88 : i32
        %mul3A_90 = arith.constant 16 : i32
        %mul3A_91 = arith.muli %add3A_89, %mul3A_90 : i32
        %get3A_92 = arith.index_cast %mul3A_91 : i32 to index
        %get3A_93 = tpu.vector_load %arg6[%get3A_92] {strides = array<i32>} : memref<100352xf32, #tpu.memory_space<vmem>>, vector<16xf32>,
        %le3A_94 = vector.broadcast %reduce_max3A_53 : f32 to vector<16xf32>
        %le3A_95 = arith.cmpf ole, %get3A_93, %le3A_94 : vector<16xf32>
        %all_reduce_population_count3A_96 = tpu.all_reduce %le3A_95 {dim = 0 : i64, kind = #tpu.reduction_kind<sum>} : vector<16xi1> -> vector<16xi32>
        %reduce_max3A_97 = arith.constant true
        %reduce_max3A_98 = vector.broadcast %reduce_max3A_97 : i1 to vector<16xi1>
        %reduce_max3A_99 = arith.constant -2147483648 : i32
        %reduce_max3A_100 = vector.broadcast %reduce_max3A_99 : i32 to vector<16xi32>
        %reduce_max3A_101 = arith.xori %all_reduce_population_count3A_96, %reduce_max3A_100 : vector<16xi32>
        %reduce_max3A_102 = tpu.scan <max>, %reduce_max3A_101 masked %reduce_max3A_98 : vector<16xi32>, vector<16xi1> -> vector<16xi32>
        %reduce_max3A_103 = arith.xori %reduce_max3A_102, %reduce_max3A_100 : vector<16xi32>
        %reduce_max3A_104 = vector.extract %reduce_max3A_103[15] : i32 from vector<16xi32>
        %mul3A_105 = arith.constant 8 : i32
        %mul3A_106 = arith.muli %scan3A_67, %mul3A_105 : i32
        %add3A_107 = arith.constant 2 : i32
        %add3A_108 = arith.addi %mul3A_106, %add3A_107 : i32
        %mul3A_109 = arith.constant 16 : i32
        %mul3A_110 = arith.muli %add3A_108, %mul3A_109 : i32
        %get3A_111 = arith.index_cast %mul3A_110 : i32 to index
        %get3A_112 = tpu.vector_load %arg6[%get3A_111] {strides = array<i32>} : memref<100352xf32, #tpu.memory_space<vmem>>, vector<16xf32>,
        %le3A_113 = vector.broadcast %reduce_max3A_53 : f32 to vector<16xf32>
        %le3A_114 = arith.cmpf ole, %get3A_112, %le3A_113 : vector<16xf32>
        %all_reduce_population_count3A_115 = tpu.all_reduce %le3A_114 {dim = 0 : i64, kind = #tpu.reduction_kind<sum>} : vector<16xi1> -> vector<16xi32>
        %reduce_max3A_116 = arith.constant true
        %reduce_max3A_117 = vector.broadcast %reduce_max3A_116 : i1 to vector<16xi1>
        %reduce_max3A_118 = arith.constant -2147483648 : i32
        %reduce_max3A_119 = vector.broadcast %reduce_max3A_118 : i32 to vector<16xi32>
        %reduce_max3A_120 = arith.xori %all_reduce_population_count3A_115, %reduce_max3A_119 : vector<16xi32>
        %reduce_max3A_121 = tpu.scan <max>, %reduce_max3A_120 masked %reduce_max3A_117 : vector<16xi32>, vector<16xi1> -> vector<16xi32>
        %reduce_max3A_122 = arith.xori %reduce_max3A_121, %reduce_max3A_119 : vector<16xi32>
        %reduce_max3A_123 = vector.extract %reduce_max3A_122[15] : i32 from vector<16xi32>
        %mul3A_124 = arith.constant 8 : i32
        %mul3A_125 = arith.muli %scan3A_67, %mul3A_124 : i32
        %add3A_126 = arith.constant 3 : i32
        %add3A_127 = arith.addi %mul3A_125, %add3A_126 : i32
        %mul3A_128 = arith.constant 16 : i32
        %mul3A_129 = arith.muli %add3A_127, %mul3A_128 : i32
        %get3A_130 = arith.index_cast %mul3A_129 : i32 to index
        %get3A_131 = tpu.vector_load %arg6[%get3A_130] {strides = array<i32>} : memref<100352xf32, #tpu.memory_space<vmem>>, vector<16xf32>,
        %le3A_132 = vector.broadcast %reduce_max3A_53 : f32 to vector<16xf32>
        %le3A_133 = arith.cmpf ole, %get3A_131, %le3A_132 : vector<16xf32>
        %all_reduce_population_count3A_134 = tpu.all_reduce %le3A_133 {dim = 0 : i64, kind = #tpu.reduction_kind<sum>} : vector<16xi1> -> vector<16xi32>
        %reduce_max3A_135 = arith.constant true
        %reduce_max3A_136 = vector.broadcast %reduce_max3A_135 : i1 to vector<16xi1>
        %reduce_max3A_137 = arith.constant -2147483648 : i32
        %reduce_max3A_138 = vector.broadcast %reduce_max3A_137 : i32 to vector<16xi32>
        %reduce_max3A_139 = arith.xori %all_reduce_population_count3A_134, %reduce_max3A_138 : vector<16xi32>
        %reduce_max3A_140 = tpu.scan <max>, %reduce_max3A_139 masked %reduce_max3A_136 : vector<16xi32>, vector<16xi1> -> vector<16xi32>
        %reduce_max3A_141 = arith.xori %reduce_max3A_140, %reduce_max3A_138 : vector<16xi32>
        %reduce_max3A_142 = vector.extract %reduce_max3A_141[15] : i32 from vector<16xi32>
        %mul3A_143 = arith.constant 8 : i32
        %mul3A_144 = arith.muli %scan3A_67, %mul3A_143 : i32
        %add3A_145 = arith.constant 4 : i32
        %add3A_146 = arith.addi %mul3A_144, %add3A_145 : i32
        %mul3A_147 = arith.constant 16 : i32
        %mul3A_148 = arith.muli %add3A_146, %mul3A_147 : i32
        %get3A_149 = arith.index_cast %mul3A_148 : i32 to index
        %get3A_150 = tpu.vector_load %arg6[%get3A_149] {strides = array<i32>} : memref<100352xf32, #tpu.memory_space<vmem>>, vector<16xf32>,
        %le3A_151 = vector.broadcast %reduce_max3A_53 : f32 to vector<16xf32>
        %le3A_152 = arith.cmpf ole, %get3A_150, %le3A_151 : vector<16xf32>
        %all_reduce_population_count3A_153 = tpu.all_reduce %le3A_152 {dim = 0 : i64, kind = #tpu.reduction_kind<sum>} : vector<16xi1> -> vector<16xi32>
        %reduce_max3A_154 = arith.constant true
        %reduce_max3A_155 = vector.broadcast %reduce_max3A_154 : i1 to vector<16xi1>
        %reduce_max3A_156 = arith.constant -2147483648 : i32
        %reduce_max3A_157 = vector.broadcast %reduce_max3A_156 : i32 to vector<16xi32>
        %reduce_max3A_158 = arith.xori %all_reduce_population_count3A_153, %reduce_max3A_157 : vector<16xi32>
        %reduce_max3A_159 = tpu.scan <max>, %reduce_max3A_158 masked %reduce_max3A_155 : vector<16xi32>, vector<16xi1> -> vector<16xi32>
        %reduce_max3A_160 = arith.xori %reduce_max3A_159, %reduce_max3A_157 : vector<16xi32>
        %reduce_max3A_161 = vector.extract %reduce_max3A_160[15] : i32 from vector<16xi32>
        %mul3A_162 = arith.constant 8 : i32
        %mul3A_163 = arith.muli %scan3A_67, %mul3A_162 : i32
        %add3A_164 = arith.constant 5 : i32
        %add3A_165 = arith.addi %mul3A_163, %add3A_164 : i32
        %mul3A_166 = arith.constant 16 : i32
        %mul3A_167 = arith.muli %add3A_165, %mul3A_166 : i32
        %get3A_168 = arith.index_cast %mul3A_167 : i32 to index
        %get3A_169 = tpu.vector_load %arg6[%get3A_168] {strides = array<i32>} : memref<100352xf32, #tpu.memory_space<vmem>>, vector<16xf32>,
        %le3A_170 = vector.broadcast %reduce_max3A_53 : f32 to vector<16xf32>
        %le3A_171 = arith.cmpf ole, %get3A_169, %le3A_170 : vector<16xf32>
        %all_reduce_population_count3A_172 = tpu.all_reduce %le3A_171 {dim = 0 : i64, kind = #tpu.reduction_kind<sum>} : vector<16xi1> -> vector<16xi32>
        %reduce_max3A_173 = arith.constant true
        %reduce_max3A_174 = vector.broadcast %reduce_max3A_173 : i1 to vector<16xi1>
        %reduce_max3A_175 = arith.constant -2147483648 : i32
        %reduce_max3A_176 = vector.broadcast %reduce_max3A_175 : i32 to vector<16xi32>
        %reduce_max3A_177 = arith.xori %all_reduce_population_count3A_172, %reduce_max3A_176 : vector<16xi32>
        %reduce_max3A_178 = tpu.scan <max>, %reduce_max3A_177 masked %reduce_max3A_174 : vector<16xi32>, vector<16xi1> -> vector<16xi32>
        %reduce_max3A_179 = arith.xori %reduce_max3A_178, %reduce_max3A_176 : vector<16xi32>
        %reduce_max3A_180 = vector.extract %reduce_max3A_179[15] : i32 from vector<16xi32>
        %mul3A_181 = arith.constant 8 : i32
        %mul3A_182 = arith.muli %scan3A_67, %mul3A_181 : i32
        %add3A_183 = arith.constant 6 : i32
        %add3A_184 = arith.addi %mul3A_182, %add3A_183 : i32
        %mul3A_185 = arith.constant 16 : i32
        %mul3A_186 = arith.muli %add3A_184, %mul3A_185 : i32
        %get3A_187 = arith.index_cast %mul3A_186 : i32 to index
        %get3A_188 = tpu.vector_load %arg6[%get3A_187] {strides = array<i32>} : memref<100352xf32, #tpu.memory_space<vmem>>, vector<16xf32>,
        %le3A_189 = vector.broadcast %reduce_max3A_53 : f32 to vector<16xf32>
        %le3A_190 = arith.cmpf ole, %get3A_188, %le3A_189 : vector<16xf32>
        %all_reduce_population_count3A_191 = tpu.all_reduce %le3A_190 {dim = 0 : i64, kind = #tpu.reduction_kind<sum>} : vector<16xi1> -> vector<16xi32>
        %reduce_max3A_192 = arith.constant true
        %reduce_max3A_193 = vector.broadcast %reduce_max3A_192 : i1 to vector<16xi1>
        %reduce_max3A_194 = arith.constant -2147483648 : i32
        %reduce_max3A_195 = vector.broadcast %reduce_max3A_194 : i32 to vector<16xi32>
        %reduce_max3A_196 = arith.xori %all_reduce_population_count3A_191, %reduce_max3A_195 : vector<16xi32>
        %reduce_max3A_197 = tpu.scan <max>, %reduce_max3A_196 masked %reduce_max3A_193 : vector<16xi32>, vector<16xi1> -> vector<16xi32>
        %reduce_max3A_198 = arith.xori %reduce_max3A_197, %reduce_max3A_195 : vector<16xi32>
        %reduce_max3A_199 = vector.extract %reduce_max3A_198[15] : i32 from vector<16xi32>
        %mul3A_200 = arith.constant 8 : i32
        %mul3A_201 = arith.muli %scan3A_67, %mul3A_200 : i32
        %add3A_202 = arith.constant 7 : i32
        %add3A_203 = arith.addi %mul3A_201, %add3A_202 : i32
        %mul3A_204 = arith.constant 16 : i32
        %mul3A_205 = arith.muli %add3A_203, %mul3A_204 : i32
        %get3A_206 = arith.index_cast %mul3A_205 : i32 to index
        %get3A_207 = tpu.vector_load %arg6[%get3A_206] {strides = array<i32>} : memref<100352xf32, #tpu.memory_space<vmem>>, vector<16xf32>,
        %le3A_208 = vector.broadcast %reduce_max3A_53 : f32 to vector<16xf32>
        %le3A_209 = arith.cmpf ole, %get3A_207, %le3A_208 : vector<16xf32>
        %all_reduce_population_count3A_210 = tpu.all_reduce %le3A_209 {dim = 0 : i64, kind = #tpu.reduction_kind<sum>} : vector<16xi1> -> vector<16xi32>
        %reduce_max3A_211 = arith.constant true
        %reduce_max3A_212 = vector.broadcast %reduce_max3A_211 : i1 to vector<16xi1>
        %reduce_max3A_213 = arith.constant -2147483648 : i32
        %reduce_max3A_214 = vector.broadcast %reduce_max3A_213 : i32 to vector<16xi32>
        %reduce_max3A_215 = arith.xori %all_reduce_population_count3A_210, %reduce_max3A_214 : vector<16xi32>
        %reduce_max3A_216 = tpu.scan <max>, %reduce_max3A_215 masked %reduce_max3A_212 : vector<16xi32>, vector<16xi1> -> vector<16xi32>
        %reduce_max3A_217 = arith.xori %reduce_max3A_216, %reduce_max3A_214 : vector<16xi32>
        %reduce_max3A_218 = vector.extract %reduce_max3A_217[15] : i32 from vector<16xi32>
        %mul3A_219 = arith.constant 8 : i32
        %mul3A_220 = arith.muli %scan3A_67, %mul3A_219 : i32
        %add3A_221 = arith.constant 0 : i32
        %add3A_222 = arith.addi %mul3A_220, %add3A_221 : i32
        %mul3A_223 = arith.constant 16 : i32
        %mul3A_224 = arith.muli %add3A_222, %mul3A_223 : i32
        %add3A_225 = vector.broadcast %mul3A_224 : i32 to vector<16xi32>
        %add3A_226 = arith.addi %iota3A, %add3A_225 : vector<16xi32>
        %swap3A = arith.index_cast %scan3A_68 : i32 to index
        %swap3A_227 = tpu.vector_load %arg8[%swap3A] masked %le3A_77 {strides = array<i32>} : memref<4112xf32, #tpu.memory_space<vmem>>, vector<16xf32>, vector<16xi1>
        tpu.vector_store %arg8[%swap3A], %get3A_76 masked %le3A_77 {strides = array<i32>} : memref<4112xf32, #tpu.memory_space<vmem>>, vector<16xf32>, vector<16xi1>
        %swap3A_228 = arith.index_cast %scan3A_68 : i32 to index
        %swap3A_229 = tpu.vector_load %arg9[%swap3A_228] masked %le3A_77 {strides = array<i32>} : memref<4112xi32, #tpu.memory_space<vmem>>, vector<16xi32>, vector<16xi1>
        tpu.vector_store %arg9[%swap3A_228], %add3A_226 masked %le3A_77 {strides = array<i32>} : memref<4112xi32, #tpu.memory_space<vmem>>, vector<16xi32>, vector<16xi1>
        %add3A_230 = arith.addi %scan3A_68, %reduce_max3A_85 : i32
        %min3A = arith.constant 4096 : i32
        %min3A_231 = arith.minsi %add3A_230, %min3A : i32
        %mul3A_232 = arith.constant 8 : i32
        %mul3A_233 = arith.muli %scan3A_67, %mul3A_232 : i32
        %add3A_234 = arith.constant 1 : i32
        %add3A_235 = arith.addi %mul3A_233, %add3A_234 : i32
        %mul3A_236 = arith.constant 16 : i32
        %mul3A_237 = arith.muli %add3A_235, %mul3A_236 : i32
        %add3A_238 = vector.broadcast %mul3A_237 : i32 to vector<16xi32>
        %add3A_239 = arith.addi %iota3A, %add3A_238 : vector<16xi32>
        %swap3A_240 = arith.index_cast %min3A_231 : i32 to index
        %swap3A_241 = tpu.vector_load %arg8[%swap3A_240] masked %le3A_95 {strides = array<i32>} : memref<4112xf32, #tpu.memory_space<vmem>>, vector<16xf32>, vector<16xi1>
        tpu.vector_store %arg8[%swap3A_240], %get3A_93 masked %le3A_95 {strides = array<i32>} : memref<4112xf32, #tpu.memory_space<vmem>>, vector<16xf32>, vector<16xi1>
        %swap3A_242 = arith.index_cast %min3A_231 : i32 to index
        %swap3A_243 = tpu.vector_load %arg9[%swap3A_242] masked %le3A_95 {strides = array<i32>} : memref<4112xi32, #tpu.memory_space<vmem>>, vector<16xi32>, vector<16xi1>
        tpu.vector_store %arg9[%swap3A_242], %add3A_239 masked %le3A_95 {strides = array<i32>} : memref<4112xi32, #tpu.memory_space<vmem>>, vector<16xi32>, vector<16xi1>
        %add3A_244 = arith.addi %min3A_231, %reduce_max3A_104 : i32
        %min3A_245 = arith.constant 4096 : i32
        %min3A_246 = arith.minsi %add3A_244, %min3A_245 : i32
        %mul3A_247 = arith.constant 8 : i32
        %mul3A_248 = arith.muli %scan3A_67, %mul3A_247 : i32
        %add3A_249 = arith.constant 2 : i32
        %add3A_250 = arith.addi %mul3A_248, %add3A_249 : i32
        %mul3A_251 = arith.constant 16 : i32
        %mul3A_252 = arith.muli %add3A_250, %mul3A_251 : i32
        %add3A_253 = vector.broadcast %mul3A_252 : i32 to vector<16xi32>
        %add3A_254 = arith.addi %iota3A, %add3A_253 : vector<16xi32>
        %swap3A_255 = arith.index_cast %min3A_246 : i32 to index
        %swap3A_256 = tpu.vector_load %arg8[%swap3A_255] masked %le3A_114 {strides = array<i32>} : memref<4112xf32, #tpu.memory_space<vmem>>, vector<16xf32>, vector<16xi1>
        tpu.vector_store %arg8[%swap3A_255], %get3A_112 masked %le3A_114 {strides = array<i32>} : memref<4112xf32, #tpu.memory_space<vmem>>, vector<16xf32>, vector<16xi1>
        %swap3A_257 = arith.index_cast %min3A_246 : i32 to index
        %swap3A_258 = tpu.vector_load %arg9[%swap3A_257] masked %le3A_114 {strides = array<i32>} : memref<4112xi32, #tpu.memory_space<vmem>>, vector<16xi32>, vector<16xi1>
        tpu.vector_store %arg9[%swap3A_257], %add3A_254 masked %le3A_114 {strides = array<i32>} : memref<4112xi32, #tpu.memory_space<vmem>>, vector<16xi32>, vector<16xi1>
        %add3A_259 = arith.addi %min3A_246, %reduce_max3A_123 : i32
        %min3A_260 = arith.constant 4096 : i32
        %min3A_261 = arith.minsi %add3A_259, %min3A_260 : i32
        %mul3A_262 = arith.constant 8 : i32
        %mul3A_263 = arith.muli %scan3A_67, %mul3A_262 : i32
        %add3A_264 = arith.constant 3 : i32
        %add3A_265 = arith.addi %mul3A_263, %add3A_264 : i32
        %mul3A_266 = arith.constant 16 : i32
        %mul3A_267 = arith.muli %add3A_265, %mul3A_266 : i32
        %add3A_268 = vector.broadcast %mul3A_267 : i32 to vector<16xi32>
        %add3A_269 = arith.addi %iota3A, %add3A_268 : vector<16xi32>
        %swap3A_270 = arith.index_cast %min3A_261 : i32 to index
        %swap3A_271 = tpu.vector_load %arg8[%swap3A_270] masked %le3A_133 {strides = array<i32>} : memref<4112xf32, #tpu.memory_space<vmem>>, vector<16xf32>, vector<16xi1>
        tpu.vector_store %arg8[%swap3A_270], %get3A_131 masked %le3A_133 {strides = array<i32>} : memref<4112xf32, #tpu.memory_space<vmem>>, vector<16xf32>, vector<16xi1>
        %swap3A_272 = arith.index_cast %min3A_261 : i32 to index
        %swap3A_273 = tpu.vector_load %arg9[%swap3A_272] masked %le3A_133 {strides = array<i32>} : memref<4112xi32, #tpu.memory_space<vmem>>, vector<16xi32>, vector<16xi1>
        tpu.vector_store %arg9[%swap3A_272], %add3A_269 masked %le3A_133 {strides = array<i32>} : memref<4112xi32, #tpu.memory_space<vmem>>, vector<16xi32>, vector<16xi1>
        %add3A_274 = arith.addi %min3A_261, %reduce_max3A_142 : i32
        %min3A_275 = arith.constant 4096 : i32
        %min3A_276 = arith.minsi %add3A_274, %min3A_275 : i32
        %mul3A_277 = arith.constant 8 : i32
        %mul3A_278 = arith.muli %scan3A_67, %mul3A_277 : i32
        %add3A_279 = arith.constant 4 : i32
        %add3A_280 = arith.addi %mul3A_278, %add3A_279 : i32
        %mul3A_281 = arith.constant 16 : i32
        %mul3A_282 = arith.muli %add3A_280, %mul3A_281 : i32
        %add3A_283 = vector.broadcast %mul3A_282 : i32 to vector<16xi32>
        %add3A_284 = arith.addi %iota3A, %add3A_283 : vector<16xi32>
        %swap3A_285 = arith.index_cast %min3A_276 : i32 to index
        %swap3A_286 = tpu.vector_load %arg8[%swap3A_285] masked %le3A_152 {strides = array<i32>} : memref<4112xf32, #tpu.memory_space<vmem>>, vector<16xf32>, vector<16xi1>
        tpu.vector_store %arg8[%swap3A_285], %get3A_150 masked %le3A_152 {strides = array<i32>} : memref<4112xf32, #tpu.memory_space<vmem>>, vector<16xf32>, vector<16xi1>
        %swap3A_287 = arith.index_cast %min3A_276 : i32 to index
        %swap3A_288 = tpu.vector_load %arg9[%swap3A_287] masked %le3A_152 {strides = array<i32>} : memref<4112xi32, #tpu.memory_space<vmem>>, vector<16xi32>, vector<16xi1>
        tpu.vector_store %arg9[%swap3A_287], %add3A_284 masked %le3A_152 {strides = array<i32>} : memref<4112xi32, #tpu.memory_space<vmem>>, vector<16xi32>, vector<16xi1>
        %add3A_289 = arith.addi %min3A_276, %reduce_max3A_161 : i32
        %min3A_290 = arith.constant 4096 : i32
        %min3A_291 = arith.minsi %add3A_289, %min3A_290 : i32
        %mul3A_292 = arith.constant 8 : i32
        %mul3A_293 = arith.muli %scan3A_67, %mul3A_292 : i32
        %add3A_294 = arith.constant 5 : i32
        %add3A_295 = arith.addi %mul3A_293, %add3A_294 : i32
        %mul3A_296 = arith.constant 16 : i32
        %mul3A_297 = arith.muli %add3A_295, %mul3A_296 : i32
        %add3A_298 = vector.broadcast %mul3A_297 : i32 to vector<16xi32>
        %add3A_299 = arith.addi %iota3A, %add3A_298 : vector<16xi32>
        %swap3A_300 = arith.index_cast %min3A_291 : i32 to index
        %swap3A_301 = tpu.vector_load %arg8[%swap3A_300] masked %le3A_171 {strides = array<i32>} : memref<4112xf32, #tpu.memory_space<vmem>>, vector<16xf32>, vector<16xi1>
        tpu.vector_store %arg8[%swap3A_300], %get3A_169 masked %le3A_171 {strides = array<i32>} : memref<4112xf32, #tpu.memory_space<vmem>>, vector<16xf32>, vector<16xi1>
        %swap3A_302 = arith.index_cast %min3A_291 : i32 to index
        %swap3A_303 = tpu.vector_load %arg9[%swap3A_302] masked %le3A_171 {strides = array<i32>} : memref<4112xi32, #tpu.memory_space<vmem>>, vector<16xi32>, vector<16xi1>
        tpu.vector_store %arg9[%swap3A_302], %add3A_299 masked %le3A_171 {strides = array<i32>} : memref<4112xi32, #tpu.memory_space<vmem>>, vector<16xi32>, vector<16xi1>
        %add3A_304 = arith.addi %min3A_291, %reduce_max3A_180 : i32
        %min3A_305 = arith.constant 4096 : i32
        %min3A_306 = arith.minsi %add3A_304, %min3A_305 : i32
        %mul3A_307 = arith.constant 8 : i32
        %mul3A_308 = arith.muli %scan3A_67, %mul3A_307 : i32
        %add3A_309 = arith.constant 6 : i32
        %add3A_310 = arith.addi %mul3A_308, %add3A_309 : i32
        %mul3A_311 = arith.constant 16 : i32
        %mul3A_312 = arith.muli %add3A_310, %mul3A_311 : i32
        %add3A_313 = vector.broadcast %mul3A_312 : i32 to vector<16xi32>
        %add3A_314 = arith.addi %iota3A, %add3A_313 : vector<16xi32>
        %swap3A_315 = arith.index_cast %min3A_306 : i32 to index
        %swap3A_316 = tpu.vector_load %arg8[%swap3A_315] masked %le3A_190 {strides = array<i32>} : memref<4112xf32, #tpu.memory_space<vmem>>, vector<16xf32>, vector<16xi1>
        tpu.vector_store %arg8[%swap3A_315], %get3A_188 masked %le3A_190 {strides = array<i32>} : memref<4112xf32, #tpu.memory_space<vmem>>, vector<16xf32>, vector<16xi1>
        %swap3A_317 = arith.index_cast %min3A_306 : i32 to index
        %swap3A_318 = tpu.vector_load %arg9[%swap3A_317] masked %le3A_190 {strides = array<i32>} : memref<4112xi32, #tpu.memory_space<vmem>>, vector<16xi32>, vector<16xi1>
        tpu.vector_store %arg9[%swap3A_317], %add3A_314 masked %le3A_190 {strides = array<i32>} : memref<4112xi32, #tpu.memory_space<vmem>>, vector<16xi32>, vector<16xi1>
        %add3A_319 = arith.addi %min3A_306, %reduce_max3A_199 : i32
        %min3A_320 = arith.constant 4096 : i32
        %min3A_321 = arith.minsi %add3A_319, %min3A_320 : i32
        %mul3A_322 = arith.constant 8 : i32
        %mul3A_323 = arith.muli %scan3A_67, %mul3A_322 : i32
        %add3A_324 = arith.constant 7 : i32
        %add3A_325 = arith.addi %mul3A_323, %add3A_324 : i32
        %mul3A_326 = arith.constant 16 : i32
        %mul3A_327 = arith.muli %add3A_325, %mul3A_326 : i32
        %add3A_328 = vector.broadcast %mul3A_327 : i32 to vector<16xi32>
        %add3A_329 = arith.addi %iota3A, %add3A_328 : vector<16xi32>
        %swap3A_330 = arith.index_cast %min3A_321 : i32 to index
        %swap3A_331 = tpu.vector_load %arg8[%swap3A_330] masked %le3A_209 {strides = array<i32>} : memref<4112xf32, #tpu.memory_space<vmem>>, vector<16xf32>, vector<16xi1>
        tpu.vector_store %arg8[%swap3A_330], %get3A_207 masked %le3A_209 {strides = array<i32>} : memref<4112xf32, #tpu.memory_space<vmem>>, vector<16xf32>, vector<16xi1>
        %swap3A_332 = arith.index_cast %min3A_321 : i32 to index
        %swap3A_333 = tpu.vector_load %arg9[%swap3A_332] masked %le3A_209 {strides = array<i32>} : memref<4112xi32, #tpu.memory_space<vmem>>, vector<16xi32>, vector<16xi1>
        tpu.vector_store %arg9[%swap3A_332], %add3A_329 masked %le3A_209 {strides = array<i32>} : memref<4112xi32, #tpu.memory_space<vmem>>, vector<16xi32>, vector<16xi1>
        %add3A_334 = arith.addi %min3A_321, %reduce_max3A_218 : i32
        %min3A_335 = arith.constant 4096 : i32
        %min3A_336 = arith.minsi %add3A_334, %min3A_335 : i32
        scf.yield %min3A_336 : i32
      }
      %scan3A_66 = arith.constant 784 : i32
      "tpu.region"() ({
        %run_scoped3A = tpu.sem_alloc : memref<!tpu.dma_semaphore, #tpu.memory_space<semaphore_mem>>
        %dma_start3A = arith.constant 0 : i32
        %dma_start3A_67 = tpu.memref_slice %arg8[%dma_start3A] : memref<4112xf32, #tpu.memory_space<vmem>> -> memref<4096xf32, #tpu.memory_space<vmem>>
        %dma_start3A_68 = arith.constant 0 : i32
        %dma_start3A_69 = tpu.memref_slice %arg4[%add3A_12, %dma_start3A_68] : memref<256x4096xf32, #tpu.memory_space<hbm>> -> memref<1x4096xf32, #tpu.memory_space<hbm>>
        %dma_start3A_70 = tpu.memref_squeeze %dma_start3A_69 : memref<1x4096xf32, #tpu.memory_space<hbm>> -> memref<4096xf32, #tpu.memory_space<hbm>>
        %dma_start3A_71 = arith.constant 0 : i32
        %dma_start3A_72 = tpu.memref_slice %arg4[%add3A_12, %dma_start3A_71] : memref<256x4096xf32, #tpu.memory_space<hbm>> -> memref<1x4096xf32, #tpu.memory_space<hbm>>
        %dma_start3A_73 = tpu.memref_squeeze %dma_start3A_72 : memref<1x4096xf32, #tpu.memory_space<hbm>> -> memref<4096xf32, #tpu.memory_space<hbm>>
        %dma_start3A_74 = arith.constant 0 : i32
        %dma_start3A_75 = tpu.memref_slice %arg8[%dma_start3A_74] : memref<4112xf32, #tpu.memory_space<vmem>> -> memref<4096xf32, #tpu.memory_space<vmem>>
        tpu.enqueue_dma source(%dma_start3A_75 : memref<4096xf32, #tpu.memory_space<vmem>>) target(%dma_start3A_73 : memref<4096xf32, #tpu.memory_space<hbm>>) target_semaphore(%run_scoped3A : memref<!tpu.dma_semaphore, #tpu.memory_space<semaphore_mem>>)
        %dma_wait3A = arith.constant 0 : i32
        %dma_wait3A_76 = tpu.memref_slice %arg8[%dma_wait3A] : memref<4112xf32, #tpu.memory_space<vmem>> -> memref<4096xf32, #tpu.memory_space<vmem>>
        %dma_wait3A_77 = arith.constant 0 : i32
        %dma_wait3A_78 = tpu.memref_slice %arg4[%add3A_12, %dma_wait3A_77] : memref<256x4096xf32, #tpu.memory_space<hbm>> -> memref<1x4096xf32, #tpu.memory_space<hbm>>
        %dma_wait3A_79 = tpu.memref_squeeze %dma_wait3A_78 : memref<1x4096xf32, #tpu.memory_space<hbm>> -> memref<4096xf32, #tpu.memory_space<hbm>>
        %dma_wait3A_80 = arith.constant 0 : i32
        %dma_wait3A_81 = tpu.memref_slice %arg4[%add3A_12, %dma_wait3A_80] : memref<256x4096xf32, #tpu.memory_space<hbm>> -> memref<1x4096xf32, #tpu.memory_space<hbm>>
        %dma_wait3A_82 = tpu.memref_squeeze %dma_wait3A_81 : memref<1x4096xf32, #tpu.memory_space<hbm>> -> memref<4096xf32, #tpu.memory_space<hbm>>
        %dma_wait3A_83 = arith.constant 0 : i32
        %dma_wait3A_84 = tpu.memref_slice %arg8[%dma_wait3A_83] : memref<4112xf32, #tpu.memory_space<vmem>> -> memref<4096xf32, #tpu.memory_space<vmem>>
        tpu.wait_dma2 semaphore(%run_scoped3A : memref<!tpu.dma_semaphore, #tpu.memory_space<semaphore_mem>>) src(%dma_wait3A_84 : memref<4096xf32, #tpu.memory_space<vmem>>) dst(%dma_wait3A_82 : memref<4096xf32, #tpu.memory_space<hbm>>)
        tpu.yield
      }) : () -> ()
      "tpu.region"() ({
        %run_scoped3A = tpu.sem_alloc : memref<!tpu.dma_semaphore, #tpu.memory_space<semaphore_mem>>
        %dma_start3A = arith.constant 0 : i32
        %dma_start3A_67 = tpu.memref_slice %arg9[%dma_start3A] : memref<4112xi32, #tpu.memory_space<vmem>> -> memref<4096xi32, #tpu.memory_space<vmem>>
        %dma_start3A_68 = arith.constant 0 : i32
        %dma_start3A_69 = tpu.memref_slice %arg5[%add3A_12, %dma_start3A_68] : memref<256x4096xi32, #tpu.memory_space<hbm>> -> memref<1x4096xi32, #tpu.memory_space<hbm>>
        %dma_start3A_70 = tpu.memref_squeeze %dma_start3A_69 : memref<1x4096xi32, #tpu.memory_space<hbm>> -> memref<4096xi32, #tpu.memory_space<hbm>>
        %dma_start3A_71 = arith.constant 0 : i32
        %dma_start3A_72 = tpu.memref_slice %arg5[%add3A_12, %dma_start3A_71] : memref<256x4096xi32, #tpu.memory_space<hbm>> -> memref<1x4096xi32, #tpu.memory_space<hbm>>
        %dma_start3A_73 = tpu.memref_squeeze %dma_start3A_72 : memref<1x4096xi32, #tpu.memory_space<hbm>> -> memref<4096xi32, #tpu.memory_space<hbm>>
        %dma_start3A_74 = arith.constant 0 : i32
        %dma_start3A_75 = tpu.memref_slice %arg9[%dma_start3A_74] : memref<4112xi32, #tpu.memory_space<vmem>> -> memref<4096xi32, #tpu.memory_space<vmem>>
        tpu.enqueue_dma source(%dma_start3A_75 : memref<4096xi32, #tpu.memory_space<vmem>>) target(%dma_start3A_73 : memref<4096xi32, #tpu.memory_space<hbm>>) target_semaphore(%run_scoped3A : memref<!tpu.dma_semaphore, #tpu.memory_space<semaphore_mem>>)
        %dma_wait3A = arith.constant 0 : i32
        %dma_wait3A_76 = tpu.memref_slice %arg9[%dma_wait3A] : memref<4112xi32, #tpu.memory_space<vmem>> -> memref<4096xi32, #tpu.memory_space<vmem>>
        %dma_wait3A_77 = arith.constant 0 : i32
        %dma_wait3A_78 = tpu.memref_slice %arg5[%add3A_12, %dma_wait3A_77] : memref<256x4096xi32, #tpu.memory_space<hbm>> -> memref<1x4096xi32, #tpu.memory_space<hbm>>
        %dma_wait3A_79 = tpu.memref_squeeze %dma_wait3A_78 : memref<1x4096xi32, #tpu.memory_space<hbm>> -> memref<4096xi32, #tpu.memory_space<hbm>>
        %dma_wait3A_80 = arith.constant 0 : i32
        %dma_wait3A_81 = tpu.memref_slice %arg5[%add3A_12, %dma_wait3A_80] : memref<256x4096xi32, #tpu.memory_space<hbm>> -> memref<1x4096xi32, #tpu.memory_space<hbm>>
        %dma_wait3A_82 = tpu.memref_squeeze %dma_wait3A_81 : memref<1x4096xi32, #tpu.memory_space<hbm>> -> memref<4096xi32, #tpu.memory_space<hbm>>
        %dma_wait3A_83 = arith.constant 0 : i32
        %dma_wait3A_84 = tpu.memref_slice %arg9[%dma_wait3A_83] : memref<4112xi32, #tpu.memory_space<vmem>> -> memref<4096xi32, #tpu.memory_space<vmem>>
        tpu.wait_dma2 semaphore(%run_scoped3A : memref<!tpu.dma_semaphore, #tpu.memory_space<semaphore_mem>>) src(%dma_wait3A_84 : memref<4096xi32, #tpu.memory_space<vmem>>) dst(%dma_wait3A_82 : memref<4096xi32, #tpu.memory_space<hbm>>)
        tpu.yield
      }) : () -> ()
    }
    %scan3A_10 = arith.constant 8 : i32
    return
  }
}

#map = affine_map<(d0, d1) -> (0, 0)>
#map1 = affine_map<(d0, d1) -> (0)>
module attributes {stable_mosaic.version = 14 : i64} {
  func.func @_sc_filter_body(%arg0: i32, %arg1: i32, %arg2: memref<256x100352xf32, #tpu.memory_space<hbm>>, %arg3: memref<256xf32, #tpu.memory_space<hbm>>, %arg4: memref<256x4096xf32, #tpu.memory_space<hbm>>, %arg5: memref<256x4096xi32, #tpu.memory_space<hbm>>, %arg6: memref<100352xf32, #tpu.memory_space<vmem>>, %arg7: memref<8xf32, #tpu.memory_space<vmem>>, %arg8: memref<4112xf32, #tpu.memory_space<vmem>>, %arg9: memref<4112xi32, #tpu.memory_space<vmem>>) attributes {dimension_semantics = [#tpu.dimension_semantics<core_parallel>, #tpu.dimension_semantics<subcore_parallel>], iteration_bounds = array<i64: 2, 16>, scalar_prefetch = 0 : i64, scratch_operands = 4 : i64, tpu.core_type = #tpu.core_type<sc_vector_subcore>, window_params = [{transform_indices = #map}, {transform_indices = #map1}, {transform_indices = #map}, {transform_indices = #map}]} {
    %mul3A = arith.constant 2 : i32
    %mul3A_0 = arith.muli %arg1, %mul3A : i32
    %add3A = arith.addi %mul3A_0, %arg0 : i32
    %mul3A_1 = arith.constant 8 : i32
    %mul3A_2 = arith.muli %add3A, %mul3A_1 : i32
    "tpu.region"() ({
      %run_scoped3A = tpu.sem_alloc : memref<!tpu.dma_semaphore, #tpu.memory_space<semaphore_mem>>
      %dma_start3A = tpu.memref_slice %arg3[%mul3A_2] : memref<256xf32, #tpu.memory_space<hbm>> -> memref<8xf32, #tpu.memory_space<hbm>>
      %dma_start3A_11 = tpu.memref_slice %arg3[%mul3A_2] : memref<256xf32, #tpu.memory_space<hbm>> -> memref<8xf32, #tpu.memory_space<hbm>>
      tpu.enqueue_dma source(%dma_start3A_11 : memref<8xf32, #tpu.memory_space<hbm>>) target(%arg7 : memref<8xf32, #tpu.memory_space<vmem>>) target_semaphore(%run_scoped3A : memref<!tpu.dma_semaphore, #tpu.memory_space<semaphore_mem>>)
      %dma_wait3A = tpu.memref_slice %arg3[%mul3A_2] : memref<256xf32, #tpu.memory_space<hbm>> -> memref<8xf32, #tpu.memory_space<hbm>>
      %dma_wait3A_12 = tpu.memref_slice %arg3[%mul3A_2] : memref<256xf32, #tpu.memory_space<hbm>> -> memref<8xf32, #tpu.memory_space<hbm>>
      tpu.wait_dma2 semaphore(%run_scoped3A : memref<!tpu.dma_semaphore, #tpu.memory_space<semaphore_mem>>) src(%dma_wait3A_12 : memref<8xf32, #tpu.memory_space<hbm>>) dst(%arg7 : memref<8xf32, #tpu.memory_space<vmem>>)
      tpu.yield
    }) : () -> ()
    %broadcast_in_dim3A = arith.constant 0x7F800000 : f32
    %broadcast_in_dim3A_3 = vector.broadcast %broadcast_in_dim3A : f32 to vector<16xf32>
    %broadcast_in_dim3A_4 = arith.constant 1073741824 : i32
    %broadcast_in_dim3A_5 = vector.broadcast %broadcast_in_dim3A_4 : i32 to vector<16xi32>
    %iota3A = tpu.iota {dimensions = array<i32: 0>} : vector<16xi32>
    %scan3A = arith.constant 0 : i32
    %scan3A_6 = arith.constant 0 : i32
    %scan3A_7 = arith.constant 8 : i32
    %scan3A_8 = arith.addi %scan3A_6, %scan3A_7 : i32
    %scan3A_9 = arith.constant 1 : i32
    scf.for %scan3A_11 = %scan3A_6 to %scan3A_8 step %scan3A_9  : i32 {
      %add3A_12 = arith.addi %mul3A_2, %scan3A_11 : i32
      "tpu.region"() ({
        %run_scoped3A = tpu.sem_alloc : memref<!tpu.dma_semaphore, #tpu.memory_space<semaphore_mem>>
        %dma_start3A = arith.constant 0 : i32
        %dma_start3A_67 = tpu.memref_slice %arg2[%add3A_12, %dma_start3A] : memref<256x100352xf32, #tpu.memory_space<hbm>> -> memref<1x100352xf32, #tpu.memory_space<hbm>>
        %dma_start3A_68 = tpu.memref_squeeze %dma_start3A_67 : memref<1x100352xf32, #tpu.memory_space<hbm>> -> memref<100352xf32, #tpu.memory_space<hbm>>
        %dma_start3A_69 = arith.constant 0 : i32
        %dma_start3A_70 = tpu.memref_slice %arg2[%add3A_12, %dma_start3A_69] : memref<256x100352xf32, #tpu.memory_space<hbm>> -> memref<1x100352xf32, #tpu.memory_space<hbm>>
        %dma_start3A_71 = tpu.memref_squeeze %dma_start3A_70 : memref<1x100352xf32, #tpu.memory_space<hbm>> -> memref<100352xf32, #tpu.memory_space<hbm>>
        tpu.enqueue_dma source(%dma_start3A_71 : memref<100352xf32, #tpu.memory_space<hbm>>) target(%arg6 : memref<100352xf32, #tpu.memory_space<vmem>>) target_semaphore(%run_scoped3A : memref<!tpu.dma_semaphore, #tpu.memory_space<semaphore_mem>>)
        %dma_wait3A = arith.constant 0 : i32
        %dma_wait3A_72 = tpu.memref_slice %arg2[%add3A_12, %dma_wait3A] : memref<256x100352xf32, #tpu.memory_space<hbm>> -> memref<1x100352xf32, #tpu.memory_space<hbm>>
        %dma_wait3A_73 = tpu.memref_squeeze %dma_wait3A_72 : memref<1x100352xf32, #tpu.memory_space<hbm>> -> memref<100352xf32, #tpu.memory_space<hbm>>
        %dma_wait3A_74 = arith.constant 0 : i32
        %dma_wait3A_75 = tpu.memref_slice %arg2[%add3A_12, %dma_wait3A_74] : memref<256x100352xf32, #tpu.memory_space<hbm>> -> memref<1x100352xf32, #tpu.memory_space<hbm>>
        %dma_wait3A_76 = tpu.memref_squeeze %dma_wait3A_75 : memref<1x100352xf32, #tpu.memory_space<hbm>> -> memref<100352xf32, #tpu.memory_space<hbm>>
        tpu.wait_dma2 semaphore(%run_scoped3A : memref<!tpu.dma_semaphore, #tpu.memory_space<semaphore_mem>>) src(%dma_wait3A_76 : memref<100352xf32, #tpu.memory_space<hbm>>) dst(%arg6 : memref<100352xf32, #tpu.memory_space<vmem>>)
        tpu.yield
      }) : () -> ()
      %jit3A = arith.constant 16 : i32
      %div3A = arith.divsi %scan3A_11, %jit3A : i32
      %sign3A = arith.constant 0 : i32
      %sign3A_13 = arith.cmpi sgt, %scan3A_11, %sign3A : i32
      %sign3A_14 = arith.extui %sign3A_13 : i1 to i32
      %sign3A_15 = arith.constant 0 : i32
      %sign3A_16 = arith.cmpi slt, %scan3A_11, %sign3A_15 : i32
      %sign3A_17 = arith.extui %sign3A_16 : i1 to i32
      %sign3A_18 = arith.subi %sign3A_14, %sign3A_17 : i32
      %sign3A_19 = arith.constant 0 : i32
      %sign3A_20 = arith.cmpi sgt, %jit3A, %sign3A_19 : i32
      %sign3A_21 = arith.extui %sign3A_20 : i1 to i32
      %sign3A_22 = arith.constant 0 : i32
      %sign3A_23 = arith.cmpi slt, %jit3A, %sign3A_22 : i32
      %sign3A_24 = arith.extui %sign3A_23 : i1 to i32
      %sign3A_25 = arith.subi %sign3A_21, %sign3A_24 : i32
      %ne3A = arith.cmpi ne, %sign3A_18, %sign3A_25 : i32
      %rem3A = arith.remsi %scan3A_11, %jit3A : i32
      %ne3A_26 = arith.constant 0 : i32
      %ne3A_27 = arith.cmpi ne, %rem3A, %ne3A_26 : i32
      %and3A = arith.andi %ne3A, %ne3A_27 : i1
      %sub3A = arith.constant 1 : i32
      %sub3A_28 = arith.subi %div3A, %sub3A : i32
      %select_n3A = arith.select %and3A, %sub3A_28, %div3A : i32
      %mul3A_29 = arith.constant 16 : i32
      %mul3A_30 = arith.muli %select_n3A, %mul3A_29 : i32
      %get3A = arith.index_cast %mul3A_30 : i32 to index
      %get3A_31 = tpu.vector_load %arg7[%get3A] {strides = array<i32>} : memref<8xf32, #tpu.memory_space<vmem>>, vector<16xf32>,
      %jit3A_32 = arith.constant 16 : i32
      %eq3A = arith.constant 0 : i32
      %eq3A_33 = arith.cmpi eq, %jit3A_32, %eq3A : i32
      %jit3A_34 = arith.constant 1 : i32
      %select_n3A_35 = arith.select %eq3A_33, %jit3A_34, %jit3A_32 : i32
      %rem3A_36 = arith.remsi %scan3A_11, %select_n3A_35 : i32
      %ne3A_37 = arith.constant 0 : i32
      %ne3A_38 = arith.cmpi ne, %rem3A_36, %ne3A_37 : i32
      %lt3A = arith.constant 0 : i32
      %lt3A_39 = arith.cmpi slt, %rem3A_36, %lt3A : i32
      %lt3A_40 = arith.constant 0 : i32
      %lt3A_41 = arith.cmpi slt, %select_n3A_35, %lt3A_40 : i32
      %ne3A_42 = arith.xori %lt3A_39, %lt3A_41 : i1
      %and3A_43 = arith.andi %ne3A_42, %ne3A_38 : i1
      %add3A_44 = arith.addi %rem3A_36, %select_n3A_35 : i32
      %select_n3A_45 = arith.select %and3A_43, %add3A_44, %rem3A_36 : i32
      %eq3A_46 = vector.broadcast %select_n3A_45 : i32 to vector<16xi32>
      %eq3A_47 = arith.cmpi eq, %iota3A, %eq3A_46 : vector<16xi32>
      %jit3A_48 = arith.constant 0xFF800000 : f32
      %broadcast_in_dim3A_49 = vector.broadcast %jit3A_48 : f32 to vector<16xf32>
      %select_n3A_50 = arith.select %eq3A_47, %get3A_31, %broadcast_in_dim3A_49 : vector<16xi1>, vector<16xf32>
      %reduce_max3A = arith.constant true
      %reduce_max3A_51 = vector.broadcast %reduce_max3A : i1 to vector<16xi1>
      %reduce_max3A_52 = tpu.scan <max>, %select_n3A_50 masked %reduce_max3A_51 : vector<16xf32>, vector<16xi1> -> vector<16xf32>
      %reduce_max3A_53 = vector.extract %reduce_max3A_52[15] : f32 from vector<16xf32>
      %scan3A_54 = arith.constant 0 : i32
      %scan3A_55 = arith.constant 0 : i32
      %scan3A_56 = arith.constant 257 : i32
      %scan3A_57 = arith.addi %scan3A_55, %scan3A_56 : i32
      %scan3A_58 = arith.constant 1 : i32
      scf.for %scan3A_67 = %scan3A_55 to %scan3A_57 step %scan3A_58  : i32 {
        %mul3A_68 = arith.constant 16 : i32
        %mul3A_69 = arith.muli %scan3A_67, %mul3A_68 : i32
        %swap3A = arith.index_cast %mul3A_69 : i32 to index
        %swap3A_70 = tpu.vector_load %arg8[%swap3A] {strides = array<i32>} : memref<4112xf32, #tpu.memory_space<vmem>>, vector<16xf32>,
        tpu.vector_store %arg8[%swap3A], %broadcast_in_dim3A_3 {strides = array<i32>} : memref<4112xf32, #tpu.memory_space<vmem>>, vector<16xf32>,
        %mul3A_71 = arith.constant 16 : i32
        %mul3A_72 = arith.muli %scan3A_67, %mul3A_71 : i32
        %swap3A_73 = arith.index_cast %mul3A_72 : i32 to index
        %swap3A_74 = tpu.vector_load %arg9[%swap3A_73] {strides = array<i32>} : memref<4112xi32, #tpu.memory_space<vmem>>, vector<16xi32>,
        tpu.vector_store %arg9[%swap3A_73], %broadcast_in_dim3A_5 {strides = array<i32>} : memref<4112xi32, #tpu.memory_space<vmem>>, vector<16xi32>,
      }
      %scan3A_59 = arith.constant 257 : i32
      %scan3A_60 = arith.constant 0 : i32
      %scan3A_61 = arith.constant 0 : i32
      %scan3A_62 = arith.constant 784 : i32
      %scan3A_63 = arith.addi %scan3A_61, %scan3A_62 : i32
      %scan3A_64 = arith.constant 1 : i32
      %scan3A_65 = scf.for %scan3A_67 = %scan3A_61 to %scan3A_63 step %scan3A_64 iter_args(%scan3A_68 = %scan3A_60) -> (i32)  : i32 {
        %mul3A_69 = arith.constant 8 : i32
        %mul3A_70 = arith.muli %scan3A_67, %mul3A_69 : i32
        %add3A_71 = arith.constant 0 : i32
        %add3A_72 = arith.addi %mul3A_70, %add3A_71 : i32
        %mul3A_73 = arith.constant 16 : i32
        %mul3A_74 = arith.muli %add3A_72, %mul3A_73 : i32
        %get3A_75 = arith.index_cast %mul3A_74 : i32 to index
        %get3A_76 = tpu.vector_load %arg6[%get3A_75] {strides = array<i32>} : memref<100352xf32, #tpu.memory_space<vmem>>, vector<16xf32>,
        %le3A = vector.broadcast %reduce_max3A_53 : f32 to vector<16xf32>
        %le3A_77 = arith.cmpf ole, %get3A_76, %le3A : vector<16xf32>
        %all_reduce_population_count3A = tpu.all_reduce %le3A_77 {dim = 0 : i64, kind = #tpu.reduction_kind<sum>} : vector<16xi1> -> vector<16xi32>
        %reduce_max3A_78 = arith.constant true
        %reduce_max3A_79 = vector.broadcast %reduce_max3A_78 : i1 to vector<16xi1>
        %reduce_max3A_80 = arith.constant -2147483648 : i32
        %reduce_max3A_81 = vector.broadcast %reduce_max3A_80 : i32 to vector<16xi32>
        %reduce_max3A_82 = arith.xori %all_reduce_population_count3A, %reduce_max3A_81 : vector<16xi32>
        %reduce_max3A_83 = tpu.scan <max>, %reduce_max3A_82 masked %reduce_max3A_79 : vector<16xi32>, vector<16xi1> -> vector<16xi32>
        %reduce_max3A_84 = arith.xori %reduce_max3A_83, %reduce_max3A_81 : vector<16xi32>
        %reduce_max3A_85 = vector.extract %reduce_max3A_84[15] : i32 from vector<16xi32>
        %mul3A_86 = arith.constant 8 : i32
        %mul3A_87 = arith.muli %scan3A_67, %mul3A_86 : i32
        %add3A_88 = arith.constant 1 : i32
        %add3A_89 = arith.addi %mul3A_87, %add3A_88 : i32
        %mul3A_90 = arith.constant 16 : i32
        %mul3A_91 = arith.muli %add3A_89, %mul3A_90 : i32
        %get3A_92 = arith.index_cast %mul3A_91 : i32 to index
        %get3A_93 = tpu.vector_load %arg6[%get3A_92] {strides = array<i32>} : memref<100352xf32, #tpu.memory_space<vmem>>, vector<16xf32>,
        %le3A_94 = vector.broadcast %reduce_max3A_53 : f32 to vector<16xf32>
        %le3A_95 = arith.cmpf ole, %get3A_93, %le3A_94 : vector<16xf32>
        %all_reduce_population_count3A_96 = tpu.all_reduce %le3A_95 {dim = 0 : i64, kind = #tpu.reduction_kind<sum>} : vector<16xi1> -> vector<16xi32>
        %reduce_max3A_97 = arith.constant true
        %reduce_max3A_98 = vector.broadcast %reduce_max3A_97 : i1 to vector<16xi1>
        %reduce_max3A_99 = arith.constant -2147483648 : i32
        %reduce_max3A_100 = vector.broadcast %reduce_max3A_99 : i32 to vector<16xi32>
        %reduce_max3A_101 = arith.xori %all_reduce_population_count3A_96, %reduce_max3A_100 : vector<16xi32>
        %reduce_max3A_102 = tpu.scan <max>, %reduce_max3A_101 masked %reduce_max3A_98 : vector<16xi32>, vector<16xi1> -> vector<16xi32>
        %reduce_max3A_103 = arith.xori %reduce_max3A_102, %reduce_max3A_100 : vector<16xi32>
        %reduce_max3A_104 = vector.extract %reduce_max3A_103[15] : i32 from vector<16xi32>
        %mul3A_105 = arith.constant 8 : i32
        %mul3A_106 = arith.muli %scan3A_67, %mul3A_105 : i32
        %add3A_107 = arith.constant 2 : i32
        %add3A_108 = arith.addi %mul3A_106, %add3A_107 : i32
        %mul3A_109 = arith.constant 16 : i32
        %mul3A_110 = arith.muli %add3A_108, %mul3A_109 : i32
        %get3A_111 = arith.index_cast %mul3A_110 : i32 to index
        %get3A_112 = tpu.vector_load %arg6[%get3A_111] {strides = array<i32>} : memref<100352xf32, #tpu.memory_space<vmem>>, vector<16xf32>,
        %le3A_113 = vector.broadcast %reduce_max3A_53 : f32 to vector<16xf32>
        %le3A_114 = arith.cmpf ole, %get3A_112, %le3A_113 : vector<16xf32>
        %all_reduce_population_count3A_115 = tpu.all_reduce %le3A_114 {dim = 0 : i64, kind = #tpu.reduction_kind<sum>} : vector<16xi1> -> vector<16xi32>
        %reduce_max3A_116 = arith.constant true
        %reduce_max3A_117 = vector.broadcast %reduce_max3A_116 : i1 to vector<16xi1>
        %reduce_max3A_118 = arith.constant -2147483648 : i32
        %reduce_max3A_119 = vector.broadcast %reduce_max3A_118 : i32 to vector<16xi32>
        %reduce_max3A_120 = arith.xori %all_reduce_population_count3A_115, %reduce_max3A_119 : vector<16xi32>
        %reduce_max3A_121 = tpu.scan <max>, %reduce_max3A_120 masked %reduce_max3A_117 : vector<16xi32>, vector<16xi1> -> vector<16xi32>
        %reduce_max3A_122 = arith.xori %reduce_max3A_121, %reduce_max3A_119 : vector<16xi32>
        %reduce_max3A_123 = vector.extract %reduce_max3A_122[15] : i32 from vector<16xi32>
        %mul3A_124 = arith.constant 8 : i32
        %mul3A_125 = arith.muli %scan3A_67, %mul3A_124 : i32
        %add3A_126 = arith.constant 3 : i32
        %add3A_127 = arith.addi %mul3A_125, %add3A_126 : i32
        %mul3A_128 = arith.constant 16 : i32
        %mul3A_129 = arith.muli %add3A_127, %mul3A_128 : i32
        %get3A_130 = arith.index_cast %mul3A_129 : i32 to index
        %get3A_131 = tpu.vector_load %arg6[%get3A_130] {strides = array<i32>} : memref<100352xf32, #tpu.memory_space<vmem>>, vector<16xf32>,
        %le3A_132 = vector.broadcast %reduce_max3A_53 : f32 to vector<16xf32>
        %le3A_133 = arith.cmpf ole, %get3A_131, %le3A_132 : vector<16xf32>
        %all_reduce_population_count3A_134 = tpu.all_reduce %le3A_133 {dim = 0 : i64, kind = #tpu.reduction_kind<sum>} : vector<16xi1> -> vector<16xi32>
        %reduce_max3A_135 = arith.constant true
        %reduce_max3A_136 = vector.broadcast %reduce_max3A_135 : i1 to vector<16xi1>
        %reduce_max3A_137 = arith.constant -2147483648 : i32
        %reduce_max3A_138 = vector.broadcast %reduce_max3A_137 : i32 to vector<16xi32>
        %reduce_max3A_139 = arith.xori %all_reduce_population_count3A_134, %reduce_max3A_138 : vector<16xi32>
        %reduce_max3A_140 = tpu.scan <max>, %reduce_max3A_139 masked %reduce_max3A_136 : vector<16xi32>, vector<16xi1> -> vector<16xi32>
        %reduce_max3A_141 = arith.xori %reduce_max3A_140, %reduce_max3A_138 : vector<16xi32>
        %reduce_max3A_142 = vector.extract %reduce_max3A_141[15] : i32 from vector<16xi32>
        %mul3A_143 = arith.constant 8 : i32
        %mul3A_144 = arith.muli %scan3A_67, %mul3A_143 : i32
        %add3A_145 = arith.constant 4 : i32
        %add3A_146 = arith.addi %mul3A_144, %add3A_145 : i32
        %mul3A_147 = arith.constant 16 : i32
        %mul3A_148 = arith.muli %add3A_146, %mul3A_147 : i32
        %get3A_149 = arith.index_cast %mul3A_148 : i32 to index
        %get3A_150 = tpu.vector_load %arg6[%get3A_149] {strides = array<i32>} : memref<100352xf32, #tpu.memory_space<vmem>>, vector<16xf32>,
        %le3A_151 = vector.broadcast %reduce_max3A_53 : f32 to vector<16xf32>
        %le3A_152 = arith.cmpf ole, %get3A_150, %le3A_151 : vector<16xf32>
        %all_reduce_population_count3A_153 = tpu.all_reduce %le3A_152 {dim = 0 : i64, kind = #tpu.reduction_kind<sum>} : vector<16xi1> -> vector<16xi32>
        %reduce_max3A_154 = arith.constant true
        %reduce_max3A_155 = vector.broadcast %reduce_max3A_154 : i1 to vector<16xi1>
        %reduce_max3A_156 = arith.constant -2147483648 : i32
        %reduce_max3A_157 = vector.broadcast %reduce_max3A_156 : i32 to vector<16xi32>
        %reduce_max3A_158 = arith.xori %all_reduce_population_count3A_153, %reduce_max3A_157 : vector<16xi32>
        %reduce_max3A_159 = tpu.scan <max>, %reduce_max3A_158 masked %reduce_max3A_155 : vector<16xi32>, vector<16xi1> -> vector<16xi32>
        %reduce_max3A_160 = arith.xori %reduce_max3A_159, %reduce_max3A_157 : vector<16xi32>
        %reduce_max3A_161 = vector.extract %reduce_max3A_160[15] : i32 from vector<16xi32>
        %mul3A_162 = arith.constant 8 : i32
        %mul3A_163 = arith.muli %scan3A_67, %mul3A_162 : i32
        %add3A_164 = arith.constant 5 : i32
        %add3A_165 = arith.addi %mul3A_163, %add3A_164 : i32
        %mul3A_166 = arith.constant 16 : i32
        %mul3A_167 = arith.muli %add3A_165, %mul3A_166 : i32
        %get3A_168 = arith.index_cast %mul3A_167 : i32 to index
        %get3A_169 = tpu.vector_load %arg6[%get3A_168] {strides = array<i32>} : memref<100352xf32, #tpu.memory_space<vmem>>, vector<16xf32>,
        %le3A_170 = vector.broadcast %reduce_max3A_53 : f32 to vector<16xf32>
        %le3A_171 = arith.cmpf ole, %get3A_169, %le3A_170 : vector<16xf32>
        %all_reduce_population_count3A_172 = tpu.all_reduce %le3A_171 {dim = 0 : i64, kind = #tpu.reduction_kind<sum>} : vector<16xi1> -> vector<16xi32>
        %reduce_max3A_173 = arith.constant true
        %reduce_max3A_174 = vector.broadcast %reduce_max3A_173 : i1 to vector<16xi1>
        %reduce_max3A_175 = arith.constant -2147483648 : i32
        %reduce_max3A_176 = vector.broadcast %reduce_max3A_175 : i32 to vector<16xi32>
        %reduce_max3A_177 = arith.xori %all_reduce_population_count3A_172, %reduce_max3A_176 : vector<16xi32>
        %reduce_max3A_178 = tpu.scan <max>, %reduce_max3A_177 masked %reduce_max3A_174 : vector<16xi32>, vector<16xi1> -> vector<16xi32>
        %reduce_max3A_179 = arith.xori %reduce_max3A_178, %reduce_max3A_176 : vector<16xi32>
        %reduce_max3A_180 = vector.extract %reduce_max3A_179[15] : i32 from vector<16xi32>
        %mul3A_181 = arith.constant 8 : i32
        %mul3A_182 = arith.muli %scan3A_67, %mul3A_181 : i32
        %add3A_183 = arith.constant 6 : i32
        %add3A_184 = arith.addi %mul3A_182, %add3A_183 : i32
        %mul3A_185 = arith.constant 16 : i32
        %mul3A_186 = arith.muli %add3A_184, %mul3A_185 : i32
        %get3A_187 = arith.index_cast %mul3A_186 : i32 to index
        %get3A_188 = tpu.vector_load %arg6[%get3A_187] {strides = array<i32>} : memref<100352xf32, #tpu.memory_space<vmem>>, vector<16xf32>,
        %le3A_189 = vector.broadcast %reduce_max3A_53 : f32 to vector<16xf32>
        %le3A_190 = arith.cmpf ole, %get3A_188, %le3A_189 : vector<16xf32>
        %all_reduce_population_count3A_191 = tpu.all_reduce %le3A_190 {dim = 0 : i64, kind = #tpu.reduction_kind<sum>} : vector<16xi1> -> vector<16xi32>
        %reduce_max3A_192 = arith.constant true
        %reduce_max3A_193 = vector.broadcast %reduce_max3A_192 : i1 to vector<16xi1>
        %reduce_max3A_194 = arith.constant -2147483648 : i32
        %reduce_max3A_195 = vector.broadcast %reduce_max3A_194 : i32 to vector<16xi32>
        %reduce_max3A_196 = arith.xori %all_reduce_population_count3A_191, %reduce_max3A_195 : vector<16xi32>
        %reduce_max3A_197 = tpu.scan <max>, %reduce_max3A_196 masked %reduce_max3A_193 : vector<16xi32>, vector<16xi1> -> vector<16xi32>
        %reduce_max3A_198 = arith.xori %reduce_max3A_197, %reduce_max3A_195 : vector<16xi32>
        %reduce_max3A_199 = vector.extract %reduce_max3A_198[15] : i32 from vector<16xi32>
        %mul3A_200 = arith.constant 8 : i32
        %mul3A_201 = arith.muli %scan3A_67, %mul3A_200 : i32
        %add3A_202 = arith.constant 7 : i32
        %add3A_203 = arith.addi %mul3A_201, %add3A_202 : i32
        %mul3A_204 = arith.constant 16 : i32
        %mul3A_205 = arith.muli %add3A_203, %mul3A_204 : i32
        %get3A_206 = arith.index_cast %mul3A_205 : i32 to index
        %get3A_207 = tpu.vector_load %arg6[%get3A_206] {strides = array<i32>} : memref<100352xf32, #tpu.memory_space<vmem>>, vector<16xf32>,
        %le3A_208 = vector.broadcast %reduce_max3A_53 : f32 to vector<16xf32>
        %le3A_209 = arith.cmpf ole, %get3A_207, %le3A_208 : vector<16xf32>
        %all_reduce_population_count3A_210 = tpu.all_reduce %le3A_209 {dim = 0 : i64, kind = #tpu.reduction_kind<sum>} : vector<16xi1> -> vector<16xi32>
        %reduce_max3A_211 = arith.constant true
        %reduce_max3A_212 = vector.broadcast %reduce_max3A_211 : i1 to vector<16xi1>
        %reduce_max3A_213 = arith.constant -2147483648 : i32
        %reduce_max3A_214 = vector.broadcast %reduce_max3A_213 : i32 to vector<16xi32>
        %reduce_max3A_215 = arith.xori %all_reduce_population_count3A_210, %reduce_max3A_214 : vector<16xi32>
        %reduce_max3A_216 = tpu.scan <max>, %reduce_max3A_215 masked %reduce_max3A_212 : vector<16xi32>, vector<16xi1> -> vector<16xi32>
        %reduce_max3A_217 = arith.xori %reduce_max3A_216, %reduce_max3A_214 : vector<16xi32>
        %reduce_max3A_218 = vector.extract %reduce_max3A_217[15] : i32 from vector<16xi32>
        %mul3A_219 = arith.constant 8 : i32
        %mul3A_220 = arith.muli %scan3A_67, %mul3A_219 : i32
        %add3A_221 = arith.constant 0 : i32
        %add3A_222 = arith.addi %mul3A_220, %add3A_221 : i32
        %mul3A_223 = arith.constant 16 : i32
        %mul3A_224 = arith.muli %add3A_222, %mul3A_223 : i32
        %add3A_225 = vector.broadcast %mul3A_224 : i32 to vector<16xi32>
        %add3A_226 = arith.addi %iota3A, %add3A_225 : vector<16xi32>
        %swap3A = arith.index_cast %scan3A_68 : i32 to index
        %swap3A_227 = tpu.vector_load %arg8[%swap3A] masked %le3A_77 {strides = array<i32>} : memref<4112xf32, #tpu.memory_space<vmem>>, vector<16xf32>, vector<16xi1>
        tpu.vector_store %arg8[%swap3A], %get3A_76 masked %le3A_77 {strides = array<i32>} : memref<4112xf32, #tpu.memory_space<vmem>>, vector<16xf32>, vector<16xi1>
        %swap3A_228 = arith.index_cast %scan3A_68 : i32 to index
        %swap3A_229 = tpu.vector_load %arg9[%swap3A_228] masked %le3A_77 {strides = array<i32>} : memref<4112xi32, #tpu.memory_space<vmem>>, vector<16xi32>, vector<16xi1>
        tpu.vector_store %arg9[%swap3A_228], %add3A_226 masked %le3A_77 {strides = array<i32>} : memref<4112xi32, #tpu.memory_space<vmem>>, vector<16xi32>, vector<16xi1>
        %add3A_230 = arith.addi %scan3A_68, %reduce_max3A_85 : i32
        %min3A = arith.constant 4096 : i32
        %min3A_231 = arith.minsi %add3A_230, %min3A : i32
        %mul3A_232 = arith.constant 8 : i32
        %mul3A_233 = arith.muli %scan3A_67, %mul3A_232 : i32
        %add3A_234 = arith.constant 1 : i32
        %add3A_235 = arith.addi %mul3A_233, %add3A_234 : i32
        %mul3A_236 = arith.constant 16 : i32
        %mul3A_237 = arith.muli %add3A_235, %mul3A_236 : i32
        %add3A_238 = vector.broadcast %mul3A_237 : i32 to vector<16xi32>
        %add3A_239 = arith.addi %iota3A, %add3A_238 : vector<16xi32>
        %swap3A_240 = arith.index_cast %min3A_231 : i32 to index
        %swap3A_241 = tpu.vector_load %arg8[%swap3A_240] masked %le3A_95 {strides = array<i32>} : memref<4112xf32, #tpu.memory_space<vmem>>, vector<16xf32>, vector<16xi1>
        tpu.vector_store %arg8[%swap3A_240], %get3A_93 masked %le3A_95 {strides = array<i32>} : memref<4112xf32, #tpu.memory_space<vmem>>, vector<16xf32>, vector<16xi1>
        %swap3A_242 = arith.index_cast %min3A_231 : i32 to index
        %swap3A_243 = tpu.vector_load %arg9[%swap3A_242] masked %le3A_95 {strides = array<i32>} : memref<4112xi32, #tpu.memory_space<vmem>>, vector<16xi32>, vector<16xi1>
        tpu.vector_store %arg9[%swap3A_242], %add3A_239 masked %le3A_95 {strides = array<i32>} : memref<4112xi32, #tpu.memory_space<vmem>>, vector<16xi32>, vector<16xi1>
        %add3A_244 = arith.addi %min3A_231, %reduce_max3A_104 : i32
        %min3A_245 = arith.constant 4096 : i32
        %min3A_246 = arith.minsi %add3A_244, %min3A_245 : i32
        %mul3A_247 = arith.constant 8 : i32
        %mul3A_248 = arith.muli %scan3A_67, %mul3A_247 : i32
        %add3A_249 = arith.constant 2 : i32
        %add3A_250 = arith.addi %mul3A_248, %add3A_249 : i32
        %mul3A_251 = arith.constant 16 : i32
        %mul3A_252 = arith.muli %add3A_250, %mul3A_251 : i32
        %add3A_253 = vector.broadcast %mul3A_252 : i32 to vector<16xi32>
        %add3A_254 = arith.addi %iota3A, %add3A_253 : vector<16xi32>
        %swap3A_255 = arith.index_cast %min3A_246 : i32 to index
        %swap3A_256 = tpu.vector_load %arg8[%swap3A_255] masked %le3A_114 {strides = array<i32>} : memref<4112xf32, #tpu.memory_space<vmem>>, vector<16xf32>, vector<16xi1>
        tpu.vector_store %arg8[%swap3A_255], %get3A_112 masked %le3A_114 {strides = array<i32>} : memref<4112xf32, #tpu.memory_space<vmem>>, vector<16xf32>, vector<16xi1>
        %swap3A_257 = arith.index_cast %min3A_246 : i32 to index
        %swap3A_258 = tpu.vector_load %arg9[%swap3A_257] masked %le3A_114 {strides = array<i32>} : memref<4112xi32, #tpu.memory_space<vmem>>, vector<16xi32>, vector<16xi1>
        tpu.vector_store %arg9[%swap3A_257], %add3A_254 masked %le3A_114 {strides = array<i32>} : memref<4112xi32, #tpu.memory_space<vmem>>, vector<16xi32>, vector<16xi1>
        %add3A_259 = arith.addi %min3A_246, %reduce_max3A_123 : i32
        %min3A_260 = arith.constant 4096 : i32
        %min3A_261 = arith.minsi %add3A_259, %min3A_260 : i32
        %mul3A_262 = arith.constant 8 : i32
        %mul3A_263 = arith.muli %scan3A_67, %mul3A_262 : i32
        %add3A_264 = arith.constant 3 : i32
        %add3A_265 = arith.addi %mul3A_263, %add3A_264 : i32
        %mul3A_266 = arith.constant 16 : i32
        %mul3A_267 = arith.muli %add3A_265, %mul3A_266 : i32
        %add3A_268 = vector.broadcast %mul3A_267 : i32 to vector<16xi32>
        %add3A_269 = arith.addi %iota3A, %add3A_268 : vector<16xi32>
        %swap3A_270 = arith.index_cast %min3A_261 : i32 to index
        %swap3A_271 = tpu.vector_load %arg8[%swap3A_270] masked %le3A_133 {strides = array<i32>} : memref<4112xf32, #tpu.memory_space<vmem>>, vector<16xf32>, vector<16xi1>
        tpu.vector_store %arg8[%swap3A_270], %get3A_131 masked %le3A_133 {strides = array<i32>} : memref<4112xf32, #tpu.memory_space<vmem>>, vector<16xf32>, vector<16xi1>
        %swap3A_272 = arith.index_cast %min3A_261 : i32 to index
        %swap3A_273 = tpu.vector_load %arg9[%swap3A_272] masked %le3A_133 {strides = array<i32>} : memref<4112xi32, #tpu.memory_space<vmem>>, vector<16xi32>, vector<16xi1>
        tpu.vector_store %arg9[%swap3A_272], %add3A_269 masked %le3A_133 {strides = array<i32>} : memref<4112xi32, #tpu.memory_space<vmem>>, vector<16xi32>, vector<16xi1>
        %add3A_274 = arith.addi %min3A_261, %reduce_max3A_142 : i32
        %min3A_275 = arith.constant 4096 : i32
        %min3A_276 = arith.minsi %add3A_274, %min3A_275 : i32
        %mul3A_277 = arith.constant 8 : i32
        %mul3A_278 = arith.muli %scan3A_67, %mul3A_277 : i32
        %add3A_279 = arith.constant 4 : i32
        %add3A_280 = arith.addi %mul3A_278, %add3A_279 : i32
        %mul3A_281 = arith.constant 16 : i32
        %mul3A_282 = arith.muli %add3A_280, %mul3A_281 : i32
        %add3A_283 = vector.broadcast %mul3A_282 : i32 to vector<16xi32>
        %add3A_284 = arith.addi %iota3A, %add3A_283 : vector<16xi32>
        %swap3A_285 = arith.index_cast %min3A_276 : i32 to index
        %swap3A_286 = tpu.vector_load %arg8[%swap3A_285] masked %le3A_152 {strides = array<i32>} : memref<4112xf32, #tpu.memory_space<vmem>>, vector<16xf32>, vector<16xi1>
        tpu.vector_store %arg8[%swap3A_285], %get3A_150 masked %le3A_152 {strides = array<i32>} : memref<4112xf32, #tpu.memory_space<vmem>>, vector<16xf32>, vector<16xi1>
        %swap3A_287 = arith.index_cast %min3A_276 : i32 to index
        %swap3A_288 = tpu.vector_load %arg9[%swap3A_287] masked %le3A_152 {strides = array<i32>} : memref<4112xi32, #tpu.memory_space<vmem>>, vector<16xi32>, vector<16xi1>
        tpu.vector_store %arg9[%swap3A_287], %add3A_284 masked %le3A_152 {strides = array<i32>} : memref<4112xi32, #tpu.memory_space<vmem>>, vector<16xi32>, vector<16xi1>
        %add3A_289 = arith.addi %min3A_276, %reduce_max3A_161 : i32
        %min3A_290 = arith.constant 4096 : i32
        %min3A_291 = arith.minsi %add3A_289, %min3A_290 : i32
        %mul3A_292 = arith.constant 8 : i32
        %mul3A_293 = arith.muli %scan3A_67, %mul3A_292 : i32
        %add3A_294 = arith.constant 5 : i32
        %add3A_295 = arith.addi %mul3A_293, %add3A_294 : i32
        %mul3A_296 = arith.constant 16 : i32
        %mul3A_297 = arith.muli %add3A_295, %mul3A_296 : i32
        %add3A_298 = vector.broadcast %mul3A_297 : i32 to vector<16xi32>
        %add3A_299 = arith.addi %iota3A, %add3A_298 : vector<16xi32>
        %swap3A_300 = arith.index_cast %min3A_291 : i32 to index
        %swap3A_301 = tpu.vector_load %arg8[%swap3A_300] masked %le3A_171 {strides = array<i32>} : memref<4112xf32, #tpu.memory_space<vmem>>, vector<16xf32>, vector<16xi1>
        tpu.vector_store %arg8[%swap3A_300], %get3A_169 masked %le3A_171 {strides = array<i32>} : memref<4112xf32, #tpu.memory_space<vmem>>, vector<16xf32>, vector<16xi1>
        %swap3A_302 = arith.index_cast %min3A_291 : i32 to index
        %swap3A_303 = tpu.vector_load %arg9[%swap3A_302] masked %le3A_171 {strides = array<i32>} : memref<4112xi32, #tpu.memory_space<vmem>>, vector<16xi32>, vector<16xi1>
        tpu.vector_store %arg9[%swap3A_302], %add3A_299 masked %le3A_171 {strides = array<i32>} : memref<4112xi32, #tpu.memory_space<vmem>>, vector<16xi32>, vector<16xi1>
        %add3A_304 = arith.addi %min3A_291, %reduce_max3A_180 : i32
        %min3A_305 = arith.constant 4096 : i32
        %min3A_306 = arith.minsi %add3A_304, %min3A_305 : i32
        %mul3A_307 = arith.constant 8 : i32
        %mul3A_308 = arith.muli %scan3A_67, %mul3A_307 : i32
        %add3A_309 = arith.constant 6 : i32
        %add3A_310 = arith.addi %mul3A_308, %add3A_309 : i32
        %mul3A_311 = arith.constant 16 : i32
        %mul3A_312 = arith.muli %add3A_310, %mul3A_311 : i32
        %add3A_313 = vector.broadcast %mul3A_312 : i32 to vector<16xi32>
        %add3A_314 = arith.addi %iota3A, %add3A_313 : vector<16xi32>
        %swap3A_315 = arith.index_cast %min3A_306 : i32 to index
        %swap3A_316 = tpu.vector_load %arg8[%swap3A_315] masked %le3A_190 {strides = array<i32>} : memref<4112xf32, #tpu.memory_space<vmem>>, vector<16xf32>, vector<16xi1>
        tpu.vector_store %arg8[%swap3A_315], %get3A_188 masked %le3A_190 {strides = array<i32>} : memref<4112xf32, #tpu.memory_space<vmem>>, vector<16xf32>, vector<16xi1>
        %swap3A_317 = arith.index_cast %min3A_306 : i32 to index
        %swap3A_318 = tpu.vector_load %arg9[%swap3A_317] masked %le3A_190 {strides = array<i32>} : memref<4112xi32, #tpu.memory_space<vmem>>, vector<16xi32>, vector<16xi1>
        tpu.vector_store %arg9[%swap3A_317], %add3A_314 masked %le3A_190 {strides = array<i32>} : memref<4112xi32, #tpu.memory_space<vmem>>, vector<16xi32>, vector<16xi1>
        %add3A_319 = arith.addi %min3A_306, %reduce_max3A_199 : i32
        %min3A_320 = arith.constant 4096 : i32
        %min3A_321 = arith.minsi %add3A_319, %min3A_320 : i32
        %mul3A_322 = arith.constant 8 : i32
        %mul3A_323 = arith.muli %scan3A_67, %mul3A_322 : i32
        %add3A_324 = arith.constant 7 : i32
        %add3A_325 = arith.addi %mul3A_323, %add3A_324 : i32
        %mul3A_326 = arith.constant 16 : i32
        %mul3A_327 = arith.muli %add3A_325, %mul3A_326 : i32
        %add3A_328 = vector.broadcast %mul3A_327 : i32 to vector<16xi32>
        %add3A_329 = arith.addi %iota3A, %add3A_328 : vector<16xi32>
        %swap3A_330 = arith.index_cast %min3A_321 : i32 to index
        %swap3A_331 = tpu.vector_load %arg8[%swap3A_330] masked %le3A_209 {strides = array<i32>} : memref<4112xf32, #tpu.memory_space<vmem>>, vector<16xf32>, vector<16xi1>
        tpu.vector_store %arg8[%swap3A_330], %get3A_207 masked %le3A_209 {strides = array<i32>} : memref<4112xf32, #tpu.memory_space<vmem>>, vector<16xf32>, vector<16xi1>
        %swap3A_332 = arith.index_cast %min3A_321 : i32 to index
        %swap3A_333 = tpu.vector_load %arg9[%swap3A_332] masked %le3A_209 {strides = array<i32>} : memref<4112xi32, #tpu.memory_space<vmem>>, vector<16xi32>, vector<16xi1>
        tpu.vector_store %arg9[%swap3A_332], %add3A_329 masked %le3A_209 {strides = array<i32>} : memref<4112xi32, #tpu.memory_space<vmem>>, vector<16xi32>, vector<16xi1>
        %add3A_334 = arith.addi %min3A_321, %reduce_max3A_218 : i32
        %min3A_335 = arith.constant 4096 : i32
        %min3A_336 = arith.minsi %add3A_334, %min3A_335 : i32
        scf.yield %min3A_336 : i32
      }
      %scan3A_66 = arith.constant 784 : i32
      "tpu.region"() ({
        %run_scoped3A = tpu.sem_alloc : memref<!tpu.dma_semaphore, #tpu.memory_space<semaphore_mem>>
        %dma_start3A = arith.constant 0 : i32
        %dma_start3A_67 = tpu.memref_slice %arg8[%dma_start3A] : memref<4112xf32, #tpu.memory_space<vmem>> -> memref<4096xf32, #tpu.memory_space<vmem>>
        %dma_start3A_68 = arith.constant 0 : i32
        %dma_start3A_69 = tpu.memref_slice %arg4[%add3A_12, %dma_start3A_68] : memref<256x4096xf32, #tpu.memory_space<hbm>> -> memref<1x4096xf32, #tpu.memory_space<hbm>>
        %dma_start3A_70 = tpu.memref_squeeze %dma_start3A_69 : memref<1x4096xf32, #tpu.memory_space<hbm>> -> memref<4096xf32, #tpu.memory_space<hbm>>
        %dma_start3A_71 = arith.constant 0 : i32
        %dma_start3A_72 = tpu.memref_slice %arg4[%add3A_12, %dma_start3A_71] : memref<256x4096xf32, #tpu.memory_space<hbm>> -> memref<1x4096xf32, #tpu.memory_space<hbm>>
        %dma_start3A_73 = tpu.memref_squeeze %dma_start3A_72 : memref<1x4096xf32, #tpu.memory_space<hbm>> -> memref<4096xf32, #tpu.memory_space<hbm>>
        %dma_start3A_74 = arith.constant 0 : i32
        %dma_start3A_75 = tpu.memref_slice %arg8[%dma_start3A_74] : memref<4112xf32, #tpu.memory_space<vmem>> -> memref<4096xf32, #tpu.memory_space<vmem>>
        tpu.enqueue_dma source(%dma_start3A_75 : memref<4096xf32, #tpu.memory_space<vmem>>) target(%dma_start3A_73 : memref<4096xf32, #tpu.memory_space<hbm>>) target_semaphore(%run_scoped3A : memref<!tpu.dma_semaphore, #tpu.memory_space<semaphore_mem>>)
        %dma_wait3A = arith.constant 0 : i32
        %dma_wait3A_76 = tpu.memref_slice %arg8[%dma_wait3A] : memref<4112xf32, #tpu.memory_space<vmem>> -> memref<4096xf32, #tpu.memory_space<vmem>>
        %dma_wait3A_77 = arith.constant 0 : i32
        %dma_wait3A_78 = tpu.memref_slice %arg4[%add3A_12, %dma_wait3A_77] : memref<256x4096xf32, #tpu.memory_space<hbm>> -> memref<1x4096xf32, #tpu.memory_space<hbm>>
        %dma_wait3A_79 = tpu.memref_squeeze %dma_wait3A_78 : memref<1x4096xf32, #tpu.memory_space<hbm>> -> memref<4096xf32, #tpu.memory_space<hbm>>
        %dma_wait3A_80 = arith.constant 0 : i32
        %dma_wait3A_81 = tpu.memref_slice %arg4[%add3A_12, %dma_wait3A_80] : memref<256x4096xf32, #tpu.memory_space<hbm>> -> memref<1x4096xf32, #tpu.memory_space<hbm>>
        %dma_wait3A_82 = tpu.memref_squeeze %dma_wait3A_81 : memref<1x4096xf32, #tpu.memory_space<hbm>> -> memref<4096xf32, #tpu.memory_space<hbm>>
        %dma_wait3A_83 = arith.constant 0 : i32
        %dma_wait3A_84 = tpu.memref_slice %arg8[%dma_wait3A_83] : memref<4112xf32, #tpu.memory_space<vmem>> -> memref<4096xf32, #tpu.memory_space<vmem>>
        tpu.wait_dma2 semaphore(%run_scoped3A : memref<!tpu.dma_semaphore, #tpu.memory_space<semaphore_mem>>) src(%dma_wait3A_84 : memref<4096xf32, #tpu.memory_space<vmem>>) dst(%dma_wait3A_82 : memref<4096xf32, #tpu.memory_space<hbm>>)
        tpu.yield
      }) : () -> ()
      "tpu.region"() ({
        %run_scoped3A = tpu.sem_alloc : memref<!tpu.dma_semaphore, #tpu.memory_space<semaphore_mem>>
        %dma_start3A = arith.constant 0 : i32
        %dma_start3A_67 = tpu.memref_slice %arg9[%dma_start3A] : memref<4112xi32, #tpu.memory_space<vmem>> -> memref<4096xi32, #tpu.memory_space<vmem>>
        %dma_start3A_68 = arith.constant 0 : i32
        %dma_start3A_69 = tpu.memref_slice %arg5[%add3A_12, %dma_start3A_68] : memref<256x4096xi32, #tpu.memory_space<hbm>> -> memref<1x4096xi32, #tpu.memory_space<hbm>>
        %dma_start3A_70 = tpu.memref_squeeze %dma_start3A_69 : memref<1x4096xi32, #tpu.memory_space<hbm>> -> memref<4096xi32, #tpu.memory_space<hbm>>
        %dma_start3A_71 = arith.constant 0 : i32
        %dma_start3A_72 = tpu.memref_slice %arg5[%add3A_12, %dma_start3A_71] : memref<256x4096xi32, #tpu.memory_space<hbm>> -> memref<1x4096xi32, #tpu.memory_space<hbm>>
        %dma_start3A_73 = tpu.memref_squeeze %dma_start3A_72 : memref<1x4096xi32, #tpu.memory_space<hbm>> -> memref<4096xi32, #tpu.memory_space<hbm>>
        %dma_start3A_74 = arith.constant 0 : i32
        %dma_start3A_75 = tpu.memref_slice %arg9[%dma_start3A_74] : memref<4112xi32, #tpu.memory_space<vmem>> -> memref<4096xi32, #tpu.memory_space<vmem>>
        tpu.enqueue_dma source(%dma_start3A_75 : memref<4096xi32, #tpu.memory_space<vmem>>) target(%dma_start3A_73 : memref<4096xi32, #tpu.memory_space<hbm>>) target_semaphore(%run_scoped3A : memref<!tpu.dma_semaphore, #tpu.memory_space<semaphore_mem>>)
        %dma_wait3A = arith.constant 0 : i32
        %dma_wait3A_76 = tpu.memref_slice %arg9[%dma_wait3A] : memref<4112xi32, #tpu.memory_space<vmem>> -> memref<4096xi32, #tpu.memory_space<vmem>>
        %dma_wait3A_77 = arith.constant 0 : i32
        %dma_wait3A_78 = tpu.memref_slice %arg5[%add3A_12, %dma_wait3A_77] : memref<256x4096xi32, #tpu.memory_space<hbm>> -> memref<1x4096xi32, #tpu.memory_space<hbm>>
        %dma_wait3A_79 = tpu.memref_squeeze %dma_wait3A_78 : memref<1x4096xi32, #tpu.memory_space<hbm>> -> memref<4096xi32, #tpu.memory_space<hbm>>
        %dma_wait3A_80 = arith.constant 0 : i32
        %dma_wait3A_81 = tpu.memref_slice %arg5[%add3A_12, %dma_wait3A_80] : memref<256x4096xi32, #tpu.memory_space<hbm>> -> memref<1x4096xi32, #tpu.memory_space<hbm>>
        %dma_wait3A_82 = tpu.memref_squeeze %dma_wait3A_81 : memref<1x4096xi32, #tpu.memory_space<hbm>> -> memref<4096xi32, #tpu.memory_space<hbm>>
        %dma_wait3A_83 = arith.constant 0 : i32
        %dma_wait3A_84 = tpu.memref_slice %arg9[%dma_wait3A_83] : memref<4112xi32, #tpu.memory_space<vmem>> -> memref<4096xi32, #tpu.memory_space<vmem>>
        tpu.wait_dma2 semaphore(%run_scoped3A : memref<!tpu.dma_semaphore, #tpu.memory_space<semaphore_mem>>) src(%dma_wait3A_84 : memref<4096xi32, #tpu.memory_space<vmem>>) dst(%dma_wait3A_82 : memref<4096xi32, #tpu.memory_space<hbm>>)
        tpu.yield
      }) : () -> ()
    }
    %scan3A_10 = arith.constant 8 : i32
    return
  }
}

#map = affine_map<(d0, d1) -> (0, 0)>
#map1 = affine_map<(d0, d1) -> (0)>
module attributes {stable_mosaic.version = 14 : i64} {
  func.func @_sc_filter_body(%arg0: i32, %arg1: i32, %arg2: memref<256x100352xf32, #tpu.memory_space<hbm>>, %arg3: memref<256xf32, #tpu.memory_space<hbm>>, %arg4: memref<256x4096xf32, #tpu.memory_space<hbm>>, %arg5: memref<256x4096xi32, #tpu.memory_space<hbm>>, %arg6: memref<100352xf32, #tpu.memory_space<vmem>>, %arg7: memref<8xf32, #tpu.memory_space<vmem>>, %arg8: memref<4112xf32, #tpu.memory_space<vmem>>, %arg9: memref<4112xi32, #tpu.memory_space<vmem>>) attributes {dimension_semantics = [#tpu.dimension_semantics<core_parallel>, #tpu.dimension_semantics<subcore_parallel>], iteration_bounds = array<i64: 2, 16>, scalar_prefetch = 0 : i64, scratch_operands = 4 : i64, tpu.core_type = #tpu.core_type<sc_vector_subcore>, window_params = [{transform_indices = #map}, {transform_indices = #map1}, {transform_indices = #map}, {transform_indices = #map}]} {
    %mul3A = arith.constant 2 : i32
    %mul3A_0 = arith.muli %arg1, %mul3A : i32
    %add3A = arith.addi %mul3A_0, %arg0 : i32
    %mul3A_1 = arith.constant 8 : i32
    %mul3A_2 = arith.muli %add3A, %mul3A_1 : i32
    "tpu.region"() ({
      %run_scoped3A = tpu.sem_alloc : memref<!tpu.dma_semaphore, #tpu.memory_space<semaphore_mem>>
      %dma_start3A = tpu.memref_slice %arg3[%mul3A_2] : memref<256xf32, #tpu.memory_space<hbm>> -> memref<8xf32, #tpu.memory_space<hbm>>
      %dma_start3A_11 = tpu.memref_slice %arg3[%mul3A_2] : memref<256xf32, #tpu.memory_space<hbm>> -> memref<8xf32, #tpu.memory_space<hbm>>
      tpu.enqueue_dma source(%dma_start3A_11 : memref<8xf32, #tpu.memory_space<hbm>>) target(%arg7 : memref<8xf32, #tpu.memory_space<vmem>>) target_semaphore(%run_scoped3A : memref<!tpu.dma_semaphore, #tpu.memory_space<semaphore_mem>>)
      %dma_wait3A = tpu.memref_slice %arg3[%mul3A_2] : memref<256xf32, #tpu.memory_space<hbm>> -> memref<8xf32, #tpu.memory_space<hbm>>
      %dma_wait3A_12 = tpu.memref_slice %arg3[%mul3A_2] : memref<256xf32, #tpu.memory_space<hbm>> -> memref<8xf32, #tpu.memory_space<hbm>>
      tpu.wait_dma2 semaphore(%run_scoped3A : memref<!tpu.dma_semaphore, #tpu.memory_space<semaphore_mem>>) src(%dma_wait3A_12 : memref<8xf32, #tpu.memory_space<hbm>>) dst(%arg7 : memref<8xf32, #tpu.memory_space<vmem>>)
      tpu.yield
    }) : () -> ()
    %broadcast_in_dim3A = arith.constant 0x7F800000 : f32
    %broadcast_in_dim3A_3 = vector.broadcast %broadcast_in_dim3A : f32 to vector<16xf32>
    %broadcast_in_dim3A_4 = arith.constant 1073741824 : i32
    %broadcast_in_dim3A_5 = vector.broadcast %broadcast_in_dim3A_4 : i32 to vector<16xi32>
    %iota3A = tpu.iota {dimensions = array<i32: 0>} : vector<16xi32>
    %scan3A = arith.constant 0 : i32
    %scan3A_6 = arith.constant 0 : i32
    %scan3A_7 = arith.constant 8 : i32
    %scan3A_8 = arith.addi %scan3A_6, %scan3A_7 : i32
    %scan3A_9 = arith.constant 1 : i32
    scf.for %scan3A_11 = %scan3A_6 to %scan3A_8 step %scan3A_9  : i32 {
      %add3A_12 = arith.addi %mul3A_2, %scan3A_11 : i32
      "tpu.region"() ({
        %run_scoped3A = tpu.sem_alloc : memref<!tpu.dma_semaphore, #tpu.memory_space<semaphore_mem>>
        %dma_start3A = arith.constant 0 : i32
        %dma_start3A_67 = tpu.memref_slice %arg2[%add3A_12, %dma_start3A] : memref<256x100352xf32, #tpu.memory_space<hbm>> -> memref<1x100352xf32, #tpu.memory_space<hbm>>
        %dma_start3A_68 = tpu.memref_squeeze %dma_start3A_67 : memref<1x100352xf32, #tpu.memory_space<hbm>> -> memref<100352xf32, #tpu.memory_space<hbm>>
        %dma_start3A_69 = arith.constant 0 : i32
        %dma_start3A_70 = tpu.memref_slice %arg2[%add3A_12, %dma_start3A_69] : memref<256x100352xf32, #tpu.memory_space<hbm>> -> memref<1x100352xf32, #tpu.memory_space<hbm>>
        %dma_start3A_71 = tpu.memref_squeeze %dma_start3A_70 : memref<1x100352xf32, #tpu.memory_space<hbm>> -> memref<100352xf32, #tpu.memory_space<hbm>>
        tpu.enqueue_dma source(%dma_start3A_71 : memref<100352xf32, #tpu.memory_space<hbm>>) target(%arg6 : memref<100352xf32, #tpu.memory_space<vmem>>) target_semaphore(%run_scoped3A : memref<!tpu.dma_semaphore, #tpu.memory_space<semaphore_mem>>)
        %dma_wait3A = arith.constant 0 : i32
        %dma_wait3A_72 = tpu.memref_slice %arg2[%add3A_12, %dma_wait3A] : memref<256x100352xf32, #tpu.memory_space<hbm>> -> memref<1x100352xf32, #tpu.memory_space<hbm>>
        %dma_wait3A_73 = tpu.memref_squeeze %dma_wait3A_72 : memref<1x100352xf32, #tpu.memory_space<hbm>> -> memref<100352xf32, #tpu.memory_space<hbm>>
        %dma_wait3A_74 = arith.constant 0 : i32
        %dma_wait3A_75 = tpu.memref_slice %arg2[%add3A_12, %dma_wait3A_74] : memref<256x100352xf32, #tpu.memory_space<hbm>> -> memref<1x100352xf32, #tpu.memory_space<hbm>>
        %dma_wait3A_76 = tpu.memref_squeeze %dma_wait3A_75 : memref<1x100352xf32, #tpu.memory_space<hbm>> -> memref<100352xf32, #tpu.memory_space<hbm>>
        tpu.wait_dma2 semaphore(%run_scoped3A : memref<!tpu.dma_semaphore, #tpu.memory_space<semaphore_mem>>) src(%dma_wait3A_76 : memref<100352xf32, #tpu.memory_space<hbm>>) dst(%arg6 : memref<100352xf32, #tpu.memory_space<vmem>>)
        tpu.yield
      }) : () -> ()
      %jit3A = arith.constant 16 : i32
      %div3A = arith.divsi %scan3A_11, %jit3A : i32
      %sign3A = arith.constant 0 : i32
      %sign3A_13 = arith.cmpi sgt, %scan3A_11, %sign3A : i32
      %sign3A_14 = arith.extui %sign3A_13 : i1 to i32
      %sign3A_15 = arith.constant 0 : i32
      %sign3A_16 = arith.cmpi slt, %scan3A_11, %sign3A_15 : i32
      %sign3A_17 = arith.extui %sign3A_16 : i1 to i32
      %sign3A_18 = arith.subi %sign3A_14, %sign3A_17 : i32
      %sign3A_19 = arith.constant 0 : i32
      %sign3A_20 = arith.cmpi sgt, %jit3A, %sign3A_19 : i32
      %sign3A_21 = arith.extui %sign3A_20 : i1 to i32
      %sign3A_22 = arith.constant 0 : i32
      %sign3A_23 = arith.cmpi slt, %jit3A, %sign3A_22 : i32
      %sign3A_24 = arith.extui %sign3A_23 : i1 to i32
      %sign3A_25 = arith.subi %sign3A_21, %sign3A_24 : i32
      %ne3A = arith.cmpi ne, %sign3A_18, %sign3A_25 : i32
      %rem3A = arith.remsi %scan3A_11, %jit3A : i32
      %ne3A_26 = arith.constant 0 : i32
      %ne3A_27 = arith.cmpi ne, %rem3A, %ne3A_26 : i32
      %and3A = arith.andi %ne3A, %ne3A_27 : i1
      %sub3A = arith.constant 1 : i32
      %sub3A_28 = arith.subi %div3A, %sub3A : i32
      %select_n3A = arith.select %and3A, %sub3A_28, %div3A : i32
      %mul3A_29 = arith.constant 16 : i32
      %mul3A_30 = arith.muli %select_n3A, %mul3A_29 : i32
      %get3A = arith.index_cast %mul3A_30 : i32 to index
      %get3A_31 = tpu.vector_load %arg7[%get3A] {strides = array<i32>} : memref<8xf32, #tpu.memory_space<vmem>>, vector<16xf32>,
      %jit3A_32 = arith.constant 16 : i32
      %eq3A = arith.constant 0 : i32
      %eq3A_33 = arith.cmpi eq, %jit3A_32, %eq3A : i32
      %jit3A_34 = arith.constant 1 : i32
      %select_n3A_35 = arith.select %eq3A_33, %jit3A_34, %jit3A_32 : i32
      %rem3A_36 = arith.remsi %scan3A_11, %select_n3A_35 : i32
      %ne3A_37 = arith.constant 0 : i32
      %ne3A_38 = arith.cmpi ne, %rem3A_36, %ne3A_37 : i32
      %lt3A = arith.constant 0 : i32
      %lt3A_39 = arith.cmpi slt, %rem3A_36, %lt3A : i32
      %lt3A_40 = arith.constant 0 : i32
      %lt3A_41 = arith.cmpi slt, %select_n3A_35, %lt3A_40 : i32
      %ne3A_42 = arith.xori %lt3A_39, %lt3A_41 : i1
      %and3A_43 = arith.andi %ne3A_42, %ne3A_38 : i1
      %add3A_44 = arith.addi %rem3A_36, %select_n3A_35 : i32
      %select_n3A_45 = arith.select %and3A_43, %add3A_44, %rem3A_36 : i32
      %eq3A_46 = vector.broadcast %select_n3A_45 : i32 to vector<16xi32>
      %eq3A_47 = arith.cmpi eq, %iota3A, %eq3A_46 : vector<16xi32>
      %jit3A_48 = arith.constant 0xFF800000 : f32
      %broadcast_in_dim3A_49 = vector.broadcast %jit3A_48 : f32 to vector<16xf32>
      %select_n3A_50 = arith.select %eq3A_47, %get3A_31, %broadcast_in_dim3A_49 : vector<16xi1>, vector<16xf32>
      %reduce_max3A = arith.constant true
      %reduce_max3A_51 = vector.broadcast %reduce_max3A : i1 to vector<16xi1>
      %reduce_max3A_52 = tpu.scan <max>, %select_n3A_50 masked %reduce_max3A_51 : vector<16xf32>, vector<16xi1> -> vector<16xf32>
      %reduce_max3A_53 = vector.extract %reduce_max3A_52[15] : f32 from vector<16xf32>
      %scan3A_54 = arith.constant 0 : i32
      %scan3A_55 = arith.constant 0 : i32
      %scan3A_56 = arith.constant 257 : i32
      %scan3A_57 = arith.addi %scan3A_55, %scan3A_56 : i32
      %scan3A_58 = arith.constant 1 : i32
      scf.for %scan3A_67 = %scan3A_55 to %scan3A_57 step %scan3A_58  : i32 {
        %mul3A_68 = arith.constant 16 : i32
        %mul3A_69 = arith.muli %scan3A_67, %mul3A_68 : i32
        %swap3A = arith.index_cast %mul3A_69 : i32 to index
        %swap3A_70 = tpu.vector_load %arg8[%swap3A] {strides = array<i32>} : memref<4112xf32, #tpu.memory_space<vmem>>, vector<16xf32>,
        tpu.vector_store %arg8[%swap3A], %broadcast_in_dim3A_3 {strides = array<i32>} : memref<4112xf32, #tpu.memory_space<vmem>>, vector<16xf32>,
        %mul3A_71 = arith.constant 16 : i32
        %mul3A_72 = arith.muli %scan3A_67, %mul3A_71 : i32
        %swap3A_73 = arith.index_cast %mul3A_72 : i32 to index
        %swap3A_74 = tpu.vector_load %arg9[%swap3A_73] {strides = array<i32>} : memref<4112xi32, #tpu.memory_space<vmem>>, vector<16xi32>,
        tpu.vector_store %arg9[%swap3A_73], %broadcast_in_dim3A_5 {strides = array<i32>} : memref<4112xi32, #tpu.memory_space<vmem>>, vector<16xi32>,
      }
      %scan3A_59 = arith.constant 257 : i32
      %scan3A_60 = arith.constant 0 : i32
      %scan3A_61 = arith.constant 0 : i32
      %scan3A_62 = arith.constant 784 : i32
      %scan3A_63 = arith.addi %scan3A_61, %scan3A_62 : i32
      %scan3A_64 = arith.constant 1 : i32
      %scan3A_65 = scf.for %scan3A_67 = %scan3A_61 to %scan3A_63 step %scan3A_64 iter_args(%scan3A_68 = %scan3A_60) -> (i32)  : i32 {
        %mul3A_69 = arith.constant 8 : i32
        %mul3A_70 = arith.muli %scan3A_67, %mul3A_69 : i32
        %add3A_71 = arith.constant 0 : i32
        %add3A_72 = arith.addi %mul3A_70, %add3A_71 : i32
        %mul3A_73 = arith.constant 16 : i32
        %mul3A_74 = arith.muli %add3A_72, %mul3A_73 : i32
        %get3A_75 = arith.index_cast %mul3A_74 : i32 to index
        %get3A_76 = tpu.vector_load %arg6[%get3A_75] {strides = array<i32>} : memref<100352xf32, #tpu.memory_space<vmem>>, vector<16xf32>,
        %le3A = vector.broadcast %reduce_max3A_53 : f32 to vector<16xf32>
        %le3A_77 = arith.cmpf ole, %get3A_76, %le3A : vector<16xf32>
        %all_reduce_population_count3A = tpu.all_reduce %le3A_77 {dim = 0 : i64, kind = #tpu.reduction_kind<sum>} : vector<16xi1> -> vector<16xi32>
        %reduce_max3A_78 = arith.constant true
        %reduce_max3A_79 = vector.broadcast %reduce_max3A_78 : i1 to vector<16xi1>
        %reduce_max3A_80 = arith.constant -2147483648 : i32
        %reduce_max3A_81 = vector.broadcast %reduce_max3A_80 : i32 to vector<16xi32>
        %reduce_max3A_82 = arith.xori %all_reduce_population_count3A, %reduce_max3A_81 : vector<16xi32>
        %reduce_max3A_83 = tpu.scan <max>, %reduce_max3A_82 masked %reduce_max3A_79 : vector<16xi32>, vector<16xi1> -> vector<16xi32>
        %reduce_max3A_84 = arith.xori %reduce_max3A_83, %reduce_max3A_81 : vector<16xi32>
        %reduce_max3A_85 = vector.extract %reduce_max3A_84[15] : i32 from vector<16xi32>
        %mul3A_86 = arith.constant 8 : i32
        %mul3A_87 = arith.muli %scan3A_67, %mul3A_86 : i32
        %add3A_88 = arith.constant 1 : i32
        %add3A_89 = arith.addi %mul3A_87, %add3A_88 : i32
        %mul3A_90 = arith.constant 16 : i32
        %mul3A_91 = arith.muli %add3A_89, %mul3A_90 : i32
        %get3A_92 = arith.index_cast %mul3A_91 : i32 to index
        %get3A_93 = tpu.vector_load %arg6[%get3A_92] {strides = array<i32>} : memref<100352xf32, #tpu.memory_space<vmem>>, vector<16xf32>,
        %le3A_94 = vector.broadcast %reduce_max3A_53 : f32 to vector<16xf32>
        %le3A_95 = arith.cmpf ole, %get3A_93, %le3A_94 : vector<16xf32>
        %all_reduce_population_count3A_96 = tpu.all_reduce %le3A_95 {dim = 0 : i64, kind = #tpu.reduction_kind<sum>} : vector<16xi1> -> vector<16xi32>
        %reduce_max3A_97 = arith.constant true
        %reduce_max3A_98 = vector.broadcast %reduce_max3A_97 : i1 to vector<16xi1>
        %reduce_max3A_99 = arith.constant -2147483648 : i32
        %reduce_max3A_100 = vector.broadcast %reduce_max3A_99 : i32 to vector<16xi32>
        %reduce_max3A_101 = arith.xori %all_reduce_population_count3A_96, %reduce_max3A_100 : vector<16xi32>
        %reduce_max3A_102 = tpu.scan <max>, %reduce_max3A_101 masked %reduce_max3A_98 : vector<16xi32>, vector<16xi1> -> vector<16xi32>
        %reduce_max3A_103 = arith.xori %reduce_max3A_102, %reduce_max3A_100 : vector<16xi32>
        %reduce_max3A_104 = vector.extract %reduce_max3A_103[15] : i32 from vector<16xi32>
        %mul3A_105 = arith.constant 8 : i32
        %mul3A_106 = arith.muli %scan3A_67, %mul3A_105 : i32
        %add3A_107 = arith.constant 2 : i32
        %add3A_108 = arith.addi %mul3A_106, %add3A_107 : i32
        %mul3A_109 = arith.constant 16 : i32
        %mul3A_110 = arith.muli %add3A_108, %mul3A_109 : i32
        %get3A_111 = arith.index_cast %mul3A_110 : i32 to index
        %get3A_112 = tpu.vector_load %arg6[%get3A_111] {strides = array<i32>} : memref<100352xf32, #tpu.memory_space<vmem>>, vector<16xf32>,
        %le3A_113 = vector.broadcast %reduce_max3A_53 : f32 to vector<16xf32>
        %le3A_114 = arith.cmpf ole, %get3A_112, %le3A_113 : vector<16xf32>
        %all_reduce_population_count3A_115 = tpu.all_reduce %le3A_114 {dim = 0 : i64, kind = #tpu.reduction_kind<sum>} : vector<16xi1> -> vector<16xi32>
        %reduce_max3A_116 = arith.constant true
        %reduce_max3A_117 = vector.broadcast %reduce_max3A_116 : i1 to vector<16xi1>
        %reduce_max3A_118 = arith.constant -2147483648 : i32
        %reduce_max3A_119 = vector.broadcast %reduce_max3A_118 : i32 to vector<16xi32>
        %reduce_max3A_120 = arith.xori %all_reduce_population_count3A_115, %reduce_max3A_119 : vector<16xi32>
        %reduce_max3A_121 = tpu.scan <max>, %reduce_max3A_120 masked %reduce_max3A_117 : vector<16xi32>, vector<16xi1> -> vector<16xi32>
        %reduce_max3A_122 = arith.xori %reduce_max3A_121, %reduce_max3A_119 : vector<16xi32>
        %reduce_max3A_123 = vector.extract %reduce_max3A_122[15] : i32 from vector<16xi32>
        %mul3A_124 = arith.constant 8 : i32
        %mul3A_125 = arith.muli %scan3A_67, %mul3A_124 : i32
        %add3A_126 = arith.constant 3 : i32
        %add3A_127 = arith.addi %mul3A_125, %add3A_126 : i32
        %mul3A_128 = arith.constant 16 : i32
        %mul3A_129 = arith.muli %add3A_127, %mul3A_128 : i32
        %get3A_130 = arith.index_cast %mul3A_129 : i32 to index
        %get3A_131 = tpu.vector_load %arg6[%get3A_130] {strides = array<i32>} : memref<100352xf32, #tpu.memory_space<vmem>>, vector<16xf32>,
        %le3A_132 = vector.broadcast %reduce_max3A_53 : f32 to vector<16xf32>
        %le3A_133 = arith.cmpf ole, %get3A_131, %le3A_132 : vector<16xf32>
        %all_reduce_population_count3A_134 = tpu.all_reduce %le3A_133 {dim = 0 : i64, kind = #tpu.reduction_kind<sum>} : vector<16xi1> -> vector<16xi32>
        %reduce_max3A_135 = arith.constant true
        %reduce_max3A_136 = vector.broadcast %reduce_max3A_135 : i1 to vector<16xi1>
        %reduce_max3A_137 = arith.constant -2147483648 : i32
        %reduce_max3A_138 = vector.broadcast %reduce_max3A_137 : i32 to vector<16xi32>
        %reduce_max3A_139 = arith.xori %all_reduce_population_count3A_134, %reduce_max3A_138 : vector<16xi32>
        %reduce_max3A_140 = tpu.scan <max>, %reduce_max3A_139 masked %reduce_max3A_136 : vector<16xi32>, vector<16xi1> -> vector<16xi32>
        %reduce_max3A_141 = arith.xori %reduce_max3A_140, %reduce_max3A_138 : vector<16xi32>
        %reduce_max3A_142 = vector.extract %reduce_max3A_141[15] : i32 from vector<16xi32>
        %mul3A_143 = arith.constant 8 : i32
        %mul3A_144 = arith.muli %scan3A_67, %mul3A_143 : i32
        %add3A_145 = arith.constant 4 : i32
        %add3A_146 = arith.addi %mul3A_144, %add3A_145 : i32
        %mul3A_147 = arith.constant 16 : i32
        %mul3A_148 = arith.muli %add3A_146, %mul3A_147 : i32
        %get3A_149 = arith.index_cast %mul3A_148 : i32 to index
        %get3A_150 = tpu.vector_load %arg6[%get3A_149] {strides = array<i32>} : memref<100352xf32, #tpu.memory_space<vmem>>, vector<16xf32>,
        %le3A_151 = vector.broadcast %reduce_max3A_53 : f32 to vector<16xf32>
        %le3A_152 = arith.cmpf ole, %get3A_150, %le3A_151 : vector<16xf32>
        %all_reduce_population_count3A_153 = tpu.all_reduce %le3A_152 {dim = 0 : i64, kind = #tpu.reduction_kind<sum>} : vector<16xi1> -> vector<16xi32>
        %reduce_max3A_154 = arith.constant true
        %reduce_max3A_155 = vector.broadcast %reduce_max3A_154 : i1 to vector<16xi1>
        %reduce_max3A_156 = arith.constant -2147483648 : i32
        %reduce_max3A_157 = vector.broadcast %reduce_max3A_156 : i32 to vector<16xi32>
        %reduce_max3A_158 = arith.xori %all_reduce_population_count3A_153, %reduce_max3A_157 : vector<16xi32>
        %reduce_max3A_159 = tpu.scan <max>, %reduce_max3A_158 masked %reduce_max3A_155 : vector<16xi32>, vector<16xi1> -> vector<16xi32>
        %reduce_max3A_160 = arith.xori %reduce_max3A_159, %reduce_max3A_157 : vector<16xi32>
        %reduce_max3A_161 = vector.extract %reduce_max3A_160[15] : i32 from vector<16xi32>
        %mul3A_162 = arith.constant 8 : i32
        %mul3A_163 = arith.muli %scan3A_67, %mul3A_162 : i32
        %add3A_164 = arith.constant 5 : i32
        %add3A_165 = arith.addi %mul3A_163, %add3A_164 : i32
        %mul3A_166 = arith.constant 16 : i32
        %mul3A_167 = arith.muli %add3A_165, %mul3A_166 : i32
        %get3A_168 = arith.index_cast %mul3A_167 : i32 to index
        %get3A_169 = tpu.vector_load %arg6[%get3A_168] {strides = array<i32>} : memref<100352xf32, #tpu.memory_space<vmem>>, vector<16xf32>,
        %le3A_170 = vector.broadcast %reduce_max3A_53 : f32 to vector<16xf32>
        %le3A_171 = arith.cmpf ole, %get3A_169, %le3A_170 : vector<16xf32>
        %all_reduce_population_count3A_172 = tpu.all_reduce %le3A_171 {dim = 0 : i64, kind = #tpu.reduction_kind<sum>} : vector<16xi1> -> vector<16xi32>
        %reduce_max3A_173 = arith.constant true
        %reduce_max3A_174 = vector.broadcast %reduce_max3A_173 : i1 to vector<16xi1>
        %reduce_max3A_175 = arith.constant -2147483648 : i32
        %reduce_max3A_176 = vector.broadcast %reduce_max3A_175 : i32 to vector<16xi32>
        %reduce_max3A_177 = arith.xori %all_reduce_population_count3A_172, %reduce_max3A_176 : vector<16xi32>
        %reduce_max3A_178 = tpu.scan <max>, %reduce_max3A_177 masked %reduce_max3A_174 : vector<16xi32>, vector<16xi1> -> vector<16xi32>
        %reduce_max3A_179 = arith.xori %reduce_max3A_178, %reduce_max3A_176 : vector<16xi32>
        %reduce_max3A_180 = vector.extract %reduce_max3A_179[15] : i32 from vector<16xi32>
        %mul3A_181 = arith.constant 8 : i32
        %mul3A_182 = arith.muli %scan3A_67, %mul3A_181 : i32
        %add3A_183 = arith.constant 6 : i32
        %add3A_184 = arith.addi %mul3A_182, %add3A_183 : i32
        %mul3A_185 = arith.constant 16 : i32
        %mul3A_186 = arith.muli %add3A_184, %mul3A_185 : i32
        %get3A_187 = arith.index_cast %mul3A_186 : i32 to index
        %get3A_188 = tpu.vector_load %arg6[%get3A_187] {strides = array<i32>} : memref<100352xf32, #tpu.memory_space<vmem>>, vector<16xf32>,
        %le3A_189 = vector.broadcast %reduce_max3A_53 : f32 to vector<16xf32>
        %le3A_190 = arith.cmpf ole, %get3A_188, %le3A_189 : vector<16xf32>
        %all_reduce_population_count3A_191 = tpu.all_reduce %le3A_190 {dim = 0 : i64, kind = #tpu.reduction_kind<sum>} : vector<16xi1> -> vector<16xi32>
        %reduce_max3A_192 = arith.constant true
        %reduce_max3A_193 = vector.broadcast %reduce_max3A_192 : i1 to vector<16xi1>
        %reduce_max3A_194 = arith.constant -2147483648 : i32
        %reduce_max3A_195 = vector.broadcast %reduce_max3A_194 : i32 to vector<16xi32>
        %reduce_max3A_196 = arith.xori %all_reduce_population_count3A_191, %reduce_max3A_195 : vector<16xi32>
        %reduce_max3A_197 = tpu.scan <max>, %reduce_max3A_196 masked %reduce_max3A_193 : vector<16xi32>, vector<16xi1> -> vector<16xi32>
        %reduce_max3A_198 = arith.xori %reduce_max3A_197, %reduce_max3A_195 : vector<16xi32>
        %reduce_max3A_199 = vector.extract %reduce_max3A_198[15] : i32 from vector<16xi32>
        %mul3A_200 = arith.constant 8 : i32
        %mul3A_201 = arith.muli %scan3A_67, %mul3A_200 : i32
        %add3A_202 = arith.constant 7 : i32
        %add3A_203 = arith.addi %mul3A_201, %add3A_202 : i32
        %mul3A_204 = arith.constant 16 : i32
        %mul3A_205 = arith.muli %add3A_203, %mul3A_204 : i32
        %get3A_206 = arith.index_cast %mul3A_205 : i32 to index
        %get3A_207 = tpu.vector_load %arg6[%get3A_206] {strides = array<i32>} : memref<100352xf32, #tpu.memory_space<vmem>>, vector<16xf32>,
        %le3A_208 = vector.broadcast %reduce_max3A_53 : f32 to vector<16xf32>
        %le3A_209 = arith.cmpf ole, %get3A_207, %le3A_208 : vector<16xf32>
        %all_reduce_population_count3A_210 = tpu.all_reduce %le3A_209 {dim = 0 : i64, kind = #tpu.reduction_kind<sum>} : vector<16xi1> -> vector<16xi32>
        %reduce_max3A_211 = arith.constant true
        %reduce_max3A_212 = vector.broadcast %reduce_max3A_211 : i1 to vector<16xi1>
        %reduce_max3A_213 = arith.constant -2147483648 : i32
        %reduce_max3A_214 = vector.broadcast %reduce_max3A_213 : i32 to vector<16xi32>
        %reduce_max3A_215 = arith.xori %all_reduce_population_count3A_210, %reduce_max3A_214 : vector<16xi32>
        %reduce_max3A_216 = tpu.scan <max>, %reduce_max3A_215 masked %reduce_max3A_212 : vector<16xi32>, vector<16xi1> -> vector<16xi32>
        %reduce_max3A_217 = arith.xori %reduce_max3A_216, %reduce_max3A_214 : vector<16xi32>
        %reduce_max3A_218 = vector.extract %reduce_max3A_217[15] : i32 from vector<16xi32>
        %mul3A_219 = arith.constant 8 : i32
        %mul3A_220 = arith.muli %scan3A_67, %mul3A_219 : i32
        %add3A_221 = arith.constant 0 : i32
        %add3A_222 = arith.addi %mul3A_220, %add3A_221 : i32
        %mul3A_223 = arith.constant 16 : i32
        %mul3A_224 = arith.muli %add3A_222, %mul3A_223 : i32
        %add3A_225 = vector.broadcast %mul3A_224 : i32 to vector<16xi32>
        %add3A_226 = arith.addi %iota3A, %add3A_225 : vector<16xi32>
        %swap3A = arith.index_cast %scan3A_68 : i32 to index
        %swap3A_227 = tpu.vector_load %arg8[%swap3A] masked %le3A_77 {strides = array<i32>} : memref<4112xf32, #tpu.memory_space<vmem>>, vector<16xf32>, vector<16xi1>
        tpu.vector_store %arg8[%swap3A], %get3A_76 masked %le3A_77 {strides = array<i32>} : memref<4112xf32, #tpu.memory_space<vmem>>, vector<16xf32>, vector<16xi1>
        %swap3A_228 = arith.index_cast %scan3A_68 : i32 to index
        %swap3A_229 = tpu.vector_load %arg9[%swap3A_228] masked %le3A_77 {strides = array<i32>} : memref<4112xi32, #tpu.memory_space<vmem>>, vector<16xi32>, vector<16xi1>
        tpu.vector_store %arg9[%swap3A_228], %add3A_226 masked %le3A_77 {strides = array<i32>} : memref<4112xi32, #tpu.memory_space<vmem>>, vector<16xi32>, vector<16xi1>
        %add3A_230 = arith.addi %scan3A_68, %reduce_max3A_85 : i32
        %min3A = arith.constant 4096 : i32
        %min3A_231 = arith.minsi %add3A_230, %min3A : i32
        %mul3A_232 = arith.constant 8 : i32
        %mul3A_233 = arith.muli %scan3A_67, %mul3A_232 : i32
        %add3A_234 = arith.constant 1 : i32
        %add3A_235 = arith.addi %mul3A_233, %add3A_234 : i32
        %mul3A_236 = arith.constant 16 : i32
        %mul3A_237 = arith.muli %add3A_235, %mul3A_236 : i32
        %add3A_238 = vector.broadcast %mul3A_237 : i32 to vector<16xi32>
        %add3A_239 = arith.addi %iota3A, %add3A_238 : vector<16xi32>
        %swap3A_240 = arith.index_cast %min3A_231 : i32 to index
        %swap3A_241 = tpu.vector_load %arg8[%swap3A_240] masked %le3A_95 {strides = array<i32>} : memref<4112xf32, #tpu.memory_space<vmem>>, vector<16xf32>, vector<16xi1>
        tpu.vector_store %arg8[%swap3A_240], %get3A_93 masked %le3A_95 {strides = array<i32>} : memref<4112xf32, #tpu.memory_space<vmem>>, vector<16xf32>, vector<16xi1>
        %swap3A_242 = arith.index_cast %min3A_231 : i32 to index
        %swap3A_243 = tpu.vector_load %arg9[%swap3A_242] masked %le3A_95 {strides = array<i32>} : memref<4112xi32, #tpu.memory_space<vmem>>, vector<16xi32>, vector<16xi1>
        tpu.vector_store %arg9[%swap3A_242], %add3A_239 masked %le3A_95 {strides = array<i32>} : memref<4112xi32, #tpu.memory_space<vmem>>, vector<16xi32>, vector<16xi1>
        %add3A_244 = arith.addi %min3A_231, %reduce_max3A_104 : i32
        %min3A_245 = arith.constant 4096 : i32
        %min3A_246 = arith.minsi %add3A_244, %min3A_245 : i32
        %mul3A_247 = arith.constant 8 : i32
        %mul3A_248 = arith.muli %scan3A_67, %mul3A_247 : i32
        %add3A_249 = arith.constant 2 : i32
        %add3A_250 = arith.addi %mul3A_248, %add3A_249 : i32
        %mul3A_251 = arith.constant 16 : i32
        %mul3A_252 = arith.muli %add3A_250, %mul3A_251 : i32
        %add3A_253 = vector.broadcast %mul3A_252 : i32 to vector<16xi32>
        %add3A_254 = arith.addi %iota3A, %add3A_253 : vector<16xi32>
        %swap3A_255 = arith.index_cast %min3A_246 : i32 to index
        %swap3A_256 = tpu.vector_load %arg8[%swap3A_255] masked %le3A_114 {strides = array<i32>} : memref<4112xf32, #tpu.memory_space<vmem>>, vector<16xf32>, vector<16xi1>
        tpu.vector_store %arg8[%swap3A_255], %get3A_112 masked %le3A_114 {strides = array<i32>} : memref<4112xf32, #tpu.memory_space<vmem>>, vector<16xf32>, vector<16xi1>
        %swap3A_257 = arith.index_cast %min3A_246 : i32 to index
        %swap3A_258 = tpu.vector_load %arg9[%swap3A_257] masked %le3A_114 {strides = array<i32>} : memref<4112xi32, #tpu.memory_space<vmem>>, vector<16xi32>, vector<16xi1>
        tpu.vector_store %arg9[%swap3A_257], %add3A_254 masked %le3A_114 {strides = array<i32>} : memref<4112xi32, #tpu.memory_space<vmem>>, vector<16xi32>, vector<16xi1>
        %add3A_259 = arith.addi %min3A_246, %reduce_max3A_123 : i32
        %min3A_260 = arith.constant 4096 : i32
        %min3A_261 = arith.minsi %add3A_259, %min3A_260 : i32
        %mul3A_262 = arith.constant 8 : i32
        %mul3A_263 = arith.muli %scan3A_67, %mul3A_262 : i32
        %add3A_264 = arith.constant 3 : i32
        %add3A_265 = arith.addi %mul3A_263, %add3A_264 : i32
        %mul3A_266 = arith.constant 16 : i32
        %mul3A_267 = arith.muli %add3A_265, %mul3A_266 : i32
        %add3A_268 = vector.broadcast %mul3A_267 : i32 to vector<16xi32>
        %add3A_269 = arith.addi %iota3A, %add3A_268 : vector<16xi32>
        %swap3A_270 = arith.index_cast %min3A_261 : i32 to index
        %swap3A_271 = tpu.vector_load %arg8[%swap3A_270] masked %le3A_133 {strides = array<i32>} : memref<4112xf32, #tpu.memory_space<vmem>>, vector<16xf32>, vector<16xi1>
        tpu.vector_store %arg8[%swap3A_270], %get3A_131 masked %le3A_133 {strides = array<i32>} : memref<4112xf32, #tpu.memory_space<vmem>>, vector<16xf32>, vector<16xi1>
        %swap3A_272 = arith.index_cast %min3A_261 : i32 to index
        %swap3A_273 = tpu.vector_load %arg9[%swap3A_272] masked %le3A_133 {strides = array<i32>} : memref<4112xi32, #tpu.memory_space<vmem>>, vector<16xi32>, vector<16xi1>
        tpu.vector_store %arg9[%swap3A_272], %add3A_269 masked %le3A_133 {strides = array<i32>} : memref<4112xi32, #tpu.memory_space<vmem>>, vector<16xi32>, vector<16xi1>
        %add3A_274 = arith.addi %min3A_261, %reduce_max3A_142 : i32
        %min3A_275 = arith.constant 4096 : i32
        %min3A_276 = arith.minsi %add3A_274, %min3A_275 : i32
        %mul3A_277 = arith.constant 8 : i32
        %mul3A_278 = arith.muli %scan3A_67, %mul3A_277 : i32
        %add3A_279 = arith.constant 4 : i32
        %add3A_280 = arith.addi %mul3A_278, %add3A_279 : i32
        %mul3A_281 = arith.constant 16 : i32
        %mul3A_282 = arith.muli %add3A_280, %mul3A_281 : i32
        %add3A_283 = vector.broadcast %mul3A_282 : i32 to vector<16xi32>
        %add3A_284 = arith.addi %iota3A, %add3A_283 : vector<16xi32>
        %swap3A_285 = arith.index_cast %min3A_276 : i32 to index
        %swap3A_286 = tpu.vector_load %arg8[%swap3A_285] masked %le3A_152 {strides = array<i32>} : memref<4112xf32, #tpu.memory_space<vmem>>, vector<16xf32>, vector<16xi1>
        tpu.vector_store %arg8[%swap3A_285], %get3A_150 masked %le3A_152 {strides = array<i32>} : memref<4112xf32, #tpu.memory_space<vmem>>, vector<16xf32>, vector<16xi1>
        %swap3A_287 = arith.index_cast %min3A_276 : i32 to index
        %swap3A_288 = tpu.vector_load %arg9[%swap3A_287] masked %le3A_152 {strides = array<i32>} : memref<4112xi32, #tpu.memory_space<vmem>>, vector<16xi32>, vector<16xi1>
        tpu.vector_store %arg9[%swap3A_287], %add3A_284 masked %le3A_152 {strides = array<i32>} : memref<4112xi32, #tpu.memory_space<vmem>>, vector<16xi32>, vector<16xi1>
        %add3A_289 = arith.addi %min3A_276, %reduce_max3A_161 : i32
        %min3A_290 = arith.constant 4096 : i32
        %min3A_291 = arith.minsi %add3A_289, %min3A_290 : i32
        %mul3A_292 = arith.constant 8 : i32
        %mul3A_293 = arith.muli %scan3A_67, %mul3A_292 : i32
        %add3A_294 = arith.constant 5 : i32
        %add3A_295 = arith.addi %mul3A_293, %add3A_294 : i32
        %mul3A_296 = arith.constant 16 : i32
        %mul3A_297 = arith.muli %add3A_295, %mul3A_296 : i32
        %add3A_298 = vector.broadcast %mul3A_297 : i32 to vector<16xi32>
        %add3A_299 = arith.addi %iota3A, %add3A_298 : vector<16xi32>
        %swap3A_300 = arith.index_cast %min3A_291 : i32 to index
        %swap3A_301 = tpu.vector_load %arg8[%swap3A_300] masked %le3A_171 {strides = array<i32>} : memref<4112xf32, #tpu.memory_space<vmem>>, vector<16xf32>, vector<16xi1>
        tpu.vector_store %arg8[%swap3A_300], %get3A_169 masked %le3A_171 {strides = array<i32>} : memref<4112xf32, #tpu.memory_space<vmem>>, vector<16xf32>, vector<16xi1>
        %swap3A_302 = arith.index_cast %min3A_291 : i32 to index
        %swap3A_303 = tpu.vector_load %arg9[%swap3A_302] masked %le3A_171 {strides = array<i32>} : memref<4112xi32, #tpu.memory_space<vmem>>, vector<16xi32>, vector<16xi1>
        tpu.vector_store %arg9[%swap3A_302], %add3A_299 masked %le3A_171 {strides = array<i32>} : memref<4112xi32, #tpu.memory_space<vmem>>, vector<16xi32>, vector<16xi1>
        %add3A_304 = arith.addi %min3A_291, %reduce_max3A_180 : i32
        %min3A_305 = arith.constant 4096 : i32
        %min3A_306 = arith.minsi %add3A_304, %min3A_305 : i32
        %mul3A_307 = arith.constant 8 : i32
        %mul3A_308 = arith.muli %scan3A_67, %mul3A_307 : i32
        %add3A_309 = arith.constant 6 : i32
        %add3A_310 = arith.addi %mul3A_308, %add3A_309 : i32
        %mul3A_311 = arith.constant 16 : i32
        %mul3A_312 = arith.muli %add3A_310, %mul3A_311 : i32
        %add3A_313 = vector.broadcast %mul3A_312 : i32 to vector<16xi32>
        %add3A_314 = arith.addi %iota3A, %add3A_313 : vector<16xi32>
        %swap3A_315 = arith.index_cast %min3A_306 : i32 to index
        %swap3A_316 = tpu.vector_load %arg8[%swap3A_315] masked %le3A_190 {strides = array<i32>} : memref<4112xf32, #tpu.memory_space<vmem>>, vector<16xf32>, vector<16xi1>
        tpu.vector_store %arg8[%swap3A_315], %get3A_188 masked %le3A_190 {strides = array<i32>} : memref<4112xf32, #tpu.memory_space<vmem>>, vector<16xf32>, vector<16xi1>
        %swap3A_317 = arith.index_cast %min3A_306 : i32 to index
        %swap3A_318 = tpu.vector_load %arg9[%swap3A_317] masked %le3A_190 {strides = array<i32>} : memref<4112xi32, #tpu.memory_space<vmem>>, vector<16xi32>, vector<16xi1>
        tpu.vector_store %arg9[%swap3A_317], %add3A_314 masked %le3A_190 {strides = array<i32>} : memref<4112xi32, #tpu.memory_space<vmem>>, vector<16xi32>, vector<16xi1>
        %add3A_319 = arith.addi %min3A_306, %reduce_max3A_199 : i32
        %min3A_320 = arith.constant 4096 : i32
        %min3A_321 = arith.minsi %add3A_319, %min3A_320 : i32
        %mul3A_322 = arith.constant 8 : i32
        %mul3A_323 = arith.muli %scan3A_67, %mul3A_322 : i32
        %add3A_324 = arith.constant 7 : i32
        %add3A_325 = arith.addi %mul3A_323, %add3A_324 : i32
        %mul3A_326 = arith.constant 16 : i32
        %mul3A_327 = arith.muli %add3A_325, %mul3A_326 : i32
        %add3A_328 = vector.broadcast %mul3A_327 : i32 to vector<16xi32>
        %add3A_329 = arith.addi %iota3A, %add3A_328 : vector<16xi32>
        %swap3A_330 = arith.index_cast %min3A_321 : i32 to index
        %swap3A_331 = tpu.vector_load %arg8[%swap3A_330] masked %le3A_209 {strides = array<i32>} : memref<4112xf32, #tpu.memory_space<vmem>>, vector<16xf32>, vector<16xi1>
        tpu.vector_store %arg8[%swap3A_330], %get3A_207 masked %le3A_209 {strides = array<i32>} : memref<4112xf32, #tpu.memory_space<vmem>>, vector<16xf32>, vector<16xi1>
        %swap3A_332 = arith.index_cast %min3A_321 : i32 to index
        %swap3A_333 = tpu.vector_load %arg9[%swap3A_332] masked %le3A_209 {strides = array<i32>} : memref<4112xi32, #tpu.memory_space<vmem>>, vector<16xi32>, vector<16xi1>
        tpu.vector_store %arg9[%swap3A_332], %add3A_329 masked %le3A_209 {strides = array<i32>} : memref<4112xi32, #tpu.memory_space<vmem>>, vector<16xi32>, vector<16xi1>
        %add3A_334 = arith.addi %min3A_321, %reduce_max3A_218 : i32
        %min3A_335 = arith.constant 4096 : i32
        %min3A_336 = arith.minsi %add3A_334, %min3A_335 : i32
        scf.yield %min3A_336 : i32
      }
      %scan3A_66 = arith.constant 784 : i32
      "tpu.region"() ({
        %run_scoped3A = tpu.sem_alloc : memref<!tpu.dma_semaphore, #tpu.memory_space<semaphore_mem>>
        %dma_start3A = arith.constant 0 : i32
        %dma_start3A_67 = tpu.memref_slice %arg8[%dma_start3A] : memref<4112xf32, #tpu.memory_space<vmem>> -> memref<4096xf32, #tpu.memory_space<vmem>>
        %dma_start3A_68 = arith.constant 0 : i32
        %dma_start3A_69 = tpu.memref_slice %arg4[%add3A_12, %dma_start3A_68] : memref<256x4096xf32, #tpu.memory_space<hbm>> -> memref<1x4096xf32, #tpu.memory_space<hbm>>
        %dma_start3A_70 = tpu.memref_squeeze %dma_start3A_69 : memref<1x4096xf32, #tpu.memory_space<hbm>> -> memref<4096xf32, #tpu.memory_space<hbm>>
        %dma_start3A_71 = arith.constant 0 : i32
        %dma_start3A_72 = tpu.memref_slice %arg4[%add3A_12, %dma_start3A_71] : memref<256x4096xf32, #tpu.memory_space<hbm>> -> memref<1x4096xf32, #tpu.memory_space<hbm>>
        %dma_start3A_73 = tpu.memref_squeeze %dma_start3A_72 : memref<1x4096xf32, #tpu.memory_space<hbm>> -> memref<4096xf32, #tpu.memory_space<hbm>>
        %dma_start3A_74 = arith.constant 0 : i32
        %dma_start3A_75 = tpu.memref_slice %arg8[%dma_start3A_74] : memref<4112xf32, #tpu.memory_space<vmem>> -> memref<4096xf32, #tpu.memory_space<vmem>>
        tpu.enqueue_dma source(%dma_start3A_75 : memref<4096xf32, #tpu.memory_space<vmem>>) target(%dma_start3A_73 : memref<4096xf32, #tpu.memory_space<hbm>>) target_semaphore(%run_scoped3A : memref<!tpu.dma_semaphore, #tpu.memory_space<semaphore_mem>>)
        %dma_wait3A = arith.constant 0 : i32
        %dma_wait3A_76 = tpu.memref_slice %arg8[%dma_wait3A] : memref<4112xf32, #tpu.memory_space<vmem>> -> memref<4096xf32, #tpu.memory_space<vmem>>
        %dma_wait3A_77 = arith.constant 0 : i32
        %dma_wait3A_78 = tpu.memref_slice %arg4[%add3A_12, %dma_wait3A_77] : memref<256x4096xf32, #tpu.memory_space<hbm>> -> memref<1x4096xf32, #tpu.memory_space<hbm>>
        %dma_wait3A_79 = tpu.memref_squeeze %dma_wait3A_78 : memref<1x4096xf32, #tpu.memory_space<hbm>> -> memref<4096xf32, #tpu.memory_space<hbm>>
        %dma_wait3A_80 = arith.constant 0 : i32
        %dma_wait3A_81 = tpu.memref_slice %arg4[%add3A_12, %dma_wait3A_80] : memref<256x4096xf32, #tpu.memory_space<hbm>> -> memref<1x4096xf32, #tpu.memory_space<hbm>>
        %dma_wait3A_82 = tpu.memref_squeeze %dma_wait3A_81 : memref<1x4096xf32, #tpu.memory_space<hbm>> -> memref<4096xf32, #tpu.memory_space<hbm>>
        %dma_wait3A_83 = arith.constant 0 : i32
        %dma_wait3A_84 = tpu.memref_slice %arg8[%dma_wait3A_83] : memref<4112xf32, #tpu.memory_space<vmem>> -> memref<4096xf32, #tpu.memory_space<vmem>>
        tpu.wait_dma2 semaphore(%run_scoped3A : memref<!tpu.dma_semaphore, #tpu.memory_space<semaphore_mem>>) src(%dma_wait3A_84 : memref<4096xf32, #tpu.memory_space<vmem>>) dst(%dma_wait3A_82 : memref<4096xf32, #tpu.memory_space<hbm>>)
        tpu.yield
      }) : () -> ()
      "tpu.region"() ({
        %run_scoped3A = tpu.sem_alloc : memref<!tpu.dma_semaphore, #tpu.memory_space<semaphore_mem>>
        %dma_start3A = arith.constant 0 : i32
        %dma_start3A_67 = tpu.memref_slice %arg9[%dma_start3A] : memref<4112xi32, #tpu.memory_space<vmem>> -> memref<4096xi32, #tpu.memory_space<vmem>>
        %dma_start3A_68 = arith.constant 0 : i32
        %dma_start3A_69 = tpu.memref_slice %arg5[%add3A_12, %dma_start3A_68] : memref<256x4096xi32, #tpu.memory_space<hbm>> -> memref<1x4096xi32, #tpu.memory_space<hbm>>
        %dma_start3A_70 = tpu.memref_squeeze %dma_start3A_69 : memref<1x4096xi32, #tpu.memory_space<hbm>> -> memref<4096xi32, #tpu.memory_space<hbm>>
        %dma_start3A_71 = arith.constant 0 : i32
        %dma_start3A_72 = tpu.memref_slice %arg5[%add3A_12, %dma_start3A_71] : memref<256x4096xi32, #tpu.memory_space<hbm>> -> memref<1x4096xi32, #tpu.memory_space<hbm>>
        %dma_start3A_73 = tpu.memref_squeeze %dma_start3A_72 : memref<1x4096xi32, #tpu.memory_space<hbm>> -> memref<4096xi32, #tpu.memory_space<hbm>>
        %dma_start3A_74 = arith.constant 0 : i32
        %dma_start3A_75 = tpu.memref_slice %arg9[%dma_start3A_74] : memref<4112xi32, #tpu.memory_space<vmem>> -> memref<4096xi32, #tpu.memory_space<vmem>>
        tpu.enqueue_dma source(%dma_start3A_75 : memref<4096xi32, #tpu.memory_space<vmem>>) target(%dma_start3A_73 : memref<4096xi32, #tpu.memory_space<hbm>>) target_semaphore(%run_scoped3A : memref<!tpu.dma_semaphore, #tpu.memory_space<semaphore_mem>>)
        %dma_wait3A = arith.constant 0 : i32
        %dma_wait3A_76 = tpu.memref_slice %arg9[%dma_wait3A] : memref<4112xi32, #tpu.memory_space<vmem>> -> memref<4096xi32, #tpu.memory_space<vmem>>
        %dma_wait3A_77 = arith.constant 0 : i32
        %dma_wait3A_78 = tpu.memref_slice %arg5[%add3A_12, %dma_wait3A_77] : memref<256x4096xi32, #tpu.memory_space<hbm>> -> memref<1x4096xi32, #tpu.memory_space<hbm>>
        %dma_wait3A_79 = tpu.memref_squeeze %dma_wait3A_78 : memref<1x4096xi32, #tpu.memory_space<hbm>> -> memref<4096xi32, #tpu.memory_space<hbm>>
        %dma_wait3A_80 = arith.constant 0 : i32
        %dma_wait3A_81 = tpu.memref_slice %arg5[%add3A_12, %dma_wait3A_80] : memref<256x4096xi32, #tpu.memory_space<hbm>> -> memref<1x4096xi32, #tpu.memory_space<hbm>>
        %dma_wait3A_82 = tpu.memref_squeeze %dma_wait3A_81 : memref<1x4096xi32, #tpu.memory_space<hbm>> -> memref<4096xi32, #tpu.memory_space<hbm>>
        %dma_wait3A_83 = arith.constant 0 : i32
        %dma_wait3A_84 = tpu.memref_slice %arg9[%dma_wait3A_83] : memref<4112xi32, #tpu.memory_space<vmem>> -> memref<4096xi32, #tpu.memory_space<vmem>>
        tpu.wait_dma2 semaphore(%run_scoped3A : memref<!tpu.dma_semaphore, #tpu.memory_space<semaphore_mem>>) src(%dma_wait3A_84 : memref<4096xi32, #tpu.memory_space<vmem>>) dst(%dma_wait3A_82 : memref<4096xi32, #tpu.memory_space<hbm>>)
        tpu.yield
      }) : () -> ()
    }
    %scan3A_10 = arith.constant 8 : i32
    return
  }
}

#map = affine_map<(d0, d1) -> (0, 0)>
#map1 = affine_map<(d0, d1) -> (0)>
module attributes {stable_mosaic.version = 14 : i64} {
  func.func @_sc_filter_body(%arg0: i32, %arg1: i32, %arg2: memref<256x100352xf32, #tpu.memory_space<hbm>>, %arg3: memref<256xf32, #tpu.memory_space<hbm>>, %arg4: memref<256x4096xf32, #tpu.memory_space<hbm>>, %arg5: memref<256x4096xi32, #tpu.memory_space<hbm>>, %arg6: memref<100352xf32, #tpu.memory_space<vmem>>, %arg7: memref<8xf32, #tpu.memory_space<vmem>>, %arg8: memref<4112xf32, #tpu.memory_space<vmem>>, %arg9: memref<4112xi32, #tpu.memory_space<vmem>>) attributes {dimension_semantics = [#tpu.dimension_semantics<core_parallel>, #tpu.dimension_semantics<subcore_parallel>], iteration_bounds = array<i64: 2, 16>, scalar_prefetch = 0 : i64, scratch_operands = 4 : i64, tpu.core_type = #tpu.core_type<sc_vector_subcore>, window_params = [{transform_indices = #map}, {transform_indices = #map1}, {transform_indices = #map}, {transform_indices = #map}]} {
    %mul3A = arith.constant 2 : i32
    %mul3A_0 = arith.muli %arg1, %mul3A : i32
    %add3A = arith.addi %mul3A_0, %arg0 : i32
    %mul3A_1 = arith.constant 8 : i32
    %mul3A_2 = arith.muli %add3A, %mul3A_1 : i32
    "tpu.region"() ({
      %run_scoped3A = tpu.sem_alloc : memref<!tpu.dma_semaphore, #tpu.memory_space<semaphore_mem>>
      %dma_start3A = tpu.memref_slice %arg3[%mul3A_2] : memref<256xf32, #tpu.memory_space<hbm>> -> memref<8xf32, #tpu.memory_space<hbm>>
      %dma_start3A_11 = tpu.memref_slice %arg3[%mul3A_2] : memref<256xf32, #tpu.memory_space<hbm>> -> memref<8xf32, #tpu.memory_space<hbm>>
      tpu.enqueue_dma source(%dma_start3A_11 : memref<8xf32, #tpu.memory_space<hbm>>) target(%arg7 : memref<8xf32, #tpu.memory_space<vmem>>) target_semaphore(%run_scoped3A : memref<!tpu.dma_semaphore, #tpu.memory_space<semaphore_mem>>)
      %dma_wait3A = tpu.memref_slice %arg3[%mul3A_2] : memref<256xf32, #tpu.memory_space<hbm>> -> memref<8xf32, #tpu.memory_space<hbm>>
      %dma_wait3A_12 = tpu.memref_slice %arg3[%mul3A_2] : memref<256xf32, #tpu.memory_space<hbm>> -> memref<8xf32, #tpu.memory_space<hbm>>
      tpu.wait_dma2 semaphore(%run_scoped3A : memref<!tpu.dma_semaphore, #tpu.memory_space<semaphore_mem>>) src(%dma_wait3A_12 : memref<8xf32, #tpu.memory_space<hbm>>) dst(%arg7 : memref<8xf32, #tpu.memory_space<vmem>>)
      tpu.yield
    }) : () -> ()
    %broadcast_in_dim3A = arith.constant 0x7F800000 : f32
    %broadcast_in_dim3A_3 = vector.broadcast %broadcast_in_dim3A : f32 to vector<16xf32>
    %broadcast_in_dim3A_4 = arith.constant 1073741824 : i32
    %broadcast_in_dim3A_5 = vector.broadcast %broadcast_in_dim3A_4 : i32 to vector<16xi32>
    %iota3A = tpu.iota {dimensions = array<i32: 0>} : vector<16xi32>
    %scan3A = arith.constant 0 : i32
    %scan3A_6 = arith.constant 0 : i32
    %scan3A_7 = arith.constant 8 : i32
    %scan3A_8 = arith.addi %scan3A_6, %scan3A_7 : i32
    %scan3A_9 = arith.constant 1 : i32
    scf.for %scan3A_11 = %scan3A_6 to %scan3A_8 step %scan3A_9  : i32 {
      %add3A_12 = arith.addi %mul3A_2, %scan3A_11 : i32
      "tpu.region"() ({
        %run_scoped3A = tpu.sem_alloc : memref<!tpu.dma_semaphore, #tpu.memory_space<semaphore_mem>>
        %dma_start3A = arith.constant 0 : i32
        %dma_start3A_67 = tpu.memref_slice %arg2[%add3A_12, %dma_start3A] : memref<256x100352xf32, #tpu.memory_space<hbm>> -> memref<1x100352xf32, #tpu.memory_space<hbm>>
        %dma_start3A_68 = tpu.memref_squeeze %dma_start3A_67 : memref<1x100352xf32, #tpu.memory_space<hbm>> -> memref<100352xf32, #tpu.memory_space<hbm>>
        %dma_start3A_69 = arith.constant 0 : i32
        %dma_start3A_70 = tpu.memref_slice %arg2[%add3A_12, %dma_start3A_69] : memref<256x100352xf32, #tpu.memory_space<hbm>> -> memref<1x100352xf32, #tpu.memory_space<hbm>>
        %dma_start3A_71 = tpu.memref_squeeze %dma_start3A_70 : memref<1x100352xf32, #tpu.memory_space<hbm>> -> memref<100352xf32, #tpu.memory_space<hbm>>
        tpu.enqueue_dma source(%dma_start3A_71 : memref<100352xf32, #tpu.memory_space<hbm>>) target(%arg6 : memref<100352xf32, #tpu.memory_space<vmem>>) target_semaphore(%run_scoped3A : memref<!tpu.dma_semaphore, #tpu.memory_space<semaphore_mem>>)
        %dma_wait3A = arith.constant 0 : i32
        %dma_wait3A_72 = tpu.memref_slice %arg2[%add3A_12, %dma_wait3A] : memref<256x100352xf32, #tpu.memory_space<hbm>> -> memref<1x100352xf32, #tpu.memory_space<hbm>>
        %dma_wait3A_73 = tpu.memref_squeeze %dma_wait3A_72 : memref<1x100352xf32, #tpu.memory_space<hbm>> -> memref<100352xf32, #tpu.memory_space<hbm>>
        %dma_wait3A_74 = arith.constant 0 : i32
        %dma_wait3A_75 = tpu.memref_slice %arg2[%add3A_12, %dma_wait3A_74] : memref<256x100352xf32, #tpu.memory_space<hbm>> -> memref<1x100352xf32, #tpu.memory_space<hbm>>
        %dma_wait3A_76 = tpu.memref_squeeze %dma_wait3A_75 : memref<1x100352xf32, #tpu.memory_space<hbm>> -> memref<100352xf32, #tpu.memory_space<hbm>>
        tpu.wait_dma2 semaphore(%run_scoped3A : memref<!tpu.dma_semaphore, #tpu.memory_space<semaphore_mem>>) src(%dma_wait3A_76 : memref<100352xf32, #tpu.memory_space<hbm>>) dst(%arg6 : memref<100352xf32, #tpu.memory_space<vmem>>)
        tpu.yield
      }) : () -> ()
      %jit3A = arith.constant 16 : i32
      %div3A = arith.divsi %scan3A_11, %jit3A : i32
      %sign3A = arith.constant 0 : i32
      %sign3A_13 = arith.cmpi sgt, %scan3A_11, %sign3A : i32
      %sign3A_14 = arith.extui %sign3A_13 : i1 to i32
      %sign3A_15 = arith.constant 0 : i32
      %sign3A_16 = arith.cmpi slt, %scan3A_11, %sign3A_15 : i32
      %sign3A_17 = arith.extui %sign3A_16 : i1 to i32
      %sign3A_18 = arith.subi %sign3A_14, %sign3A_17 : i32
      %sign3A_19 = arith.constant 0 : i32
      %sign3A_20 = arith.cmpi sgt, %jit3A, %sign3A_19 : i32
      %sign3A_21 = arith.extui %sign3A_20 : i1 to i32
      %sign3A_22 = arith.constant 0 : i32
      %sign3A_23 = arith.cmpi slt, %jit3A, %sign3A_22 : i32
      %sign3A_24 = arith.extui %sign3A_23 : i1 to i32
      %sign3A_25 = arith.subi %sign3A_21, %sign3A_24 : i32
      %ne3A = arith.cmpi ne, %sign3A_18, %sign3A_25 : i32
      %rem3A = arith.remsi %scan3A_11, %jit3A : i32
      %ne3A_26 = arith.constant 0 : i32
      %ne3A_27 = arith.cmpi ne, %rem3A, %ne3A_26 : i32
      %and3A = arith.andi %ne3A, %ne3A_27 : i1
      %sub3A = arith.constant 1 : i32
      %sub3A_28 = arith.subi %div3A, %sub3A : i32
      %select_n3A = arith.select %and3A, %sub3A_28, %div3A : i32
      %mul3A_29 = arith.constant 16 : i32
      %mul3A_30 = arith.muli %select_n3A, %mul3A_29 : i32
      %get3A = arith.index_cast %mul3A_30 : i32 to index
      %get3A_31 = tpu.vector_load %arg7[%get3A] {strides = array<i32>} : memref<8xf32, #tpu.memory_space<vmem>>, vector<16xf32>,
      %jit3A_32 = arith.constant 16 : i32
      %eq3A = arith.constant 0 : i32
      %eq3A_33 = arith.cmpi eq, %jit3A_32, %eq3A : i32
      %jit3A_34 = arith.constant 1 : i32
      %select_n3A_35 = arith.select %eq3A_33, %jit3A_34, %jit3A_32 : i32
      %rem3A_36 = arith.remsi %scan3A_11, %select_n3A_35 : i32
      %ne3A_37 = arith.constant 0 : i32
      %ne3A_38 = arith.cmpi ne, %rem3A_36, %ne3A_37 : i32
      %lt3A = arith.constant 0 : i32
      %lt3A_39 = arith.cmpi slt, %rem3A_36, %lt3A : i32
      %lt3A_40 = arith.constant 0 : i32
      %lt3A_41 = arith.cmpi slt, %select_n3A_35, %lt3A_40 : i32
      %ne3A_42 = arith.xori %lt3A_39, %lt3A_41 : i1
      %and3A_43 = arith.andi %ne3A_42, %ne3A_38 : i1
      %add3A_44 = arith.addi %rem3A_36, %select_n3A_35 : i32
      %select_n3A_45 = arith.select %and3A_43, %add3A_44, %rem3A_36 : i32
      %eq3A_46 = vector.broadcast %select_n3A_45 : i32 to vector<16xi32>
      %eq3A_47 = arith.cmpi eq, %iota3A, %eq3A_46 : vector<16xi32>
      %jit3A_48 = arith.constant 0xFF800000 : f32
      %broadcast_in_dim3A_49 = vector.broadcast %jit3A_48 : f32 to vector<16xf32>
      %select_n3A_50 = arith.select %eq3A_47, %get3A_31, %broadcast_in_dim3A_49 : vector<16xi1>, vector<16xf32>
      %reduce_max3A = arith.constant true
      %reduce_max3A_51 = vector.broadcast %reduce_max3A : i1 to vector<16xi1>
      %reduce_max3A_52 = tpu.scan <max>, %select_n3A_50 masked %reduce_max3A_51 : vector<16xf32>, vector<16xi1> -> vector<16xf32>
      %reduce_max3A_53 = vector.extract %reduce_max3A_52[15] : f32 from vector<16xf32>
      %scan3A_54 = arith.constant 0 : i32
      %scan3A_55 = arith.constant 0 : i32
      %scan3A_56 = arith.constant 257 : i32
      %scan3A_57 = arith.addi %scan3A_55, %scan3A_56 : i32
      %scan3A_58 = arith.constant 1 : i32
      scf.for %scan3A_67 = %scan3A_55 to %scan3A_57 step %scan3A_58  : i32 {
        %mul3A_68 = arith.constant 16 : i32
        %mul3A_69 = arith.muli %scan3A_67, %mul3A_68 : i32
        %swap3A = arith.index_cast %mul3A_69 : i32 to index
        %swap3A_70 = tpu.vector_load %arg8[%swap3A] {strides = array<i32>} : memref<4112xf32, #tpu.memory_space<vmem>>, vector<16xf32>,
        tpu.vector_store %arg8[%swap3A], %broadcast_in_dim3A_3 {strides = array<i32>} : memref<4112xf32, #tpu.memory_space<vmem>>, vector<16xf32>,
        %mul3A_71 = arith.constant 16 : i32
        %mul3A_72 = arith.muli %scan3A_67, %mul3A_71 : i32
        %swap3A_73 = arith.index_cast %mul3A_72 : i32 to index
        %swap3A_74 = tpu.vector_load %arg9[%swap3A_73] {strides = array<i32>} : memref<4112xi32, #tpu.memory_space<vmem>>, vector<16xi32>,
        tpu.vector_store %arg9[%swap3A_73], %broadcast_in_dim3A_5 {strides = array<i32>} : memref<4112xi32, #tpu.memory_space<vmem>>, vector<16xi32>,
      }
      %scan3A_59 = arith.constant 257 : i32
      %scan3A_60 = arith.constant 0 : i32
      %scan3A_61 = arith.constant 0 : i32
      %scan3A_62 = arith.constant 784 : i32
      %scan3A_63 = arith.addi %scan3A_61, %scan3A_62 : i32
      %scan3A_64 = arith.constant 1 : i32
      %scan3A_65 = scf.for %scan3A_67 = %scan3A_61 to %scan3A_63 step %scan3A_64 iter_args(%scan3A_68 = %scan3A_60) -> (i32)  : i32 {
        %mul3A_69 = arith.constant 8 : i32
        %mul3A_70 = arith.muli %scan3A_67, %mul3A_69 : i32
        %add3A_71 = arith.constant 0 : i32
        %add3A_72 = arith.addi %mul3A_70, %add3A_71 : i32
        %mul3A_73 = arith.constant 16 : i32
        %mul3A_74 = arith.muli %add3A_72, %mul3A_73 : i32
        %get3A_75 = arith.index_cast %mul3A_74 : i32 to index
        %get3A_76 = tpu.vector_load %arg6[%get3A_75] {strides = array<i32>} : memref<100352xf32, #tpu.memory_space<vmem>>, vector<16xf32>,
        %le3A = vector.broadcast %reduce_max3A_53 : f32 to vector<16xf32>
        %le3A_77 = arith.cmpf ole, %get3A_76, %le3A : vector<16xf32>
        %all_reduce_population_count3A = tpu.all_reduce %le3A_77 {dim = 0 : i64, kind = #tpu.reduction_kind<sum>} : vector<16xi1> -> vector<16xi32>
        %reduce_max3A_78 = arith.constant true
        %reduce_max3A_79 = vector.broadcast %reduce_max3A_78 : i1 to vector<16xi1>
        %reduce_max3A_80 = arith.constant -2147483648 : i32
        %reduce_max3A_81 = vector.broadcast %reduce_max3A_80 : i32 to vector<16xi32>
        %reduce_max3A_82 = arith.xori %all_reduce_population_count3A, %reduce_max3A_81 : vector<16xi32>
        %reduce_max3A_83 = tpu.scan <max>, %reduce_max3A_82 masked %reduce_max3A_79 : vector<16xi32>, vector<16xi1> -> vector<16xi32>
        %reduce_max3A_84 = arith.xori %reduce_max3A_83, %reduce_max3A_81 : vector<16xi32>
        %reduce_max3A_85 = vector.extract %reduce_max3A_84[15] : i32 from vector<16xi32>
        %mul3A_86 = arith.constant 8 : i32
        %mul3A_87 = arith.muli %scan3A_67, %mul3A_86 : i32
        %add3A_88 = arith.constant 1 : i32
        %add3A_89 = arith.addi %mul3A_87, %add3A_88 : i32
        %mul3A_90 = arith.constant 16 : i32
        %mul3A_91 = arith.muli %add3A_89, %mul3A_90 : i32
        %get3A_92 = arith.index_cast %mul3A_91 : i32 to index
        %get3A_93 = tpu.vector_load %arg6[%get3A_92] {strides = array<i32>} : memref<100352xf32, #tpu.memory_space<vmem>>, vector<16xf32>,
        %le3A_94 = vector.broadcast %reduce_max3A_53 : f32 to vector<16xf32>
        %le3A_95 = arith.cmpf ole, %get3A_93, %le3A_94 : vector<16xf32>
        %all_reduce_population_count3A_96 = tpu.all_reduce %le3A_95 {dim = 0 : i64, kind = #tpu.reduction_kind<sum>} : vector<16xi1> -> vector<16xi32>
        %reduce_max3A_97 = arith.constant true
        %reduce_max3A_98 = vector.broadcast %reduce_max3A_97 : i1 to vector<16xi1>
        %reduce_max3A_99 = arith.constant -2147483648 : i32
        %reduce_max3A_100 = vector.broadcast %reduce_max3A_99 : i32 to vector<16xi32>
        %reduce_max3A_101 = arith.xori %all_reduce_population_count3A_96, %reduce_max3A_100 : vector<16xi32>
        %reduce_max3A_102 = tpu.scan <max>, %reduce_max3A_101 masked %reduce_max3A_98 : vector<16xi32>, vector<16xi1> -> vector<16xi32>
        %reduce_max3A_103 = arith.xori %reduce_max3A_102, %reduce_max3A_100 : vector<16xi32>
        %reduce_max3A_104 = vector.extract %reduce_max3A_103[15] : i32 from vector<16xi32>
        %mul3A_105 = arith.constant 8 : i32
        %mul3A_106 = arith.muli %scan3A_67, %mul3A_105 : i32
        %add3A_107 = arith.constant 2 : i32
        %add3A_108 = arith.addi %mul3A_106, %add3A_107 : i32
        %mul3A_109 = arith.constant 16 : i32
        %mul3A_110 = arith.muli %add3A_108, %mul3A_109 : i32
        %get3A_111 = arith.index_cast %mul3A_110 : i32 to index
        %get3A_112 = tpu.vector_load %arg6[%get3A_111] {strides = array<i32>} : memref<100352xf32, #tpu.memory_space<vmem>>, vector<16xf32>,
        %le3A_113 = vector.broadcast %reduce_max3A_53 : f32 to vector<16xf32>
        %le3A_114 = arith.cmpf ole, %get3A_112, %le3A_113 : vector<16xf32>
        %all_reduce_population_count3A_115 = tpu.all_reduce %le3A_114 {dim = 0 : i64, kind = #tpu.reduction_kind<sum>} : vector<16xi1> -> vector<16xi32>
        %reduce_max3A_116 = arith.constant true
        %reduce_max3A_117 = vector.broadcast %reduce_max3A_116 : i1 to vector<16xi1>
        %reduce_max3A_118 = arith.constant -2147483648 : i32
        %reduce_max3A_119 = vector.broadcast %reduce_max3A_118 : i32 to vector<16xi32>
        %reduce_max3A_120 = arith.xori %all_reduce_population_count3A_115, %reduce_max3A_119 : vector<16xi32>
        %reduce_max3A_121 = tpu.scan <max>, %reduce_max3A_120 masked %reduce_max3A_117 : vector<16xi32>, vector<16xi1> -> vector<16xi32>
        %reduce_max3A_122 = arith.xori %reduce_max3A_121, %reduce_max3A_119 : vector<16xi32>
        %reduce_max3A_123 = vector.extract %reduce_max3A_122[15] : i32 from vector<16xi32>
        %mul3A_124 = arith.constant 8 : i32
        %mul3A_125 = arith.muli %scan3A_67, %mul3A_124 : i32
        %add3A_126 = arith.constant 3 : i32
        %add3A_127 = arith.addi %mul3A_125, %add3A_126 : i32
        %mul3A_128 = arith.constant 16 : i32
        %mul3A_129 = arith.muli %add3A_127, %mul3A_128 : i32
        %get3A_130 = arith.index_cast %mul3A_129 : i32 to index
        %get3A_131 = tpu.vector_load %arg6[%get3A_130] {strides = array<i32>} : memref<100352xf32, #tpu.memory_space<vmem>>, vector<16xf32>,
        %le3A_132 = vector.broadcast %reduce_max3A_53 : f32 to vector<16xf32>
        %le3A_133 = arith.cmpf ole, %get3A_131, %le3A_132 : vector<16xf32>
        %all_reduce_population_count3A_134 = tpu.all_reduce %le3A_133 {dim = 0 : i64, kind = #tpu.reduction_kind<sum>} : vector<16xi1> -> vector<16xi32>
        %reduce_max3A_135 = arith.constant true
        %reduce_max3A_136 = vector.broadcast %reduce_max3A_135 : i1 to vector<16xi1>
        %reduce_max3A_137 = arith.constant -2147483648 : i32
        %reduce_max3A_138 = vector.broadcast %reduce_max3A_137 : i32 to vector<16xi32>
        %reduce_max3A_139 = arith.xori %all_reduce_population_count3A_134, %reduce_max3A_138 : vector<16xi32>
        %reduce_max3A_140 = tpu.scan <max>, %reduce_max3A_139 masked %reduce_max3A_136 : vector<16xi32>, vector<16xi1> -> vector<16xi32>
        %reduce_max3A_141 = arith.xori %reduce_max3A_140, %reduce_max3A_138 : vector<16xi32>
        %reduce_max3A_142 = vector.extract %reduce_max3A_141[15] : i32 from vector<16xi32>
        %mul3A_143 = arith.constant 8 : i32
        %mul3A_144 = arith.muli %scan3A_67, %mul3A_143 : i32
        %add3A_145 = arith.constant 4 : i32
        %add3A_146 = arith.addi %mul3A_144, %add3A_145 : i32
        %mul3A_147 = arith.constant 16 : i32
        %mul3A_148 = arith.muli %add3A_146, %mul3A_147 : i32
        %get3A_149 = arith.index_cast %mul3A_148 : i32 to index
        %get3A_150 = tpu.vector_load %arg6[%get3A_149] {strides = array<i32>} : memref<100352xf32, #tpu.memory_space<vmem>>, vector<16xf32>,
        %le3A_151 = vector.broadcast %reduce_max3A_53 : f32 to vector<16xf32>
        %le3A_152 = arith.cmpf ole, %get3A_150, %le3A_151 : vector<16xf32>
        %all_reduce_population_count3A_153 = tpu.all_reduce %le3A_152 {dim = 0 : i64, kind = #tpu.reduction_kind<sum>} : vector<16xi1> -> vector<16xi32>
        %reduce_max3A_154 = arith.constant true
        %reduce_max3A_155 = vector.broadcast %reduce_max3A_154 : i1 to vector<16xi1>
        %reduce_max3A_156 = arith.constant -2147483648 : i32
        %reduce_max3A_157 = vector.broadcast %reduce_max3A_156 : i32 to vector<16xi32>
        %reduce_max3A_158 = arith.xori %all_reduce_population_count3A_153, %reduce_max3A_157 : vector<16xi32>
        %reduce_max3A_159 = tpu.scan <max>, %reduce_max3A_158 masked %reduce_max3A_155 : vector<16xi32>, vector<16xi1> -> vector<16xi32>
        %reduce_max3A_160 = arith.xori %reduce_max3A_159, %reduce_max3A_157 : vector<16xi32>
        %reduce_max3A_161 = vector.extract %reduce_max3A_160[15] : i32 from vector<16xi32>
        %mul3A_162 = arith.constant 8 : i32
        %mul3A_163 = arith.muli %scan3A_67, %mul3A_162 : i32
        %add3A_164 = arith.constant 5 : i32
        %add3A_165 = arith.addi %mul3A_163, %add3A_164 : i32
        %mul3A_166 = arith.constant 16 : i32
        %mul3A_167 = arith.muli %add3A_165, %mul3A_166 : i32
        %get3A_168 = arith.index_cast %mul3A_167 : i32 to index
        %get3A_169 = tpu.vector_load %arg6[%get3A_168] {strides = array<i32>} : memref<100352xf32, #tpu.memory_space<vmem>>, vector<16xf32>,
        %le3A_170 = vector.broadcast %reduce_max3A_53 : f32 to vector<16xf32>
        %le3A_171 = arith.cmpf ole, %get3A_169, %le3A_170 : vector<16xf32>
        %all_reduce_population_count3A_172 = tpu.all_reduce %le3A_171 {dim = 0 : i64, kind = #tpu.reduction_kind<sum>} : vector<16xi1> -> vector<16xi32>
        %reduce_max3A_173 = arith.constant true
        %reduce_max3A_174 = vector.broadcast %reduce_max3A_173 : i1 to vector<16xi1>
        %reduce_max3A_175 = arith.constant -2147483648 : i32
        %reduce_max3A_176 = vector.broadcast %reduce_max3A_175 : i32 to vector<16xi32>
        %reduce_max3A_177 = arith.xori %all_reduce_population_count3A_172, %reduce_max3A_176 : vector<16xi32>
        %reduce_max3A_178 = tpu.scan <max>, %reduce_max3A_177 masked %reduce_max3A_174 : vector<16xi32>, vector<16xi1> -> vector<16xi32>
        %reduce_max3A_179 = arith.xori %reduce_max3A_178, %reduce_max3A_176 : vector<16xi32>
        %reduce_max3A_180 = vector.extract %reduce_max3A_179[15] : i32 from vector<16xi32>
        %mul3A_181 = arith.constant 8 : i32
        %mul3A_182 = arith.muli %scan3A_67, %mul3A_181 : i32
        %add3A_183 = arith.constant 6 : i32
        %add3A_184 = arith.addi %mul3A_182, %add3A_183 : i32
        %mul3A_185 = arith.constant 16 : i32
        %mul3A_186 = arith.muli %add3A_184, %mul3A_185 : i32
        %get3A_187 = arith.index_cast %mul3A_186 : i32 to index
        %get3A_188 = tpu.vector_load %arg6[%get3A_187] {strides = array<i32>} : memref<100352xf32, #tpu.memory_space<vmem>>, vector<16xf32>,
        %le3A_189 = vector.broadcast %reduce_max3A_53 : f32 to vector<16xf32>
        %le3A_190 = arith.cmpf ole, %get3A_188, %le3A_189 : vector<16xf32>
        %all_reduce_population_count3A_191 = tpu.all_reduce %le3A_190 {dim = 0 : i64, kind = #tpu.reduction_kind<sum>} : vector<16xi1> -> vector<16xi32>
        %reduce_max3A_192 = arith.constant true
        %reduce_max3A_193 = vector.broadcast %reduce_max3A_192 : i1 to vector<16xi1>
        %reduce_max3A_194 = arith.constant -2147483648 : i32
        %reduce_max3A_195 = vector.broadcast %reduce_max3A_194 : i32 to vector<16xi32>
        %reduce_max3A_196 = arith.xori %all_reduce_population_count3A_191, %reduce_max3A_195 : vector<16xi32>
        %reduce_max3A_197 = tpu.scan <max>, %reduce_max3A_196 masked %reduce_max3A_193 : vector<16xi32>, vector<16xi1> -> vector<16xi32>
        %reduce_max3A_198 = arith.xori %reduce_max3A_197, %reduce_max3A_195 : vector<16xi32>
        %reduce_max3A_199 = vector.extract %reduce_max3A_198[15] : i32 from vector<16xi32>
        %mul3A_200 = arith.constant 8 : i32
        %mul3A_201 = arith.muli %scan3A_67, %mul3A_200 : i32
        %add3A_202 = arith.constant 7 : i32
        %add3A_203 = arith.addi %mul3A_201, %add3A_202 : i32
        %mul3A_204 = arith.constant 16 : i32
        %mul3A_205 = arith.muli %add3A_203, %mul3A_204 : i32
        %get3A_206 = arith.index_cast %mul3A_205 : i32 to index
        %get3A_207 = tpu.vector_load %arg6[%get3A_206] {strides = array<i32>} : memref<100352xf32, #tpu.memory_space<vmem>>, vector<16xf32>,
        %le3A_208 = vector.broadcast %reduce_max3A_53 : f32 to vector<16xf32>
        %le3A_209 = arith.cmpf ole, %get3A_207, %le3A_208 : vector<16xf32>
        %all_reduce_population_count3A_210 = tpu.all_reduce %le3A_209 {dim = 0 : i64, kind = #tpu.reduction_kind<sum>} : vector<16xi1> -> vector<16xi32>
        %reduce_max3A_211 = arith.constant true
        %reduce_max3A_212 = vector.broadcast %reduce_max3A_211 : i1 to vector<16xi1>
        %reduce_max3A_213 = arith.constant -2147483648 : i32
        %reduce_max3A_214 = vector.broadcast %reduce_max3A_213 : i32 to vector<16xi32>
        %reduce_max3A_215 = arith.xori %all_reduce_population_count3A_210, %reduce_max3A_214 : vector<16xi32>
        %reduce_max3A_216 = tpu.scan <max>, %reduce_max3A_215 masked %reduce_max3A_212 : vector<16xi32>, vector<16xi1> -> vector<16xi32>
        %reduce_max3A_217 = arith.xori %reduce_max3A_216, %reduce_max3A_214 : vector<16xi32>
        %reduce_max3A_218 = vector.extract %reduce_max3A_217[15] : i32 from vector<16xi32>
        %mul3A_219 = arith.constant 8 : i32
        %mul3A_220 = arith.muli %scan3A_67, %mul3A_219 : i32
        %add3A_221 = arith.constant 0 : i32
        %add3A_222 = arith.addi %mul3A_220, %add3A_221 : i32
        %mul3A_223 = arith.constant 16 : i32
        %mul3A_224 = arith.muli %add3A_222, %mul3A_223 : i32
        %add3A_225 = vector.broadcast %mul3A_224 : i32 to vector<16xi32>
        %add3A_226 = arith.addi %iota3A, %add3A_225 : vector<16xi32>
        %swap3A = arith.index_cast %scan3A_68 : i32 to index
        %swap3A_227 = tpu.vector_load %arg8[%swap3A] masked %le3A_77 {strides = array<i32>} : memref<4112xf32, #tpu.memory_space<vmem>>, vector<16xf32>, vector<16xi1>
        tpu.vector_store %arg8[%swap3A], %get3A_76 masked %le3A_77 {strides = array<i32>} : memref<4112xf32, #tpu.memory_space<vmem>>, vector<16xf32>, vector<16xi1>
        %swap3A_228 = arith.index_cast %scan3A_68 : i32 to index
        %swap3A_229 = tpu.vector_load %arg9[%swap3A_228] masked %le3A_77 {strides = array<i32>} : memref<4112xi32, #tpu.memory_space<vmem>>, vector<16xi32>, vector<16xi1>
        tpu.vector_store %arg9[%swap3A_228], %add3A_226 masked %le3A_77 {strides = array<i32>} : memref<4112xi32, #tpu.memory_space<vmem>>, vector<16xi32>, vector<16xi1>
        %add3A_230 = arith.addi %scan3A_68, %reduce_max3A_85 : i32
        %min3A = arith.constant 4096 : i32
        %min3A_231 = arith.minsi %add3A_230, %min3A : i32
        %mul3A_232 = arith.constant 8 : i32
        %mul3A_233 = arith.muli %scan3A_67, %mul3A_232 : i32
        %add3A_234 = arith.constant 1 : i32
        %add3A_235 = arith.addi %mul3A_233, %add3A_234 : i32
        %mul3A_236 = arith.constant 16 : i32
        %mul3A_237 = arith.muli %add3A_235, %mul3A_236 : i32
        %add3A_238 = vector.broadcast %mul3A_237 : i32 to vector<16xi32>
        %add3A_239 = arith.addi %iota3A, %add3A_238 : vector<16xi32>
        %swap3A_240 = arith.index_cast %min3A_231 : i32 to index
        %swap3A_241 = tpu.vector_load %arg8[%swap3A_240] masked %le3A_95 {strides = array<i32>} : memref<4112xf32, #tpu.memory_space<vmem>>, vector<16xf32>, vector<16xi1>
        tpu.vector_store %arg8[%swap3A_240], %get3A_93 masked %le3A_95 {strides = array<i32>} : memref<4112xf32, #tpu.memory_space<vmem>>, vector<16xf32>, vector<16xi1>
        %swap3A_242 = arith.index_cast %min3A_231 : i32 to index
        %swap3A_243 = tpu.vector_load %arg9[%swap3A_242] masked %le3A_95 {strides = array<i32>} : memref<4112xi32, #tpu.memory_space<vmem>>, vector<16xi32>, vector<16xi1>
        tpu.vector_store %arg9[%swap3A_242], %add3A_239 masked %le3A_95 {strides = array<i32>} : memref<4112xi32, #tpu.memory_space<vmem>>, vector<16xi32>, vector<16xi1>
        %add3A_244 = arith.addi %min3A_231, %reduce_max3A_104 : i32
        %min3A_245 = arith.constant 4096 : i32
        %min3A_246 = arith.minsi %add3A_244, %min3A_245 : i32
        %mul3A_247 = arith.constant 8 : i32
        %mul3A_248 = arith.muli %scan3A_67, %mul3A_247 : i32
        %add3A_249 = arith.constant 2 : i32
        %add3A_250 = arith.addi %mul3A_248, %add3A_249 : i32
        %mul3A_251 = arith.constant 16 : i32
        %mul3A_252 = arith.muli %add3A_250, %mul3A_251 : i32
        %add3A_253 = vector.broadcast %mul3A_252 : i32 to vector<16xi32>
        %add3A_254 = arith.addi %iota3A, %add3A_253 : vector<16xi32>
        %swap3A_255 = arith.index_cast %min3A_246 : i32 to index
        %swap3A_256 = tpu.vector_load %arg8[%swap3A_255] masked %le3A_114 {strides = array<i32>} : memref<4112xf32, #tpu.memory_space<vmem>>, vector<16xf32>, vector<16xi1>
        tpu.vector_store %arg8[%swap3A_255], %get3A_112 masked %le3A_114 {strides = array<i32>} : memref<4112xf32, #tpu.memory_space<vmem>>, vector<16xf32>, vector<16xi1>
        %swap3A_257 = arith.index_cast %min3A_246 : i32 to index
        %swap3A_258 = tpu.vector_load %arg9[%swap3A_257] masked %le3A_114 {strides = array<i32>} : memref<4112xi32, #tpu.memory_space<vmem>>, vector<16xi32>, vector<16xi1>
        tpu.vector_store %arg9[%swap3A_257], %add3A_254 masked %le3A_114 {strides = array<i32>} : memref<4112xi32, #tpu.memory_space<vmem>>, vector<16xi32>, vector<16xi1>
        %add3A_259 = arith.addi %min3A_246, %reduce_max3A_123 : i32
        %min3A_260 = arith.constant 4096 : i32
        %min3A_261 = arith.minsi %add3A_259, %min3A_260 : i32
        %mul3A_262 = arith.constant 8 : i32
        %mul3A_263 = arith.muli %scan3A_67, %mul3A_262 : i32
        %add3A_264 = arith.constant 3 : i32
        %add3A_265 = arith.addi %mul3A_263, %add3A_264 : i32
        %mul3A_266 = arith.constant 16 : i32
        %mul3A_267 = arith.muli %add3A_265, %mul3A_266 : i32
        %add3A_268 = vector.broadcast %mul3A_267 : i32 to vector<16xi32>
        %add3A_269 = arith.addi %iota3A, %add3A_268 : vector<16xi32>
        %swap3A_270 = arith.index_cast %min3A_261 : i32 to index
        %swap3A_271 = tpu.vector_load %arg8[%swap3A_270] masked %le3A_133 {strides = array<i32>} : memref<4112xf32, #tpu.memory_space<vmem>>, vector<16xf32>, vector<16xi1>
        tpu.vector_store %arg8[%swap3A_270], %get3A_131 masked %le3A_133 {strides = array<i32>} : memref<4112xf32, #tpu.memory_space<vmem>>, vector<16xf32>, vector<16xi1>
        %swap3A_272 = arith.index_cast %min3A_261 : i32 to index
        %swap3A_273 = tpu.vector_load %arg9[%swap3A_272] masked %le3A_133 {strides = array<i32>} : memref<4112xi32, #tpu.memory_space<vmem>>, vector<16xi32>, vector<16xi1>
        tpu.vector_store %arg9[%swap3A_272], %add3A_269 masked %le3A_133 {strides = array<i32>} : memref<4112xi32, #tpu.memory_space<vmem>>, vector<16xi32>, vector<16xi1>
        %add3A_274 = arith.addi %min3A_261, %reduce_max3A_142 : i32
        %min3A_275 = arith.constant 4096 : i32
        %min3A_276 = arith.minsi %add3A_274, %min3A_275 : i32
        %mul3A_277 = arith.constant 8 : i32
        %mul3A_278 = arith.muli %scan3A_67, %mul3A_277 : i32
        %add3A_279 = arith.constant 4 : i32
        %add3A_280 = arith.addi %mul3A_278, %add3A_279 : i32
        %mul3A_281 = arith.constant 16 : i32
        %mul3A_282 = arith.muli %add3A_280, %mul3A_281 : i32
        %add3A_283 = vector.broadcast %mul3A_282 : i32 to vector<16xi32>
        %add3A_284 = arith.addi %iota3A, %add3A_283 : vector<16xi32>
        %swap3A_285 = arith.index_cast %min3A_276 : i32 to index
        %swap3A_286 = tpu.vector_load %arg8[%swap3A_285] masked %le3A_152 {strides = array<i32>} : memref<4112xf32, #tpu.memory_space<vmem>>, vector<16xf32>, vector<16xi1>
        tpu.vector_store %arg8[%swap3A_285], %get3A_150 masked %le3A_152 {strides = array<i32>} : memref<4112xf32, #tpu.memory_space<vmem>>, vector<16xf32>, vector<16xi1>
        %swap3A_287 = arith.index_cast %min3A_276 : i32 to index
        %swap3A_288 = tpu.vector_load %arg9[%swap3A_287] masked %le3A_152 {strides = array<i32>} : memref<4112xi32, #tpu.memory_space<vmem>>, vector<16xi32>, vector<16xi1>
        tpu.vector_store %arg9[%swap3A_287], %add3A_284 masked %le3A_152 {strides = array<i32>} : memref<4112xi32, #tpu.memory_space<vmem>>, vector<16xi32>, vector<16xi1>
        %add3A_289 = arith.addi %min3A_276, %reduce_max3A_161 : i32
        %min3A_290 = arith.constant 4096 : i32
        %min3A_291 = arith.minsi %add3A_289, %min3A_290 : i32
        %mul3A_292 = arith.constant 8 : i32
        %mul3A_293 = arith.muli %scan3A_67, %mul3A_292 : i32
        %add3A_294 = arith.constant 5 : i32
        %add3A_295 = arith.addi %mul3A_293, %add3A_294 : i32
        %mul3A_296 = arith.constant 16 : i32
        %mul3A_297 = arith.muli %add3A_295, %mul3A_296 : i32
        %add3A_298 = vector.broadcast %mul3A_297 : i32 to vector<16xi32>
        %add3A_299 = arith.addi %iota3A, %add3A_298 : vector<16xi32>
        %swap3A_300 = arith.index_cast %min3A_291 : i32 to index
        %swap3A_301 = tpu.vector_load %arg8[%swap3A_300] masked %le3A_171 {strides = array<i32>} : memref<4112xf32, #tpu.memory_space<vmem>>, vector<16xf32>, vector<16xi1>
        tpu.vector_store %arg8[%swap3A_300], %get3A_169 masked %le3A_171 {strides = array<i32>} : memref<4112xf32, #tpu.memory_space<vmem>>, vector<16xf32>, vector<16xi1>
        %swap3A_302 = arith.index_cast %min3A_291 : i32 to index
        %swap3A_303 = tpu.vector_load %arg9[%swap3A_302] masked %le3A_171 {strides = array<i32>} : memref<4112xi32, #tpu.memory_space<vmem>>, vector<16xi32>, vector<16xi1>
        tpu.vector_store %arg9[%swap3A_302], %add3A_299 masked %le3A_171 {strides = array<i32>} : memref<4112xi32, #tpu.memory_space<vmem>>, vector<16xi32>, vector<16xi1>
        %add3A_304 = arith.addi %min3A_291, %reduce_max3A_180 : i32
        %min3A_305 = arith.constant 4096 : i32
        %min3A_306 = arith.minsi %add3A_304, %min3A_305 : i32
        %mul3A_307 = arith.constant 8 : i32
        %mul3A_308 = arith.muli %scan3A_67, %mul3A_307 : i32
        %add3A_309 = arith.constant 6 : i32
        %add3A_310 = arith.addi %mul3A_308, %add3A_309 : i32
        %mul3A_311 = arith.constant 16 : i32
        %mul3A_312 = arith.muli %add3A_310, %mul3A_311 : i32
        %add3A_313 = vector.broadcast %mul3A_312 : i32 to vector<16xi32>
        %add3A_314 = arith.addi %iota3A, %add3A_313 : vector<16xi32>
        %swap3A_315 = arith.index_cast %min3A_306 : i32 to index
        %swap3A_316 = tpu.vector_load %arg8[%swap3A_315] masked %le3A_190 {strides = array<i32>} : memref<4112xf32, #tpu.memory_space<vmem>>, vector<16xf32>, vector<16xi1>
        tpu.vector_store %arg8[%swap3A_315], %get3A_188 masked %le3A_190 {strides = array<i32>} : memref<4112xf32, #tpu.memory_space<vmem>>, vector<16xf32>, vector<16xi1>
        %swap3A_317 = arith.index_cast %min3A_306 : i32 to index
        %swap3A_318 = tpu.vector_load %arg9[%swap3A_317] masked %le3A_190 {strides = array<i32>} : memref<4112xi32, #tpu.memory_space<vmem>>, vector<16xi32>, vector<16xi1>
        tpu.vector_store %arg9[%swap3A_317], %add3A_314 masked %le3A_190 {strides = array<i32>} : memref<4112xi32, #tpu.memory_space<vmem>>, vector<16xi32>, vector<16xi1>
        %add3A_319 = arith.addi %min3A_306, %reduce_max3A_199 : i32
        %min3A_320 = arith.constant 4096 : i32
        %min3A_321 = arith.minsi %add3A_319, %min3A_320 : i32
        %mul3A_322 = arith.constant 8 : i32
        %mul3A_323 = arith.muli %scan3A_67, %mul3A_322 : i32
        %add3A_324 = arith.constant 7 : i32
        %add3A_325 = arith.addi %mul3A_323, %add3A_324 : i32
        %mul3A_326 = arith.constant 16 : i32
        %mul3A_327 = arith.muli %add3A_325, %mul3A_326 : i32
        %add3A_328 = vector.broadcast %mul3A_327 : i32 to vector<16xi32>
        %add3A_329 = arith.addi %iota3A, %add3A_328 : vector<16xi32>
        %swap3A_330 = arith.index_cast %min3A_321 : i32 to index
        %swap3A_331 = tpu.vector_load %arg8[%swap3A_330] masked %le3A_209 {strides = array<i32>} : memref<4112xf32, #tpu.memory_space<vmem>>, vector<16xf32>, vector<16xi1>
        tpu.vector_store %arg8[%swap3A_330], %get3A_207 masked %le3A_209 {strides = array<i32>} : memref<4112xf32, #tpu.memory_space<vmem>>, vector<16xf32>, vector<16xi1>
        %swap3A_332 = arith.index_cast %min3A_321 : i32 to index
        %swap3A_333 = tpu.vector_load %arg9[%swap3A_332] masked %le3A_209 {strides = array<i32>} : memref<4112xi32, #tpu.memory_space<vmem>>, vector<16xi32>, vector<16xi1>
        tpu.vector_store %arg9[%swap3A_332], %add3A_329 masked %le3A_209 {strides = array<i32>} : memref<4112xi32, #tpu.memory_space<vmem>>, vector<16xi32>, vector<16xi1>
        %add3A_334 = arith.addi %min3A_321, %reduce_max3A_218 : i32
        %min3A_335 = arith.constant 4096 : i32
        %min3A_336 = arith.minsi %add3A_334, %min3A_335 : i32
        scf.yield %min3A_336 : i32
      }
      %scan3A_66 = arith.constant 784 : i32
      "tpu.region"() ({
        %run_scoped3A = tpu.sem_alloc : memref<!tpu.dma_semaphore, #tpu.memory_space<semaphore_mem>>
        %dma_start3A = arith.constant 0 : i32
        %dma_start3A_67 = tpu.memref_slice %arg8[%dma_start3A] : memref<4112xf32, #tpu.memory_space<vmem>> -> memref<4096xf32, #tpu.memory_space<vmem>>
        %dma_start3A_68 = arith.constant 0 : i32
        %dma_start3A_69 = tpu.memref_slice %arg4[%add3A_12, %dma_start3A_68] : memref<256x4096xf32, #tpu.memory_space<hbm>> -> memref<1x4096xf32, #tpu.memory_space<hbm>>
        %dma_start3A_70 = tpu.memref_squeeze %dma_start3A_69 : memref<1x4096xf32, #tpu.memory_space<hbm>> -> memref<4096xf32, #tpu.memory_space<hbm>>
        %dma_start3A_71 = arith.constant 0 : i32
        %dma_start3A_72 = tpu.memref_slice %arg4[%add3A_12, %dma_start3A_71] : memref<256x4096xf32, #tpu.memory_space<hbm>> -> memref<1x4096xf32, #tpu.memory_space<hbm>>
        %dma_start3A_73 = tpu.memref_squeeze %dma_start3A_72 : memref<1x4096xf32, #tpu.memory_space<hbm>> -> memref<4096xf32, #tpu.memory_space<hbm>>
        %dma_start3A_74 = arith.constant 0 : i32
        %dma_start3A_75 = tpu.memref_slice %arg8[%dma_start3A_74] : memref<4112xf32, #tpu.memory_space<vmem>> -> memref<4096xf32, #tpu.memory_space<vmem>>
        tpu.enqueue_dma source(%dma_start3A_75 : memref<4096xf32, #tpu.memory_space<vmem>>) target(%dma_start3A_73 : memref<4096xf32, #tpu.memory_space<hbm>>) target_semaphore(%run_scoped3A : memref<!tpu.dma_semaphore, #tpu.memory_space<semaphore_mem>>)
        %dma_wait3A = arith.constant 0 : i32
        %dma_wait3A_76 = tpu.memref_slice %arg8[%dma_wait3A] : memref<4112xf32, #tpu.memory_space<vmem>> -> memref<4096xf32, #tpu.memory_space<vmem>>
        %dma_wait3A_77 = arith.constant 0 : i32
        %dma_wait3A_78 = tpu.memref_slice %arg4[%add3A_12, %dma_wait3A_77] : memref<256x4096xf32, #tpu.memory_space<hbm>> -> memref<1x4096xf32, #tpu.memory_space<hbm>>
        %dma_wait3A_79 = tpu.memref_squeeze %dma_wait3A_78 : memref<1x4096xf32, #tpu.memory_space<hbm>> -> memref<4096xf32, #tpu.memory_space<hbm>>
        %dma_wait3A_80 = arith.constant 0 : i32
        %dma_wait3A_81 = tpu.memref_slice %arg4[%add3A_12, %dma_wait3A_80] : memref<256x4096xf32, #tpu.memory_space<hbm>> -> memref<1x4096xf32, #tpu.memory_space<hbm>>
        %dma_wait3A_82 = tpu.memref_squeeze %dma_wait3A_81 : memref<1x4096xf32, #tpu.memory_space<hbm>> -> memref<4096xf32, #tpu.memory_space<hbm>>
        %dma_wait3A_83 = arith.constant 0 : i32
        %dma_wait3A_84 = tpu.memref_slice %arg8[%dma_wait3A_83] : memref<4112xf32, #tpu.memory_space<vmem>> -> memref<4096xf32, #tpu.memory_space<vmem>>
        tpu.wait_dma2 semaphore(%run_scoped3A : memref<!tpu.dma_semaphore, #tpu.memory_space<semaphore_mem>>) src(%dma_wait3A_84 : memref<4096xf32, #tpu.memory_space<vmem>>) dst(%dma_wait3A_82 : memref<4096xf32, #tpu.memory_space<hbm>>)
        tpu.yield
      }) : () -> ()
      "tpu.region"() ({
        %run_scoped3A = tpu.sem_alloc : memref<!tpu.dma_semaphore, #tpu.memory_space<semaphore_mem>>
        %dma_start3A = arith.constant 0 : i32
        %dma_start3A_67 = tpu.memref_slice %arg9[%dma_start3A] : memref<4112xi32, #tpu.memory_space<vmem>> -> memref<4096xi32, #tpu.memory_space<vmem>>
        %dma_start3A_68 = arith.constant 0 : i32
        %dma_start3A_69 = tpu.memref_slice %arg5[%add3A_12, %dma_start3A_68] : memref<256x4096xi32, #tpu.memory_space<hbm>> -> memref<1x4096xi32, #tpu.memory_space<hbm>>
        %dma_start3A_70 = tpu.memref_squeeze %dma_start3A_69 : memref<1x4096xi32, #tpu.memory_space<hbm>> -> memref<4096xi32, #tpu.memory_space<hbm>>
        %dma_start3A_71 = arith.constant 0 : i32
        %dma_start3A_72 = tpu.memref_slice %arg5[%add3A_12, %dma_start3A_71] : memref<256x4096xi32, #tpu.memory_space<hbm>> -> memref<1x4096xi32, #tpu.memory_space<hbm>>
        %dma_start3A_73 = tpu.memref_squeeze %dma_start3A_72 : memref<1x4096xi32, #tpu.memory_space<hbm>> -> memref<4096xi32, #tpu.memory_space<hbm>>
        %dma_start3A_74 = arith.constant 0 : i32
        %dma_start3A_75 = tpu.memref_slice %arg9[%dma_start3A_74] : memref<4112xi32, #tpu.memory_space<vmem>> -> memref<4096xi32, #tpu.memory_space<vmem>>
        tpu.enqueue_dma source(%dma_start3A_75 : memref<4096xi32, #tpu.memory_space<vmem>>) target(%dma_start3A_73 : memref<4096xi32, #tpu.memory_space<hbm>>) target_semaphore(%run_scoped3A : memref<!tpu.dma_semaphore, #tpu.memory_space<semaphore_mem>>)
        %dma_wait3A = arith.constant 0 : i32
        %dma_wait3A_76 = tpu.memref_slice %arg9[%dma_wait3A] : memref<4112xi32, #tpu.memory_space<vmem>> -> memref<4096xi32, #tpu.memory_space<vmem>>
        %dma_wait3A_77 = arith.constant 0 : i32
        %dma_wait3A_78 = tpu.memref_slice %arg5[%add3A_12, %dma_wait3A_77] : memref<256x4096xi32, #tpu.memory_space<hbm>> -> memref<1x4096xi32, #tpu.memory_space<hbm>>
        %dma_wait3A_79 = tpu.memref_squeeze %dma_wait3A_78 : memref<1x4096xi32, #tpu.memory_space<hbm>> -> memref<4096xi32, #tpu.memory_space<hbm>>
        %dma_wait3A_80 = arith.constant 0 : i32
        %dma_wait3A_81 = tpu.memref_slice %arg5[%add3A_12, %dma_wait3A_80] : memref<256x4096xi32, #tpu.memory_space<hbm>> -> memref<1x4096xi32, #tpu.memory_space<hbm>>
        %dma_wait3A_82 = tpu.memref_squeeze %dma_wait3A_81 : memref<1x4096xi32, #tpu.memory_space<hbm>> -> memref<4096xi32, #tpu.memory_space<hbm>>
        %dma_wait3A_83 = arith.constant 0 : i32
        %dma_wait3A_84 = tpu.memref_slice %arg9[%dma_wait3A_83] : memref<4112xi32, #tpu.memory_space<vmem>> -> memref<4096xi32, #tpu.memory_space<vmem>>
        tpu.wait_dma2 semaphore(%run_scoped3A : memref<!tpu.dma_semaphore, #tpu.memory_space<semaphore_mem>>) src(%dma_wait3A_84 : memref<4096xi32, #tpu.memory_space<vmem>>) dst(%dma_wait3A_82 : memref<4096xi32, #tpu.memory_space<hbm>>)
        tpu.yield
      }) : () -> ()
    }
    %scan3A_10 = arith.constant 8 : i32
    return
  }
}

module attributes {stable_mosaic.version = 14 : i64} {
  func.func @_score_body(%arg0: i32, %arg1: i32, %arg2: memref<256x128xf32, #tpu.memory_space<vmem>>, %arg3: memref<128x128xf32, #tpu.memory_space<vmem>>, %arg4: memref<256x1xf32, #tpu.memory_space<vmem>>, %arg5: memref<1x1x128xf32, #tpu.memory_space<vmem>>, %arg6: memref<256x128xf32, #tpu.memory_space<vmem>>, %arg7: memref<256x1xf32, #tpu.memory_space<vmem>>, %arg8: memref<256x128xf32, #tpu.memory_space<vmem>>) attributes {dimension_semantics = [#tpu.dimension_semantics<arbitrary>, #tpu.dimension_semantics<arbitrary>], iteration_bounds = array<i64: 1, 784>, scalar_prefetch = 0 : i64, scratch_operands = 1 : i64, tpu.core_type = #tpu.core_type<tc>, window_params = [{transform_indices = @transform_0, window_bounds = array<i64: 256, 128>}, {transform_indices = @transform_1, window_bounds = array<i64: 128, 128>}, {transform_indices = @transform_2, window_bounds = array<i64: 256, 1>}, {transform_indices = @transform_3, window_bounds = array<i64: 1, 1, 128>}, {transform_indices = @transform_4, window_bounds = array<i64: 256, 128>}, {transform_indices = @transform_5, window_bounds = array<i64: 256, 1>}]} {
    %eq3A = arith.constant 0 : i32
    %eq3A_0 = arith.cmpi eq, %arg1, %eq3A : i32
    %convert_element_type3A = arith.extui %eq3A_0 : i1 to i32
    %cond3A = arith.constant 0 : i32
    %cond3A_1 = arith.cmpi ne, %convert_element_type3A, %cond3A : i32
    scf.if %cond3A_1 {
      %broadcast_in_dim3A_51 = arith.constant 0x7F800000 : f32
      %broadcast_in_dim3A_52 = vector.broadcast %broadcast_in_dim3A_51 : f32 to vector<256x128xf32>
      %swap3A_53 = arith.constant 0 : index
      %swap3A_54 = arith.constant 0 : index
      %swap3A_55 = vector.load %arg8[%swap3A_53, %swap3A_54] : memref<256x128xf32, #tpu.memory_space<vmem>>, vector<256x128xf32>
      tpu.vector_store %arg8[%swap3A_53, %swap3A_54], %broadcast_in_dim3A_52 {strides = array<i32>} : memref<256x128xf32, #tpu.memory_space<vmem>>, vector<256x128xf32>,
    } else {
    }
    %get3A = arith.constant 0 : index
    %get3A_2 = arith.constant 0 : index
    %get3A_3 = vector.load %arg2[%get3A, %get3A_2] : memref<256x128xf32, #tpu.memory_space<vmem>>, vector<256x128xf32>
    %get3A_4 = arith.constant 0 : index
    %get3A_5 = arith.constant 0 : index
    %get3A_6 = vector.load %arg3[%get3A_4, %get3A_5] : memref<128x128xf32, #tpu.memory_space<vmem>>, vector<128x128xf32>
    %get3A_7 = arith.constant 0 : index
    %get3A_8 = arith.constant 0 : index
    %get3A_9 = arith.constant 0 : index
    %get3A_10 = vector.load %arg5[%get3A_7, %get3A_8, %get3A_9] : memref<1x1x128xf32, #tpu.memory_space<vmem>>, vector<1x1x128xf32>
    %get3A_11 = vector.shape_cast %get3A_10 : vector<1x1x128xf32> to vector<1x128xf32>
    %get3A_12 = arith.constant 0 : index
    %get3A_13 = arith.constant 0 : index
    %get3A_14 = vector.load %arg4[%get3A_12, %get3A_13] : memref<256x1xf32, #tpu.memory_space<vmem>>, vector<256x1xf32>
    %dot_general3A = arith.constant dense<0.000000e+00> : vector<256x128xf32>
    %dot_general3A_15 = tpu.matmul %get3A_3, %get3A_6, %dot_general3A {dimension_numbers = #tpu.dot_dimension_numbers<[1], [1], [0], [0], [0, 0, 1, 0], [], []>, transpose_lhs_hint = false} : vector<256x128xf32>, vector<128x128xf32>, vector<256x128xf32> -> vector<256x128xf32>
    %mul3A = arith.constant 2.000000e+00 : f32
    %mul3A_16 = vector.broadcast %mul3A : f32 to vector<256x128xf32>
    %mul3A_17 = arith.mulf %mul3A_16, %dot_general3A_15 : vector<256x128xf32>
    %sub3A = vector.broadcast %get3A_14 : vector<256x1xf32> to vector<256x128xf32>
    %sub3A_18 = arith.subf %sub3A, %mul3A_17 : vector<256x128xf32>
    %add3A = vector.broadcast %get3A_11 : vector<1x128xf32> to vector<256x128xf32>
    %add3A_19 = arith.addf %sub3A_18, %add3A : vector<256x128xf32>
    %iota3A = tpu.iota {dimensions = array<i32: 1>} : vector<256x128xi32>
    %mul3A_20 = arith.constant 128 : i32
    %mul3A_21 = arith.muli %arg1, %mul3A_20 : i32
    %add3A_22 = vector.broadcast %mul3A_21 : i32 to vector<256x128xi32>
    %add3A_23 = arith.addi %iota3A, %add3A_22 : vector<256x128xi32>
    %lt3A = arith.constant 100000 : i32
    %lt3A_24 = vector.broadcast %lt3A : i32 to vector<256x128xi32>
    %lt3A_25 = arith.cmpi slt, %add3A_23, %lt3A_24 : vector<256x128xi32>
    %jit3A = arith.constant 0x7F800000 : f32
    %broadcast_in_dim3A = vector.broadcast %jit3A : f32 to vector<256x128xf32>
    %select_n3A = arith.select %lt3A_25, %add3A_19, %broadcast_in_dim3A : vector<256x128xi1>, vector<256x128xf32>
    %swap3A = arith.constant 0 : index
    %swap3A_26 = arith.constant 0 : index
    %swap3A_27 = vector.load %arg6[%swap3A, %swap3A_26] : memref<256x128xf32, #tpu.memory_space<vmem>>, vector<256x128xf32>
    tpu.vector_store %arg6[%swap3A, %swap3A_26], %select_n3A {strides = array<i32>} : memref<256x128xf32, #tpu.memory_space<vmem>>, vector<256x128xf32>,
    %jit3A_28 = arith.constant 16 : i32
    %eq3A_29 = arith.constant 0 : i32
    %eq3A_30 = arith.cmpi eq, %jit3A_28, %eq3A_29 : i32
    %jit3A_31 = arith.constant 1 : i32
    %select_n3A_32 = arith.select %eq3A_30, %jit3A_31, %jit3A_28 : i32
    %rem3A = arith.remsi %arg1, %select_n3A_32 : i32
    %ne3A = arith.constant 0 : i32
    %ne3A_33 = arith.cmpi ne, %rem3A, %ne3A : i32
    %lt3A_34 = arith.constant 0 : i32
    %lt3A_35 = arith.cmpi slt, %rem3A, %lt3A_34 : i32
    %lt3A_36 = arith.constant 0 : i32
    %lt3A_37 = arith.cmpi slt, %select_n3A_32, %lt3A_36 : i32
    %ne3A_38 = arith.xori %lt3A_35, %lt3A_37 : i1
    %and3A = arith.andi %ne3A_38, %ne3A_33 : i1
    %add3A_39 = arith.addi %rem3A, %select_n3A_32 : i32
    %select_n3A_40 = arith.select %and3A, %add3A_39, %rem3A : i32
    %eq3A_41 = arith.constant 0 : i32
    %eq3A_42 = arith.cmpi eq, %select_n3A_40, %eq3A_41 : i32
    %convert_element_type3A_43 = arith.extui %eq3A_42 : i1 to i32
    %cond3A_44 = arith.constant 0 : i32
    %cond3A_45 = arith.cmpi ne, %convert_element_type3A_43, %cond3A_44 : i32
    scf.if %cond3A_45 {
      %and3A_51 = arith.constant 2 : i32
      %and3A_52 = vector.broadcast %and3A_51 : i32 to vector<256x128xi32>
      %and3A_53 = arith.andi %iota3A, %and3A_52 : vector<256x128xi32>
      %eq3A_54 = arith.constant 0 : i32
      %eq3A_55 = vector.broadcast %eq3A_54 : i32 to vector<256x128xi32>
      %eq3A_56 = arith.cmpi eq, %and3A_53, %eq3A_55 : vector<256x128xi32>
      %not3A = arith.constant dense<true> : vector<256x128xi1>
      %not3A_57 = arith.xori %eq3A_56, %not3A : vector<256x128xi1>
      %slice3A = vector.extract_strided_slice %select_n3A {offsets = [0, 1], sizes = [256, 127], strides = [1, 1]} : vector<256x128xf32> to vector<256x127xf32>
      %slice3A_58 = vector.extract_strided_slice %select_n3A {offsets = [0, 0], sizes = [256, 1], strides = [1, 1]} : vector<256x128xf32> to vector<256x1xf32>
      %concatenate3A = tpu.concatenate %slice3A, %slice3A_58 in 1 : vector<256x127xf32>, vector<256x1xf32> -> vector<256x128xf32>
      %slice3A_59 = vector.extract_strided_slice %select_n3A {offsets = [0, 127], sizes = [256, 1], strides = [1, 1]} : vector<256x128xf32> to vector<256x1xf32>
      %slice3A_60 = vector.extract_strided_slice %select_n3A {offsets = [0, 0], sizes = [256, 127], strides = [1, 1]} : vector<256x128xf32> to vector<256x127xf32>
      %concatenate3A_61 = tpu.concatenate %slice3A_59, %slice3A_60 in 1 : vector<256x1xf32>, vector<256x127xf32> -> vector<256x128xf32>
      %and3A_62 = arith.constant 1 : i32
      %and3A_63 = vector.broadcast %and3A_62 : i32 to vector<256x128xi32>
      %and3A_64 = arith.andi %iota3A, %and3A_63 : vector<256x128xi32>
      %eq3A_65 = arith.constant 0 : i32
      %eq3A_66 = vector.broadcast %eq3A_65 : i32 to vector<256x128xi32>
      %eq3A_67 = arith.cmpi eq, %and3A_64, %eq3A_66 : vector<256x128xi32>
      %select_n3A_68 = arith.select %eq3A_67, %concatenate3A, %concatenate3A_61 : vector<256x128xi1>, vector<256x128xf32>
      %eq3A_69 = arith.xori %eq3A_67, %not3A_57 : vector<256x128xi1>
      %eq3A_70 = arith.constant dense<true> : vector<256x128xi1>
      %eq3A_71 = arith.xori %eq3A_69, %eq3A_70 : vector<256x128xi1>
      %lt3A_72 = arith.cmpf olt, %select_n3A, %select_n3A_68 : vector<256x128xf32>
      %eq3A_73 = arith.xori %eq3A_71, %lt3A_72 : vector<256x128xi1>
      %eq3A_74 = arith.constant dense<true> : vector<256x128xi1>
      %eq3A_75 = arith.xori %eq3A_73, %eq3A_74 : vector<256x128xi1>
      %select_n3A_76 = arith.select %eq3A_75, %select_n3A, %select_n3A_68 : vector<256x128xi1>, vector<256x128xf32>
      %and3A_77 = arith.constant 4 : i32
      %and3A_78 = vector.broadcast %and3A_77 : i32 to vector<256x128xi32>
      %and3A_79 = arith.andi %iota3A, %and3A_78 : vector<256x128xi32>
      %eq3A_80 = arith.constant 0 : i32
      %eq3A_81 = vector.broadcast %eq3A_80 : i32 to vector<256x128xi32>
      %eq3A_82 = arith.cmpi eq, %and3A_79, %eq3A_81 : vector<256x128xi32>
      %not3A_83 = arith.constant dense<true> : vector<256x128xi1>
      %not3A_84 = arith.xori %eq3A_82, %not3A_83 : vector<256x128xi1>
      %slice3A_85 = vector.extract_strided_slice %select_n3A_76 {offsets = [0, 2], sizes = [256, 126], strides = [1, 1]} : vector<256x128xf32> to vector<256x126xf32>
      %slice3A_86 = vector.extract_strided_slice %select_n3A_76 {offsets = [0, 0], sizes = [256, 2], strides = [1, 1]} : vector<256x128xf32> to vector<256x2xf32>
      %concatenate3A_87 = tpu.concatenate %slice3A_85, %slice3A_86 in 1 : vector<256x126xf32>, vector<256x2xf32> -> vector<256x128xf32>
      %slice3A_88 = vector.extract_strided_slice %select_n3A_76 {offsets = [0, 126], sizes = [256, 2], strides = [1, 1]} : vector<256x128xf32> to vector<256x2xf32>
      %slice3A_89 = vector.extract_strided_slice %select_n3A_76 {offsets = [0, 0], sizes = [256, 126], strides = [1, 1]} : vector<256x128xf32> to vector<256x126xf32>
      %concatenate3A_90 = tpu.concatenate %slice3A_88, %slice3A_89 in 1 : vector<256x2xf32>, vector<256x126xf32> -> vector<256x128xf32>
      %and3A_91 = arith.constant 2 : i32
      %and3A_92 = vector.broadcast %and3A_91 : i32 to vector<256x128xi32>
      %and3A_93 = arith.andi %iota3A, %and3A_92 : vector<256x128xi32>
      %eq3A_94 = arith.constant 0 : i32
      %eq3A_95 = vector.broadcast %eq3A_94 : i32 to vector<256x128xi32>
      %eq3A_96 = arith.cmpi eq, %and3A_93, %eq3A_95 : vector<256x128xi32>
      %select_n3A_97 = arith.select %eq3A_96, %concatenate3A_87, %concatenate3A_90 : vector<256x128xi1>, vector<256x128xf32>
      %eq3A_98 = arith.xori %eq3A_96, %not3A_84 : vector<256x128xi1>
      %eq3A_99 = arith.constant dense<true> : vector<256x128xi1>
      %eq3A_100 = arith.xori %eq3A_98, %eq3A_99 : vector<256x128xi1>
      %lt3A_101 = arith.cmpf olt, %select_n3A_76, %select_n3A_97 : vector<256x128xf32>
      %eq3A_102 = arith.xori %eq3A_100, %lt3A_101 : vector<256x128xi1>
      %eq3A_103 = arith.constant dense<true> : vector<256x128xi1>
      %eq3A_104 = arith.xori %eq3A_102, %eq3A_103 : vector<256x128xi1>
      %select_n3A_105 = arith.select %eq3A_104, %select_n3A_76, %select_n3A_97 : vector<256x128xi1>, vector<256x128xf32>
      %slice3A_106 = vector.extract_strided_slice %select_n3A_105 {offsets = [0, 1], sizes = [256, 127], strides = [1, 1]} : vector<256x128xf32> to vector<256x127xf32>
      %slice3A_107 = vector.extract_strided_slice %select_n3A_105 {offsets = [0, 0], sizes = [256, 1], strides = [1, 1]} : vector<256x128xf32> to vector<256x1xf32>
      %concatenate3A_108 = tpu.concatenate %slice3A_106, %slice3A_107 in 1 : vector<256x127xf32>, vector<256x1xf32> -> vector<256x128xf32>
      %slice3A_109 = vector.extract_strided_slice %select_n3A_105 {offsets = [0, 127], sizes = [256, 1], strides = [1, 1]} : vector<256x128xf32> to vector<256x1xf32>
      %slice3A_110 = vector.extract_strided_slice %select_n3A_105 {offsets = [0, 0], sizes = [256, 127], strides = [1, 1]} : vector<256x128xf32> to vector<256x127xf32>
      %concatenate3A_111 = tpu.concatenate %slice3A_109, %slice3A_110 in 1 : vector<256x1xf32>, vector<256x127xf32> -> vector<256x128xf32>
      %and3A_112 = arith.constant 1 : i32
      %and3A_113 = vector.broadcast %and3A_112 : i32 to vector<256x128xi32>
      %and3A_114 = arith.andi %iota3A, %and3A_113 : vector<256x128xi32>
      %eq3A_115 = arith.constant 0 : i32
      %eq3A_116 = vector.broadcast %eq3A_115 : i32 to vector<256x128xi32>
      %eq3A_117 = arith.cmpi eq, %and3A_114, %eq3A_116 : vector<256x128xi32>
      %select_n3A_118 = arith.select %eq3A_117, %concatenate3A_108, %concatenate3A_111 : vector<256x128xi1>, vector<256x128xf32>
      %eq3A_119 = arith.xori %eq3A_117, %not3A_84 : vector<256x128xi1>
      %eq3A_120 = arith.constant dense<true> : vector<256x128xi1>
      %eq3A_121 = arith.xori %eq3A_119, %eq3A_120 : vector<256x128xi1>
      %lt3A_122 = arith.cmpf olt, %select_n3A_105, %select_n3A_118 : vector<256x128xf32>
      %eq3A_123 = arith.xori %eq3A_121, %lt3A_122 : vector<256x128xi1>
      %eq3A_124 = arith.constant dense<true> : vector<256x128xi1>
      %eq3A_125 = arith.xori %eq3A_123, %eq3A_124 : vector<256x128xi1>
      %select_n3A_126 = arith.select %eq3A_125, %select_n3A_105, %select_n3A_118 : vector<256x128xi1>, vector<256x128xf32>
      %and3A_127 = arith.constant 8 : i32
      %and3A_128 = vector.broadcast %and3A_127 : i32 to vector<256x128xi32>
      %and3A_129 = arith.andi %iota3A, %and3A_128 : vector<256x128xi32>
      %eq3A_130 = arith.constant 0 : i32
      %eq3A_131 = vector.broadcast %eq3A_130 : i32 to vector<256x128xi32>
      %eq3A_132 = arith.cmpi eq, %and3A_129, %eq3A_131 : vector<256x128xi32>
      %not3A_133 = arith.constant dense<true> : vector<256x128xi1>
      %not3A_134 = arith.xori %eq3A_132, %not3A_133 : vector<256x128xi1>
      %slice3A_135 = vector.extract_strided_slice %select_n3A_126 {offsets = [0, 4], sizes = [256, 124], strides = [1, 1]} : vector<256x128xf32> to vector<256x124xf32>
      %slice3A_136 = vector.extract_strided_slice %select_n3A_126 {offsets = [0, 0], sizes = [256, 4], strides = [1, 1]} : vector<256x128xf32> to vector<256x4xf32>
      %concatenate3A_137 = tpu.concatenate %slice3A_135, %slice3A_136 in 1 : vector<256x124xf32>, vector<256x4xf32> -> vector<256x128xf32>
      %slice3A_138 = vector.extract_strided_slice %select_n3A_126 {offsets = [0, 124], sizes = [256, 4], strides = [1, 1]} : vector<256x128xf32> to vector<256x4xf32>
      %slice3A_139 = vector.extract_strided_slice %select_n3A_126 {offsets = [0, 0], sizes = [256, 124], strides = [1, 1]} : vector<256x128xf32> to vector<256x124xf32>
      %concatenate3A_140 = tpu.concatenate %slice3A_138, %slice3A_139 in 1 : vector<256x4xf32>, vector<256x124xf32> -> vector<256x128xf32>
      %and3A_141 = arith.constant 4 : i32
      %and3A_142 = vector.broadcast %and3A_141 : i32 to vector<256x128xi32>
      %and3A_143 = arith.andi %iota3A, %and3A_142 : vector<256x128xi32>
      %eq3A_144 = arith.constant 0 : i32
      %eq3A_145 = vector.broadcast %eq3A_144 : i32 to vector<256x128xi32>
      %eq3A_146 = arith.cmpi eq, %and3A_143, %eq3A_145 : vector<256x128xi32>
      %select_n3A_147 = arith.select %eq3A_146, %concatenate3A_137, %concatenate3A_140 : vector<256x128xi1>, vector<256x128xf32>
      %eq3A_148 = arith.xori %eq3A_146, %not3A_134 : vector<256x128xi1>
      %eq3A_149 = arith.constant dense<true> : vector<256x128xi1>
      %eq3A_150 = arith.xori %eq3A_148, %eq3A_149 : vector<256x128xi1>
      %lt3A_151 = arith.cmpf olt, %select_n3A_126, %select_n3A_147 : vector<256x128xf32>
      %eq3A_152 = arith.xori %eq3A_150, %lt3A_151 : vector<256x128xi1>
      %eq3A_153 = arith.constant dense<true> : vector<256x128xi1>
      %eq3A_154 = arith.xori %eq3A_152, %eq3A_153 : vector<256x128xi1>
      %select_n3A_155 = arith.select %eq3A_154, %select_n3A_126, %select_n3A_147 : vector<256x128xi1>, vector<256x128xf32>
      %slice3A_156 = vector.extract_strided_slice %select_n3A_155 {offsets = [0, 2], sizes = [256, 126], strides = [1, 1]} : vector<256x128xf32> to vector<256x126xf32>
      %slice3A_157 = vector.extract_strided_slice %select_n3A_155 {offsets = [0, 0], sizes = [256, 2], strides = [1, 1]} : vector<256x128xf32> to vector<256x2xf32>
      %concatenate3A_158 = tpu.concatenate %slice3A_156, %slice3A_157 in 1 : vector<256x126xf32>, vector<256x2xf32> -> vector<256x128xf32>
      %slice3A_159 = vector.extract_strided_slice %select_n3A_155 {offsets = [0, 126], sizes = [256, 2], strides = [1, 1]} : vector<256x128xf32> to vector<256x2xf32>
      %slice3A_160 = vector.extract_strided_slice %select_n3A_155 {offsets = [0, 0], sizes = [256, 126], strides = [1, 1]} : vector<256x128xf32> to vector<256x126xf32>
      %concatenate3A_161 = tpu.concatenate %slice3A_159, %slice3A_160 in 1 : vector<256x2xf32>, vector<256x126xf32> -> vector<256x128xf32>
      %and3A_162 = arith.constant 2 : i32
      %and3A_163 = vector.broadcast %and3A_162 : i32 to vector<256x128xi32>
      %and3A_164 = arith.andi %iota3A, %and3A_163 : vector<256x128xi32>
      %eq3A_165 = arith.constant 0 : i32
      %eq3A_166 = vector.broadcast %eq3A_165 : i32 to vector<256x128xi32>
      %eq3A_167 = arith.cmpi eq, %and3A_164, %eq3A_166 : vector<256x128xi32>
      %select_n3A_168 = arith.select %eq3A_167, %concatenate3A_158, %concatenate3A_161 : vector<256x128xi1>, vector<256x128xf32>
      %eq3A_169 = arith.xori %eq3A_167, %not3A_134 : vector<256x128xi1>
      %eq3A_170 = arith.constant dense<true> : vector<256x128xi1>
      %eq3A_171 = arith.xori %eq3A_169, %eq3A_170 : vector<256x128xi1>
      %lt3A_172 = arith.cmpf olt, %select_n3A_155, %select_n3A_168 : vector<256x128xf32>
      %eq3A_173 = arith.xori %eq3A_171, %lt3A_172 : vector<256x128xi1>
      %eq3A_174 = arith.constant dense<true> : vector<256x128xi1>
      %eq3A_175 = arith.xori %eq3A_173, %eq3A_174 : vector<256x128xi1>
      %select_n3A_176 = arith.select %eq3A_175, %select_n3A_155, %select_n3A_168 : vector<256x128xi1>, vector<256x128xf32>
      %slice3A_177 = vector.extract_strided_slice %select_n3A_176 {offsets = [0, 1], sizes = [256, 127], strides = [1, 1]} : vector<256x128xf32> to vector<256x127xf32>
      %slice3A_178 = vector.extract_strided_slice %select_n3A_176 {offsets = [0, 0], sizes = [256, 1], strides = [1, 1]} : vector<256x128xf32> to vector<256x1xf32>
      %concatenate3A_179 = tpu.concatenate %slice3A_177, %slice3A_178 in 1 : vector<256x127xf32>, vector<256x1xf32> -> vector<256x128xf32>
      %slice3A_180 = vector.extract_strided_slice %select_n3A_176 {offsets = [0, 127], sizes = [256, 1], strides = [1, 1]} : vector<256x128xf32> to vector<256x1xf32>
      %slice3A_181 = vector.extract_strided_slice %select_n3A_176 {offsets = [0, 0], sizes = [256, 127], strides = [1, 1]} : vector<256x128xf32> to vector<256x127xf32>
      %concatenate3A_182 = tpu.concatenate %slice3A_180, %slice3A_181 in 1 : vector<256x1xf32>, vector<256x127xf32> -> vector<256x128xf32>
      %and3A_183 = arith.constant 1 : i32
      %and3A_184 = vector.broadcast %and3A_183 : i32 to vector<256x128xi32>
      %and3A_185 = arith.andi %iota3A, %and3A_184 : vector<256x128xi32>
      %eq3A_186 = arith.constant 0 : i32
      %eq3A_187 = vector.broadcast %eq3A_186 : i32 to vector<256x128xi32>
      %eq3A_188 = arith.cmpi eq, %and3A_185, %eq3A_187 : vector<256x128xi32>
      %select_n3A_189 = arith.select %eq3A_188, %concatenate3A_179, %concatenate3A_182 : vector<256x128xi1>, vector<256x128xf32>
      %eq3A_190 = arith.xori %eq3A_188, %not3A_134 : vector<256x128xi1>
      %eq3A_191 = arith.constant dense<true> : vector<256x128xi1>
      %eq3A_192 = arith.xori %eq3A_190, %eq3A_191 : vector<256x128xi1>
      %lt3A_193 = arith.cmpf olt, %select_n3A_176, %select_n3A_189 : vector<256x128xf32>
      %eq3A_194 = arith.xori %eq3A_192, %lt3A_193 : vector<256x128xi1>
      %eq3A_195 = arith.constant dense<true> : vector<256x128xi1>
      %eq3A_196 = arith.xori %eq3A_194, %eq3A_195 : vector<256x128xi1>
      %select_n3A_197 = arith.select %eq3A_196, %select_n3A_176, %select_n3A_189 : vector<256x128xi1>, vector<256x128xf32>
      %and3A_198 = arith.constant 16 : i32
      %and3A_199 = vector.broadcast %and3A_198 : i32 to vector<256x128xi32>
      %and3A_200 = arith.andi %iota3A, %and3A_199 : vector<256x128xi32>
      %eq3A_201 = arith.constant 0 : i32
      %eq3A_202 = vector.broadcast %eq3A_201 : i32 to vector<256x128xi32>
      %eq3A_203 = arith.cmpi eq, %and3A_200, %eq3A_202 : vector<256x128xi32>
      %not3A_204 = arith.constant dense<true> : vector<256x128xi1>
      %not3A_205 = arith.xori %eq3A_203, %not3A_204 : vector<256x128xi1>
      %slice3A_206 = vector.extract_strided_slice %select_n3A_197 {offsets = [0, 8], sizes = [256, 120], strides = [1, 1]} : vector<256x128xf32> to vector<256x120xf32>
      %slice3A_207 = vector.extract_strided_slice %select_n3A_197 {offsets = [0, 0], sizes = [256, 8], strides = [1, 1]} : vector<256x128xf32> to vector<256x8xf32>
      %concatenate3A_208 = tpu.concatenate %slice3A_206, %slice3A_207 in 1 : vector<256x120xf32>, vector<256x8xf32> -> vector<256x128xf32>
      %slice3A_209 = vector.extract_strided_slice %select_n3A_197 {offsets = [0, 120], sizes = [256, 8], strides = [1, 1]} : vector<256x128xf32> to vector<256x8xf32>
      %slice3A_210 = vector.extract_strided_slice %select_n3A_197 {offsets = [0, 0], sizes = [256, 120], strides = [1, 1]} : vector<256x128xf32> to vector<256x120xf32>
      %concatenate3A_211 = tpu.concatenate %slice3A_209, %slice3A_210 in 1 : vector<256x8xf32>, vector<256x120xf32> -> vector<256x128xf32>
      %and3A_212 = arith.constant 8 : i32
      %and3A_213 = vector.broadcast %and3A_212 : i32 to vector<256x128xi32>
      %and3A_214 = arith.andi %iota3A, %and3A_213 : vector<256x128xi32>
      %eq3A_215 = arith.constant 0 : i32
      %eq3A_216 = vector.broadcast %eq3A_215 : i32 to vector<256x128xi32>
      %eq3A_217 = arith.cmpi eq, %and3A_214, %eq3A_216 : vector<256x128xi32>
      %select_n3A_218 = arith.select %eq3A_217, %concatenate3A_208, %concatenate3A_211 : vector<256x128xi1>, vector<256x128xf32>
      %eq3A_219 = arith.xori %eq3A_217, %not3A_205 : vector<256x128xi1>
      %eq3A_220 = arith.constant dense<true> : vector<256x128xi1>
      %eq3A_221 = arith.xori %eq3A_219, %eq3A_220 : vector<256x128xi1>
      %lt3A_222 = arith.cmpf olt, %select_n3A_197, %select_n3A_218 : vector<256x128xf32>
      %eq3A_223 = arith.xori %eq3A_221, %lt3A_222 : vector<256x128xi1>
      %eq3A_224 = arith.constant dense<true> : vector<256x128xi1>
      %eq3A_225 = arith.xori %eq3A_223, %eq3A_224 : vector<256x128xi1>
      %select_n3A_226 = arith.select %eq3A_225, %select_n3A_197, %select_n3A_218 : vector<256x128xi1>, vector<256x128xf32>
      %slice3A_227 = vector.extract_strided_slice %select_n3A_226 {offsets = [0, 4], sizes = [256, 124], strides = [1, 1]} : vector<256x128xf32> to vector<256x124xf32>
      %slice3A_228 = vector.extract_strided_slice %select_n3A_226 {offsets = [0, 0], sizes = [256, 4], strides = [1, 1]} : vector<256x128xf32> to vector<256x4xf32>
      %concatenate3A_229 = tpu.concatenate %slice3A_227, %slice3A_228 in 1 : vector<256x124xf32>, vector<256x4xf32> -> vector<256x128xf32>
      %slice3A_230 = vector.extract_strided_slice %select_n3A_226 {offsets = [0, 124], sizes = [256, 4], strides = [1, 1]} : vector<256x128xf32> to vector<256x4xf32>
      %slice3A_231 = vector.extract_strided_slice %select_n3A_226 {offsets = [0, 0], sizes = [256, 124], strides = [1, 1]} : vector<256x128xf32> to vector<256x124xf32>
      %concatenate3A_232 = tpu.concatenate %slice3A_230, %slice3A_231 in 1 : vector<256x4xf32>, vector<256x124xf32> -> vector<256x128xf32>
      %and3A_233 = arith.constant 4 : i32
      %and3A_234 = vector.broadcast %and3A_233 : i32 to vector<256x128xi32>
      %and3A_235 = arith.andi %iota3A, %and3A_234 : vector<256x128xi32>
      %eq3A_236 = arith.constant 0 : i32
      %eq3A_237 = vector.broadcast %eq3A_236 : i32 to vector<256x128xi32>
      %eq3A_238 = arith.cmpi eq, %and3A_235, %eq3A_237 : vector<256x128xi32>
      %select_n3A_239 = arith.select %eq3A_238, %concatenate3A_229, %concatenate3A_232 : vector<256x128xi1>, vector<256x128xf32>
      %eq3A_240 = arith.xori %eq3A_238, %not3A_205 : vector<256x128xi1>
      %eq3A_241 = arith.constant dense<true> : vector<256x128xi1>
      %eq3A_242 = arith.xori %eq3A_240, %eq3A_241 : vector<256x128xi1>
      %lt3A_243 = arith.cmpf olt, %select_n3A_226, %select_n3A_239 : vector<256x128xf32>
      %eq3A_244 = arith.xori %eq3A_242, %lt3A_243 : vector<256x128xi1>
      %eq3A_245 = arith.constant dense<true> : vector<256x128xi1>
      %eq3A_246 = arith.xori %eq3A_244, %eq3A_245 : vector<256x128xi1>
      %select_n3A_247 = arith.select %eq3A_246, %select_n3A_226, %select_n3A_239 : vector<256x128xi1>, vector<256x128xf32>
      %slice3A_248 = vector.extract_strided_slice %select_n3A_247 {offsets = [0, 2], sizes = [256, 126], strides = [1, 1]} : vector<256x128xf32> to vector<256x126xf32>
      %slice3A_249 = vector.extract_strided_slice %select_n3A_247 {offsets = [0, 0], sizes = [256, 2], strides = [1, 1]} : vector<256x128xf32> to vector<256x2xf32>
      %concatenate3A_250 = tpu.concatenate %slice3A_248, %slice3A_249 in 1 : vector<256x126xf32>, vector<256x2xf32> -> vector<256x128xf32>
      %slice3A_251 = vector.extract_strided_slice %select_n3A_247 {offsets = [0, 126], sizes = [256, 2], strides = [1, 1]} : vector<256x128xf32> to vector<256x2xf32>
      %slice3A_252 = vector.extract_strided_slice %select_n3A_247 {offsets = [0, 0], sizes = [256, 126], strides = [1, 1]} : vector<256x128xf32> to vector<256x126xf32>
      %concatenate3A_253 = tpu.concatenate %slice3A_251, %slice3A_252 in 1 : vector<256x2xf32>, vector<256x126xf32> -> vector<256x128xf32>
      %and3A_254 = arith.constant 2 : i32
      %and3A_255 = vector.broadcast %and3A_254 : i32 to vector<256x128xi32>
      %and3A_256 = arith.andi %iota3A, %and3A_255 : vector<256x128xi32>
      %eq3A_257 = arith.constant 0 : i32
      %eq3A_258 = vector.broadcast %eq3A_257 : i32 to vector<256x128xi32>
      %eq3A_259 = arith.cmpi eq, %and3A_256, %eq3A_258 : vector<256x128xi32>
      %select_n3A_260 = arith.select %eq3A_259, %concatenate3A_250, %concatenate3A_253 : vector<256x128xi1>, vector<256x128xf32>
      %eq3A_261 = arith.xori %eq3A_259, %not3A_205 : vector<256x128xi1>
      %eq3A_262 = arith.constant dense<true> : vector<256x128xi1>
      %eq3A_263 = arith.xori %eq3A_261, %eq3A_262 : vector<256x128xi1>
      %lt3A_264 = arith.cmpf olt, %select_n3A_247, %select_n3A_260 : vector<256x128xf32>
      %eq3A_265 = arith.xori %eq3A_263, %lt3A_264 : vector<256x128xi1>
      %eq3A_266 = arith.constant dense<true> : vector<256x128xi1>
      %eq3A_267 = arith.xori %eq3A_265, %eq3A_266 : vector<256x128xi1>
      %select_n3A_268 = arith.select %eq3A_267, %select_n3A_247, %select_n3A_260 : vector<256x128xi1>, vector<256x128xf32>
      %slice3A_269 = vector.extract_strided_slice %select_n3A_268 {offsets = [0, 1], sizes = [256, 127], strides = [1, 1]} : vector<256x128xf32> to vector<256x127xf32>
      %slice3A_270 = vector.extract_strided_slice %select_n3A_268 {offsets = [0, 0], sizes = [256, 1], strides = [1, 1]} : vector<256x128xf32> to vector<256x1xf32>
      %concatenate3A_271 = tpu.concatenate %slice3A_269, %slice3A_270 in 1 : vector<256x127xf32>, vector<256x1xf32> -> vector<256x128xf32>
      %slice3A_272 = vector.extract_strided_slice %select_n3A_268 {offsets = [0, 127], sizes = [256, 1], strides = [1, 1]} : vector<256x128xf32> to vector<256x1xf32>
      %slice3A_273 = vector.extract_strided_slice %select_n3A_268 {offsets = [0, 0], sizes = [256, 127], strides = [1, 1]} : vector<256x128xf32> to vector<256x127xf32>
      %concatenate3A_274 = tpu.concatenate %slice3A_272, %slice3A_273 in 1 : vector<256x1xf32>, vector<256x127xf32> -> vector<256x128xf32>
      %and3A_275 = arith.constant 1 : i32
      %and3A_276 = vector.broadcast %and3A_275 : i32 to vector<256x128xi32>
      %and3A_277 = arith.andi %iota3A, %and3A_276 : vector<256x128xi32>
      %eq3A_278 = arith.constant 0 : i32
      %eq3A_279 = vector.broadcast %eq3A_278 : i32 to vector<256x128xi32>
      %eq3A_280 = arith.cmpi eq, %and3A_277, %eq3A_279 : vector<256x128xi32>
      %select_n3A_281 = arith.select %eq3A_280, %concatenate3A_271, %concatenate3A_274 : vector<256x128xi1>, vector<256x128xf32>
      %eq3A_282 = arith.xori %eq3A_280, %not3A_205 : vector<256x128xi1>
      %eq3A_283 = arith.constant dense<true> : vector<256x128xi1>
      %eq3A_284 = arith.xori %eq3A_282, %eq3A_283 : vector<256x128xi1>
      %lt3A_285 = arith.cmpf olt, %select_n3A_268, %select_n3A_281 : vector<256x128xf32>
      %eq3A_286 = arith.xori %eq3A_284, %lt3A_285 : vector<256x128xi1>
      %eq3A_287 = arith.constant dense<true> : vector<256x128xi1>
      %eq3A_288 = arith.xori %eq3A_286, %eq3A_287 : vector<256x128xi1>
      %select_n3A_289 = arith.select %eq3A_288, %select_n3A_268, %select_n3A_281 : vector<256x128xi1>, vector<256x128xf32>
      %and3A_290 = arith.constant 32 : i32
      %and3A_291 = vector.broadcast %and3A_290 : i32 to vector<256x128xi32>
      %and3A_292 = arith.andi %iota3A, %and3A_291 : vector<256x128xi32>
      %eq3A_293 = arith.constant 0 : i32
      %eq3A_294 = vector.broadcast %eq3A_293 : i32 to vector<256x128xi32>
      %eq3A_295 = arith.cmpi eq, %and3A_292, %eq3A_294 : vector<256x128xi32>
      %not3A_296 = arith.constant dense<true> : vector<256x128xi1>
      %not3A_297 = arith.xori %eq3A_295, %not3A_296 : vector<256x128xi1>
      %slice3A_298 = vector.extract_strided_slice %select_n3A_289 {offsets = [0, 16], sizes = [256, 112], strides = [1, 1]} : vector<256x128xf32> to vector<256x112xf32>
      %slice3A_299 = vector.extract_strided_slice %select_n3A_289 {offsets = [0, 0], sizes = [256, 16], strides = [1, 1]} : vector<256x128xf32> to vector<256x16xf32>
      %concatenate3A_300 = tpu.concatenate %slice3A_298, %slice3A_299 in 1 : vector<256x112xf32>, vector<256x16xf32> -> vector<256x128xf32>
      %slice3A_301 = vector.extract_strided_slice %select_n3A_289 {offsets = [0, 112], sizes = [256, 16], strides = [1, 1]} : vector<256x128xf32> to vector<256x16xf32>
      %slice3A_302 = vector.extract_strided_slice %select_n3A_289 {offsets = [0, 0], sizes = [256, 112], strides = [1, 1]} : vector<256x128xf32> to vector<256x112xf32>
      %concatenate3A_303 = tpu.concatenate %slice3A_301, %slice3A_302 in 1 : vector<256x16xf32>, vector<256x112xf32> -> vector<256x128xf32>
      %and3A_304 = arith.constant 16 : i32
      %and3A_305 = vector.broadcast %and3A_304 : i32 to vector<256x128xi32>
      %and3A_306 = arith.andi %iota3A, %and3A_305 : vector<256x128xi32>
      %eq3A_307 = arith.constant 0 : i32
      %eq3A_308 = vector.broadcast %eq3A_307 : i32 to vector<256x128xi32>
      %eq3A_309 = arith.cmpi eq, %and3A_306, %eq3A_308 : vector<256x128xi32>
      %select_n3A_310 = arith.select %eq3A_309, %concatenate3A_300, %concatenate3A_303 : vector<256x128xi1>, vector<256x128xf32>
      %eq3A_311 = arith.xori %eq3A_309, %not3A_297 : vector<256x128xi1>
      %eq3A_312 = arith.constant dense<true> : vector<256x128xi1>
      %eq3A_313 = arith.xori %eq3A_311, %eq3A_312 : vector<256x128xi1>
      %lt3A_314 = arith.cmpf olt, %select_n3A_289, %select_n3A_310 : vector<256x128xf32>
      %eq3A_315 = arith.xori %eq3A_313, %lt3A_314 : vector<256x128xi1>
      %eq3A_316 = arith.constant dense<true> : vector<256x128xi1>
      %eq3A_317 = arith.xori %eq3A_315, %eq3A_316 : vector<256x128xi1>
      %select_n3A_318 = arith.select %eq3A_317, %select_n3A_289, %select_n3A_310 : vector<256x128xi1>, vector<256x128xf32>
      %slice3A_319 = vector.extract_strided_slice %select_n3A_318 {offsets = [0, 8], sizes = [256, 120], strides = [1, 1]} : vector<256x128xf32> to vector<256x120xf32>
      %slice3A_320 = vector.extract_strided_slice %select_n3A_318 {offsets = [0, 0], sizes = [256, 8], strides = [1, 1]} : vector<256x128xf32> to vector<256x8xf32>
      %concatenate3A_321 = tpu.concatenate %slice3A_319, %slice3A_320 in 1 : vector<256x120xf32>, vector<256x8xf32> -> vector<256x128xf32>
      %slice3A_322 = vector.extract_strided_slice %select_n3A_318 {offsets = [0, 120], sizes = [256, 8], strides = [1, 1]} : vector<256x128xf32> to vector<256x8xf32>
      %slice3A_323 = vector.extract_strided_slice %select_n3A_318 {offsets = [0, 0], sizes = [256, 120], strides = [1, 1]} : vector<256x128xf32> to vector<256x120xf32>
      %concatenate3A_324 = tpu.concatenate %slice3A_322, %slice3A_323 in 1 : vector<256x8xf32>, vector<256x120xf32> -> vector<256x128xf32>
      %and3A_325 = arith.constant 8 : i32
      %and3A_326 = vector.broadcast %and3A_325 : i32 to vector<256x128xi32>
      %and3A_327 = arith.andi %iota3A, %and3A_326 : vector<256x128xi32>
      %eq3A_328 = arith.constant 0 : i32
      %eq3A_329 = vector.broadcast %eq3A_328 : i32 to vector<256x128xi32>
      %eq3A_330 = arith.cmpi eq, %and3A_327, %eq3A_329 : vector<256x128xi32>
      %select_n3A_331 = arith.select %eq3A_330, %concatenate3A_321, %concatenate3A_324 : vector<256x128xi1>, vector<256x128xf32>
      %eq3A_332 = arith.xori %eq3A_330, %not3A_297 : vector<256x128xi1>
      %eq3A_333 = arith.constant dense<true> : vector<256x128xi1>
      %eq3A_334 = arith.xori %eq3A_332, %eq3A_333 : vector<256x128xi1>
      %lt3A_335 = arith.cmpf olt, %select_n3A_318, %select_n3A_331 : vector<256x128xf32>
      %eq3A_336 = arith.xori %eq3A_334, %lt3A_335 : vector<256x128xi1>
      %eq3A_337 = arith.constant dense<true> : vector<256x128xi1>
      %eq3A_338 = arith.xori %eq3A_336, %eq3A_337 : vector<256x128xi1>
      %select_n3A_339 = arith.select %eq3A_338, %select_n3A_318, %select_n3A_331 : vector<256x128xi1>, vector<256x128xf32>
      %slice3A_340 = vector.extract_strided_slice %select_n3A_339 {offsets = [0, 4], sizes = [256, 124], strides = [1, 1]} : vector<256x128xf32> to vector<256x124xf32>
      %slice3A_341 = vector.extract_strided_slice %select_n3A_339 {offsets = [0, 0], sizes = [256, 4], strides = [1, 1]} : vector<256x128xf32> to vector<256x4xf32>
      %concatenate3A_342 = tpu.concatenate %slice3A_340, %slice3A_341 in 1 : vector<256x124xf32>, vector<256x4xf32> -> vector<256x128xf32>
      %slice3A_343 = vector.extract_strided_slice %select_n3A_339 {offsets = [0, 124], sizes = [256, 4], strides = [1, 1]} : vector<256x128xf32> to vector<256x4xf32>
      %slice3A_344 = vector.extract_strided_slice %select_n3A_339 {offsets = [0, 0], sizes = [256, 124], strides = [1, 1]} : vector<256x128xf32> to vector<256x124xf32>
      %concatenate3A_345 = tpu.concatenate %slice3A_343, %slice3A_344 in 1 : vector<256x4xf32>, vector<256x124xf32> -> vector<256x128xf32>
      %and3A_346 = arith.constant 4 : i32
      %and3A_347 = vector.broadcast %and3A_346 : i32 to vector<256x128xi32>
      %and3A_348 = arith.andi %iota3A, %and3A_347 : vector<256x128xi32>
      %eq3A_349 = arith.constant 0 : i32
      %eq3A_350 = vector.broadcast %eq3A_349 : i32 to vector<256x128xi32>
      %eq3A_351 = arith.cmpi eq, %and3A_348, %eq3A_350 : vector<256x128xi32>
      %select_n3A_352 = arith.select %eq3A_351, %concatenate3A_342, %concatenate3A_345 : vector<256x128xi1>, vector<256x128xf32>
      %eq3A_353 = arith.xori %eq3A_351, %not3A_297 : vector<256x128xi1>
      %eq3A_354 = arith.constant dense<true> : vector<256x128xi1>
      %eq3A_355 = arith.xori %eq3A_353, %eq3A_354 : vector<256x128xi1>
      %lt3A_356 = arith.cmpf olt, %select_n3A_339, %select_n3A_352 : vector<256x128xf32>
      %eq3A_357 = arith.xori %eq3A_355, %lt3A_356 : vector<256x128xi1>
      %eq3A_358 = arith.constant dense<true> : vector<256x128xi1>
      %eq3A_359 = arith.xori %eq3A_357, %eq3A_358 : vector<256x128xi1>
      %select_n3A_360 = arith.select %eq3A_359, %select_n3A_339, %select_n3A_352 : vector<256x128xi1>, vector<256x128xf32>
      %slice3A_361 = vector.extract_strided_slice %select_n3A_360 {offsets = [0, 2], sizes = [256, 126], strides = [1, 1]} : vector<256x128xf32> to vector<256x126xf32>
      %slice3A_362 = vector.extract_strided_slice %select_n3A_360 {offsets = [0, 0], sizes = [256, 2], strides = [1, 1]} : vector<256x128xf32> to vector<256x2xf32>
      %concatenate3A_363 = tpu.concatenate %slice3A_361, %slice3A_362 in 1 : vector<256x126xf32>, vector<256x2xf32> -> vector<256x128xf32>
      %slice3A_364 = vector.extract_strided_slice %select_n3A_360 {offsets = [0, 126], sizes = [256, 2], strides = [1, 1]} : vector<256x128xf32> to vector<256x2xf32>
      %slice3A_365 = vector.extract_strided_slice %select_n3A_360 {offsets = [0, 0], sizes = [256, 126], strides = [1, 1]} : vector<256x128xf32> to vector<256x126xf32>
      %concatenate3A_366 = tpu.concatenate %slice3A_364, %slice3A_365 in 1 : vector<256x2xf32>, vector<256x126xf32> -> vector<256x128xf32>
      %and3A_367 = arith.constant 2 : i32
      %and3A_368 = vector.broadcast %and3A_367 : i32 to vector<256x128xi32>
      %and3A_369 = arith.andi %iota3A, %and3A_368 : vector<256x128xi32>
      %eq3A_370 = arith.constant 0 : i32
      %eq3A_371 = vector.broadcast %eq3A_370 : i32 to vector<256x128xi32>
      %eq3A_372 = arith.cmpi eq, %and3A_369, %eq3A_371 : vector<256x128xi32>
      %select_n3A_373 = arith.select %eq3A_372, %concatenate3A_363, %concatenate3A_366 : vector<256x128xi1>, vector<256x128xf32>
      %eq3A_374 = arith.xori %eq3A_372, %not3A_297 : vector<256x128xi1>
      %eq3A_375 = arith.constant dense<true> : vector<256x128xi1>
      %eq3A_376 = arith.xori %eq3A_374, %eq3A_375 : vector<256x128xi1>
      %lt3A_377 = arith.cmpf olt, %select_n3A_360, %select_n3A_373 : vector<256x128xf32>
      %eq3A_378 = arith.xori %eq3A_376, %lt3A_377 : vector<256x128xi1>
      %eq3A_379 = arith.constant dense<true> : vector<256x128xi1>
      %eq3A_380 = arith.xori %eq3A_378, %eq3A_379 : vector<256x128xi1>
      %select_n3A_381 = arith.select %eq3A_380, %select_n3A_360, %select_n3A_373 : vector<256x128xi1>, vector<256x128xf32>
      %slice3A_382 = vector.extract_strided_slice %select_n3A_381 {offsets = [0, 1], sizes = [256, 127], strides = [1, 1]} : vector<256x128xf32> to vector<256x127xf32>
      %slice3A_383 = vector.extract_strided_slice %select_n3A_381 {offsets = [0, 0], sizes = [256, 1], strides = [1, 1]} : vector<256x128xf32> to vector<256x1xf32>
      %concatenate3A_384 = tpu.concatenate %slice3A_382, %slice3A_383 in 1 : vector<256x127xf32>, vector<256x1xf32> -> vector<256x128xf32>
      %slice3A_385 = vector.extract_strided_slice %select_n3A_381 {offsets = [0, 127], sizes = [256, 1], strides = [1, 1]} : vector<256x128xf32> to vector<256x1xf32>
      %slice3A_386 = vector.extract_strided_slice %select_n3A_381 {offsets = [0, 0], sizes = [256, 127], strides = [1, 1]} : vector<256x128xf32> to vector<256x127xf32>
      %concatenate3A_387 = tpu.concatenate %slice3A_385, %slice3A_386 in 1 : vector<256x1xf32>, vector<256x127xf32> -> vector<256x128xf32>
      %and3A_388 = arith.constant 1 : i32
      %and3A_389 = vector.broadcast %and3A_388 : i32 to vector<256x128xi32>
      %and3A_390 = arith.andi %iota3A, %and3A_389 : vector<256x128xi32>
      %eq3A_391 = arith.constant 0 : i32
      %eq3A_392 = vector.broadcast %eq3A_391 : i32 to vector<256x128xi32>
      %eq3A_393 = arith.cmpi eq, %and3A_390, %eq3A_392 : vector<256x128xi32>
      %select_n3A_394 = arith.select %eq3A_393, %concatenate3A_384, %concatenate3A_387 : vector<256x128xi1>, vector<256x128xf32>
      %eq3A_395 = arith.xori %eq3A_393, %not3A_297 : vector<256x128xi1>
      %eq3A_396 = arith.constant dense<true> : vector<256x128xi1>
      %eq3A_397 = arith.xori %eq3A_395, %eq3A_396 : vector<256x128xi1>
      %lt3A_398 = arith.cmpf olt, %select_n3A_381, %select_n3A_394 : vector<256x128xf32>
      %eq3A_399 = arith.xori %eq3A_397, %lt3A_398 : vector<256x128xi1>
      %eq3A_400 = arith.constant dense<true> : vector<256x128xi1>
      %eq3A_401 = arith.xori %eq3A_399, %eq3A_400 : vector<256x128xi1>
      %select_n3A_402 = arith.select %eq3A_401, %select_n3A_381, %select_n3A_394 : vector<256x128xi1>, vector<256x128xf32>
      %and3A_403 = arith.constant 64 : i32
      %and3A_404 = vector.broadcast %and3A_403 : i32 to vector<256x128xi32>
      %and3A_405 = arith.andi %iota3A, %and3A_404 : vector<256x128xi32>
      %eq3A_406 = arith.constant 0 : i32
      %eq3A_407 = vector.broadcast %eq3A_406 : i32 to vector<256x128xi32>
      %eq3A_408 = arith.cmpi eq, %and3A_405, %eq3A_407 : vector<256x128xi32>
      %not3A_409 = arith.constant dense<true> : vector<256x128xi1>
      %not3A_410 = arith.xori %eq3A_408, %not3A_409 : vector<256x128xi1>
      %slice3A_411 = vector.extract_strided_slice %select_n3A_402 {offsets = [0, 32], sizes = [256, 96], strides = [1, 1]} : vector<256x128xf32> to vector<256x96xf32>
      %slice3A_412 = vector.extract_strided_slice %select_n3A_402 {offsets = [0, 0], sizes = [256, 32], strides = [1, 1]} : vector<256x128xf32> to vector<256x32xf32>
      %concatenate3A_413 = tpu.concatenate %slice3A_411, %slice3A_412 in 1 : vector<256x96xf32>, vector<256x32xf32> -> vector<256x128xf32>
      %slice3A_414 = vector.extract_strided_slice %select_n3A_402 {offsets = [0, 96], sizes = [256, 32], strides = [1, 1]} : vector<256x128xf32> to vector<256x32xf32>
      %slice3A_415 = vector.extract_strided_slice %select_n3A_402 {offsets = [0, 0], sizes = [256, 96], strides = [1, 1]} : vector<256x128xf32> to vector<256x96xf32>
      %concatenate3A_416 = tpu.concatenate %slice3A_414, %slice3A_415 in 1 : vector<256x32xf32>, vector<256x96xf32> -> vector<256x128xf32>
      %and3A_417 = arith.constant 32 : i32
      %and3A_418 = vector.broadcast %and3A_417 : i32 to vector<256x128xi32>
      %and3A_419 = arith.andi %iota3A, %and3A_418 : vector<256x128xi32>
      %eq3A_420 = arith.constant 0 : i32
      %eq3A_421 = vector.broadcast %eq3A_420 : i32 to vector<256x128xi32>
      %eq3A_422 = arith.cmpi eq, %and3A_419, %eq3A_421 : vector<256x128xi32>
      %select_n3A_423 = arith.select %eq3A_422, %concatenate3A_413, %concatenate3A_416 : vector<256x128xi1>, vector<256x128xf32>
      %eq3A_424 = arith.xori %eq3A_422, %not3A_410 : vector<256x128xi1>
      %eq3A_425 = arith.constant dense<true> : vector<256x128xi1>
      %eq3A_426 = arith.xori %eq3A_424, %eq3A_425 : vector<256x128xi1>
      %lt3A_427 = arith.cmpf olt, %select_n3A_402, %select_n3A_423 : vector<256x128xf32>
      %eq3A_428 = arith.xori %eq3A_426, %lt3A_427 : vector<256x128xi1>
      %eq3A_429 = arith.constant dense<true> : vector<256x128xi1>
      %eq3A_430 = arith.xori %eq3A_428, %eq3A_429 : vector<256x128xi1>
      %select_n3A_431 = arith.select %eq3A_430, %select_n3A_402, %select_n3A_423 : vector<256x128xi1>, vector<256x128xf32>
      %slice3A_432 = vector.extract_strided_slice %select_n3A_431 {offsets = [0, 16], sizes = [256, 112], strides = [1, 1]} : vector<256x128xf32> to vector<256x112xf32>
      %slice3A_433 = vector.extract_strided_slice %select_n3A_431 {offsets = [0, 0], sizes = [256, 16], strides = [1, 1]} : vector<256x128xf32> to vector<256x16xf32>
      %concatenate3A_434 = tpu.concatenate %slice3A_432, %slice3A_433 in 1 : vector<256x112xf32>, vector<256x16xf32> -> vector<256x128xf32>
      %slice3A_435 = vector.extract_strided_slice %select_n3A_431 {offsets = [0, 112], sizes = [256, 16], strides = [1, 1]} : vector<256x128xf32> to vector<256x16xf32>
      %slice3A_436 = vector.extract_strided_slice %select_n3A_431 {offsets = [0, 0], sizes = [256, 112], strides = [1, 1]} : vector<256x128xf32> to vector<256x112xf32>
      %concatenate3A_437 = tpu.concatenate %slice3A_435, %slice3A_436 in 1 : vector<256x16xf32>, vector<256x112xf32> -> vector<256x128xf32>
      %and3A_438 = arith.constant 16 : i32
      %and3A_439 = vector.broadcast %and3A_438 : i32 to vector<256x128xi32>
      %and3A_440 = arith.andi %iota3A, %and3A_439 : vector<256x128xi32>
      %eq3A_441 = arith.constant 0 : i32
      %eq3A_442 = vector.broadcast %eq3A_441 : i32 to vector<256x128xi32>
      %eq3A_443 = arith.cmpi eq, %and3A_440, %eq3A_442 : vector<256x128xi32>
      %select_n3A_444 = arith.select %eq3A_443, %concatenate3A_434, %concatenate3A_437 : vector<256x128xi1>, vector<256x128xf32>
      %eq3A_445 = arith.xori %eq3A_443, %not3A_410 : vector<256x128xi1>
      %eq3A_446 = arith.constant dense<true> : vector<256x128xi1>
      %eq3A_447 = arith.xori %eq3A_445, %eq3A_446 : vector<256x128xi1>
      %lt3A_448 = arith.cmpf olt, %select_n3A_431, %select_n3A_444 : vector<256x128xf32>
      %eq3A_449 = arith.xori %eq3A_447, %lt3A_448 : vector<256x128xi1>
      %eq3A_450 = arith.constant dense<true> : vector<256x128xi1>
      %eq3A_451 = arith.xori %eq3A_449, %eq3A_450 : vector<256x128xi1>
      %select_n3A_452 = arith.select %eq3A_451, %select_n3A_431, %select_n3A_444 : vector<256x128xi1>, vector<256x128xf32>
      %slice3A_453 = vector.extract_strided_slice %select_n3A_452 {offsets = [0, 8], sizes = [256, 120], strides = [1, 1]} : vector<256x128xf32> to vector<256x120xf32>
      %slice3A_454 = vector.extract_strided_slice %select_n3A_452 {offsets = [0, 0], sizes = [256, 8], strides = [1, 1]} : vector<256x128xf32> to vector<256x8xf32>
      %concatenate3A_455 = tpu.concatenate %slice3A_453, %slice3A_454 in 1 : vector<256x120xf32>, vector<256x8xf32> -> vector<256x128xf32>
      %slice3A_456 = vector.extract_strided_slice %select_n3A_452 {offsets = [0, 120], sizes = [256, 8], strides = [1, 1]} : vector<256x128xf32> to vector<256x8xf32>
      %slice3A_457 = vector.extract_strided_slice %select_n3A_452 {offsets = [0, 0], sizes = [256, 120], strides = [1, 1]} : vector<256x128xf32> to vector<256x120xf32>
      %concatenate3A_458 = tpu.concatenate %slice3A_456, %slice3A_457 in 1 : vector<256x8xf32>, vector<256x120xf32> -> vector<256x128xf32>
      %and3A_459 = arith.constant 8 : i32
      %and3A_460 = vector.broadcast %and3A_459 : i32 to vector<256x128xi32>
      %and3A_461 = arith.andi %iota3A, %and3A_460 : vector<256x128xi32>
      %eq3A_462 = arith.constant 0 : i32
      %eq3A_463 = vector.broadcast %eq3A_462 : i32 to vector<256x128xi32>
      %eq3A_464 = arith.cmpi eq, %and3A_461, %eq3A_463 : vector<256x128xi32>
      %select_n3A_465 = arith.select %eq3A_464, %concatenate3A_455, %concatenate3A_458 : vector<256x128xi1>, vector<256x128xf32>
      %eq3A_466 = arith.xori %eq3A_464, %not3A_410 : vector<256x128xi1>
      %eq3A_467 = arith.constant dense<true> : vector<256x128xi1>
      %eq3A_468 = arith.xori %eq3A_466, %eq3A_467 : vector<256x128xi1>
      %lt3A_469 = arith.cmpf olt, %select_n3A_452, %select_n3A_465 : vector<256x128xf32>
      %eq3A_470 = arith.xori %eq3A_468, %lt3A_469 : vector<256x128xi1>
      %eq3A_471 = arith.constant dense<true> : vector<256x128xi1>
      %eq3A_472 = arith.xori %eq3A_470, %eq3A_471 : vector<256x128xi1>
      %select_n3A_473 = arith.select %eq3A_472, %select_n3A_452, %select_n3A_465 : vector<256x128xi1>, vector<256x128xf32>
      %slice3A_474 = vector.extract_strided_slice %select_n3A_473 {offsets = [0, 4], sizes = [256, 124], strides = [1, 1]} : vector<256x128xf32> to vector<256x124xf32>
      %slice3A_475 = vector.extract_strided_slice %select_n3A_473 {offsets = [0, 0], sizes = [256, 4], strides = [1, 1]} : vector<256x128xf32> to vector<256x4xf32>
      %concatenate3A_476 = tpu.concatenate %slice3A_474, %slice3A_475 in 1 : vector<256x124xf32>, vector<256x4xf32> -> vector<256x128xf32>
      %slice3A_477 = vector.extract_strided_slice %select_n3A_473 {offsets = [0, 124], sizes = [256, 4], strides = [1, 1]} : vector<256x128xf32> to vector<256x4xf32>
      %slice3A_478 = vector.extract_strided_slice %select_n3A_473 {offsets = [0, 0], sizes = [256, 124], strides = [1, 1]} : vector<256x128xf32> to vector<256x124xf32>
      %concatenate3A_479 = tpu.concatenate %slice3A_477, %slice3A_478 in 1 : vector<256x4xf32>, vector<256x124xf32> -> vector<256x128xf32>
      %and3A_480 = arith.constant 4 : i32
      %and3A_481 = vector.broadcast %and3A_480 : i32 to vector<256x128xi32>
      %and3A_482 = arith.andi %iota3A, %and3A_481 : vector<256x128xi32>
      %eq3A_483 = arith.constant 0 : i32
      %eq3A_484 = vector.broadcast %eq3A_483 : i32 to vector<256x128xi32>
      %eq3A_485 = arith.cmpi eq, %and3A_482, %eq3A_484 : vector<256x128xi32>
      %select_n3A_486 = arith.select %eq3A_485, %concatenate3A_476, %concatenate3A_479 : vector<256x128xi1>, vector<256x128xf32>
      %eq3A_487 = arith.xori %eq3A_485, %not3A_410 : vector<256x128xi1>
      %eq3A_488 = arith.constant dense<true> : vector<256x128xi1>
      %eq3A_489 = arith.xori %eq3A_487, %eq3A_488 : vector<256x128xi1>
      %lt3A_490 = arith.cmpf olt, %select_n3A_473, %select_n3A_486 : vector<256x128xf32>
      %eq3A_491 = arith.xori %eq3A_489, %lt3A_490 : vector<256x128xi1>
      %eq3A_492 = arith.constant dense<true> : vector<256x128xi1>
      %eq3A_493 = arith.xori %eq3A_491, %eq3A_492 : vector<256x128xi1>
      %select_n3A_494 = arith.select %eq3A_493, %select_n3A_473, %select_n3A_486 : vector<256x128xi1>, vector<256x128xf32>
      %slice3A_495 = vector.extract_strided_slice %select_n3A_494 {offsets = [0, 2], sizes = [256, 126], strides = [1, 1]} : vector<256x128xf32> to vector<256x126xf32>
      %slice3A_496 = vector.extract_strided_slice %select_n3A_494 {offsets = [0, 0], sizes = [256, 2], strides = [1, 1]} : vector<256x128xf32> to vector<256x2xf32>
      %concatenate3A_497 = tpu.concatenate %slice3A_495, %slice3A_496 in 1 : vector<256x126xf32>, vector<256x2xf32> -> vector<256x128xf32>
      %slice3A_498 = vector.extract_strided_slice %select_n3A_494 {offsets = [0, 126], sizes = [256, 2], strides = [1, 1]} : vector<256x128xf32> to vector<256x2xf32>
      %slice3A_499 = vector.extract_strided_slice %select_n3A_494 {offsets = [0, 0], sizes = [256, 126], strides = [1, 1]} : vector<256x128xf32> to vector<256x126xf32>
      %concatenate3A_500 = tpu.concatenate %slice3A_498, %slice3A_499 in 1 : vector<256x2xf32>, vector<256x126xf32> -> vector<256x128xf32>
      %and3A_501 = arith.constant 2 : i32
      %and3A_502 = vector.broadcast %and3A_501 : i32 to vector<256x128xi32>
      %and3A_503 = arith.andi %iota3A, %and3A_502 : vector<256x128xi32>
      %eq3A_504 = arith.constant 0 : i32
      %eq3A_505 = vector.broadcast %eq3A_504 : i32 to vector<256x128xi32>
      %eq3A_506 = arith.cmpi eq, %and3A_503, %eq3A_505 : vector<256x128xi32>
      %select_n3A_507 = arith.select %eq3A_506, %concatenate3A_497, %concatenate3A_500 : vector<256x128xi1>, vector<256x128xf32>
      %eq3A_508 = arith.xori %eq3A_506, %not3A_410 : vector<256x128xi1>
      %eq3A_509 = arith.constant dense<true> : vector<256x128xi1>
      %eq3A_510 = arith.xori %eq3A_508, %eq3A_509 : vector<256x128xi1>
      %lt3A_511 = arith.cmpf olt, %select_n3A_494, %select_n3A_507 : vector<256x128xf32>
      %eq3A_512 = arith.xori %eq3A_510, %lt3A_511 : vector<256x128xi1>
      %eq3A_513 = arith.constant dense<true> : vector<256x128xi1>
      %eq3A_514 = arith.xori %eq3A_512, %eq3A_513 : vector<256x128xi1>
      %select_n3A_515 = arith.select %eq3A_514, %select_n3A_494, %select_n3A_507 : vector<256x128xi1>, vector<256x128xf32>
      %slice3A_516 = vector.extract_strided_slice %select_n3A_515 {offsets = [0, 1], sizes = [256, 127], strides = [1, 1]} : vector<256x128xf32> to vector<256x127xf32>
      %slice3A_517 = vector.extract_strided_slice %select_n3A_515 {offsets = [0, 0], sizes = [256, 1], strides = [1, 1]} : vector<256x128xf32> to vector<256x1xf32>
      %concatenate3A_518 = tpu.concatenate %slice3A_516, %slice3A_517 in 1 : vector<256x127xf32>, vector<256x1xf32> -> vector<256x128xf32>
      %slice3A_519 = vector.extract_strided_slice %select_n3A_515 {offsets = [0, 127], sizes = [256, 1], strides = [1, 1]} : vector<256x128xf32> to vector<256x1xf32>
      %slice3A_520 = vector.extract_strided_slice %select_n3A_515 {offsets = [0, 0], sizes = [256, 127], strides = [1, 1]} : vector<256x128xf32> to vector<256x127xf32>
      %concatenate3A_521 = tpu.concatenate %slice3A_519, %slice3A_520 in 1 : vector<256x1xf32>, vector<256x127xf32> -> vector<256x128xf32>
      %and3A_522 = arith.constant 1 : i32
      %and3A_523 = vector.broadcast %and3A_522 : i32 to vector<256x128xi32>
      %and3A_524 = arith.andi %iota3A, %and3A_523 : vector<256x128xi32>
      %eq3A_525 = arith.constant 0 : i32
      %eq3A_526 = vector.broadcast %eq3A_525 : i32 to vector<256x128xi32>
      %eq3A_527 = arith.cmpi eq, %and3A_524, %eq3A_526 : vector<256x128xi32>
      %select_n3A_528 = arith.select %eq3A_527, %concatenate3A_518, %concatenate3A_521 : vector<256x128xi1>, vector<256x128xf32>
      %eq3A_529 = arith.xori %eq3A_527, %not3A_410 : vector<256x128xi1>
      %eq3A_530 = arith.constant dense<true> : vector<256x128xi1>
      %eq3A_531 = arith.xori %eq3A_529, %eq3A_530 : vector<256x128xi1>
      %lt3A_532 = arith.cmpf olt, %select_n3A_515, %select_n3A_528 : vector<256x128xf32>
      %eq3A_533 = arith.xori %eq3A_531, %lt3A_532 : vector<256x128xi1>
      %eq3A_534 = arith.constant dense<true> : vector<256x128xi1>
      %eq3A_535 = arith.xori %eq3A_533, %eq3A_534 : vector<256x128xi1>
      %select_n3A_536 = arith.select %eq3A_535, %select_n3A_515, %select_n3A_528 : vector<256x128xi1>, vector<256x128xf32>
      %and3A_537 = arith.constant 128 : i32
      %and3A_538 = vector.broadcast %and3A_537 : i32 to vector<256x128xi32>
      %and3A_539 = arith.andi %iota3A, %and3A_538 : vector<256x128xi32>
      %eq3A_540 = arith.constant 0 : i32
      %eq3A_541 = vector.broadcast %eq3A_540 : i32 to vector<256x128xi32>
      %eq3A_542 = arith.cmpi eq, %and3A_539, %eq3A_541 : vector<256x128xi32>
      %not3A_543 = arith.constant dense<true> : vector<256x128xi1>
      %not3A_544 = arith.xori %eq3A_542, %not3A_543 : vector<256x128xi1>
      %slice3A_545 = vector.extract_strided_slice %select_n3A_536 {offsets = [0, 64], sizes = [256, 64], strides = [1, 1]} : vector<256x128xf32> to vector<256x64xf32>
      %slice3A_546 = vector.extract_strided_slice %select_n3A_536 {offsets = [0, 0], sizes = [256, 64], strides = [1, 1]} : vector<256x128xf32> to vector<256x64xf32>
      %concatenate3A_547 = tpu.concatenate %slice3A_545, %slice3A_546 in 1 : vector<256x64xf32>, vector<256x64xf32> -> vector<256x128xf32>
      %slice3A_548 = vector.extract_strided_slice %select_n3A_536 {offsets = [0, 64], sizes = [256, 64], strides = [1, 1]} : vector<256x128xf32> to vector<256x64xf32>
      %slice3A_549 = vector.extract_strided_slice %select_n3A_536 {offsets = [0, 0], sizes = [256, 64], strides = [1, 1]} : vector<256x128xf32> to vector<256x64xf32>
      %concatenate3A_550 = tpu.concatenate %slice3A_548, %slice3A_549 in 1 : vector<256x64xf32>, vector<256x64xf32> -> vector<256x128xf32>
      %and3A_551 = arith.constant 64 : i32
      %and3A_552 = vector.broadcast %and3A_551 : i32 to vector<256x128xi32>
      %and3A_553 = arith.andi %iota3A, %and3A_552 : vector<256x128xi32>
      %eq3A_554 = arith.constant 0 : i32
      %eq3A_555 = vector.broadcast %eq3A_554 : i32 to vector<256x128xi32>
      %eq3A_556 = arith.cmpi eq, %and3A_553, %eq3A_555 : vector<256x128xi32>
      %select_n3A_557 = arith.select %eq3A_556, %concatenate3A_547, %concatenate3A_550 : vector<256x128xi1>, vector<256x128xf32>
      %eq3A_558 = arith.xori %eq3A_556, %not3A_544 : vector<256x128xi1>
      %eq3A_559 = arith.constant dense<true> : vector<256x128xi1>
      %eq3A_560 = arith.xori %eq3A_558, %eq3A_559 : vector<256x128xi1>
      %lt3A_561 = arith.cmpf olt, %select_n3A_536, %select_n3A_557 : vector<256x128xf32>
      %eq3A_562 = arith.xori %eq3A_560, %lt3A_561 : vector<256x128xi1>
      %eq3A_563 = arith.constant dense<true> : vector<256x128xi1>
      %eq3A_564 = arith.xori %eq3A_562, %eq3A_563 : vector<256x128xi1>
      %select_n3A_565 = arith.select %eq3A_564, %select_n3A_536, %select_n3A_557 : vector<256x128xi1>, vector<256x128xf32>
      %slice3A_566 = vector.extract_strided_slice %select_n3A_565 {offsets = [0, 32], sizes = [256, 96], strides = [1, 1]} : vector<256x128xf32> to vector<256x96xf32>
      %slice3A_567 = vector.extract_strided_slice %select_n3A_565 {offsets = [0, 0], sizes = [256, 32], strides = [1, 1]} : vector<256x128xf32> to vector<256x32xf32>
      %concatenate3A_568 = tpu.concatenate %slice3A_566, %slice3A_567 in 1 : vector<256x96xf32>, vector<256x32xf32> -> vector<256x128xf32>
      %slice3A_569 = vector.extract_strided_slice %select_n3A_565 {offsets = [0, 96], sizes = [256, 32], strides = [1, 1]} : vector<256x128xf32> to vector<256x32xf32>
      %slice3A_570 = vector.extract_strided_slice %select_n3A_565 {offsets = [0, 0], sizes = [256, 96], strides = [1, 1]} : vector<256x128xf32> to vector<256x96xf32>
      %concatenate3A_571 = tpu.concatenate %slice3A_569, %slice3A_570 in 1 : vector<256x32xf32>, vector<256x96xf32> -> vector<256x128xf32>
      %and3A_572 = arith.constant 32 : i32
      %and3A_573 = vector.broadcast %and3A_572 : i32 to vector<256x128xi32>
      %and3A_574 = arith.andi %iota3A, %and3A_573 : vector<256x128xi32>
      %eq3A_575 = arith.constant 0 : i32
      %eq3A_576 = vector.broadcast %eq3A_575 : i32 to vector<256x128xi32>
      %eq3A_577 = arith.cmpi eq, %and3A_574, %eq3A_576 : vector<256x128xi32>
      %select_n3A_578 = arith.select %eq3A_577, %concatenate3A_568, %concatenate3A_571 : vector<256x128xi1>, vector<256x128xf32>
      %eq3A_579 = arith.xori %eq3A_577, %not3A_544 : vector<256x128xi1>
      %eq3A_580 = arith.constant dense<true> : vector<256x128xi1>
      %eq3A_581 = arith.xori %eq3A_579, %eq3A_580 : vector<256x128xi1>
      %lt3A_582 = arith.cmpf olt, %select_n3A_565, %select_n3A_578 : vector<256x128xf32>
      %eq3A_583 = arith.xori %eq3A_581, %lt3A_582 : vector<256x128xi1>
      %eq3A_584 = arith.constant dense<true> : vector<256x128xi1>
      %eq3A_585 = arith.xori %eq3A_583, %eq3A_584 : vector<256x128xi1>
      %select_n3A_586 = arith.select %eq3A_585, %select_n3A_565, %select_n3A_578 : vector<256x128xi1>, vector<256x128xf32>
      %slice3A_587 = vector.extract_strided_slice %select_n3A_586 {offsets = [0, 16], sizes = [256, 112], strides = [1, 1]} : vector<256x128xf32> to vector<256x112xf32>
      %slice3A_588 = vector.extract_strided_slice %select_n3A_586 {offsets = [0, 0], sizes = [256, 16], strides = [1, 1]} : vector<256x128xf32> to vector<256x16xf32>
      %concatenate3A_589 = tpu.concatenate %slice3A_587, %slice3A_588 in 1 : vector<256x112xf32>, vector<256x16xf32> -> vector<256x128xf32>
      %slice3A_590 = vector.extract_strided_slice %select_n3A_586 {offsets = [0, 112], sizes = [256, 16], strides = [1, 1]} : vector<256x128xf32> to vector<256x16xf32>
      %slice3A_591 = vector.extract_strided_slice %select_n3A_586 {offsets = [0, 0], sizes = [256, 112], strides = [1, 1]} : vector<256x128xf32> to vector<256x112xf32>
      %concatenate3A_592 = tpu.concatenate %slice3A_590, %slice3A_591 in 1 : vector<256x16xf32>, vector<256x112xf32> -> vector<256x128xf32>
      %and3A_593 = arith.constant 16 : i32
      %and3A_594 = vector.broadcast %and3A_593 : i32 to vector<256x128xi32>
      %and3A_595 = arith.andi %iota3A, %and3A_594 : vector<256x128xi32>
      %eq3A_596 = arith.constant 0 : i32
      %eq3A_597 = vector.broadcast %eq3A_596 : i32 to vector<256x128xi32>
      %eq3A_598 = arith.cmpi eq, %and3A_595, %eq3A_597 : vector<256x128xi32>
      %select_n3A_599 = arith.select %eq3A_598, %concatenate3A_589, %concatenate3A_592 : vector<256x128xi1>, vector<256x128xf32>
      %eq3A_600 = arith.xori %eq3A_598, %not3A_544 : vector<256x128xi1>
      %eq3A_601 = arith.constant dense<true> : vector<256x128xi1>
      %eq3A_602 = arith.xori %eq3A_600, %eq3A_601 : vector<256x128xi1>
      %lt3A_603 = arith.cmpf olt, %select_n3A_586, %select_n3A_599 : vector<256x128xf32>
      %eq3A_604 = arith.xori %eq3A_602, %lt3A_603 : vector<256x128xi1>
      %eq3A_605 = arith.constant dense<true> : vector<256x128xi1>
      %eq3A_606 = arith.xori %eq3A_604, %eq3A_605 : vector<256x128xi1>
      %select_n3A_607 = arith.select %eq3A_606, %select_n3A_586, %select_n3A_599 : vector<256x128xi1>, vector<256x128xf32>
      %slice3A_608 = vector.extract_strided_slice %select_n3A_607 {offsets = [0, 8], sizes = [256, 120], strides = [1, 1]} : vector<256x128xf32> to vector<256x120xf32>
      %slice3A_609 = vector.extract_strided_slice %select_n3A_607 {offsets = [0, 0], sizes = [256, 8], strides = [1, 1]} : vector<256x128xf32> to vector<256x8xf32>
      %concatenate3A_610 = tpu.concatenate %slice3A_608, %slice3A_609 in 1 : vector<256x120xf32>, vector<256x8xf32> -> vector<256x128xf32>
      %slice3A_611 = vector.extract_strided_slice %select_n3A_607 {offsets = [0, 120], sizes = [256, 8], strides = [1, 1]} : vector<256x128xf32> to vector<256x8xf32>
      %slice3A_612 = vector.extract_strided_slice %select_n3A_607 {offsets = [0, 0], sizes = [256, 120], strides = [1, 1]} : vector<256x128xf32> to vector<256x120xf32>
      %concatenate3A_613 = tpu.concatenate %slice3A_611, %slice3A_612 in 1 : vector<256x8xf32>, vector<256x120xf32> -> vector<256x128xf32>
      %and3A_614 = arith.constant 8 : i32
      %and3A_615 = vector.broadcast %and3A_614 : i32 to vector<256x128xi32>
      %and3A_616 = arith.andi %iota3A, %and3A_615 : vector<256x128xi32>
      %eq3A_617 = arith.constant 0 : i32
      %eq3A_618 = vector.broadcast %eq3A_617 : i32 to vector<256x128xi32>
      %eq3A_619 = arith.cmpi eq, %and3A_616, %eq3A_618 : vector<256x128xi32>
      %select_n3A_620 = arith.select %eq3A_619, %concatenate3A_610, %concatenate3A_613 : vector<256x128xi1>, vector<256x128xf32>
      %eq3A_621 = arith.xori %eq3A_619, %not3A_544 : vector<256x128xi1>
      %eq3A_622 = arith.constant dense<true> : vector<256x128xi1>
      %eq3A_623 = arith.xori %eq3A_621, %eq3A_622 : vector<256x128xi1>
      %lt3A_624 = arith.cmpf olt, %select_n3A_607, %select_n3A_620 : vector<256x128xf32>
      %eq3A_625 = arith.xori %eq3A_623, %lt3A_624 : vector<256x128xi1>
      %eq3A_626 = arith.constant dense<true> : vector<256x128xi1>
      %eq3A_627 = arith.xori %eq3A_625, %eq3A_626 : vector<256x128xi1>
      %select_n3A_628 = arith.select %eq3A_627, %select_n3A_607, %select_n3A_620 : vector<256x128xi1>, vector<256x128xf32>
      %slice3A_629 = vector.extract_strided_slice %select_n3A_628 {offsets = [0, 4], sizes = [256, 124], strides = [1, 1]} : vector<256x128xf32> to vector<256x124xf32>
      %slice3A_630 = vector.extract_strided_slice %select_n3A_628 {offsets = [0, 0], sizes = [256, 4], strides = [1, 1]} : vector<256x128xf32> to vector<256x4xf32>
      %concatenate3A_631 = tpu.concatenate %slice3A_629, %slice3A_630 in 1 : vector<256x124xf32>, vector<256x4xf32> -> vector<256x128xf32>
      %slice3A_632 = vector.extract_strided_slice %select_n3A_628 {offsets = [0, 124], sizes = [256, 4], strides = [1, 1]} : vector<256x128xf32> to vector<256x4xf32>
      %slice3A_633 = vector.extract_strided_slice %select_n3A_628 {offsets = [0, 0], sizes = [256, 124], strides = [1, 1]} : vector<256x128xf32> to vector<256x124xf32>
      %concatenate3A_634 = tpu.concatenate %slice3A_632, %slice3A_633 in 1 : vector<256x4xf32>, vector<256x124xf32> -> vector<256x128xf32>
      %and3A_635 = arith.constant 4 : i32
      %and3A_636 = vector.broadcast %and3A_635 : i32 to vector<256x128xi32>
      %and3A_637 = arith.andi %iota3A, %and3A_636 : vector<256x128xi32>
      %eq3A_638 = arith.constant 0 : i32
      %eq3A_639 = vector.broadcast %eq3A_638 : i32 to vector<256x128xi32>
      %eq3A_640 = arith.cmpi eq, %and3A_637, %eq3A_639 : vector<256x128xi32>
      %select_n3A_641 = arith.select %eq3A_640, %concatenate3A_631, %concatenate3A_634 : vector<256x128xi1>, vector<256x128xf32>
      %eq3A_642 = arith.xori %eq3A_640, %not3A_544 : vector<256x128xi1>
      %eq3A_643 = arith.constant dense<true> : vector<256x128xi1>
      %eq3A_644 = arith.xori %eq3A_642, %eq3A_643 : vector<256x128xi1>
      %lt3A_645 = arith.cmpf olt, %select_n3A_628, %select_n3A_641 : vector<256x128xf32>
      %eq3A_646 = arith.xori %eq3A_644, %lt3A_645 : vector<256x128xi1>
      %eq3A_647 = arith.constant dense<true> : vector<256x128xi1>
      %eq3A_648 = arith.xori %eq3A_646, %eq3A_647 : vector<256x128xi1>
      %select_n3A_649 = arith.select %eq3A_648, %select_n3A_628, %select_n3A_641 : vector<256x128xi1>, vector<256x128xf32>
      %slice3A_650 = vector.extract_strided_slice %select_n3A_649 {offsets = [0, 2], sizes = [256, 126], strides = [1, 1]} : vector<256x128xf32> to vector<256x126xf32>
      %slice3A_651 = vector.extract_strided_slice %select_n3A_649 {offsets = [0, 0], sizes = [256, 2], strides = [1, 1]} : vector<256x128xf32> to vector<256x2xf32>
      %concatenate3A_652 = tpu.concatenate %slice3A_650, %slice3A_651 in 1 : vector<256x126xf32>, vector<256x2xf32> -> vector<256x128xf32>
      %slice3A_653 = vector.extract_strided_slice %select_n3A_649 {offsets = [0, 126], sizes = [256, 2], strides = [1, 1]} : vector<256x128xf32> to vector<256x2xf32>
      %slice3A_654 = vector.extract_strided_slice %select_n3A_649 {offsets = [0, 0], sizes = [256, 126], strides = [1, 1]} : vector<256x128xf32> to vector<256x126xf32>
      %concatenate3A_655 = tpu.concatenate %slice3A_653, %slice3A_654 in 1 : vector<256x2xf32>, vector<256x126xf32> -> vector<256x128xf32>
      %and3A_656 = arith.constant 2 : i32
      %and3A_657 = vector.broadcast %and3A_656 : i32 to vector<256x128xi32>
      %and3A_658 = arith.andi %iota3A, %and3A_657 : vector<256x128xi32>
      %eq3A_659 = arith.constant 0 : i32
      %eq3A_660 = vector.broadcast %eq3A_659 : i32 to vector<256x128xi32>
      %eq3A_661 = arith.cmpi eq, %and3A_658, %eq3A_660 : vector<256x128xi32>
      %select_n3A_662 = arith.select %eq3A_661, %concatenate3A_652, %concatenate3A_655 : vector<256x128xi1>, vector<256x128xf32>
      %eq3A_663 = arith.xori %eq3A_661, %not3A_544 : vector<256x128xi1>
      %eq3A_664 = arith.constant dense<true> : vector<256x128xi1>
      %eq3A_665 = arith.xori %eq3A_663, %eq3A_664 : vector<256x128xi1>
      %lt3A_666 = arith.cmpf olt, %select_n3A_649, %select_n3A_662 : vector<256x128xf32>
      %eq3A_667 = arith.xori %eq3A_665, %lt3A_666 : vector<256x128xi1>
      %eq3A_668 = arith.constant dense<true> : vector<256x128xi1>
      %eq3A_669 = arith.xori %eq3A_667, %eq3A_668 : vector<256x128xi1>
      %select_n3A_670 = arith.select %eq3A_669, %select_n3A_649, %select_n3A_662 : vector<256x128xi1>, vector<256x128xf32>
      %slice3A_671 = vector.extract_strided_slice %select_n3A_670 {offsets = [0, 1], sizes = [256, 127], strides = [1, 1]} : vector<256x128xf32> to vector<256x127xf32>
      %slice3A_672 = vector.extract_strided_slice %select_n3A_670 {offsets = [0, 0], sizes = [256, 1], strides = [1, 1]} : vector<256x128xf32> to vector<256x1xf32>
      %concatenate3A_673 = tpu.concatenate %slice3A_671, %slice3A_672 in 1 : vector<256x127xf32>, vector<256x1xf32> -> vector<256x128xf32>
      %slice3A_674 = vector.extract_strided_slice %select_n3A_670 {offsets = [0, 127], sizes = [256, 1], strides = [1, 1]} : vector<256x128xf32> to vector<256x1xf32>
      %slice3A_675 = vector.extract_strided_slice %select_n3A_670 {offsets = [0, 0], sizes = [256, 127], strides = [1, 1]} : vector<256x128xf32> to vector<256x127xf32>
      %concatenate3A_676 = tpu.concatenate %slice3A_674, %slice3A_675 in 1 : vector<256x1xf32>, vector<256x127xf32> -> vector<256x128xf32>
      %and3A_677 = arith.constant 1 : i32
      %and3A_678 = vector.broadcast %and3A_677 : i32 to vector<256x128xi32>
      %and3A_679 = arith.andi %iota3A, %and3A_678 : vector<256x128xi32>
      %eq3A_680 = arith.constant 0 : i32
      %eq3A_681 = vector.broadcast %eq3A_680 : i32 to vector<256x128xi32>
      %eq3A_682 = arith.cmpi eq, %and3A_679, %eq3A_681 : vector<256x128xi32>
      %select_n3A_683 = arith.select %eq3A_682, %concatenate3A_673, %concatenate3A_676 : vector<256x128xi1>, vector<256x128xf32>
      %eq3A_684 = arith.xori %eq3A_682, %not3A_544 : vector<256x128xi1>
      %eq3A_685 = arith.constant dense<true> : vector<256x128xi1>
      %eq3A_686 = arith.xori %eq3A_684, %eq3A_685 : vector<256x128xi1>
      %lt3A_687 = arith.cmpf olt, %select_n3A_670, %select_n3A_683 : vector<256x128xf32>
      %eq3A_688 = arith.xori %eq3A_686, %lt3A_687 : vector<256x128xi1>
      %eq3A_689 = arith.constant dense<true> : vector<256x128xi1>
      %eq3A_690 = arith.xori %eq3A_688, %eq3A_689 : vector<256x128xi1>
      %select_n3A_691 = arith.select %eq3A_690, %select_n3A_670, %select_n3A_683 : vector<256x128xi1>, vector<256x128xf32>
      %get3A_692 = arith.constant 0 : index
      %get3A_693 = arith.constant 0 : index
      %get3A_694 = vector.load %arg8[%get3A_692, %get3A_693] : memref<256x128xf32, #tpu.memory_space<vmem>>, vector<256x128xf32>
      %min3A = arith.minimumf %get3A_694, %select_n3A_691 : vector<256x128xf32>
      %ge3A = arith.constant 0 : i32
      %ge3A_695 = vector.broadcast %ge3A : i32 to vector<256x128xi32>
      %ge3A_696 = arith.cmpi sge, %iota3A, %ge3A_695 : vector<256x128xi32>
      %slice3A_697 = vector.extract_strided_slice %min3A {offsets = [0, 64], sizes = [256, 64], strides = [1, 1]} : vector<256x128xf32> to vector<256x64xf32>
      %slice3A_698 = vector.extract_strided_slice %min3A {offsets = [0, 0], sizes = [256, 64], strides = [1, 1]} : vector<256x128xf32> to vector<256x64xf32>
      %concatenate3A_699 = tpu.concatenate %slice3A_697, %slice3A_698 in 1 : vector<256x64xf32>, vector<256x64xf32> -> vector<256x128xf32>
      %slice3A_700 = vector.extract_strided_slice %min3A {offsets = [0, 64], sizes = [256, 64], strides = [1, 1]} : vector<256x128xf32> to vector<256x64xf32>
      %slice3A_701 = vector.extract_strided_slice %min3A {offsets = [0, 0], sizes = [256, 64], strides = [1, 1]} : vector<256x128xf32> to vector<256x64xf32>
      %concatenate3A_702 = tpu.concatenate %slice3A_700, %slice3A_701 in 1 : vector<256x64xf32>, vector<256x64xf32> -> vector<256x128xf32>
      %and3A_703 = arith.constant 64 : i32
      %and3A_704 = vector.broadcast %and3A_703 : i32 to vector<256x128xi32>
      %and3A_705 = arith.andi %iota3A, %and3A_704 : vector<256x128xi32>
      %eq3A_706 = arith.constant 0 : i32
      %eq3A_707 = vector.broadcast %eq3A_706 : i32 to vector<256x128xi32>
      %eq3A_708 = arith.cmpi eq, %and3A_705, %eq3A_707 : vector<256x128xi32>
      %select_n3A_709 = arith.select %eq3A_708, %concatenate3A_699, %concatenate3A_702 : vector<256x128xi1>, vector<256x128xf32>
      %eq3A_710 = arith.xori %eq3A_708, %ge3A_696 : vector<256x128xi1>
      %eq3A_711 = arith.constant dense<true> : vector<256x128xi1>
      %eq3A_712 = arith.xori %eq3A_710, %eq3A_711 : vector<256x128xi1>
      %lt3A_713 = arith.cmpf olt, %min3A, %select_n3A_709 : vector<256x128xf32>
      %eq3A_714 = arith.xori %eq3A_712, %lt3A_713 : vector<256x128xi1>
      %eq3A_715 = arith.constant dense<true> : vector<256x128xi1>
      %eq3A_716 = arith.xori %eq3A_714, %eq3A_715 : vector<256x128xi1>
      %select_n3A_717 = arith.select %eq3A_716, %min3A, %select_n3A_709 : vector<256x128xi1>, vector<256x128xf32>
      %slice3A_718 = vector.extract_strided_slice %select_n3A_717 {offsets = [0, 32], sizes = [256, 96], strides = [1, 1]} : vector<256x128xf32> to vector<256x96xf32>
      %slice3A_719 = vector.extract_strided_slice %select_n3A_717 {offsets = [0, 0], sizes = [256, 32], strides = [1, 1]} : vector<256x128xf32> to vector<256x32xf32>
      %concatenate3A_720 = tpu.concatenate %slice3A_718, %slice3A_719 in 1 : vector<256x96xf32>, vector<256x32xf32> -> vector<256x128xf32>
      %slice3A_721 = vector.extract_strided_slice %select_n3A_717 {offsets = [0, 96], sizes = [256, 32], strides = [1, 1]} : vector<256x128xf32> to vector<256x32xf32>
      %slice3A_722 = vector.extract_strided_slice %select_n3A_717 {offsets = [0, 0], sizes = [256, 96], strides = [1, 1]} : vector<256x128xf32> to vector<256x96xf32>
      %concatenate3A_723 = tpu.concatenate %slice3A_721, %slice3A_722 in 1 : vector<256x32xf32>, vector<256x96xf32> -> vector<256x128xf32>
      %and3A_724 = arith.constant 32 : i32
      %and3A_725 = vector.broadcast %and3A_724 : i32 to vector<256x128xi32>
      %and3A_726 = arith.andi %iota3A, %and3A_725 : vector<256x128xi32>
      %eq3A_727 = arith.constant 0 : i32
      %eq3A_728 = vector.broadcast %eq3A_727 : i32 to vector<256x128xi32>
      %eq3A_729 = arith.cmpi eq, %and3A_726, %eq3A_728 : vector<256x128xi32>
      %select_n3A_730 = arith.select %eq3A_729, %concatenate3A_720, %concatenate3A_723 : vector<256x128xi1>, vector<256x128xf32>
      %eq3A_731 = arith.xori %eq3A_729, %ge3A_696 : vector<256x128xi1>
      %eq3A_732 = arith.constant dense<true> : vector<256x128xi1>
      %eq3A_733 = arith.xori %eq3A_731, %eq3A_732 : vector<256x128xi1>
      %lt3A_734 = arith.cmpf olt, %select_n3A_717, %select_n3A_730 : vector<256x128xf32>
      %eq3A_735 = arith.xori %eq3A_733, %lt3A_734 : vector<256x128xi1>
      %eq3A_736 = arith.constant dense<true> : vector<256x128xi1>
      %eq3A_737 = arith.xori %eq3A_735, %eq3A_736 : vector<256x128xi1>
      %select_n3A_738 = arith.select %eq3A_737, %select_n3A_717, %select_n3A_730 : vector<256x128xi1>, vector<256x128xf32>
      %slice3A_739 = vector.extract_strided_slice %select_n3A_738 {offsets = [0, 16], sizes = [256, 112], strides = [1, 1]} : vector<256x128xf32> to vector<256x112xf32>
      %slice3A_740 = vector.extract_strided_slice %select_n3A_738 {offsets = [0, 0], sizes = [256, 16], strides = [1, 1]} : vector<256x128xf32> to vector<256x16xf32>
      %concatenate3A_741 = tpu.concatenate %slice3A_739, %slice3A_740 in 1 : vector<256x112xf32>, vector<256x16xf32> -> vector<256x128xf32>
      %slice3A_742 = vector.extract_strided_slice %select_n3A_738 {offsets = [0, 112], sizes = [256, 16], strides = [1, 1]} : vector<256x128xf32> to vector<256x16xf32>
      %slice3A_743 = vector.extract_strided_slice %select_n3A_738 {offsets = [0, 0], sizes = [256, 112], strides = [1, 1]} : vector<256x128xf32> to vector<256x112xf32>
      %concatenate3A_744 = tpu.concatenate %slice3A_742, %slice3A_743 in 1 : vector<256x16xf32>, vector<256x112xf32> -> vector<256x128xf32>
      %and3A_745 = arith.constant 16 : i32
      %and3A_746 = vector.broadcast %and3A_745 : i32 to vector<256x128xi32>
      %and3A_747 = arith.andi %iota3A, %and3A_746 : vector<256x128xi32>
      %eq3A_748 = arith.constant 0 : i32
      %eq3A_749 = vector.broadcast %eq3A_748 : i32 to vector<256x128xi32>
      %eq3A_750 = arith.cmpi eq, %and3A_747, %eq3A_749 : vector<256x128xi32>
      %select_n3A_751 = arith.select %eq3A_750, %concatenate3A_741, %concatenate3A_744 : vector<256x128xi1>, vector<256x128xf32>
      %eq3A_752 = arith.xori %eq3A_750, %ge3A_696 : vector<256x128xi1>
      %eq3A_753 = arith.constant dense<true> : vector<256x128xi1>
      %eq3A_754 = arith.xori %eq3A_752, %eq3A_753 : vector<256x128xi1>
      %lt3A_755 = arith.cmpf olt, %select_n3A_738, %select_n3A_751 : vector<256x128xf32>
      %eq3A_756 = arith.xori %eq3A_754, %lt3A_755 : vector<256x128xi1>
      %eq3A_757 = arith.constant dense<true> : vector<256x128xi1>
      %eq3A_758 = arith.xori %eq3A_756, %eq3A_757 : vector<256x128xi1>
      %select_n3A_759 = arith.select %eq3A_758, %select_n3A_738, %select_n3A_751 : vector<256x128xi1>, vector<256x128xf32>
      %slice3A_760 = vector.extract_strided_slice %select_n3A_759 {offsets = [0, 8], sizes = [256, 120], strides = [1, 1]} : vector<256x128xf32> to vector<256x120xf32>
      %slice3A_761 = vector.extract_strided_slice %select_n3A_759 {offsets = [0, 0], sizes = [256, 8], strides = [1, 1]} : vector<256x128xf32> to vector<256x8xf32>
      %concatenate3A_762 = tpu.concatenate %slice3A_760, %slice3A_761 in 1 : vector<256x120xf32>, vector<256x8xf32> -> vector<256x128xf32>
      %slice3A_763 = vector.extract_strided_slice %select_n3A_759 {offsets = [0, 120], sizes = [256, 8], strides = [1, 1]} : vector<256x128xf32> to vector<256x8xf32>
      %slice3A_764 = vector.extract_strided_slice %select_n3A_759 {offsets = [0, 0], sizes = [256, 120], strides = [1, 1]} : vector<256x128xf32> to vector<256x120xf32>
      %concatenate3A_765 = tpu.concatenate %slice3A_763, %slice3A_764 in 1 : vector<256x8xf32>, vector<256x120xf32> -> vector<256x128xf32>
      %and3A_766 = arith.constant 8 : i32
      %and3A_767 = vector.broadcast %and3A_766 : i32 to vector<256x128xi32>
      %and3A_768 = arith.andi %iota3A, %and3A_767 : vector<256x128xi32>
      %eq3A_769 = arith.constant 0 : i32
      %eq3A_770 = vector.broadcast %eq3A_769 : i32 to vector<256x128xi32>
      %eq3A_771 = arith.cmpi eq, %and3A_768, %eq3A_770 : vector<256x128xi32>
      %select_n3A_772 = arith.select %eq3A_771, %concatenate3A_762, %concatenate3A_765 : vector<256x128xi1>, vector<256x128xf32>
      %eq3A_773 = arith.xori %eq3A_771, %ge3A_696 : vector<256x128xi1>
      %eq3A_774 = arith.constant dense<true> : vector<256x128xi1>
      %eq3A_775 = arith.xori %eq3A_773, %eq3A_774 : vector<256x128xi1>
      %lt3A_776 = arith.cmpf olt, %select_n3A_759, %select_n3A_772 : vector<256x128xf32>
      %eq3A_777 = arith.xori %eq3A_775, %lt3A_776 : vector<256x128xi1>
      %eq3A_778 = arith.constant dense<true> : vector<256x128xi1>
      %eq3A_779 = arith.xori %eq3A_777, %eq3A_778 : vector<256x128xi1>
      %select_n3A_780 = arith.select %eq3A_779, %select_n3A_759, %select_n3A_772 : vector<256x128xi1>, vector<256x128xf32>
      %slice3A_781 = vector.extract_strided_slice %select_n3A_780 {offsets = [0, 4], sizes = [256, 124], strides = [1, 1]} : vector<256x128xf32> to vector<256x124xf32>
      %slice3A_782 = vector.extract_strided_slice %select_n3A_780 {offsets = [0, 0], sizes = [256, 4], strides = [1, 1]} : vector<256x128xf32> to vector<256x4xf32>
      %concatenate3A_783 = tpu.concatenate %slice3A_781, %slice3A_782 in 1 : vector<256x124xf32>, vector<256x4xf32> -> vector<256x128xf32>
      %slice3A_784 = vector.extract_strided_slice %select_n3A_780 {offsets = [0, 124], sizes = [256, 4], strides = [1, 1]} : vector<256x128xf32> to vector<256x4xf32>
      %slice3A_785 = vector.extract_strided_slice %select_n3A_780 {offsets = [0, 0], sizes = [256, 124], strides = [1, 1]} : vector<256x128xf32> to vector<256x124xf32>
      %concatenate3A_786 = tpu.concatenate %slice3A_784, %slice3A_785 in 1 : vector<256x4xf32>, vector<256x124xf32> -> vector<256x128xf32>
      %and3A_787 = arith.constant 4 : i32
      %and3A_788 = vector.broadcast %and3A_787 : i32 to vector<256x128xi32>
      %and3A_789 = arith.andi %iota3A, %and3A_788 : vector<256x128xi32>
      %eq3A_790 = arith.constant 0 : i32
      %eq3A_791 = vector.broadcast %eq3A_790 : i32 to vector<256x128xi32>
      %eq3A_792 = arith.cmpi eq, %and3A_789, %eq3A_791 : vector<256x128xi32>
      %select_n3A_793 = arith.select %eq3A_792, %concatenate3A_783, %concatenate3A_786 : vector<256x128xi1>, vector<256x128xf32>
      %eq3A_794 = arith.xori %eq3A_792, %ge3A_696 : vector<256x128xi1>
      %eq3A_795 = arith.constant dense<true> : vector<256x128xi1>
      %eq3A_796 = arith.xori %eq3A_794, %eq3A_795 : vector<256x128xi1>
      %lt3A_797 = arith.cmpf olt, %select_n3A_780, %select_n3A_793 : vector<256x128xf32>
      %eq3A_798 = arith.xori %eq3A_796, %lt3A_797 : vector<256x128xi1>
      %eq3A_799 = arith.constant dense<true> : vector<256x128xi1>
      %eq3A_800 = arith.xori %eq3A_798, %eq3A_799 : vector<256x128xi1>
      %select_n3A_801 = arith.select %eq3A_800, %select_n3A_780, %select_n3A_793 : vector<256x128xi1>, vector<256x128xf32>
      %slice3A_802 = vector.extract_strided_slice %select_n3A_801 {offsets = [0, 2], sizes = [256, 126], strides = [1, 1]} : vector<256x128xf32> to vector<256x126xf32>
      %slice3A_803 = vector.extract_strided_slice %select_n3A_801 {offsets = [0, 0], sizes = [256, 2], strides = [1, 1]} : vector<256x128xf32> to vector<256x2xf32>
      %concatenate3A_804 = tpu.concatenate %slice3A_802, %slice3A_803 in 1 : vector<256x126xf32>, vector<256x2xf32> -> vector<256x128xf32>
      %slice3A_805 = vector.extract_strided_slice %select_n3A_801 {offsets = [0, 126], sizes = [256, 2], strides = [1, 1]} : vector<256x128xf32> to vector<256x2xf32>
      %slice3A_806 = vector.extract_strided_slice %select_n3A_801 {offsets = [0, 0], sizes = [256, 126], strides = [1, 1]} : vector<256x128xf32> to vector<256x126xf32>
      %concatenate3A_807 = tpu.concatenate %slice3A_805, %slice3A_806 in 1 : vector<256x2xf32>, vector<256x126xf32> -> vector<256x128xf32>
      %and3A_808 = arith.constant 2 : i32
      %and3A_809 = vector.broadcast %and3A_808 : i32 to vector<256x128xi32>
      %and3A_810 = arith.andi %iota3A, %and3A_809 : vector<256x128xi32>
      %eq3A_811 = arith.constant 0 : i32
      %eq3A_812 = vector.broadcast %eq3A_811 : i32 to vector<256x128xi32>
      %eq3A_813 = arith.cmpi eq, %and3A_810, %eq3A_812 : vector<256x128xi32>
      %select_n3A_814 = arith.select %eq3A_813, %concatenate3A_804, %concatenate3A_807 : vector<256x128xi1>, vector<256x128xf32>
      %eq3A_815 = arith.xori %eq3A_813, %ge3A_696 : vector<256x128xi1>
      %eq3A_816 = arith.constant dense<true> : vector<256x128xi1>
      %eq3A_817 = arith.xori %eq3A_815, %eq3A_816 : vector<256x128xi1>
      %lt3A_818 = arith.cmpf olt, %select_n3A_801, %select_n3A_814 : vector<256x128xf32>
      %eq3A_819 = arith.xori %eq3A_817, %lt3A_818 : vector<256x128xi1>
      %eq3A_820 = arith.constant dense<true> : vector<256x128xi1>
      %eq3A_821 = arith.xori %eq3A_819, %eq3A_820 : vector<256x128xi1>
      %select_n3A_822 = arith.select %eq3A_821, %select_n3A_801, %select_n3A_814 : vector<256x128xi1>, vector<256x128xf32>
      %slice3A_823 = vector.extract_strided_slice %select_n3A_822 {offsets = [0, 1], sizes = [256, 127], strides = [1, 1]} : vector<256x128xf32> to vector<256x127xf32>
      %slice3A_824 = vector.extract_strided_slice %select_n3A_822 {offsets = [0, 0], sizes = [256, 1], strides = [1, 1]} : vector<256x128xf32> to vector<256x1xf32>
      %concatenate3A_825 = tpu.concatenate %slice3A_823, %slice3A_824 in 1 : vector<256x127xf32>, vector<256x1xf32> -> vector<256x128xf32>
      %slice3A_826 = vector.extract_strided_slice %select_n3A_822 {offsets = [0, 127], sizes = [256, 1], strides = [1, 1]} : vector<256x128xf32> to vector<256x1xf32>
      %slice3A_827 = vector.extract_strided_slice %select_n3A_822 {offsets = [0, 0], sizes = [256, 127], strides = [1, 1]} : vector<256x128xf32> to vector<256x127xf32>
      %concatenate3A_828 = tpu.concatenate %slice3A_826, %slice3A_827 in 1 : vector<256x1xf32>, vector<256x127xf32> -> vector<256x128xf32>
      %and3A_829 = arith.constant 1 : i32
      %and3A_830 = vector.broadcast %and3A_829 : i32 to vector<256x128xi32>
      %and3A_831 = arith.andi %iota3A, %and3A_830 : vector<256x128xi32>
      %eq3A_832 = arith.constant 0 : i32
      %eq3A_833 = vector.broadcast %eq3A_832 : i32 to vector<256x128xi32>
      %eq3A_834 = arith.cmpi eq, %and3A_831, %eq3A_833 : vector<256x128xi32>
      %select_n3A_835 = arith.select %eq3A_834, %concatenate3A_825, %concatenate3A_828 : vector<256x128xi1>, vector<256x128xf32>
      %eq3A_836 = arith.xori %eq3A_834, %ge3A_696 : vector<256x128xi1>
      %eq3A_837 = arith.constant dense<true> : vector<256x128xi1>
      %eq3A_838 = arith.xori %eq3A_836, %eq3A_837 : vector<256x128xi1>
      %lt3A_839 = arith.cmpf olt, %select_n3A_822, %select_n3A_835 : vector<256x128xf32>
      %eq3A_840 = arith.xori %eq3A_838, %lt3A_839 : vector<256x128xi1>
      %eq3A_841 = arith.constant dense<true> : vector<256x128xi1>
      %eq3A_842 = arith.xori %eq3A_840, %eq3A_841 : vector<256x128xi1>
      %select_n3A_843 = arith.select %eq3A_842, %select_n3A_822, %select_n3A_835 : vector<256x128xi1>, vector<256x128xf32>
      %swap3A_844 = arith.constant 0 : index
      %swap3A_845 = arith.constant 0 : index
      %swap3A_846 = vector.load %arg8[%swap3A_844, %swap3A_845] : memref<256x128xf32, #tpu.memory_space<vmem>>, vector<256x128xf32>
      tpu.vector_store %arg8[%swap3A_844, %swap3A_845], %select_n3A_843 {strides = array<i32>} : memref<256x128xf32, #tpu.memory_space<vmem>>, vector<256x128xf32>,
    } else {
    }
    %eq3A_46 = arith.constant 783 : i32
    %eq3A_47 = arith.cmpi eq, %arg1, %eq3A_46 : i32
    %convert_element_type3A_48 = arith.extui %eq3A_47 : i1 to i32
    %cond3A_49 = arith.constant 0 : i32
    %cond3A_50 = arith.cmpi ne, %convert_element_type3A_48, %cond3A_49 : i32
    scf.if %cond3A_50 {
      %get3A_51 = arith.constant 0 : index
      %get3A_52 = arith.constant 127 : index
      %get3A_53 = vector.load %arg8[%get3A_51, %get3A_52] : memref<256x128xf32, #tpu.memory_space<vmem>>, vector<256x1xf32>
      %swap3A_54 = arith.constant 0 : index
      %swap3A_55 = arith.constant 0 : index
      %swap3A_56 = vector.load %arg7[%swap3A_54, %swap3A_55] : memref<256x1xf32, #tpu.memory_space<vmem>>, vector<256x1xf32>
      tpu.vector_store %arg7[%swap3A_54, %swap3A_55], %get3A_53 {strides = array<i32>} : memref<256x1xf32, #tpu.memory_space<vmem>>, vector<256x1xf32>,
    } else {
    }
    return
  }
  func.func @transform_0(%arg0: i32, %arg1: i32) -> (i32, i32) {
    %c0_i32 = arith.constant 0 : i32
    %c0_i32_0 = arith.constant 0 : i32
    return %arg0, %c0_i32 : i32, i32
  }
  func.func @transform_1(%arg0: i32, %arg1: i32) -> (i32, i32) {
    %c0_i32 = arith.constant 0 : i32
    %c0_i32_0 = arith.constant 0 : i32
    return %arg1, %c0_i32 : i32, i32
  }
  func.func @transform_2(%arg0: i32, %arg1: i32) -> (i32, i32) {
    %c0_i32 = arith.constant 0 : i32
    %c0_i32_0 = arith.constant 0 : i32
    return %arg0, %c0_i32 : i32, i32
  }
  func.func @transform_3(%arg0: i32, %arg1: i32) -> (i32, i32, i32) {
    %c0_i32 = arith.constant 0 : i32
    %c0_i32_0 = arith.constant 0 : i32
    %c0_i32_1 = arith.constant 0 : i32
    return %arg1, %c0_i32, %c0_i32_0 : i32, i32, i32
  }
  func.func @transform_4(%arg0: i32, %arg1: i32) -> (i32, i32) {
    %c0_i32 = arith.constant 0 : i32
    return %arg0, %arg1 : i32, i32
  }
  func.func @transform_5(%arg0: i32, %arg1: i32) -> (i32, i32) {
    %c0_i32 = arith.constant 0 : i32
    %c0_i32_0 = arith.constant 0 : i32
    return %arg0, %c0_i32 : i32, i32
  }
}

module attributes {stable_mosaic.version = 14 : i64} {
  func.func @_finish_body(%arg0: i32, %arg1: i32, %arg2: memref<256x128xf32, #tpu.memory_space<vmem>>, %arg3: memref<256x128xi32, #tpu.memory_space<vmem>>, %arg4: memref<256x128xf32, #tpu.memory_space<vmem>>, %arg5: memref<256x128xi32, #tpu.memory_space<vmem>>, %arg6: memref<256x128xf32, #tpu.memory_space<vmem>>, %arg7: memref<256x128xi32, #tpu.memory_space<vmem>>) attributes {dimension_semantics = [#tpu.dimension_semantics<arbitrary>, #tpu.dimension_semantics<arbitrary>], iteration_bounds = array<i64: 1, 32>, scalar_prefetch = 0 : i64, scratch_operands = 2 : i64, tpu.core_type = #tpu.core_type<tc>, window_params = [{transform_indices = @transform_0, window_bounds = array<i64: 256, 128>}, {transform_indices = @transform_1, window_bounds = array<i64: 256, 128>}, {transform_indices = @transform_2, window_bounds = array<i64: 256, 128>}, {transform_indices = @transform_3, window_bounds = array<i64: 256, 128>}]} {
    %eq3A = arith.constant 0 : i32
    %eq3A_0 = arith.cmpi eq, %arg1, %eq3A : i32
    %convert_element_type3A = arith.extui %eq3A_0 : i1 to i32
    %cond3A = arith.constant 0 : i32
    %cond3A_1 = arith.cmpi ne, %convert_element_type3A, %cond3A : i32
    scf.if %cond3A_1 {
      %broadcast_in_dim3A = arith.constant 0x7F800000 : f32
      %broadcast_in_dim3A_25 = vector.broadcast %broadcast_in_dim3A : f32 to vector<256x128xf32>
      %swap3A = arith.constant 0 : index
      %swap3A_26 = arith.constant 0 : index
      %swap3A_27 = vector.load %arg6[%swap3A, %swap3A_26] : memref<256x128xf32, #tpu.memory_space<vmem>>, vector<256x128xf32>
      tpu.vector_store %arg6[%swap3A, %swap3A_26], %broadcast_in_dim3A_25 {strides = array<i32>} : memref<256x128xf32, #tpu.memory_space<vmem>>, vector<256x128xf32>,
      %broadcast_in_dim3A_28 = arith.constant 1073741824 : i32
      %broadcast_in_dim3A_29 = vector.broadcast %broadcast_in_dim3A_28 : i32 to vector<256x128xi32>
      %swap3A_30 = arith.constant 0 : index
      %swap3A_31 = arith.constant 0 : index
      %swap3A_32 = vector.load %arg7[%swap3A_30, %swap3A_31] : memref<256x128xi32, #tpu.memory_space<vmem>>, vector<256x128xi32>
      tpu.vector_store %arg7[%swap3A_30, %swap3A_31], %broadcast_in_dim3A_29 {strides = array<i32>} : memref<256x128xi32, #tpu.memory_space<vmem>>, vector<256x128xi32>,
    } else {
    }
    %get3A = arith.constant 0 : index
    %get3A_2 = arith.constant 0 : index
    %get3A_3 = vector.load %arg2[%get3A, %get3A_2] : memref<256x128xf32, #tpu.memory_space<vmem>>, vector<256x128xf32>
    %slice3A = vector.extract_strided_slice %get3A_3 {offsets = [0, 0], sizes = [256, 1], strides = [1, 1]} : vector<256x128xf32> to vector<256x1xf32>
    %ne3A = arith.constant 0x7F800000 : f32
    %ne3A_4 = vector.broadcast %ne3A : f32 to vector<256x1xf32>
    %ne3A_5 = arith.cmpf one, %slice3A, %ne3A_4 : vector<256x1xf32>
    %reduce_or3A = arith.constant 1.000000e+00 : f32
    %reduce_or3A_6 = arith.constant 0.000000e+00 : f32
    %reduce_or3A_7 = vector.broadcast %reduce_or3A : f32 to vector<256x1xf32>
    %reduce_or3A_8 = vector.broadcast %reduce_or3A_6 : f32 to vector<256x1xf32>
    %reduce_or3A_9 = arith.select %ne3A_5, %reduce_or3A_7, %reduce_or3A_8 : vector<256x1xi1>, vector<256x1xf32>
    %reduce_or3A_10 = vector.shape_cast %reduce_or3A_9 : vector<256x1xf32> to vector<1x256x1xf32>
    %reduce_or3A_11 = arith.constant dense<0xFF800000> : vector<1xf32>
    %reduce_or3A_12 = vector.multi_reduction <maximumf>, %reduce_or3A_10, %reduce_or3A_11 [1, 2] : vector<1x256x1xf32> to vector<1xf32>
    %reduce_or3A_13 = vector.shape_cast %reduce_or3A_12 : vector<1xf32> to vector<1x1x1xf32>
    %reduce_or3A_14 = vector.extract %reduce_or3A_13[0, 0, 0] : f32 from vector<1x1x1xf32>
    %reduce_or3A_15 = arith.constant 0.000000e+00 : f32
    %reduce_or3A_16 = arith.cmpf ogt, %reduce_or3A_14, %reduce_or3A_15 : f32
    %convert_element_type3A_17 = arith.extui %reduce_or3A_16 : i1 to i32
    %cond3A_18 = arith.constant 0 : i32
    %cond3A_19 = arith.cmpi ne, %convert_element_type3A_17, %cond3A_18 : i32
    scf.if %cond3A_19 {
      %get3A_25 = arith.constant 0 : index
      %get3A_26 = arith.constant 0 : index
      %get3A_27 = vector.load %arg3[%get3A_25, %get3A_26] : memref<256x128xi32, #tpu.memory_space<vmem>>, vector<256x128xi32>
      %iota3A = tpu.iota {dimensions = array<i32: 1>} : vector<256x128xi32>
      %and3A = arith.constant 2 : i32
      %and3A_28 = vector.broadcast %and3A : i32 to vector<256x128xi32>
      %and3A_29 = arith.andi %iota3A, %and3A_28 : vector<256x128xi32>
      %eq3A_30 = arith.constant 0 : i32
      %eq3A_31 = vector.broadcast %eq3A_30 : i32 to vector<256x128xi32>
      %eq3A_32 = arith.cmpi eq, %and3A_29, %eq3A_31 : vector<256x128xi32>
      %not3A = arith.constant dense<true> : vector<256x128xi1>
      %not3A_33 = arith.xori %eq3A_32, %not3A : vector<256x128xi1>
      %slice3A_34 = vector.extract_strided_slice %get3A_3 {offsets = [0, 1], sizes = [256, 127], strides = [1, 1]} : vector<256x128xf32> to vector<256x127xf32>
      %slice3A_35 = vector.extract_strided_slice %get3A_3 {offsets = [0, 0], sizes = [256, 1], strides = [1, 1]} : vector<256x128xf32> to vector<256x1xf32>
      %concatenate3A = tpu.concatenate %slice3A_34, %slice3A_35 in 1 : vector<256x127xf32>, vector<256x1xf32> -> vector<256x128xf32>
      %slice3A_36 = vector.extract_strided_slice %get3A_3 {offsets = [0, 127], sizes = [256, 1], strides = [1, 1]} : vector<256x128xf32> to vector<256x1xf32>
      %slice3A_37 = vector.extract_strided_slice %get3A_3 {offsets = [0, 0], sizes = [256, 127], strides = [1, 1]} : vector<256x128xf32> to vector<256x127xf32>
      %concatenate3A_38 = tpu.concatenate %slice3A_36, %slice3A_37 in 1 : vector<256x1xf32>, vector<256x127xf32> -> vector<256x128xf32>
      %slice3A_39 = vector.extract_strided_slice %get3A_27 {offsets = [0, 1], sizes = [256, 127], strides = [1, 1]} : vector<256x128xi32> to vector<256x127xi32>
      %slice3A_40 = vector.extract_strided_slice %get3A_27 {offsets = [0, 0], sizes = [256, 1], strides = [1, 1]} : vector<256x128xi32> to vector<256x1xi32>
      %concatenate3A_41 = tpu.concatenate %slice3A_39, %slice3A_40 in 1 : vector<256x127xi32>, vector<256x1xi32> -> vector<256x128xi32>
      %slice3A_42 = vector.extract_strided_slice %get3A_27 {offsets = [0, 127], sizes = [256, 1], strides = [1, 1]} : vector<256x128xi32> to vector<256x1xi32>
      %slice3A_43 = vector.extract_strided_slice %get3A_27 {offsets = [0, 0], sizes = [256, 127], strides = [1, 1]} : vector<256x128xi32> to vector<256x127xi32>
      %concatenate3A_44 = tpu.concatenate %slice3A_42, %slice3A_43 in 1 : vector<256x1xi32>, vector<256x127xi32> -> vector<256x128xi32>
      %and3A_45 = arith.constant 1 : i32
      %and3A_46 = vector.broadcast %and3A_45 : i32 to vector<256x128xi32>
      %and3A_47 = arith.andi %iota3A, %and3A_46 : vector<256x128xi32>
      %eq3A_48 = arith.constant 0 : i32
      %eq3A_49 = vector.broadcast %eq3A_48 : i32 to vector<256x128xi32>
      %eq3A_50 = arith.cmpi eq, %and3A_47, %eq3A_49 : vector<256x128xi32>
      %select_n3A = arith.select %eq3A_50, %concatenate3A, %concatenate3A_38 : vector<256x128xi1>, vector<256x128xf32>
      %select_n3A_51 = arith.select %eq3A_50, %concatenate3A_41, %concatenate3A_44 : vector<256x128xi1>, vector<256x128xi32>
      %lt3A = arith.cmpf olt, %get3A_3, %select_n3A : vector<256x128xf32>
      %eq3A_52 = arith.cmpf oeq, %get3A_3, %select_n3A : vector<256x128xf32>
      %lt3A_53 = arith.cmpi slt, %get3A_27, %select_n3A_51 : vector<256x128xi32>
      %and3A_54 = arith.andi %eq3A_52, %lt3A_53 : vector<256x128xi1>
      %or3A = arith.ori %lt3A, %and3A_54 : vector<256x128xi1>
      %eq3A_55 = arith.xori %eq3A_50, %not3A_33 : vector<256x128xi1>
      %eq3A_56 = arith.constant dense<true> : vector<256x128xi1>
      %eq3A_57 = arith.xori %eq3A_55, %eq3A_56 : vector<256x128xi1>
      %eq3A_58 = arith.xori %eq3A_57, %or3A : vector<256x128xi1>
      %eq3A_59 = arith.constant dense<true> : vector<256x128xi1>
      %eq3A_60 = arith.xori %eq3A_58, %eq3A_59 : vector<256x128xi1>
      %select_n3A_61 = arith.select %eq3A_60, %get3A_3, %select_n3A : vector<256x128xi1>, vector<256x128xf32>
      %select_n3A_62 = arith.select %eq3A_60, %get3A_27, %select_n3A_51 : vector<256x128xi1>, vector<256x128xi32>
      %and3A_63 = arith.constant 4 : i32
      %and3A_64 = vector.broadcast %and3A_63 : i32 to vector<256x128xi32>
      %and3A_65 = arith.andi %iota3A, %and3A_64 : vector<256x128xi32>
      %eq3A_66 = arith.constant 0 : i32
      %eq3A_67 = vector.broadcast %eq3A_66 : i32 to vector<256x128xi32>
      %eq3A_68 = arith.cmpi eq, %and3A_65, %eq3A_67 : vector<256x128xi32>
      %not3A_69 = arith.constant dense<true> : vector<256x128xi1>
      %not3A_70 = arith.xori %eq3A_68, %not3A_69 : vector<256x128xi1>
      %slice3A_71 = vector.extract_strided_slice %select_n3A_61 {offsets = [0, 2], sizes = [256, 126], strides = [1, 1]} : vector<256x128xf32> to vector<256x126xf32>
      %slice3A_72 = vector.extract_strided_slice %select_n3A_61 {offsets = [0, 0], sizes = [256, 2], strides = [1, 1]} : vector<256x128xf32> to vector<256x2xf32>
      %concatenate3A_73 = tpu.concatenate %slice3A_71, %slice3A_72 in 1 : vector<256x126xf32>, vector<256x2xf32> -> vector<256x128xf32>
      %slice3A_74 = vector.extract_strided_slice %select_n3A_61 {offsets = [0, 126], sizes = [256, 2], strides = [1, 1]} : vector<256x128xf32> to vector<256x2xf32>
      %slice3A_75 = vector.extract_strided_slice %select_n3A_61 {offsets = [0, 0], sizes = [256, 126], strides = [1, 1]} : vector<256x128xf32> to vector<256x126xf32>
      %concatenate3A_76 = tpu.concatenate %slice3A_74, %slice3A_75 in 1 : vector<256x2xf32>, vector<256x126xf32> -> vector<256x128xf32>
      %slice3A_77 = vector.extract_strided_slice %select_n3A_62 {offsets = [0, 2], sizes = [256, 126], strides = [1, 1]} : vector<256x128xi32> to vector<256x126xi32>
      %slice3A_78 = vector.extract_strided_slice %select_n3A_62 {offsets = [0, 0], sizes = [256, 2], strides = [1, 1]} : vector<256x128xi32> to vector<256x2xi32>
      %concatenate3A_79 = tpu.concatenate %slice3A_77, %slice3A_78 in 1 : vector<256x126xi32>, vector<256x2xi32> -> vector<256x128xi32>
      %slice3A_80 = vector.extract_strided_slice %select_n3A_62 {offsets = [0, 126], sizes = [256, 2], strides = [1, 1]} : vector<256x128xi32> to vector<256x2xi32>
      %slice3A_81 = vector.extract_strided_slice %select_n3A_62 {offsets = [0, 0], sizes = [256, 126], strides = [1, 1]} : vector<256x128xi32> to vector<256x126xi32>
      %concatenate3A_82 = tpu.concatenate %slice3A_80, %slice3A_81 in 1 : vector<256x2xi32>, vector<256x126xi32> -> vector<256x128xi32>
      %and3A_83 = arith.constant 2 : i32
      %and3A_84 = vector.broadcast %and3A_83 : i32 to vector<256x128xi32>
      %and3A_85 = arith.andi %iota3A, %and3A_84 : vector<256x128xi32>
      %eq3A_86 = arith.constant 0 : i32
      %eq3A_87 = vector.broadcast %eq3A_86 : i32 to vector<256x128xi32>
      %eq3A_88 = arith.cmpi eq, %and3A_85, %eq3A_87 : vector<256x128xi32>
      %select_n3A_89 = arith.select %eq3A_88, %concatenate3A_73, %concatenate3A_76 : vector<256x128xi1>, vector<256x128xf32>
      %select_n3A_90 = arith.select %eq3A_88, %concatenate3A_79, %concatenate3A_82 : vector<256x128xi1>, vector<256x128xi32>
      %lt3A_91 = arith.cmpf olt, %select_n3A_61, %select_n3A_89 : vector<256x128xf32>
      %eq3A_92 = arith.cmpf oeq, %select_n3A_61, %select_n3A_89 : vector<256x128xf32>
      %lt3A_93 = arith.cmpi slt, %select_n3A_62, %select_n3A_90 : vector<256x128xi32>
      %and3A_94 = arith.andi %eq3A_92, %lt3A_93 : vector<256x128xi1>
      %or3A_95 = arith.ori %lt3A_91, %and3A_94 : vector<256x128xi1>
      %eq3A_96 = arith.xori %eq3A_88, %not3A_70 : vector<256x128xi1>
      %eq3A_97 = arith.constant dense<true> : vector<256x128xi1>
      %eq3A_98 = arith.xori %eq3A_96, %eq3A_97 : vector<256x128xi1>
      %eq3A_99 = arith.xori %eq3A_98, %or3A_95 : vector<256x128xi1>
      %eq3A_100 = arith.constant dense<true> : vector<256x128xi1>
      %eq3A_101 = arith.xori %eq3A_99, %eq3A_100 : vector<256x128xi1>
      %select_n3A_102 = arith.select %eq3A_101, %select_n3A_61, %select_n3A_89 : vector<256x128xi1>, vector<256x128xf32>
      %select_n3A_103 = arith.select %eq3A_101, %select_n3A_62, %select_n3A_90 : vector<256x128xi1>, vector<256x128xi32>
      %slice3A_104 = vector.extract_strided_slice %select_n3A_102 {offsets = [0, 1], sizes = [256, 127], strides = [1, 1]} : vector<256x128xf32> to vector<256x127xf32>
      %slice3A_105 = vector.extract_strided_slice %select_n3A_102 {offsets = [0, 0], sizes = [256, 1], strides = [1, 1]} : vector<256x128xf32> to vector<256x1xf32>
      %concatenate3A_106 = tpu.concatenate %slice3A_104, %slice3A_105 in 1 : vector<256x127xf32>, vector<256x1xf32> -> vector<256x128xf32>
      %slice3A_107 = vector.extract_strided_slice %select_n3A_102 {offsets = [0, 127], sizes = [256, 1], strides = [1, 1]} : vector<256x128xf32> to vector<256x1xf32>
      %slice3A_108 = vector.extract_strided_slice %select_n3A_102 {offsets = [0, 0], sizes = [256, 127], strides = [1, 1]} : vector<256x128xf32> to vector<256x127xf32>
      %concatenate3A_109 = tpu.concatenate %slice3A_107, %slice3A_108 in 1 : vector<256x1xf32>, vector<256x127xf32> -> vector<256x128xf32>
      %slice3A_110 = vector.extract_strided_slice %select_n3A_103 {offsets = [0, 1], sizes = [256, 127], strides = [1, 1]} : vector<256x128xi32> to vector<256x127xi32>
      %slice3A_111 = vector.extract_strided_slice %select_n3A_103 {offsets = [0, 0], sizes = [256, 1], strides = [1, 1]} : vector<256x128xi32> to vector<256x1xi32>
      %concatenate3A_112 = tpu.concatenate %slice3A_110, %slice3A_111 in 1 : vector<256x127xi32>, vector<256x1xi32> -> vector<256x128xi32>
      %slice3A_113 = vector.extract_strided_slice %select_n3A_103 {offsets = [0, 127], sizes = [256, 1], strides = [1, 1]} : vector<256x128xi32> to vector<256x1xi32>
      %slice3A_114 = vector.extract_strided_slice %select_n3A_103 {offsets = [0, 0], sizes = [256, 127], strides = [1, 1]} : vector<256x128xi32> to vector<256x127xi32>
      %concatenate3A_115 = tpu.concatenate %slice3A_113, %slice3A_114 in 1 : vector<256x1xi32>, vector<256x127xi32> -> vector<256x128xi32>
      %and3A_116 = arith.constant 1 : i32
      %and3A_117 = vector.broadcast %and3A_116 : i32 to vector<256x128xi32>
      %and3A_118 = arith.andi %iota3A, %and3A_117 : vector<256x128xi32>
      %eq3A_119 = arith.constant 0 : i32
      %eq3A_120 = vector.broadcast %eq3A_119 : i32 to vector<256x128xi32>
      %eq3A_121 = arith.cmpi eq, %and3A_118, %eq3A_120 : vector<256x128xi32>
      %select_n3A_122 = arith.select %eq3A_121, %concatenate3A_106, %concatenate3A_109 : vector<256x128xi1>, vector<256x128xf32>
      %select_n3A_123 = arith.select %eq3A_121, %concatenate3A_112, %concatenate3A_115 : vector<256x128xi1>, vector<256x128xi32>
      %lt3A_124 = arith.cmpf olt, %select_n3A_102, %select_n3A_122 : vector<256x128xf32>
      %eq3A_125 = arith.cmpf oeq, %select_n3A_102, %select_n3A_122 : vector<256x128xf32>
      %lt3A_126 = arith.cmpi slt, %select_n3A_103, %select_n3A_123 : vector<256x128xi32>
      %and3A_127 = arith.andi %eq3A_125, %lt3A_126 : vector<256x128xi1>
      %or3A_128 = arith.ori %lt3A_124, %and3A_127 : vector<256x128xi1>
      %eq3A_129 = arith.xori %eq3A_121, %not3A_70 : vector<256x128xi1>
      %eq3A_130 = arith.constant dense<true> : vector<256x128xi1>
      %eq3A_131 = arith.xori %eq3A_129, %eq3A_130 : vector<256x128xi1>
      %eq3A_132 = arith.xori %eq3A_131, %or3A_128 : vector<256x128xi1>
      %eq3A_133 = arith.constant dense<true> : vector<256x128xi1>
      %eq3A_134 = arith.xori %eq3A_132, %eq3A_133 : vector<256x128xi1>
      %select_n3A_135 = arith.select %eq3A_134, %select_n3A_102, %select_n3A_122 : vector<256x128xi1>, vector<256x128xf32>
      %select_n3A_136 = arith.select %eq3A_134, %select_n3A_103, %select_n3A_123 : vector<256x128xi1>, vector<256x128xi32>
      %and3A_137 = arith.constant 8 : i32
      %and3A_138 = vector.broadcast %and3A_137 : i32 to vector<256x128xi32>
      %and3A_139 = arith.andi %iota3A, %and3A_138 : vector<256x128xi32>
      %eq3A_140 = arith.constant 0 : i32
      %eq3A_141 = vector.broadcast %eq3A_140 : i32 to vector<256x128xi32>
      %eq3A_142 = arith.cmpi eq, %and3A_139, %eq3A_141 : vector<256x128xi32>
      %not3A_143 = arith.constant dense<true> : vector<256x128xi1>
      %not3A_144 = arith.xori %eq3A_142, %not3A_143 : vector<256x128xi1>
      %slice3A_145 = vector.extract_strided_slice %select_n3A_135 {offsets = [0, 4], sizes = [256, 124], strides = [1, 1]} : vector<256x128xf32> to vector<256x124xf32>
      %slice3A_146 = vector.extract_strided_slice %select_n3A_135 {offsets = [0, 0], sizes = [256, 4], strides = [1, 1]} : vector<256x128xf32> to vector<256x4xf32>
      %concatenate3A_147 = tpu.concatenate %slice3A_145, %slice3A_146 in 1 : vector<256x124xf32>, vector<256x4xf32> -> vector<256x128xf32>
      %slice3A_148 = vector.extract_strided_slice %select_n3A_135 {offsets = [0, 124], sizes = [256, 4], strides = [1, 1]} : vector<256x128xf32> to vector<256x4xf32>
      %slice3A_149 = vector.extract_strided_slice %select_n3A_135 {offsets = [0, 0], sizes = [256, 124], strides = [1, 1]} : vector<256x128xf32> to vector<256x124xf32>
      %concatenate3A_150 = tpu.concatenate %slice3A_148, %slice3A_149 in 1 : vector<256x4xf32>, vector<256x124xf32> -> vector<256x128xf32>
      %slice3A_151 = vector.extract_strided_slice %select_n3A_136 {offsets = [0, 4], sizes = [256, 124], strides = [1, 1]} : vector<256x128xi32> to vector<256x124xi32>
      %slice3A_152 = vector.extract_strided_slice %select_n3A_136 {offsets = [0, 0], sizes = [256, 4], strides = [1, 1]} : vector<256x128xi32> to vector<256x4xi32>
      %concatenate3A_153 = tpu.concatenate %slice3A_151, %slice3A_152 in 1 : vector<256x124xi32>, vector<256x4xi32> -> vector<256x128xi32>
      %slice3A_154 = vector.extract_strided_slice %select_n3A_136 {offsets = [0, 124], sizes = [256, 4], strides = [1, 1]} : vector<256x128xi32> to vector<256x4xi32>
      %slice3A_155 = vector.extract_strided_slice %select_n3A_136 {offsets = [0, 0], sizes = [256, 124], strides = [1, 1]} : vector<256x128xi32> to vector<256x124xi32>
      %concatenate3A_156 = tpu.concatenate %slice3A_154, %slice3A_155 in 1 : vector<256x4xi32>, vector<256x124xi32> -> vector<256x128xi32>
      %and3A_157 = arith.constant 4 : i32
      %and3A_158 = vector.broadcast %and3A_157 : i32 to vector<256x128xi32>
      %and3A_159 = arith.andi %iota3A, %and3A_158 : vector<256x128xi32>
      %eq3A_160 = arith.constant 0 : i32
      %eq3A_161 = vector.broadcast %eq3A_160 : i32 to vector<256x128xi32>
      %eq3A_162 = arith.cmpi eq, %and3A_159, %eq3A_161 : vector<256x128xi32>
      %select_n3A_163 = arith.select %eq3A_162, %concatenate3A_147, %concatenate3A_150 : vector<256x128xi1>, vector<256x128xf32>
      %select_n3A_164 = arith.select %eq3A_162, %concatenate3A_153, %concatenate3A_156 : vector<256x128xi1>, vector<256x128xi32>
      %lt3A_165 = arith.cmpf olt, %select_n3A_135, %select_n3A_163 : vector<256x128xf32>
      %eq3A_166 = arith.cmpf oeq, %select_n3A_135, %select_n3A_163 : vector<256x128xf32>
      %lt3A_167 = arith.cmpi slt, %select_n3A_136, %select_n3A_164 : vector<256x128xi32>
      %and3A_168 = arith.andi %eq3A_166, %lt3A_167 : vector<256x128xi1>
      %or3A_169 = arith.ori %lt3A_165, %and3A_168 : vector<256x128xi1>
      %eq3A_170 = arith.xori %eq3A_162, %not3A_144 : vector<256x128xi1>
      %eq3A_171 = arith.constant dense<true> : vector<256x128xi1>
      %eq3A_172 = arith.xori %eq3A_170, %eq3A_171 : vector<256x128xi1>
      %eq3A_173 = arith.xori %eq3A_172, %or3A_169 : vector<256x128xi1>
      %eq3A_174 = arith.constant dense<true> : vector<256x128xi1>
      %eq3A_175 = arith.xori %eq3A_173, %eq3A_174 : vector<256x128xi1>
      %select_n3A_176 = arith.select %eq3A_175, %select_n3A_135, %select_n3A_163 : vector<256x128xi1>, vector<256x128xf32>
      %select_n3A_177 = arith.select %eq3A_175, %select_n3A_136, %select_n3A_164 : vector<256x128xi1>, vector<256x128xi32>
      %slice3A_178 = vector.extract_strided_slice %select_n3A_176 {offsets = [0, 2], sizes = [256, 126], strides = [1, 1]} : vector<256x128xf32> to vector<256x126xf32>
      %slice3A_179 = vector.extract_strided_slice %select_n3A_176 {offsets = [0, 0], sizes = [256, 2], strides = [1, 1]} : vector<256x128xf32> to vector<256x2xf32>
      %concatenate3A_180 = tpu.concatenate %slice3A_178, %slice3A_179 in 1 : vector<256x126xf32>, vector<256x2xf32> -> vector<256x128xf32>
      %slice3A_181 = vector.extract_strided_slice %select_n3A_176 {offsets = [0, 126], sizes = [256, 2], strides = [1, 1]} : vector<256x128xf32> to vector<256x2xf32>
      %slice3A_182 = vector.extract_strided_slice %select_n3A_176 {offsets = [0, 0], sizes = [256, 126], strides = [1, 1]} : vector<256x128xf32> to vector<256x126xf32>
      %concatenate3A_183 = tpu.concatenate %slice3A_181, %slice3A_182 in 1 : vector<256x2xf32>, vector<256x126xf32> -> vector<256x128xf32>
      %slice3A_184 = vector.extract_strided_slice %select_n3A_177 {offsets = [0, 2], sizes = [256, 126], strides = [1, 1]} : vector<256x128xi32> to vector<256x126xi32>
      %slice3A_185 = vector.extract_strided_slice %select_n3A_177 {offsets = [0, 0], sizes = [256, 2], strides = [1, 1]} : vector<256x128xi32> to vector<256x2xi32>
      %concatenate3A_186 = tpu.concatenate %slice3A_184, %slice3A_185 in 1 : vector<256x126xi32>, vector<256x2xi32> -> vector<256x128xi32>
      %slice3A_187 = vector.extract_strided_slice %select_n3A_177 {offsets = [0, 126], sizes = [256, 2], strides = [1, 1]} : vector<256x128xi32> to vector<256x2xi32>
      %slice3A_188 = vector.extract_strided_slice %select_n3A_177 {offsets = [0, 0], sizes = [256, 126], strides = [1, 1]} : vector<256x128xi32> to vector<256x126xi32>
      %concatenate3A_189 = tpu.concatenate %slice3A_187, %slice3A_188 in 1 : vector<256x2xi32>, vector<256x126xi32> -> vector<256x128xi32>
      %and3A_190 = arith.constant 2 : i32
      %and3A_191 = vector.broadcast %and3A_190 : i32 to vector<256x128xi32>
      %and3A_192 = arith.andi %iota3A, %and3A_191 : vector<256x128xi32>
      %eq3A_193 = arith.constant 0 : i32
      %eq3A_194 = vector.broadcast %eq3A_193 : i32 to vector<256x128xi32>
      %eq3A_195 = arith.cmpi eq, %and3A_192, %eq3A_194 : vector<256x128xi32>
      %select_n3A_196 = arith.select %eq3A_195, %concatenate3A_180, %concatenate3A_183 : vector<256x128xi1>, vector<256x128xf32>
      %select_n3A_197 = arith.select %eq3A_195, %concatenate3A_186, %concatenate3A_189 : vector<256x128xi1>, vector<256x128xi32>
      %lt3A_198 = arith.cmpf olt, %select_n3A_176, %select_n3A_196 : vector<256x128xf32>
      %eq3A_199 = arith.cmpf oeq, %select_n3A_176, %select_n3A_196 : vector<256x128xf32>
      %lt3A_200 = arith.cmpi slt, %select_n3A_177, %select_n3A_197 : vector<256x128xi32>
      %and3A_201 = arith.andi %eq3A_199, %lt3A_200 : vector<256x128xi1>
      %or3A_202 = arith.ori %lt3A_198, %and3A_201 : vector<256x128xi1>
      %eq3A_203 = arith.xori %eq3A_195, %not3A_144 : vector<256x128xi1>
      %eq3A_204 = arith.constant dense<true> : vector<256x128xi1>
      %eq3A_205 = arith.xori %eq3A_203, %eq3A_204 : vector<256x128xi1>
      %eq3A_206 = arith.xori %eq3A_205, %or3A_202 : vector<256x128xi1>
      %eq3A_207 = arith.constant dense<true> : vector<256x128xi1>
      %eq3A_208 = arith.xori %eq3A_206, %eq3A_207 : vector<256x128xi1>
      %select_n3A_209 = arith.select %eq3A_208, %select_n3A_176, %select_n3A_196 : vector<256x128xi1>, vector<256x128xf32>
      %select_n3A_210 = arith.select %eq3A_208, %select_n3A_177, %select_n3A_197 : vector<256x128xi1>, vector<256x128xi32>
      %slice3A_211 = vector.extract_strided_slice %select_n3A_209 {offsets = [0, 1], sizes = [256, 127], strides = [1, 1]} : vector<256x128xf32> to vector<256x127xf32>
      %slice3A_212 = vector.extract_strided_slice %select_n3A_209 {offsets = [0, 0], sizes = [256, 1], strides = [1, 1]} : vector<256x128xf32> to vector<256x1xf32>
      %concatenate3A_213 = tpu.concatenate %slice3A_211, %slice3A_212 in 1 : vector<256x127xf32>, vector<256x1xf32> -> vector<256x128xf32>
      %slice3A_214 = vector.extract_strided_slice %select_n3A_209 {offsets = [0, 127], sizes = [256, 1], strides = [1, 1]} : vector<256x128xf32> to vector<256x1xf32>
      %slice3A_215 = vector.extract_strided_slice %select_n3A_209 {offsets = [0, 0], sizes = [256, 127], strides = [1, 1]} : vector<256x128xf32> to vector<256x127xf32>
      %concatenate3A_216 = tpu.concatenate %slice3A_214, %slice3A_215 in 1 : vector<256x1xf32>, vector<256x127xf32> -> vector<256x128xf32>
      %slice3A_217 = vector.extract_strided_slice %select_n3A_210 {offsets = [0, 1], sizes = [256, 127], strides = [1, 1]} : vector<256x128xi32> to vector<256x127xi32>
      %slice3A_218 = vector.extract_strided_slice %select_n3A_210 {offsets = [0, 0], sizes = [256, 1], strides = [1, 1]} : vector<256x128xi32> to vector<256x1xi32>
      %concatenate3A_219 = tpu.concatenate %slice3A_217, %slice3A_218 in 1 : vector<256x127xi32>, vector<256x1xi32> -> vector<256x128xi32>
      %slice3A_220 = vector.extract_strided_slice %select_n3A_210 {offsets = [0, 127], sizes = [256, 1], strides = [1, 1]} : vector<256x128xi32> to vector<256x1xi32>
      %slice3A_221 = vector.extract_strided_slice %select_n3A_210 {offsets = [0, 0], sizes = [256, 127], strides = [1, 1]} : vector<256x128xi32> to vector<256x127xi32>
      %concatenate3A_222 = tpu.concatenate %slice3A_220, %slice3A_221 in 1 : vector<256x1xi32>, vector<256x127xi32> -> vector<256x128xi32>
      %and3A_223 = arith.constant 1 : i32
      %and3A_224 = vector.broadcast %and3A_223 : i32 to vector<256x128xi32>
      %and3A_225 = arith.andi %iota3A, %and3A_224 : vector<256x128xi32>
      %eq3A_226 = arith.constant 0 : i32
      %eq3A_227 = vector.broadcast %eq3A_226 : i32 to vector<256x128xi32>
      %eq3A_228 = arith.cmpi eq, %and3A_225, %eq3A_227 : vector<256x128xi32>
      %select_n3A_229 = arith.select %eq3A_228, %concatenate3A_213, %concatenate3A_216 : vector<256x128xi1>, vector<256x128xf32>
      %select_n3A_230 = arith.select %eq3A_228, %concatenate3A_219, %concatenate3A_222 : vector<256x128xi1>, vector<256x128xi32>
      %lt3A_231 = arith.cmpf olt, %select_n3A_209, %select_n3A_229 : vector<256x128xf32>
      %eq3A_232 = arith.cmpf oeq, %select_n3A_209, %select_n3A_229 : vector<256x128xf32>
      %lt3A_233 = arith.cmpi slt, %select_n3A_210, %select_n3A_230 : vector<256x128xi32>
      %and3A_234 = arith.andi %eq3A_232, %lt3A_233 : vector<256x128xi1>
      %or3A_235 = arith.ori %lt3A_231, %and3A_234 : vector<256x128xi1>
      %eq3A_236 = arith.xori %eq3A_228, %not3A_144 : vector<256x128xi1>
      %eq3A_237 = arith.constant dense<true> : vector<256x128xi1>
      %eq3A_238 = arith.xori %eq3A_236, %eq3A_237 : vector<256x128xi1>
      %eq3A_239 = arith.xori %eq3A_238, %or3A_235 : vector<256x128xi1>
      %eq3A_240 = arith.constant dense<true> : vector<256x128xi1>
      %eq3A_241 = arith.xori %eq3A_239, %eq3A_240 : vector<256x128xi1>
      %select_n3A_242 = arith.select %eq3A_241, %select_n3A_209, %select_n3A_229 : vector<256x128xi1>, vector<256x128xf32>
      %select_n3A_243 = arith.select %eq3A_241, %select_n3A_210, %select_n3A_230 : vector<256x128xi1>, vector<256x128xi32>
      %and3A_244 = arith.constant 16 : i32
      %and3A_245 = vector.broadcast %and3A_244 : i32 to vector<256x128xi32>
      %and3A_246 = arith.andi %iota3A, %and3A_245 : vector<256x128xi32>
      %eq3A_247 = arith.constant 0 : i32
      %eq3A_248 = vector.broadcast %eq3A_247 : i32 to vector<256x128xi32>
      %eq3A_249 = arith.cmpi eq, %and3A_246, %eq3A_248 : vector<256x128xi32>
      %not3A_250 = arith.constant dense<true> : vector<256x128xi1>
      %not3A_251 = arith.xori %eq3A_249, %not3A_250 : vector<256x128xi1>
      %slice3A_252 = vector.extract_strided_slice %select_n3A_242 {offsets = [0, 8], sizes = [256, 120], strides = [1, 1]} : vector<256x128xf32> to vector<256x120xf32>
      %slice3A_253 = vector.extract_strided_slice %select_n3A_242 {offsets = [0, 0], sizes = [256, 8], strides = [1, 1]} : vector<256x128xf32> to vector<256x8xf32>
      %concatenate3A_254 = tpu.concatenate %slice3A_252, %slice3A_253 in 1 : vector<256x120xf32>, vector<256x8xf32> -> vector<256x128xf32>
      %slice3A_255 = vector.extract_strided_slice %select_n3A_242 {offsets = [0, 120], sizes = [256, 8], strides = [1, 1]} : vector<256x128xf32> to vector<256x8xf32>
      %slice3A_256 = vector.extract_strided_slice %select_n3A_242 {offsets = [0, 0], sizes = [256, 120], strides = [1, 1]} : vector<256x128xf32> to vector<256x120xf32>
      %concatenate3A_257 = tpu.concatenate %slice3A_255, %slice3A_256 in 1 : vector<256x8xf32>, vector<256x120xf32> -> vector<256x128xf32>
      %slice3A_258 = vector.extract_strided_slice %select_n3A_243 {offsets = [0, 8], sizes = [256, 120], strides = [1, 1]} : vector<256x128xi32> to vector<256x120xi32>
      %slice3A_259 = vector.extract_strided_slice %select_n3A_243 {offsets = [0, 0], sizes = [256, 8], strides = [1, 1]} : vector<256x128xi32> to vector<256x8xi32>
      %concatenate3A_260 = tpu.concatenate %slice3A_258, %slice3A_259 in 1 : vector<256x120xi32>, vector<256x8xi32> -> vector<256x128xi32>
      %slice3A_261 = vector.extract_strided_slice %select_n3A_243 {offsets = [0, 120], sizes = [256, 8], strides = [1, 1]} : vector<256x128xi32> to vector<256x8xi32>
      %slice3A_262 = vector.extract_strided_slice %select_n3A_243 {offsets = [0, 0], sizes = [256, 120], strides = [1, 1]} : vector<256x128xi32> to vector<256x120xi32>
      %concatenate3A_263 = tpu.concatenate %slice3A_261, %slice3A_262 in 1 : vector<256x8xi32>, vector<256x120xi32> -> vector<256x128xi32>
      %and3A_264 = arith.constant 8 : i32
      %and3A_265 = vector.broadcast %and3A_264 : i32 to vector<256x128xi32>
      %and3A_266 = arith.andi %iota3A, %and3A_265 : vector<256x128xi32>
      %eq3A_267 = arith.constant 0 : i32
      %eq3A_268 = vector.broadcast %eq3A_267 : i32 to vector<256x128xi32>
      %eq3A_269 = arith.cmpi eq, %and3A_266, %eq3A_268 : vector<256x128xi32>
      %select_n3A_270 = arith.select %eq3A_269, %concatenate3A_254, %concatenate3A_257 : vector<256x128xi1>, vector<256x128xf32>
      %select_n3A_271 = arith.select %eq3A_269, %concatenate3A_260, %concatenate3A_263 : vector<256x128xi1>, vector<256x128xi32>
      %lt3A_272 = arith.cmpf olt, %select_n3A_242, %select_n3A_270 : vector<256x128xf32>
      %eq3A_273 = arith.cmpf oeq, %select_n3A_242, %select_n3A_270 : vector<256x128xf32>
      %lt3A_274 = arith.cmpi slt, %select_n3A_243, %select_n3A_271 : vector<256x128xi32>
      %and3A_275 = arith.andi %eq3A_273, %lt3A_274 : vector<256x128xi1>
      %or3A_276 = arith.ori %lt3A_272, %and3A_275 : vector<256x128xi1>
      %eq3A_277 = arith.xori %eq3A_269, %not3A_251 : vector<256x128xi1>
      %eq3A_278 = arith.constant dense<true> : vector<256x128xi1>
      %eq3A_279 = arith.xori %eq3A_277, %eq3A_278 : vector<256x128xi1>
      %eq3A_280 = arith.xori %eq3A_279, %or3A_276 : vector<256x128xi1>
      %eq3A_281 = arith.constant dense<true> : vector<256x128xi1>
      %eq3A_282 = arith.xori %eq3A_280, %eq3A_281 : vector<256x128xi1>
      %select_n3A_283 = arith.select %eq3A_282, %select_n3A_242, %select_n3A_270 : vector<256x128xi1>, vector<256x128xf32>
      %select_n3A_284 = arith.select %eq3A_282, %select_n3A_243, %select_n3A_271 : vector<256x128xi1>, vector<256x128xi32>
      %slice3A_285 = vector.extract_strided_slice %select_n3A_283 {offsets = [0, 4], sizes = [256, 124], strides = [1, 1]} : vector<256x128xf32> to vector<256x124xf32>
      %slice3A_286 = vector.extract_strided_slice %select_n3A_283 {offsets = [0, 0], sizes = [256, 4], strides = [1, 1]} : vector<256x128xf32> to vector<256x4xf32>
      %concatenate3A_287 = tpu.concatenate %slice3A_285, %slice3A_286 in 1 : vector<256x124xf32>, vector<256x4xf32> -> vector<256x128xf32>
      %slice3A_288 = vector.extract_strided_slice %select_n3A_283 {offsets = [0, 124], sizes = [256, 4], strides = [1, 1]} : vector<256x128xf32> to vector<256x4xf32>
      %slice3A_289 = vector.extract_strided_slice %select_n3A_283 {offsets = [0, 0], sizes = [256, 124], strides = [1, 1]} : vector<256x128xf32> to vector<256x124xf32>
      %concatenate3A_290 = tpu.concatenate %slice3A_288, %slice3A_289 in 1 : vector<256x4xf32>, vector<256x124xf32> -> vector<256x128xf32>
      %slice3A_291 = vector.extract_strided_slice %select_n3A_284 {offsets = [0, 4], sizes = [256, 124], strides = [1, 1]} : vector<256x128xi32> to vector<256x124xi32>
      %slice3A_292 = vector.extract_strided_slice %select_n3A_284 {offsets = [0, 0], sizes = [256, 4], strides = [1, 1]} : vector<256x128xi32> to vector<256x4xi32>
      %concatenate3A_293 = tpu.concatenate %slice3A_291, %slice3A_292 in 1 : vector<256x124xi32>, vector<256x4xi32> -> vector<256x128xi32>
      %slice3A_294 = vector.extract_strided_slice %select_n3A_284 {offsets = [0, 124], sizes = [256, 4], strides = [1, 1]} : vector<256x128xi32> to vector<256x4xi32>
      %slice3A_295 = vector.extract_strided_slice %select_n3A_284 {offsets = [0, 0], sizes = [256, 124], strides = [1, 1]} : vector<256x128xi32> to vector<256x124xi32>
      %concatenate3A_296 = tpu.concatenate %slice3A_294, %slice3A_295 in 1 : vector<256x4xi32>, vector<256x124xi32> -> vector<256x128xi32>
      %and3A_297 = arith.constant 4 : i32
      %and3A_298 = vector.broadcast %and3A_297 : i32 to vector<256x128xi32>
      %and3A_299 = arith.andi %iota3A, %and3A_298 : vector<256x128xi32>
      %eq3A_300 = arith.constant 0 : i32
      %eq3A_301 = vector.broadcast %eq3A_300 : i32 to vector<256x128xi32>
      %eq3A_302 = arith.cmpi eq, %and3A_299, %eq3A_301 : vector<256x128xi32>
      %select_n3A_303 = arith.select %eq3A_302, %concatenate3A_287, %concatenate3A_290 : vector<256x128xi1>, vector<256x128xf32>
      %select_n3A_304 = arith.select %eq3A_302, %concatenate3A_293, %concatenate3A_296 : vector<256x128xi1>, vector<256x128xi32>
      %lt3A_305 = arith.cmpf olt, %select_n3A_283, %select_n3A_303 : vector<256x128xf32>
      %eq3A_306 = arith.cmpf oeq, %select_n3A_283, %select_n3A_303 : vector<256x128xf32>
      %lt3A_307 = arith.cmpi slt, %select_n3A_284, %select_n3A_304 : vector<256x128xi32>
      %and3A_308 = arith.andi %eq3A_306, %lt3A_307 : vector<256x128xi1>
      %or3A_309 = arith.ori %lt3A_305, %and3A_308 : vector<256x128xi1>
      %eq3A_310 = arith.xori %eq3A_302, %not3A_251 : vector<256x128xi1>
      %eq3A_311 = arith.constant dense<true> : vector<256x128xi1>
      %eq3A_312 = arith.xori %eq3A_310, %eq3A_311 : vector<256x128xi1>
      %eq3A_313 = arith.xori %eq3A_312, %or3A_309 : vector<256x128xi1>
      %eq3A_314 = arith.constant dense<true> : vector<256x128xi1>
      %eq3A_315 = arith.xori %eq3A_313, %eq3A_314 : vector<256x128xi1>
      %select_n3A_316 = arith.select %eq3A_315, %select_n3A_283, %select_n3A_303 : vector<256x128xi1>, vector<256x128xf32>
      %select_n3A_317 = arith.select %eq3A_315, %select_n3A_284, %select_n3A_304 : vector<256x128xi1>, vector<256x128xi32>
      %slice3A_318 = vector.extract_strided_slice %select_n3A_316 {offsets = [0, 2], sizes = [256, 126], strides = [1, 1]} : vector<256x128xf32> to vector<256x126xf32>
      %slice3A_319 = vector.extract_strided_slice %select_n3A_316 {offsets = [0, 0], sizes = [256, 2], strides = [1, 1]} : vector<256x128xf32> to vector<256x2xf32>
      %concatenate3A_320 = tpu.concatenate %slice3A_318, %slice3A_319 in 1 : vector<256x126xf32>, vector<256x2xf32> -> vector<256x128xf32>
      %slice3A_321 = vector.extract_strided_slice %select_n3A_316 {offsets = [0, 126], sizes = [256, 2], strides = [1, 1]} : vector<256x128xf32> to vector<256x2xf32>
      %slice3A_322 = vector.extract_strided_slice %select_n3A_316 {offsets = [0, 0], sizes = [256, 126], strides = [1, 1]} : vector<256x128xf32> to vector<256x126xf32>
      %concatenate3A_323 = tpu.concatenate %slice3A_321, %slice3A_322 in 1 : vector<256x2xf32>, vector<256x126xf32> -> vector<256x128xf32>
      %slice3A_324 = vector.extract_strided_slice %select_n3A_317 {offsets = [0, 2], sizes = [256, 126], strides = [1, 1]} : vector<256x128xi32> to vector<256x126xi32>
      %slice3A_325 = vector.extract_strided_slice %select_n3A_317 {offsets = [0, 0], sizes = [256, 2], strides = [1, 1]} : vector<256x128xi32> to vector<256x2xi32>
      %concatenate3A_326 = tpu.concatenate %slice3A_324, %slice3A_325 in 1 : vector<256x126xi32>, vector<256x2xi32> -> vector<256x128xi32>
      %slice3A_327 = vector.extract_strided_slice %select_n3A_317 {offsets = [0, 126], sizes = [256, 2], strides = [1, 1]} : vector<256x128xi32> to vector<256x2xi32>
      %slice3A_328 = vector.extract_strided_slice %select_n3A_317 {offsets = [0, 0], sizes = [256, 126], strides = [1, 1]} : vector<256x128xi32> to vector<256x126xi32>
      %concatenate3A_329 = tpu.concatenate %slice3A_327, %slice3A_328 in 1 : vector<256x2xi32>, vector<256x126xi32> -> vector<256x128xi32>
      %and3A_330 = arith.constant 2 : i32
      %and3A_331 = vector.broadcast %and3A_330 : i32 to vector<256x128xi32>
      %and3A_332 = arith.andi %iota3A, %and3A_331 : vector<256x128xi32>
      %eq3A_333 = arith.constant 0 : i32
      %eq3A_334 = vector.broadcast %eq3A_333 : i32 to vector<256x128xi32>
      %eq3A_335 = arith.cmpi eq, %and3A_332, %eq3A_334 : vector<256x128xi32>
      %select_n3A_336 = arith.select %eq3A_335, %concatenate3A_320, %concatenate3A_323 : vector<256x128xi1>, vector<256x128xf32>
      %select_n3A_337 = arith.select %eq3A_335, %concatenate3A_326, %concatenate3A_329 : vector<256x128xi1>, vector<256x128xi32>
      %lt3A_338 = arith.cmpf olt, %select_n3A_316, %select_n3A_336 : vector<256x128xf32>
      %eq3A_339 = arith.cmpf oeq, %select_n3A_316, %select_n3A_336 : vector<256x128xf32>
      %lt3A_340 = arith.cmpi slt, %select_n3A_317, %select_n3A_337 : vector<256x128xi32>
      %and3A_341 = arith.andi %eq3A_339, %lt3A_340 : vector<256x128xi1>
      %or3A_342 = arith.ori %lt3A_338, %and3A_341 : vector<256x128xi1>
      %eq3A_343 = arith.xori %eq3A_335, %not3A_251 : vector<256x128xi1>
      %eq3A_344 = arith.constant dense<true> : vector<256x128xi1>
      %eq3A_345 = arith.xori %eq3A_343, %eq3A_344 : vector<256x128xi1>
      %eq3A_346 = arith.xori %eq3A_345, %or3A_342 : vector<256x128xi1>
      %eq3A_347 = arith.constant dense<true> : vector<256x128xi1>
      %eq3A_348 = arith.xori %eq3A_346, %eq3A_347 : vector<256x128xi1>
      %select_n3A_349 = arith.select %eq3A_348, %select_n3A_316, %select_n3A_336 : vector<256x128xi1>, vector<256x128xf32>
      %select_n3A_350 = arith.select %eq3A_348, %select_n3A_317, %select_n3A_337 : vector<256x128xi1>, vector<256x128xi32>
      %slice3A_351 = vector.extract_strided_slice %select_n3A_349 {offsets = [0, 1], sizes = [256, 127], strides = [1, 1]} : vector<256x128xf32> to vector<256x127xf32>
      %slice3A_352 = vector.extract_strided_slice %select_n3A_349 {offsets = [0, 0], sizes = [256, 1], strides = [1, 1]} : vector<256x128xf32> to vector<256x1xf32>
      %concatenate3A_353 = tpu.concatenate %slice3A_351, %slice3A_352 in 1 : vector<256x127xf32>, vector<256x1xf32> -> vector<256x128xf32>
      %slice3A_354 = vector.extract_strided_slice %select_n3A_349 {offsets = [0, 127], sizes = [256, 1], strides = [1, 1]} : vector<256x128xf32> to vector<256x1xf32>
      %slice3A_355 = vector.extract_strided_slice %select_n3A_349 {offsets = [0, 0], sizes = [256, 127], strides = [1, 1]} : vector<256x128xf32> to vector<256x127xf32>
      %concatenate3A_356 = tpu.concatenate %slice3A_354, %slice3A_355 in 1 : vector<256x1xf32>, vector<256x127xf32> -> vector<256x128xf32>
      %slice3A_357 = vector.extract_strided_slice %select_n3A_350 {offsets = [0, 1], sizes = [256, 127], strides = [1, 1]} : vector<256x128xi32> to vector<256x127xi32>
      %slice3A_358 = vector.extract_strided_slice %select_n3A_350 {offsets = [0, 0], sizes = [256, 1], strides = [1, 1]} : vector<256x128xi32> to vector<256x1xi32>
      %concatenate3A_359 = tpu.concatenate %slice3A_357, %slice3A_358 in 1 : vector<256x127xi32>, vector<256x1xi32> -> vector<256x128xi32>
      %slice3A_360 = vector.extract_strided_slice %select_n3A_350 {offsets = [0, 127], sizes = [256, 1], strides = [1, 1]} : vector<256x128xi32> to vector<256x1xi32>
      %slice3A_361 = vector.extract_strided_slice %select_n3A_350 {offsets = [0, 0], sizes = [256, 127], strides = [1, 1]} : vector<256x128xi32> to vector<256x127xi32>
      %concatenate3A_362 = tpu.concatenate %slice3A_360, %slice3A_361 in 1 : vector<256x1xi32>, vector<256x127xi32> -> vector<256x128xi32>
      %and3A_363 = arith.constant 1 : i32
      %and3A_364 = vector.broadcast %and3A_363 : i32 to vector<256x128xi32>
      %and3A_365 = arith.andi %iota3A, %and3A_364 : vector<256x128xi32>
      %eq3A_366 = arith.constant 0 : i32
      %eq3A_367 = vector.broadcast %eq3A_366 : i32 to vector<256x128xi32>
      %eq3A_368 = arith.cmpi eq, %and3A_365, %eq3A_367 : vector<256x128xi32>
      %select_n3A_369 = arith.select %eq3A_368, %concatenate3A_353, %concatenate3A_356 : vector<256x128xi1>, vector<256x128xf32>
      %select_n3A_370 = arith.select %eq3A_368, %concatenate3A_359, %concatenate3A_362 : vector<256x128xi1>, vector<256x128xi32>
      %lt3A_371 = arith.cmpf olt, %select_n3A_349, %select_n3A_369 : vector<256x128xf32>
      %eq3A_372 = arith.cmpf oeq, %select_n3A_349, %select_n3A_369 : vector<256x128xf32>
      %lt3A_373 = arith.cmpi slt, %select_n3A_350, %select_n3A_370 : vector<256x128xi32>
      %and3A_374 = arith.andi %eq3A_372, %lt3A_373 : vector<256x128xi1>
      %or3A_375 = arith.ori %lt3A_371, %and3A_374 : vector<256x128xi1>
      %eq3A_376 = arith.xori %eq3A_368, %not3A_251 : vector<256x128xi1>
      %eq3A_377 = arith.constant dense<true> : vector<256x128xi1>
      %eq3A_378 = arith.xori %eq3A_376, %eq3A_377 : vector<256x128xi1>
      %eq3A_379 = arith.xori %eq3A_378, %or3A_375 : vector<256x128xi1>
      %eq3A_380 = arith.constant dense<true> : vector<256x128xi1>
      %eq3A_381 = arith.xori %eq3A_379, %eq3A_380 : vector<256x128xi1>
      %select_n3A_382 = arith.select %eq3A_381, %select_n3A_349, %select_n3A_369 : vector<256x128xi1>, vector<256x128xf32>
      %select_n3A_383 = arith.select %eq3A_381, %select_n3A_350, %select_n3A_370 : vector<256x128xi1>, vector<256x128xi32>
      %and3A_384 = arith.constant 32 : i32
      %and3A_385 = vector.broadcast %and3A_384 : i32 to vector<256x128xi32>
      %and3A_386 = arith.andi %iota3A, %and3A_385 : vector<256x128xi32>
      %eq3A_387 = arith.constant 0 : i32
      %eq3A_388 = vector.broadcast %eq3A_387 : i32 to vector<256x128xi32>
      %eq3A_389 = arith.cmpi eq, %and3A_386, %eq3A_388 : vector<256x128xi32>
      %not3A_390 = arith.constant dense<true> : vector<256x128xi1>
      %not3A_391 = arith.xori %eq3A_389, %not3A_390 : vector<256x128xi1>
      %slice3A_392 = vector.extract_strided_slice %select_n3A_382 {offsets = [0, 16], sizes = [256, 112], strides = [1, 1]} : vector<256x128xf32> to vector<256x112xf32>
      %slice3A_393 = vector.extract_strided_slice %select_n3A_382 {offsets = [0, 0], sizes = [256, 16], strides = [1, 1]} : vector<256x128xf32> to vector<256x16xf32>
      %concatenate3A_394 = tpu.concatenate %slice3A_392, %slice3A_393 in 1 : vector<256x112xf32>, vector<256x16xf32> -> vector<256x128xf32>
      %slice3A_395 = vector.extract_strided_slice %select_n3A_382 {offsets = [0, 112], sizes = [256, 16], strides = [1, 1]} : vector<256x128xf32> to vector<256x16xf32>
      %slice3A_396 = vector.extract_strided_slice %select_n3A_382 {offsets = [0, 0], sizes = [256, 112], strides = [1, 1]} : vector<256x128xf32> to vector<256x112xf32>
      %concatenate3A_397 = tpu.concatenate %slice3A_395, %slice3A_396 in 1 : vector<256x16xf32>, vector<256x112xf32> -> vector<256x128xf32>
      %slice3A_398 = vector.extract_strided_slice %select_n3A_383 {offsets = [0, 16], sizes = [256, 112], strides = [1, 1]} : vector<256x128xi32> to vector<256x112xi32>
      %slice3A_399 = vector.extract_strided_slice %select_n3A_383 {offsets = [0, 0], sizes = [256, 16], strides = [1, 1]} : vector<256x128xi32> to vector<256x16xi32>
      %concatenate3A_400 = tpu.concatenate %slice3A_398, %slice3A_399 in 1 : vector<256x112xi32>, vector<256x16xi32> -> vector<256x128xi32>
      %slice3A_401 = vector.extract_strided_slice %select_n3A_383 {offsets = [0, 112], sizes = [256, 16], strides = [1, 1]} : vector<256x128xi32> to vector<256x16xi32>
      %slice3A_402 = vector.extract_strided_slice %select_n3A_383 {offsets = [0, 0], sizes = [256, 112], strides = [1, 1]} : vector<256x128xi32> to vector<256x112xi32>
      %concatenate3A_403 = tpu.concatenate %slice3A_401, %slice3A_402 in 1 : vector<256x16xi32>, vector<256x112xi32> -> vector<256x128xi32>
      %and3A_404 = arith.constant 16 : i32
      %and3A_405 = vector.broadcast %and3A_404 : i32 to vector<256x128xi32>
      %and3A_406 = arith.andi %iota3A, %and3A_405 : vector<256x128xi32>
      %eq3A_407 = arith.constant 0 : i32
      %eq3A_408 = vector.broadcast %eq3A_407 : i32 to vector<256x128xi32>
      %eq3A_409 = arith.cmpi eq, %and3A_406, %eq3A_408 : vector<256x128xi32>
      %select_n3A_410 = arith.select %eq3A_409, %concatenate3A_394, %concatenate3A_397 : vector<256x128xi1>, vector<256x128xf32>
      %select_n3A_411 = arith.select %eq3A_409, %concatenate3A_400, %concatenate3A_403 : vector<256x128xi1>, vector<256x128xi32>
      %lt3A_412 = arith.cmpf olt, %select_n3A_382, %select_n3A_410 : vector<256x128xf32>
      %eq3A_413 = arith.cmpf oeq, %select_n3A_382, %select_n3A_410 : vector<256x128xf32>
      %lt3A_414 = arith.cmpi slt, %select_n3A_383, %select_n3A_411 : vector<256x128xi32>
      %and3A_415 = arith.andi %eq3A_413, %lt3A_414 : vector<256x128xi1>
      %or3A_416 = arith.ori %lt3A_412, %and3A_415 : vector<256x128xi1>
      %eq3A_417 = arith.xori %eq3A_409, %not3A_391 : vector<256x128xi1>
      %eq3A_418 = arith.constant dense<true> : vector<256x128xi1>
      %eq3A_419 = arith.xori %eq3A_417, %eq3A_418 : vector<256x128xi1>
      %eq3A_420 = arith.xori %eq3A_419, %or3A_416 : vector<256x128xi1>
      %eq3A_421 = arith.constant dense<true> : vector<256x128xi1>
      %eq3A_422 = arith.xori %eq3A_420, %eq3A_421 : vector<256x128xi1>
      %select_n3A_423 = arith.select %eq3A_422, %select_n3A_382, %select_n3A_410 : vector<256x128xi1>, vector<256x128xf32>
      %select_n3A_424 = arith.select %eq3A_422, %select_n3A_383, %select_n3A_411 : vector<256x128xi1>, vector<256x128xi32>
      %slice3A_425 = vector.extract_strided_slice %select_n3A_423 {offsets = [0, 8], sizes = [256, 120], strides = [1, 1]} : vector<256x128xf32> to vector<256x120xf32>
      %slice3A_426 = vector.extract_strided_slice %select_n3A_423 {offsets = [0, 0], sizes = [256, 8], strides = [1, 1]} : vector<256x128xf32> to vector<256x8xf32>
      %concatenate3A_427 = tpu.concatenate %slice3A_425, %slice3A_426 in 1 : vector<256x120xf32>, vector<256x8xf32> -> vector<256x128xf32>
      %slice3A_428 = vector.extract_strided_slice %select_n3A_423 {offsets = [0, 120], sizes = [256, 8], strides = [1, 1]} : vector<256x128xf32> to vector<256x8xf32>
      %slice3A_429 = vector.extract_strided_slice %select_n3A_423 {offsets = [0, 0], sizes = [256, 120], strides = [1, 1]} : vector<256x128xf32> to vector<256x120xf32>
      %concatenate3A_430 = tpu.concatenate %slice3A_428, %slice3A_429 in 1 : vector<256x8xf32>, vector<256x120xf32> -> vector<256x128xf32>
      %slice3A_431 = vector.extract_strided_slice %select_n3A_424 {offsets = [0, 8], sizes = [256, 120], strides = [1, 1]} : vector<256x128xi32> to vector<256x120xi32>
      %slice3A_432 = vector.extract_strided_slice %select_n3A_424 {offsets = [0, 0], sizes = [256, 8], strides = [1, 1]} : vector<256x128xi32> to vector<256x8xi32>
      %concatenate3A_433 = tpu.concatenate %slice3A_431, %slice3A_432 in 1 : vector<256x120xi32>, vector<256x8xi32> -> vector<256x128xi32>
      %slice3A_434 = vector.extract_strided_slice %select_n3A_424 {offsets = [0, 120], sizes = [256, 8], strides = [1, 1]} : vector<256x128xi32> to vector<256x8xi32>
      %slice3A_435 = vector.extract_strided_slice %select_n3A_424 {offsets = [0, 0], sizes = [256, 120], strides = [1, 1]} : vector<256x128xi32> to vector<256x120xi32>
      %concatenate3A_436 = tpu.concatenate %slice3A_434, %slice3A_435 in 1 : vector<256x8xi32>, vector<256x120xi32> -> vector<256x128xi32>
      %and3A_437 = arith.constant 8 : i32
      %and3A_438 = vector.broadcast %and3A_437 : i32 to vector<256x128xi32>
      %and3A_439 = arith.andi %iota3A, %and3A_438 : vector<256x128xi32>
      %eq3A_440 = arith.constant 0 : i32
      %eq3A_441 = vector.broadcast %eq3A_440 : i32 to vector<256x128xi32>
      %eq3A_442 = arith.cmpi eq, %and3A_439, %eq3A_441 : vector<256x128xi32>
      %select_n3A_443 = arith.select %eq3A_442, %concatenate3A_427, %concatenate3A_430 : vector<256x128xi1>, vector<256x128xf32>
      %select_n3A_444 = arith.select %eq3A_442, %concatenate3A_433, %concatenate3A_436 : vector<256x128xi1>, vector<256x128xi32>
      %lt3A_445 = arith.cmpf olt, %select_n3A_423, %select_n3A_443 : vector<256x128xf32>
      %eq3A_446 = arith.cmpf oeq, %select_n3A_423, %select_n3A_443 : vector<256x128xf32>
      %lt3A_447 = arith.cmpi slt, %select_n3A_424, %select_n3A_444 : vector<256x128xi32>
      %and3A_448 = arith.andi %eq3A_446, %lt3A_447 : vector<256x128xi1>
      %or3A_449 = arith.ori %lt3A_445, %and3A_448 : vector<256x128xi1>
      %eq3A_450 = arith.xori %eq3A_442, %not3A_391 : vector<256x128xi1>
      %eq3A_451 = arith.constant dense<true> : vector<256x128xi1>
      %eq3A_452 = arith.xori %eq3A_450, %eq3A_451 : vector<256x128xi1>
      %eq3A_453 = arith.xori %eq3A_452, %or3A_449 : vector<256x128xi1>
      %eq3A_454 = arith.constant dense<true> : vector<256x128xi1>
      %eq3A_455 = arith.xori %eq3A_453, %eq3A_454 : vector<256x128xi1>
      %select_n3A_456 = arith.select %eq3A_455, %select_n3A_423, %select_n3A_443 : vector<256x128xi1>, vector<256x128xf32>
      %select_n3A_457 = arith.select %eq3A_455, %select_n3A_424, %select_n3A_444 : vector<256x128xi1>, vector<256x128xi32>
      %slice3A_458 = vector.extract_strided_slice %select_n3A_456 {offsets = [0, 4], sizes = [256, 124], strides = [1, 1]} : vector<256x128xf32> to vector<256x124xf32>
      %slice3A_459 = vector.extract_strided_slice %select_n3A_456 {offsets = [0, 0], sizes = [256, 4], strides = [1, 1]} : vector<256x128xf32> to vector<256x4xf32>
      %concatenate3A_460 = tpu.concatenate %slice3A_458, %slice3A_459 in 1 : vector<256x124xf32>, vector<256x4xf32> -> vector<256x128xf32>
      %slice3A_461 = vector.extract_strided_slice %select_n3A_456 {offsets = [0, 124], sizes = [256, 4], strides = [1, 1]} : vector<256x128xf32> to vector<256x4xf32>
      %slice3A_462 = vector.extract_strided_slice %select_n3A_456 {offsets = [0, 0], sizes = [256, 124], strides = [1, 1]} : vector<256x128xf32> to vector<256x124xf32>
      %concatenate3A_463 = tpu.concatenate %slice3A_461, %slice3A_462 in 1 : vector<256x4xf32>, vector<256x124xf32> -> vector<256x128xf32>
      %slice3A_464 = vector.extract_strided_slice %select_n3A_457 {offsets = [0, 4], sizes = [256, 124], strides = [1, 1]} : vector<256x128xi32> to vector<256x124xi32>
      %slice3A_465 = vector.extract_strided_slice %select_n3A_457 {offsets = [0, 0], sizes = [256, 4], strides = [1, 1]} : vector<256x128xi32> to vector<256x4xi32>
      %concatenate3A_466 = tpu.concatenate %slice3A_464, %slice3A_465 in 1 : vector<256x124xi32>, vector<256x4xi32> -> vector<256x128xi32>
      %slice3A_467 = vector.extract_strided_slice %select_n3A_457 {offsets = [0, 124], sizes = [256, 4], strides = [1, 1]} : vector<256x128xi32> to vector<256x4xi32>
      %slice3A_468 = vector.extract_strided_slice %select_n3A_457 {offsets = [0, 0], sizes = [256, 124], strides = [1, 1]} : vector<256x128xi32> to vector<256x124xi32>
      %concatenate3A_469 = tpu.concatenate %slice3A_467, %slice3A_468 in 1 : vector<256x4xi32>, vector<256x124xi32> -> vector<256x128xi32>
      %and3A_470 = arith.constant 4 : i32
      %and3A_471 = vector.broadcast %and3A_470 : i32 to vector<256x128xi32>
      %and3A_472 = arith.andi %iota3A, %and3A_471 : vector<256x128xi32>
      %eq3A_473 = arith.constant 0 : i32
      %eq3A_474 = vector.broadcast %eq3A_473 : i32 to vector<256x128xi32>
      %eq3A_475 = arith.cmpi eq, %and3A_472, %eq3A_474 : vector<256x128xi32>
      %select_n3A_476 = arith.select %eq3A_475, %concatenate3A_460, %concatenate3A_463 : vector<256x128xi1>, vector<256x128xf32>
      %select_n3A_477 = arith.select %eq3A_475, %concatenate3A_466, %concatenate3A_469 : vector<256x128xi1>, vector<256x128xi32>
      %lt3A_478 = arith.cmpf olt, %select_n3A_456, %select_n3A_476 : vector<256x128xf32>
      %eq3A_479 = arith.cmpf oeq, %select_n3A_456, %select_n3A_476 : vector<256x128xf32>
      %lt3A_480 = arith.cmpi slt, %select_n3A_457, %select_n3A_477 : vector<256x128xi32>
      %and3A_481 = arith.andi %eq3A_479, %lt3A_480 : vector<256x128xi1>
      %or3A_482 = arith.ori %lt3A_478, %and3A_481 : vector<256x128xi1>
      %eq3A_483 = arith.xori %eq3A_475, %not3A_391 : vector<256x128xi1>
      %eq3A_484 = arith.constant dense<true> : vector<256x128xi1>
      %eq3A_485 = arith.xori %eq3A_483, %eq3A_484 : vector<256x128xi1>
      %eq3A_486 = arith.xori %eq3A_485, %or3A_482 : vector<256x128xi1>
      %eq3A_487 = arith.constant dense<true> : vector<256x128xi1>
      %eq3A_488 = arith.xori %eq3A_486, %eq3A_487 : vector<256x128xi1>
      %select_n3A_489 = arith.select %eq3A_488, %select_n3A_456, %select_n3A_476 : vector<256x128xi1>, vector<256x128xf32>
      %select_n3A_490 = arith.select %eq3A_488, %select_n3A_457, %select_n3A_477 : vector<256x128xi1>, vector<256x128xi32>
      %slice3A_491 = vector.extract_strided_slice %select_n3A_489 {offsets = [0, 2], sizes = [256, 126], strides = [1, 1]} : vector<256x128xf32> to vector<256x126xf32>
      %slice3A_492 = vector.extract_strided_slice %select_n3A_489 {offsets = [0, 0], sizes = [256, 2], strides = [1, 1]} : vector<256x128xf32> to vector<256x2xf32>
      %concatenate3A_493 = tpu.concatenate %slice3A_491, %slice3A_492 in 1 : vector<256x126xf32>, vector<256x2xf32> -> vector<256x128xf32>
      %slice3A_494 = vector.extract_strided_slice %select_n3A_489 {offsets = [0, 126], sizes = [256, 2], strides = [1, 1]} : vector<256x128xf32> to vector<256x2xf32>
      %slice3A_495 = vector.extract_strided_slice %select_n3A_489 {offsets = [0, 0], sizes = [256, 126], strides = [1, 1]} : vector<256x128xf32> to vector<256x126xf32>
      %concatenate3A_496 = tpu.concatenate %slice3A_494, %slice3A_495 in 1 : vector<256x2xf32>, vector<256x126xf32> -> vector<256x128xf32>
      %slice3A_497 = vector.extract_strided_slice %select_n3A_490 {offsets = [0, 2], sizes = [256, 126], strides = [1, 1]} : vector<256x128xi32> to vector<256x126xi32>
      %slice3A_498 = vector.extract_strided_slice %select_n3A_490 {offsets = [0, 0], sizes = [256, 2], strides = [1, 1]} : vector<256x128xi32> to vector<256x2xi32>
      %concatenate3A_499 = tpu.concatenate %slice3A_497, %slice3A_498 in 1 : vector<256x126xi32>, vector<256x2xi32> -> vector<256x128xi32>
      %slice3A_500 = vector.extract_strided_slice %select_n3A_490 {offsets = [0, 126], sizes = [256, 2], strides = [1, 1]} : vector<256x128xi32> to vector<256x2xi32>
      %slice3A_501 = vector.extract_strided_slice %select_n3A_490 {offsets = [0, 0], sizes = [256, 126], strides = [1, 1]} : vector<256x128xi32> to vector<256x126xi32>
      %concatenate3A_502 = tpu.concatenate %slice3A_500, %slice3A_501 in 1 : vector<256x2xi32>, vector<256x126xi32> -> vector<256x128xi32>
      %and3A_503 = arith.constant 2 : i32
      %and3A_504 = vector.broadcast %and3A_503 : i32 to vector<256x128xi32>
      %and3A_505 = arith.andi %iota3A, %and3A_504 : vector<256x128xi32>
      %eq3A_506 = arith.constant 0 : i32
      %eq3A_507 = vector.broadcast %eq3A_506 : i32 to vector<256x128xi32>
      %eq3A_508 = arith.cmpi eq, %and3A_505, %eq3A_507 : vector<256x128xi32>
      %select_n3A_509 = arith.select %eq3A_508, %concatenate3A_493, %concatenate3A_496 : vector<256x128xi1>, vector<256x128xf32>
      %select_n3A_510 = arith.select %eq3A_508, %concatenate3A_499, %concatenate3A_502 : vector<256x128xi1>, vector<256x128xi32>
      %lt3A_511 = arith.cmpf olt, %select_n3A_489, %select_n3A_509 : vector<256x128xf32>
      %eq3A_512 = arith.cmpf oeq, %select_n3A_489, %select_n3A_509 : vector<256x128xf32>
      %lt3A_513 = arith.cmpi slt, %select_n3A_490, %select_n3A_510 : vector<256x128xi32>
      %and3A_514 = arith.andi %eq3A_512, %lt3A_513 : vector<256x128xi1>
      %or3A_515 = arith.ori %lt3A_511, %and3A_514 : vector<256x128xi1>
      %eq3A_516 = arith.xori %eq3A_508, %not3A_391 : vector<256x128xi1>
      %eq3A_517 = arith.constant dense<true> : vector<256x128xi1>
      %eq3A_518 = arith.xori %eq3A_516, %eq3A_517 : vector<256x128xi1>
      %eq3A_519 = arith.xori %eq3A_518, %or3A_515 : vector<256x128xi1>
      %eq3A_520 = arith.constant dense<true> : vector<256x128xi1>
      %eq3A_521 = arith.xori %eq3A_519, %eq3A_520 : vector<256x128xi1>
      %select_n3A_522 = arith.select %eq3A_521, %select_n3A_489, %select_n3A_509 : vector<256x128xi1>, vector<256x128xf32>
      %select_n3A_523 = arith.select %eq3A_521, %select_n3A_490, %select_n3A_510 : vector<256x128xi1>, vector<256x128xi32>
      %slice3A_524 = vector.extract_strided_slice %select_n3A_522 {offsets = [0, 1], sizes = [256, 127], strides = [1, 1]} : vector<256x128xf32> to vector<256x127xf32>
      %slice3A_525 = vector.extract_strided_slice %select_n3A_522 {offsets = [0, 0], sizes = [256, 1], strides = [1, 1]} : vector<256x128xf32> to vector<256x1xf32>
      %concatenate3A_526 = tpu.concatenate %slice3A_524, %slice3A_525 in 1 : vector<256x127xf32>, vector<256x1xf32> -> vector<256x128xf32>
      %slice3A_527 = vector.extract_strided_slice %select_n3A_522 {offsets = [0, 127], sizes = [256, 1], strides = [1, 1]} : vector<256x128xf32> to vector<256x1xf32>
      %slice3A_528 = vector.extract_strided_slice %select_n3A_522 {offsets = [0, 0], sizes = [256, 127], strides = [1, 1]} : vector<256x128xf32> to vector<256x127xf32>
      %concatenate3A_529 = tpu.concatenate %slice3A_527, %slice3A_528 in 1 : vector<256x1xf32>, vector<256x127xf32> -> vector<256x128xf32>
      %slice3A_530 = vector.extract_strided_slice %select_n3A_523 {offsets = [0, 1], sizes = [256, 127], strides = [1, 1]} : vector<256x128xi32> to vector<256x127xi32>
      %slice3A_531 = vector.extract_strided_slice %select_n3A_523 {offsets = [0, 0], sizes = [256, 1], strides = [1, 1]} : vector<256x128xi32> to vector<256x1xi32>
      %concatenate3A_532 = tpu.concatenate %slice3A_530, %slice3A_531 in 1 : vector<256x127xi32>, vector<256x1xi32> -> vector<256x128xi32>
      %slice3A_533 = vector.extract_strided_slice %select_n3A_523 {offsets = [0, 127], sizes = [256, 1], strides = [1, 1]} : vector<256x128xi32> to vector<256x1xi32>
      %slice3A_534 = vector.extract_strided_slice %select_n3A_523 {offsets = [0, 0], sizes = [256, 127], strides = [1, 1]} : vector<256x128xi32> to vector<256x127xi32>
      %concatenate3A_535 = tpu.concatenate %slice3A_533, %slice3A_534 in 1 : vector<256x1xi32>, vector<256x127xi32> -> vector<256x128xi32>
      %and3A_536 = arith.constant 1 : i32
      %and3A_537 = vector.broadcast %and3A_536 : i32 to vector<256x128xi32>
      %and3A_538 = arith.andi %iota3A, %and3A_537 : vector<256x128xi32>
      %eq3A_539 = arith.constant 0 : i32
      %eq3A_540 = vector.broadcast %eq3A_539 : i32 to vector<256x128xi32>
      %eq3A_541 = arith.cmpi eq, %and3A_538, %eq3A_540 : vector<256x128xi32>
      %select_n3A_542 = arith.select %eq3A_541, %concatenate3A_526, %concatenate3A_529 : vector<256x128xi1>, vector<256x128xf32>
      %select_n3A_543 = arith.select %eq3A_541, %concatenate3A_532, %concatenate3A_535 : vector<256x128xi1>, vector<256x128xi32>
      %lt3A_544 = arith.cmpf olt, %select_n3A_522, %select_n3A_542 : vector<256x128xf32>
      %eq3A_545 = arith.cmpf oeq, %select_n3A_522, %select_n3A_542 : vector<256x128xf32>
      %lt3A_546 = arith.cmpi slt, %select_n3A_523, %select_n3A_543 : vector<256x128xi32>
      %and3A_547 = arith.andi %eq3A_545, %lt3A_546 : vector<256x128xi1>
      %or3A_548 = arith.ori %lt3A_544, %and3A_547 : vector<256x128xi1>
      %eq3A_549 = arith.xori %eq3A_541, %not3A_391 : vector<256x128xi1>
      %eq3A_550 = arith.constant dense<true> : vector<256x128xi1>
      %eq3A_551 = arith.xori %eq3A_549, %eq3A_550 : vector<256x128xi1>
      %eq3A_552 = arith.xori %eq3A_551, %or3A_548 : vector<256x128xi1>
      %eq3A_553 = arith.constant dense<true> : vector<256x128xi1>
      %eq3A_554 = arith.xori %eq3A_552, %eq3A_553 : vector<256x128xi1>
      %select_n3A_555 = arith.select %eq3A_554, %select_n3A_522, %select_n3A_542 : vector<256x128xi1>, vector<256x128xf32>
      %select_n3A_556 = arith.select %eq3A_554, %select_n3A_523, %select_n3A_543 : vector<256x128xi1>, vector<256x128xi32>
      %and3A_557 = arith.constant 64 : i32
      %and3A_558 = vector.broadcast %and3A_557 : i32 to vector<256x128xi32>
      %and3A_559 = arith.andi %iota3A, %and3A_558 : vector<256x128xi32>
      %eq3A_560 = arith.constant 0 : i32
      %eq3A_561 = vector.broadcast %eq3A_560 : i32 to vector<256x128xi32>
      %eq3A_562 = arith.cmpi eq, %and3A_559, %eq3A_561 : vector<256x128xi32>
      %not3A_563 = arith.constant dense<true> : vector<256x128xi1>
      %not3A_564 = arith.xori %eq3A_562, %not3A_563 : vector<256x128xi1>
      %slice3A_565 = vector.extract_strided_slice %select_n3A_555 {offsets = [0, 32], sizes = [256, 96], strides = [1, 1]} : vector<256x128xf32> to vector<256x96xf32>
      %slice3A_566 = vector.extract_strided_slice %select_n3A_555 {offsets = [0, 0], sizes = [256, 32], strides = [1, 1]} : vector<256x128xf32> to vector<256x32xf32>
      %concatenate3A_567 = tpu.concatenate %slice3A_565, %slice3A_566 in 1 : vector<256x96xf32>, vector<256x32xf32> -> vector<256x128xf32>
      %slice3A_568 = vector.extract_strided_slice %select_n3A_555 {offsets = [0, 96], sizes = [256, 32], strides = [1, 1]} : vector<256x128xf32> to vector<256x32xf32>
      %slice3A_569 = vector.extract_strided_slice %select_n3A_555 {offsets = [0, 0], sizes = [256, 96], strides = [1, 1]} : vector<256x128xf32> to vector<256x96xf32>
      %concatenate3A_570 = tpu.concatenate %slice3A_568, %slice3A_569 in 1 : vector<256x32xf32>, vector<256x96xf32> -> vector<256x128xf32>
      %slice3A_571 = vector.extract_strided_slice %select_n3A_556 {offsets = [0, 32], sizes = [256, 96], strides = [1, 1]} : vector<256x128xi32> to vector<256x96xi32>
      %slice3A_572 = vector.extract_strided_slice %select_n3A_556 {offsets = [0, 0], sizes = [256, 32], strides = [1, 1]} : vector<256x128xi32> to vector<256x32xi32>
      %concatenate3A_573 = tpu.concatenate %slice3A_571, %slice3A_572 in 1 : vector<256x96xi32>, vector<256x32xi32> -> vector<256x128xi32>
      %slice3A_574 = vector.extract_strided_slice %select_n3A_556 {offsets = [0, 96], sizes = [256, 32], strides = [1, 1]} : vector<256x128xi32> to vector<256x32xi32>
      %slice3A_575 = vector.extract_strided_slice %select_n3A_556 {offsets = [0, 0], sizes = [256, 96], strides = [1, 1]} : vector<256x128xi32> to vector<256x96xi32>
      %concatenate3A_576 = tpu.concatenate %slice3A_574, %slice3A_575 in 1 : vector<256x32xi32>, vector<256x96xi32> -> vector<256x128xi32>
      %and3A_577 = arith.constant 32 : i32
      %and3A_578 = vector.broadcast %and3A_577 : i32 to vector<256x128xi32>
      %and3A_579 = arith.andi %iota3A, %and3A_578 : vector<256x128xi32>
      %eq3A_580 = arith.constant 0 : i32
      %eq3A_581 = vector.broadcast %eq3A_580 : i32 to vector<256x128xi32>
      %eq3A_582 = arith.cmpi eq, %and3A_579, %eq3A_581 : vector<256x128xi32>
      %select_n3A_583 = arith.select %eq3A_582, %concatenate3A_567, %concatenate3A_570 : vector<256x128xi1>, vector<256x128xf32>
      %select_n3A_584 = arith.select %eq3A_582, %concatenate3A_573, %concatenate3A_576 : vector<256x128xi1>, vector<256x128xi32>
      %lt3A_585 = arith.cmpf olt, %select_n3A_555, %select_n3A_583 : vector<256x128xf32>
      %eq3A_586 = arith.cmpf oeq, %select_n3A_555, %select_n3A_583 : vector<256x128xf32>
      %lt3A_587 = arith.cmpi slt, %select_n3A_556, %select_n3A_584 : vector<256x128xi32>
      %and3A_588 = arith.andi %eq3A_586, %lt3A_587 : vector<256x128xi1>
      %or3A_589 = arith.ori %lt3A_585, %and3A_588 : vector<256x128xi1>
      %eq3A_590 = arith.xori %eq3A_582, %not3A_564 : vector<256x128xi1>
      %eq3A_591 = arith.constant dense<true> : vector<256x128xi1>
      %eq3A_592 = arith.xori %eq3A_590, %eq3A_591 : vector<256x128xi1>
      %eq3A_593 = arith.xori %eq3A_592, %or3A_589 : vector<256x128xi1>
      %eq3A_594 = arith.constant dense<true> : vector<256x128xi1>
      %eq3A_595 = arith.xori %eq3A_593, %eq3A_594 : vector<256x128xi1>
      %select_n3A_596 = arith.select %eq3A_595, %select_n3A_555, %select_n3A_583 : vector<256x128xi1>, vector<256x128xf32>
      %select_n3A_597 = arith.select %eq3A_595, %select_n3A_556, %select_n3A_584 : vector<256x128xi1>, vector<256x128xi32>
      %slice3A_598 = vector.extract_strided_slice %select_n3A_596 {offsets = [0, 16], sizes = [256, 112], strides = [1, 1]} : vector<256x128xf32> to vector<256x112xf32>
      %slice3A_599 = vector.extract_strided_slice %select_n3A_596 {offsets = [0, 0], sizes = [256, 16], strides = [1, 1]} : vector<256x128xf32> to vector<256x16xf32>
      %concatenate3A_600 = tpu.concatenate %slice3A_598, %slice3A_599 in 1 : vector<256x112xf32>, vector<256x16xf32> -> vector<256x128xf32>
      %slice3A_601 = vector.extract_strided_slice %select_n3A_596 {offsets = [0, 112], sizes = [256, 16], strides = [1, 1]} : vector<256x128xf32> to vector<256x16xf32>
      %slice3A_602 = vector.extract_strided_slice %select_n3A_596 {offsets = [0, 0], sizes = [256, 112], strides = [1, 1]} : vector<256x128xf32> to vector<256x112xf32>
      %concatenate3A_603 = tpu.concatenate %slice3A_601, %slice3A_602 in 1 : vector<256x16xf32>, vector<256x112xf32> -> vector<256x128xf32>
      %slice3A_604 = vector.extract_strided_slice %select_n3A_597 {offsets = [0, 16], sizes = [256, 112], strides = [1, 1]} : vector<256x128xi32> to vector<256x112xi32>
      %slice3A_605 = vector.extract_strided_slice %select_n3A_597 {offsets = [0, 0], sizes = [256, 16], strides = [1, 1]} : vector<256x128xi32> to vector<256x16xi32>
      %concatenate3A_606 = tpu.concatenate %slice3A_604, %slice3A_605 in 1 : vector<256x112xi32>, vector<256x16xi32> -> vector<256x128xi32>
      %slice3A_607 = vector.extract_strided_slice %select_n3A_597 {offsets = [0, 112], sizes = [256, 16], strides = [1, 1]} : vector<256x128xi32> to vector<256x16xi32>
      %slice3A_608 = vector.extract_strided_slice %select_n3A_597 {offsets = [0, 0], sizes = [256, 112], strides = [1, 1]} : vector<256x128xi32> to vector<256x112xi32>
      %concatenate3A_609 = tpu.concatenate %slice3A_607, %slice3A_608 in 1 : vector<256x16xi32>, vector<256x112xi32> -> vector<256x128xi32>
      %and3A_610 = arith.constant 16 : i32
      %and3A_611 = vector.broadcast %and3A_610 : i32 to vector<256x128xi32>
      %and3A_612 = arith.andi %iota3A, %and3A_611 : vector<256x128xi32>
      %eq3A_613 = arith.constant 0 : i32
      %eq3A_614 = vector.broadcast %eq3A_613 : i32 to vector<256x128xi32>
      %eq3A_615 = arith.cmpi eq, %and3A_612, %eq3A_614 : vector<256x128xi32>
      %select_n3A_616 = arith.select %eq3A_615, %concatenate3A_600, %concatenate3A_603 : vector<256x128xi1>, vector<256x128xf32>
      %select_n3A_617 = arith.select %eq3A_615, %concatenate3A_606, %concatenate3A_609 : vector<256x128xi1>, vector<256x128xi32>
      %lt3A_618 = arith.cmpf olt, %select_n3A_596, %select_n3A_616 : vector<256x128xf32>
      %eq3A_619 = arith.cmpf oeq, %select_n3A_596, %select_n3A_616 : vector<256x128xf32>
      %lt3A_620 = arith.cmpi slt, %select_n3A_597, %select_n3A_617 : vector<256x128xi32>
      %and3A_621 = arith.andi %eq3A_619, %lt3A_620 : vector<256x128xi1>
      %or3A_622 = arith.ori %lt3A_618, %and3A_621 : vector<256x128xi1>
      %eq3A_623 = arith.xori %eq3A_615, %not3A_564 : vector<256x128xi1>
      %eq3A_624 = arith.constant dense<true> : vector<256x128xi1>
      %eq3A_625 = arith.xori %eq3A_623, %eq3A_624 : vector<256x128xi1>
      %eq3A_626 = arith.xori %eq3A_625, %or3A_622 : vector<256x128xi1>
      %eq3A_627 = arith.constant dense<true> : vector<256x128xi1>
      %eq3A_628 = arith.xori %eq3A_626, %eq3A_627 : vector<256x128xi1>
      %select_n3A_629 = arith.select %eq3A_628, %select_n3A_596, %select_n3A_616 : vector<256x128xi1>, vector<256x128xf32>
      %select_n3A_630 = arith.select %eq3A_628, %select_n3A_597, %select_n3A_617 : vector<256x128xi1>, vector<256x128xi32>
      %slice3A_631 = vector.extract_strided_slice %select_n3A_629 {offsets = [0, 8], sizes = [256, 120], strides = [1, 1]} : vector<256x128xf32> to vector<256x120xf32>
      %slice3A_632 = vector.extract_strided_slice %select_n3A_629 {offsets = [0, 0], sizes = [256, 8], strides = [1, 1]} : vector<256x128xf32> to vector<256x8xf32>
      %concatenate3A_633 = tpu.concatenate %slice3A_631, %slice3A_632 in 1 : vector<256x120xf32>, vector<256x8xf32> -> vector<256x128xf32>
      %slice3A_634 = vector.extract_strided_slice %select_n3A_629 {offsets = [0, 120], sizes = [256, 8], strides = [1, 1]} : vector<256x128xf32> to vector<256x8xf32>
      %slice3A_635 = vector.extract_strided_slice %select_n3A_629 {offsets = [0, 0], sizes = [256, 120], strides = [1, 1]} : vector<256x128xf32> to vector<256x120xf32>
      %concatenate3A_636 = tpu.concatenate %slice3A_634, %slice3A_635 in 1 : vector<256x8xf32>, vector<256x120xf32> -> vector<256x128xf32>
      %slice3A_637 = vector.extract_strided_slice %select_n3A_630 {offsets = [0, 8], sizes = [256, 120], strides = [1, 1]} : vector<256x128xi32> to vector<256x120xi32>
      %slice3A_638 = vector.extract_strided_slice %select_n3A_630 {offsets = [0, 0], sizes = [256, 8], strides = [1, 1]} : vector<256x128xi32> to vector<256x8xi32>
      %concatenate3A_639 = tpu.concatenate %slice3A_637, %slice3A_638 in 1 : vector<256x120xi32>, vector<256x8xi32> -> vector<256x128xi32>
      %slice3A_640 = vector.extract_strided_slice %select_n3A_630 {offsets = [0, 120], sizes = [256, 8], strides = [1, 1]} : vector<256x128xi32> to vector<256x8xi32>
      %slice3A_641 = vector.extract_strided_slice %select_n3A_630 {offsets = [0, 0], sizes = [256, 120], strides = [1, 1]} : vector<256x128xi32> to vector<256x120xi32>
      %concatenate3A_642 = tpu.concatenate %slice3A_640, %slice3A_641 in 1 : vector<256x8xi32>, vector<256x120xi32> -> vector<256x128xi32>
      %and3A_643 = arith.constant 8 : i32
      %and3A_644 = vector.broadcast %and3A_643 : i32 to vector<256x128xi32>
      %and3A_645 = arith.andi %iota3A, %and3A_644 : vector<256x128xi32>
      %eq3A_646 = arith.constant 0 : i32
      %eq3A_647 = vector.broadcast %eq3A_646 : i32 to vector<256x128xi32>
      %eq3A_648 = arith.cmpi eq, %and3A_645, %eq3A_647 : vector<256x128xi32>
      %select_n3A_649 = arith.select %eq3A_648, %concatenate3A_633, %concatenate3A_636 : vector<256x128xi1>, vector<256x128xf32>
      %select_n3A_650 = arith.select %eq3A_648, %concatenate3A_639, %concatenate3A_642 : vector<256x128xi1>, vector<256x128xi32>
      %lt3A_651 = arith.cmpf olt, %select_n3A_629, %select_n3A_649 : vector<256x128xf32>
      %eq3A_652 = arith.cmpf oeq, %select_n3A_629, %select_n3A_649 : vector<256x128xf32>
      %lt3A_653 = arith.cmpi slt, %select_n3A_630, %select_n3A_650 : vector<256x128xi32>
      %and3A_654 = arith.andi %eq3A_652, %lt3A_653 : vector<256x128xi1>
      %or3A_655 = arith.ori %lt3A_651, %and3A_654 : vector<256x128xi1>
      %eq3A_656 = arith.xori %eq3A_648, %not3A_564 : vector<256x128xi1>
      %eq3A_657 = arith.constant dense<true> : vector<256x128xi1>
      %eq3A_658 = arith.xori %eq3A_656, %eq3A_657 : vector<256x128xi1>
      %eq3A_659 = arith.xori %eq3A_658, %or3A_655 : vector<256x128xi1>
      %eq3A_660 = arith.constant dense<true> : vector<256x128xi1>
      %eq3A_661 = arith.xori %eq3A_659, %eq3A_660 : vector<256x128xi1>
      %select_n3A_662 = arith.select %eq3A_661, %select_n3A_629, %select_n3A_649 : vector<256x128xi1>, vector<256x128xf32>
      %select_n3A_663 = arith.select %eq3A_661, %select_n3A_630, %select_n3A_650 : vector<256x128xi1>, vector<256x128xi32>
      %slice3A_664 = vector.extract_strided_slice %select_n3A_662 {offsets = [0, 4], sizes = [256, 124], strides = [1, 1]} : vector<256x128xf32> to vector<256x124xf32>
      %slice3A_665 = vector.extract_strided_slice %select_n3A_662 {offsets = [0, 0], sizes = [256, 4], strides = [1, 1]} : vector<256x128xf32> to vector<256x4xf32>
      %concatenate3A_666 = tpu.concatenate %slice3A_664, %slice3A_665 in 1 : vector<256x124xf32>, vector<256x4xf32> -> vector<256x128xf32>
      %slice3A_667 = vector.extract_strided_slice %select_n3A_662 {offsets = [0, 124], sizes = [256, 4], strides = [1, 1]} : vector<256x128xf32> to vector<256x4xf32>
      %slice3A_668 = vector.extract_strided_slice %select_n3A_662 {offsets = [0, 0], sizes = [256, 124], strides = [1, 1]} : vector<256x128xf32> to vector<256x124xf32>
      %concatenate3A_669 = tpu.concatenate %slice3A_667, %slice3A_668 in 1 : vector<256x4xf32>, vector<256x124xf32> -> vector<256x128xf32>
      %slice3A_670 = vector.extract_strided_slice %select_n3A_663 {offsets = [0, 4], sizes = [256, 124], strides = [1, 1]} : vector<256x128xi32> to vector<256x124xi32>
      %slice3A_671 = vector.extract_strided_slice %select_n3A_663 {offsets = [0, 0], sizes = [256, 4], strides = [1, 1]} : vector<256x128xi32> to vector<256x4xi32>
      %concatenate3A_672 = tpu.concatenate %slice3A_670, %slice3A_671 in 1 : vector<256x124xi32>, vector<256x4xi32> -> vector<256x128xi32>
      %slice3A_673 = vector.extract_strided_slice %select_n3A_663 {offsets = [0, 124], sizes = [256, 4], strides = [1, 1]} : vector<256x128xi32> to vector<256x4xi32>
      %slice3A_674 = vector.extract_strided_slice %select_n3A_663 {offsets = [0, 0], sizes = [256, 124], strides = [1, 1]} : vector<256x128xi32> to vector<256x124xi32>
      %concatenate3A_675 = tpu.concatenate %slice3A_673, %slice3A_674 in 1 : vector<256x4xi32>, vector<256x124xi32> -> vector<256x128xi32>
      %and3A_676 = arith.constant 4 : i32
      %and3A_677 = vector.broadcast %and3A_676 : i32 to vector<256x128xi32>
      %and3A_678 = arith.andi %iota3A, %and3A_677 : vector<256x128xi32>
      %eq3A_679 = arith.constant 0 : i32
      %eq3A_680 = vector.broadcast %eq3A_679 : i32 to vector<256x128xi32>
      %eq3A_681 = arith.cmpi eq, %and3A_678, %eq3A_680 : vector<256x128xi32>
      %select_n3A_682 = arith.select %eq3A_681, %concatenate3A_666, %concatenate3A_669 : vector<256x128xi1>, vector<256x128xf32>
      %select_n3A_683 = arith.select %eq3A_681, %concatenate3A_672, %concatenate3A_675 : vector<256x128xi1>, vector<256x128xi32>
      %lt3A_684 = arith.cmpf olt, %select_n3A_662, %select_n3A_682 : vector<256x128xf32>
      %eq3A_685 = arith.cmpf oeq, %select_n3A_662, %select_n3A_682 : vector<256x128xf32>
      %lt3A_686 = arith.cmpi slt, %select_n3A_663, %select_n3A_683 : vector<256x128xi32>
      %and3A_687 = arith.andi %eq3A_685, %lt3A_686 : vector<256x128xi1>
      %or3A_688 = arith.ori %lt3A_684, %and3A_687 : vector<256x128xi1>
      %eq3A_689 = arith.xori %eq3A_681, %not3A_564 : vector<256x128xi1>
      %eq3A_690 = arith.constant dense<true> : vector<256x128xi1>
      %eq3A_691 = arith.xori %eq3A_689, %eq3A_690 : vector<256x128xi1>
      %eq3A_692 = arith.xori %eq3A_691, %or3A_688 : vector<256x128xi1>
      %eq3A_693 = arith.constant dense<true> : vector<256x128xi1>
      %eq3A_694 = arith.xori %eq3A_692, %eq3A_693 : vector<256x128xi1>
      %select_n3A_695 = arith.select %eq3A_694, %select_n3A_662, %select_n3A_682 : vector<256x128xi1>, vector<256x128xf32>
      %select_n3A_696 = arith.select %eq3A_694, %select_n3A_663, %select_n3A_683 : vector<256x128xi1>, vector<256x128xi32>
      %slice3A_697 = vector.extract_strided_slice %select_n3A_695 {offsets = [0, 2], sizes = [256, 126], strides = [1, 1]} : vector<256x128xf32> to vector<256x126xf32>
      %slice3A_698 = vector.extract_strided_slice %select_n3A_695 {offsets = [0, 0], sizes = [256, 2], strides = [1, 1]} : vector<256x128xf32> to vector<256x2xf32>
      %concatenate3A_699 = tpu.concatenate %slice3A_697, %slice3A_698 in 1 : vector<256x126xf32>, vector<256x2xf32> -> vector<256x128xf32>
      %slice3A_700 = vector.extract_strided_slice %select_n3A_695 {offsets = [0, 126], sizes = [256, 2], strides = [1, 1]} : vector<256x128xf32> to vector<256x2xf32>
      %slice3A_701 = vector.extract_strided_slice %select_n3A_695 {offsets = [0, 0], sizes = [256, 126], strides = [1, 1]} : vector<256x128xf32> to vector<256x126xf32>
      %concatenate3A_702 = tpu.concatenate %slice3A_700, %slice3A_701 in 1 : vector<256x2xf32>, vector<256x126xf32> -> vector<256x128xf32>
      %slice3A_703 = vector.extract_strided_slice %select_n3A_696 {offsets = [0, 2], sizes = [256, 126], strides = [1, 1]} : vector<256x128xi32> to vector<256x126xi32>
      %slice3A_704 = vector.extract_strided_slice %select_n3A_696 {offsets = [0, 0], sizes = [256, 2], strides = [1, 1]} : vector<256x128xi32> to vector<256x2xi32>
      %concatenate3A_705 = tpu.concatenate %slice3A_703, %slice3A_704 in 1 : vector<256x126xi32>, vector<256x2xi32> -> vector<256x128xi32>
      %slice3A_706 = vector.extract_strided_slice %select_n3A_696 {offsets = [0, 126], sizes = [256, 2], strides = [1, 1]} : vector<256x128xi32> to vector<256x2xi32>
      %slice3A_707 = vector.extract_strided_slice %select_n3A_696 {offsets = [0, 0], sizes = [256, 126], strides = [1, 1]} : vector<256x128xi32> to vector<256x126xi32>
      %concatenate3A_708 = tpu.concatenate %slice3A_706, %slice3A_707 in 1 : vector<256x2xi32>, vector<256x126xi32> -> vector<256x128xi32>
      %and3A_709 = arith.constant 2 : i32
      %and3A_710 = vector.broadcast %and3A_709 : i32 to vector<256x128xi32>
      %and3A_711 = arith.andi %iota3A, %and3A_710 : vector<256x128xi32>
      %eq3A_712 = arith.constant 0 : i32
      %eq3A_713 = vector.broadcast %eq3A_712 : i32 to vector<256x128xi32>
      %eq3A_714 = arith.cmpi eq, %and3A_711, %eq3A_713 : vector<256x128xi32>
      %select_n3A_715 = arith.select %eq3A_714, %concatenate3A_699, %concatenate3A_702 : vector<256x128xi1>, vector<256x128xf32>
      %select_n3A_716 = arith.select %eq3A_714, %concatenate3A_705, %concatenate3A_708 : vector<256x128xi1>, vector<256x128xi32>
      %lt3A_717 = arith.cmpf olt, %select_n3A_695, %select_n3A_715 : vector<256x128xf32>
      %eq3A_718 = arith.cmpf oeq, %select_n3A_695, %select_n3A_715 : vector<256x128xf32>
      %lt3A_719 = arith.cmpi slt, %select_n3A_696, %select_n3A_716 : vector<256x128xi32>
      %and3A_720 = arith.andi %eq3A_718, %lt3A_719 : vector<256x128xi1>
      %or3A_721 = arith.ori %lt3A_717, %and3A_720 : vector<256x128xi1>
      %eq3A_722 = arith.xori %eq3A_714, %not3A_564 : vector<256x128xi1>
      %eq3A_723 = arith.constant dense<true> : vector<256x128xi1>
      %eq3A_724 = arith.xori %eq3A_722, %eq3A_723 : vector<256x128xi1>
      %eq3A_725 = arith.xori %eq3A_724, %or3A_721 : vector<256x128xi1>
      %eq3A_726 = arith.constant dense<true> : vector<256x128xi1>
      %eq3A_727 = arith.xori %eq3A_725, %eq3A_726 : vector<256x128xi1>
      %select_n3A_728 = arith.select %eq3A_727, %select_n3A_695, %select_n3A_715 : vector<256x128xi1>, vector<256x128xf32>
      %select_n3A_729 = arith.select %eq3A_727, %select_n3A_696, %select_n3A_716 : vector<256x128xi1>, vector<256x128xi32>
      %slice3A_730 = vector.extract_strided_slice %select_n3A_728 {offsets = [0, 1], sizes = [256, 127], strides = [1, 1]} : vector<256x128xf32> to vector<256x127xf32>
      %slice3A_731 = vector.extract_strided_slice %select_n3A_728 {offsets = [0, 0], sizes = [256, 1], strides = [1, 1]} : vector<256x128xf32> to vector<256x1xf32>
      %concatenate3A_732 = tpu.concatenate %slice3A_730, %slice3A_731 in 1 : vector<256x127xf32>, vector<256x1xf32> -> vector<256x128xf32>
      %slice3A_733 = vector.extract_strided_slice %select_n3A_728 {offsets = [0, 127], sizes = [256, 1], strides = [1, 1]} : vector<256x128xf32> to vector<256x1xf32>
      %slice3A_734 = vector.extract_strided_slice %select_n3A_728 {offsets = [0, 0], sizes = [256, 127], strides = [1, 1]} : vector<256x128xf32> to vector<256x127xf32>
      %concatenate3A_735 = tpu.concatenate %slice3A_733, %slice3A_734 in 1 : vector<256x1xf32>, vector<256x127xf32> -> vector<256x128xf32>
      %slice3A_736 = vector.extract_strided_slice %select_n3A_729 {offsets = [0, 1], sizes = [256, 127], strides = [1, 1]} : vector<256x128xi32> to vector<256x127xi32>
      %slice3A_737 = vector.extract_strided_slice %select_n3A_729 {offsets = [0, 0], sizes = [256, 1], strides = [1, 1]} : vector<256x128xi32> to vector<256x1xi32>
      %concatenate3A_738 = tpu.concatenate %slice3A_736, %slice3A_737 in 1 : vector<256x127xi32>, vector<256x1xi32> -> vector<256x128xi32>
      %slice3A_739 = vector.extract_strided_slice %select_n3A_729 {offsets = [0, 127], sizes = [256, 1], strides = [1, 1]} : vector<256x128xi32> to vector<256x1xi32>
      %slice3A_740 = vector.extract_strided_slice %select_n3A_729 {offsets = [0, 0], sizes = [256, 127], strides = [1, 1]} : vector<256x128xi32> to vector<256x127xi32>
      %concatenate3A_741 = tpu.concatenate %slice3A_739, %slice3A_740 in 1 : vector<256x1xi32>, vector<256x127xi32> -> vector<256x128xi32>
      %and3A_742 = arith.constant 1 : i32
      %and3A_743 = vector.broadcast %and3A_742 : i32 to vector<256x128xi32>
      %and3A_744 = arith.andi %iota3A, %and3A_743 : vector<256x128xi32>
      %eq3A_745 = arith.constant 0 : i32
      %eq3A_746 = vector.broadcast %eq3A_745 : i32 to vector<256x128xi32>
      %eq3A_747 = arith.cmpi eq, %and3A_744, %eq3A_746 : vector<256x128xi32>
      %select_n3A_748 = arith.select %eq3A_747, %concatenate3A_732, %concatenate3A_735 : vector<256x128xi1>, vector<256x128xf32>
      %select_n3A_749 = arith.select %eq3A_747, %concatenate3A_738, %concatenate3A_741 : vector<256x128xi1>, vector<256x128xi32>
      %lt3A_750 = arith.cmpf olt, %select_n3A_728, %select_n3A_748 : vector<256x128xf32>
      %eq3A_751 = arith.cmpf oeq, %select_n3A_728, %select_n3A_748 : vector<256x128xf32>
      %lt3A_752 = arith.cmpi slt, %select_n3A_729, %select_n3A_749 : vector<256x128xi32>
      %and3A_753 = arith.andi %eq3A_751, %lt3A_752 : vector<256x128xi1>
      %or3A_754 = arith.ori %lt3A_750, %and3A_753 : vector<256x128xi1>
      %eq3A_755 = arith.xori %eq3A_747, %not3A_564 : vector<256x128xi1>
      %eq3A_756 = arith.constant dense<true> : vector<256x128xi1>
      %eq3A_757 = arith.xori %eq3A_755, %eq3A_756 : vector<256x128xi1>
      %eq3A_758 = arith.xori %eq3A_757, %or3A_754 : vector<256x128xi1>
      %eq3A_759 = arith.constant dense<true> : vector<256x128xi1>
      %eq3A_760 = arith.xori %eq3A_758, %eq3A_759 : vector<256x128xi1>
      %select_n3A_761 = arith.select %eq3A_760, %select_n3A_728, %select_n3A_748 : vector<256x128xi1>, vector<256x128xf32>
      %select_n3A_762 = arith.select %eq3A_760, %select_n3A_729, %select_n3A_749 : vector<256x128xi1>, vector<256x128xi32>
      %and3A_763 = arith.constant 128 : i32
      %and3A_764 = vector.broadcast %and3A_763 : i32 to vector<256x128xi32>
      %and3A_765 = arith.andi %iota3A, %and3A_764 : vector<256x128xi32>
      %eq3A_766 = arith.constant 0 : i32
      %eq3A_767 = vector.broadcast %eq3A_766 : i32 to vector<256x128xi32>
      %eq3A_768 = arith.cmpi eq, %and3A_765, %eq3A_767 : vector<256x128xi32>
      %not3A_769 = arith.constant dense<true> : vector<256x128xi1>
      %not3A_770 = arith.xori %eq3A_768, %not3A_769 : vector<256x128xi1>
      %slice3A_771 = vector.extract_strided_slice %select_n3A_761 {offsets = [0, 64], sizes = [256, 64], strides = [1, 1]} : vector<256x128xf32> to vector<256x64xf32>
      %slice3A_772 = vector.extract_strided_slice %select_n3A_761 {offsets = [0, 0], sizes = [256, 64], strides = [1, 1]} : vector<256x128xf32> to vector<256x64xf32>
      %concatenate3A_773 = tpu.concatenate %slice3A_771, %slice3A_772 in 1 : vector<256x64xf32>, vector<256x64xf32> -> vector<256x128xf32>
      %slice3A_774 = vector.extract_strided_slice %select_n3A_761 {offsets = [0, 64], sizes = [256, 64], strides = [1, 1]} : vector<256x128xf32> to vector<256x64xf32>
      %slice3A_775 = vector.extract_strided_slice %select_n3A_761 {offsets = [0, 0], sizes = [256, 64], strides = [1, 1]} : vector<256x128xf32> to vector<256x64xf32>
      %concatenate3A_776 = tpu.concatenate %slice3A_774, %slice3A_775 in 1 : vector<256x64xf32>, vector<256x64xf32> -> vector<256x128xf32>
      %slice3A_777 = vector.extract_strided_slice %select_n3A_762 {offsets = [0, 64], sizes = [256, 64], strides = [1, 1]} : vector<256x128xi32> to vector<256x64xi32>
      %slice3A_778 = vector.extract_strided_slice %select_n3A_762 {offsets = [0, 0], sizes = [256, 64], strides = [1, 1]} : vector<256x128xi32> to vector<256x64xi32>
      %concatenate3A_779 = tpu.concatenate %slice3A_777, %slice3A_778 in 1 : vector<256x64xi32>, vector<256x64xi32> -> vector<256x128xi32>
      %slice3A_780 = vector.extract_strided_slice %select_n3A_762 {offsets = [0, 64], sizes = [256, 64], strides = [1, 1]} : vector<256x128xi32> to vector<256x64xi32>
      %slice3A_781 = vector.extract_strided_slice %select_n3A_762 {offsets = [0, 0], sizes = [256, 64], strides = [1, 1]} : vector<256x128xi32> to vector<256x64xi32>
      %concatenate3A_782 = tpu.concatenate %slice3A_780, %slice3A_781 in 1 : vector<256x64xi32>, vector<256x64xi32> -> vector<256x128xi32>
      %and3A_783 = arith.constant 64 : i32
      %and3A_784 = vector.broadcast %and3A_783 : i32 to vector<256x128xi32>
      %and3A_785 = arith.andi %iota3A, %and3A_784 : vector<256x128xi32>
      %eq3A_786 = arith.constant 0 : i32
      %eq3A_787 = vector.broadcast %eq3A_786 : i32 to vector<256x128xi32>
      %eq3A_788 = arith.cmpi eq, %and3A_785, %eq3A_787 : vector<256x128xi32>
      %select_n3A_789 = arith.select %eq3A_788, %concatenate3A_773, %concatenate3A_776 : vector<256x128xi1>, vector<256x128xf32>
      %select_n3A_790 = arith.select %eq3A_788, %concatenate3A_779, %concatenate3A_782 : vector<256x128xi1>, vector<256x128xi32>
      %lt3A_791 = arith.cmpf olt, %select_n3A_761, %select_n3A_789 : vector<256x128xf32>
      %eq3A_792 = arith.cmpf oeq, %select_n3A_761, %select_n3A_789 : vector<256x128xf32>
      %lt3A_793 = arith.cmpi slt, %select_n3A_762, %select_n3A_790 : vector<256x128xi32>
      %and3A_794 = arith.andi %eq3A_792, %lt3A_793 : vector<256x128xi1>
      %or3A_795 = arith.ori %lt3A_791, %and3A_794 : vector<256x128xi1>
      %eq3A_796 = arith.xori %eq3A_788, %not3A_770 : vector<256x128xi1>
      %eq3A_797 = arith.constant dense<true> : vector<256x128xi1>
      %eq3A_798 = arith.xori %eq3A_796, %eq3A_797 : vector<256x128xi1>
      %eq3A_799 = arith.xori %eq3A_798, %or3A_795 : vector<256x128xi1>
      %eq3A_800 = arith.constant dense<true> : vector<256x128xi1>
      %eq3A_801 = arith.xori %eq3A_799, %eq3A_800 : vector<256x128xi1>
      %select_n3A_802 = arith.select %eq3A_801, %select_n3A_761, %select_n3A_789 : vector<256x128xi1>, vector<256x128xf32>
      %select_n3A_803 = arith.select %eq3A_801, %select_n3A_762, %select_n3A_790 : vector<256x128xi1>, vector<256x128xi32>
      %slice3A_804 = vector.extract_strided_slice %select_n3A_802 {offsets = [0, 32], sizes = [256, 96], strides = [1, 1]} : vector<256x128xf32> to vector<256x96xf32>
      %slice3A_805 = vector.extract_strided_slice %select_n3A_802 {offsets = [0, 0], sizes = [256, 32], strides = [1, 1]} : vector<256x128xf32> to vector<256x32xf32>
      %concatenate3A_806 = tpu.concatenate %slice3A_804, %slice3A_805 in 1 : vector<256x96xf32>, vector<256x32xf32> -> vector<256x128xf32>
      %slice3A_807 = vector.extract_strided_slice %select_n3A_802 {offsets = [0, 96], sizes = [256, 32], strides = [1, 1]} : vector<256x128xf32> to vector<256x32xf32>
      %slice3A_808 = vector.extract_strided_slice %select_n3A_802 {offsets = [0, 0], sizes = [256, 96], strides = [1, 1]} : vector<256x128xf32> to vector<256x96xf32>
      %concatenate3A_809 = tpu.concatenate %slice3A_807, %slice3A_808 in 1 : vector<256x32xf32>, vector<256x96xf32> -> vector<256x128xf32>
      %slice3A_810 = vector.extract_strided_slice %select_n3A_803 {offsets = [0, 32], sizes = [256, 96], strides = [1, 1]} : vector<256x128xi32> to vector<256x96xi32>
      %slice3A_811 = vector.extract_strided_slice %select_n3A_803 {offsets = [0, 0], sizes = [256, 32], strides = [1, 1]} : vector<256x128xi32> to vector<256x32xi32>
      %concatenate3A_812 = tpu.concatenate %slice3A_810, %slice3A_811 in 1 : vector<256x96xi32>, vector<256x32xi32> -> vector<256x128xi32>
      %slice3A_813 = vector.extract_strided_slice %select_n3A_803 {offsets = [0, 96], sizes = [256, 32], strides = [1, 1]} : vector<256x128xi32> to vector<256x32xi32>
      %slice3A_814 = vector.extract_strided_slice %select_n3A_803 {offsets = [0, 0], sizes = [256, 96], strides = [1, 1]} : vector<256x128xi32> to vector<256x96xi32>
      %concatenate3A_815 = tpu.concatenate %slice3A_813, %slice3A_814 in 1 : vector<256x32xi32>, vector<256x96xi32> -> vector<256x128xi32>
      %and3A_816 = arith.constant 32 : i32
      %and3A_817 = vector.broadcast %and3A_816 : i32 to vector<256x128xi32>
      %and3A_818 = arith.andi %iota3A, %and3A_817 : vector<256x128xi32>
      %eq3A_819 = arith.constant 0 : i32
      %eq3A_820 = vector.broadcast %eq3A_819 : i32 to vector<256x128xi32>
      %eq3A_821 = arith.cmpi eq, %and3A_818, %eq3A_820 : vector<256x128xi32>
      %select_n3A_822 = arith.select %eq3A_821, %concatenate3A_806, %concatenate3A_809 : vector<256x128xi1>, vector<256x128xf32>
      %select_n3A_823 = arith.select %eq3A_821, %concatenate3A_812, %concatenate3A_815 : vector<256x128xi1>, vector<256x128xi32>
      %lt3A_824 = arith.cmpf olt, %select_n3A_802, %select_n3A_822 : vector<256x128xf32>
      %eq3A_825 = arith.cmpf oeq, %select_n3A_802, %select_n3A_822 : vector<256x128xf32>
      %lt3A_826 = arith.cmpi slt, %select_n3A_803, %select_n3A_823 : vector<256x128xi32>
      %and3A_827 = arith.andi %eq3A_825, %lt3A_826 : vector<256x128xi1>
      %or3A_828 = arith.ori %lt3A_824, %and3A_827 : vector<256x128xi1>
      %eq3A_829 = arith.xori %eq3A_821, %not3A_770 : vector<256x128xi1>
      %eq3A_830 = arith.constant dense<true> : vector<256x128xi1>
      %eq3A_831 = arith.xori %eq3A_829, %eq3A_830 : vector<256x128xi1>
      %eq3A_832 = arith.xori %eq3A_831, %or3A_828 : vector<256x128xi1>
      %eq3A_833 = arith.constant dense<true> : vector<256x128xi1>
      %eq3A_834 = arith.xori %eq3A_832, %eq3A_833 : vector<256x128xi1>
      %select_n3A_835 = arith.select %eq3A_834, %select_n3A_802, %select_n3A_822 : vector<256x128xi1>, vector<256x128xf32>
      %select_n3A_836 = arith.select %eq3A_834, %select_n3A_803, %select_n3A_823 : vector<256x128xi1>, vector<256x128xi32>
      %slice3A_837 = vector.extract_strided_slice %select_n3A_835 {offsets = [0, 16], sizes = [256, 112], strides = [1, 1]} : vector<256x128xf32> to vector<256x112xf32>
      %slice3A_838 = vector.extract_strided_slice %select_n3A_835 {offsets = [0, 0], sizes = [256, 16], strides = [1, 1]} : vector<256x128xf32> to vector<256x16xf32>
      %concatenate3A_839 = tpu.concatenate %slice3A_837, %slice3A_838 in 1 : vector<256x112xf32>, vector<256x16xf32> -> vector<256x128xf32>
      %slice3A_840 = vector.extract_strided_slice %select_n3A_835 {offsets = [0, 112], sizes = [256, 16], strides = [1, 1]} : vector<256x128xf32> to vector<256x16xf32>
      %slice3A_841 = vector.extract_strided_slice %select_n3A_835 {offsets = [0, 0], sizes = [256, 112], strides = [1, 1]} : vector<256x128xf32> to vector<256x112xf32>
      %concatenate3A_842 = tpu.concatenate %slice3A_840, %slice3A_841 in 1 : vector<256x16xf32>, vector<256x112xf32> -> vector<256x128xf32>
      %slice3A_843 = vector.extract_strided_slice %select_n3A_836 {offsets = [0, 16], sizes = [256, 112], strides = [1, 1]} : vector<256x128xi32> to vector<256x112xi32>
      %slice3A_844 = vector.extract_strided_slice %select_n3A_836 {offsets = [0, 0], sizes = [256, 16], strides = [1, 1]} : vector<256x128xi32> to vector<256x16xi32>
      %concatenate3A_845 = tpu.concatenate %slice3A_843, %slice3A_844 in 1 : vector<256x112xi32>, vector<256x16xi32> -> vector<256x128xi32>
      %slice3A_846 = vector.extract_strided_slice %select_n3A_836 {offsets = [0, 112], sizes = [256, 16], strides = [1, 1]} : vector<256x128xi32> to vector<256x16xi32>
      %slice3A_847 = vector.extract_strided_slice %select_n3A_836 {offsets = [0, 0], sizes = [256, 112], strides = [1, 1]} : vector<256x128xi32> to vector<256x112xi32>
      %concatenate3A_848 = tpu.concatenate %slice3A_846, %slice3A_847 in 1 : vector<256x16xi32>, vector<256x112xi32> -> vector<256x128xi32>
      %and3A_849 = arith.constant 16 : i32
      %and3A_850 = vector.broadcast %and3A_849 : i32 to vector<256x128xi32>
      %and3A_851 = arith.andi %iota3A, %and3A_850 : vector<256x128xi32>
      %eq3A_852 = arith.constant 0 : i32
      %eq3A_853 = vector.broadcast %eq3A_852 : i32 to vector<256x128xi32>
      %eq3A_854 = arith.cmpi eq, %and3A_851, %eq3A_853 : vector<256x128xi32>
      %select_n3A_855 = arith.select %eq3A_854, %concatenate3A_839, %concatenate3A_842 : vector<256x128xi1>, vector<256x128xf32>
      %select_n3A_856 = arith.select %eq3A_854, %concatenate3A_845, %concatenate3A_848 : vector<256x128xi1>, vector<256x128xi32>
      %lt3A_857 = arith.cmpf olt, %select_n3A_835, %select_n3A_855 : vector<256x128xf32>
      %eq3A_858 = arith.cmpf oeq, %select_n3A_835, %select_n3A_855 : vector<256x128xf32>
      %lt3A_859 = arith.cmpi slt, %select_n3A_836, %select_n3A_856 : vector<256x128xi32>
      %and3A_860 = arith.andi %eq3A_858, %lt3A_859 : vector<256x128xi1>
      %or3A_861 = arith.ori %lt3A_857, %and3A_860 : vector<256x128xi1>
      %eq3A_862 = arith.xori %eq3A_854, %not3A_770 : vector<256x128xi1>
      %eq3A_863 = arith.constant dense<true> : vector<256x128xi1>
      %eq3A_864 = arith.xori %eq3A_862, %eq3A_863 : vector<256x128xi1>
      %eq3A_865 = arith.xori %eq3A_864, %or3A_861 : vector<256x128xi1>
      %eq3A_866 = arith.constant dense<true> : vector<256x128xi1>
      %eq3A_867 = arith.xori %eq3A_865, %eq3A_866 : vector<256x128xi1>
      %select_n3A_868 = arith.select %eq3A_867, %select_n3A_835, %select_n3A_855 : vector<256x128xi1>, vector<256x128xf32>
      %select_n3A_869 = arith.select %eq3A_867, %select_n3A_836, %select_n3A_856 : vector<256x128xi1>, vector<256x128xi32>
      %slice3A_870 = vector.extract_strided_slice %select_n3A_868 {offsets = [0, 8], sizes = [256, 120], strides = [1, 1]} : vector<256x128xf32> to vector<256x120xf32>
      %slice3A_871 = vector.extract_strided_slice %select_n3A_868 {offsets = [0, 0], sizes = [256, 8], strides = [1, 1]} : vector<256x128xf32> to vector<256x8xf32>
      %concatenate3A_872 = tpu.concatenate %slice3A_870, %slice3A_871 in 1 : vector<256x120xf32>, vector<256x8xf32> -> vector<256x128xf32>
      %slice3A_873 = vector.extract_strided_slice %select_n3A_868 {offsets = [0, 120], sizes = [256, 8], strides = [1, 1]} : vector<256x128xf32> to vector<256x8xf32>
      %slice3A_874 = vector.extract_strided_slice %select_n3A_868 {offsets = [0, 0], sizes = [256, 120], strides = [1, 1]} : vector<256x128xf32> to vector<256x120xf32>
      %concatenate3A_875 = tpu.concatenate %slice3A_873, %slice3A_874 in 1 : vector<256x8xf32>, vector<256x120xf32> -> vector<256x128xf32>
      %slice3A_876 = vector.extract_strided_slice %select_n3A_869 {offsets = [0, 8], sizes = [256, 120], strides = [1, 1]} : vector<256x128xi32> to vector<256x120xi32>
      %slice3A_877 = vector.extract_strided_slice %select_n3A_869 {offsets = [0, 0], sizes = [256, 8], strides = [1, 1]} : vector<256x128xi32> to vector<256x8xi32>
      %concatenate3A_878 = tpu.concatenate %slice3A_876, %slice3A_877 in 1 : vector<256x120xi32>, vector<256x8xi32> -> vector<256x128xi32>
      %slice3A_879 = vector.extract_strided_slice %select_n3A_869 {offsets = [0, 120], sizes = [256, 8], strides = [1, 1]} : vector<256x128xi32> to vector<256x8xi32>
      %slice3A_880 = vector.extract_strided_slice %select_n3A_869 {offsets = [0, 0], sizes = [256, 120], strides = [1, 1]} : vector<256x128xi32> to vector<256x120xi32>
      %concatenate3A_881 = tpu.concatenate %slice3A_879, %slice3A_880 in 1 : vector<256x8xi32>, vector<256x120xi32> -> vector<256x128xi32>
      %and3A_882 = arith.constant 8 : i32
      %and3A_883 = vector.broadcast %and3A_882 : i32 to vector<256x128xi32>
      %and3A_884 = arith.andi %iota3A, %and3A_883 : vector<256x128xi32>
      %eq3A_885 = arith.constant 0 : i32
      %eq3A_886 = vector.broadcast %eq3A_885 : i32 to vector<256x128xi32>
      %eq3A_887 = arith.cmpi eq, %and3A_884, %eq3A_886 : vector<256x128xi32>
      %select_n3A_888 = arith.select %eq3A_887, %concatenate3A_872, %concatenate3A_875 : vector<256x128xi1>, vector<256x128xf32>
      %select_n3A_889 = arith.select %eq3A_887, %concatenate3A_878, %concatenate3A_881 : vector<256x128xi1>, vector<256x128xi32>
      %lt3A_890 = arith.cmpf olt, %select_n3A_868, %select_n3A_888 : vector<256x128xf32>
      %eq3A_891 = arith.cmpf oeq, %select_n3A_868, %select_n3A_888 : vector<256x128xf32>
      %lt3A_892 = arith.cmpi slt, %select_n3A_869, %select_n3A_889 : vector<256x128xi32>
      %and3A_893 = arith.andi %eq3A_891, %lt3A_892 : vector<256x128xi1>
      %or3A_894 = arith.ori %lt3A_890, %and3A_893 : vector<256x128xi1>
      %eq3A_895 = arith.xori %eq3A_887, %not3A_770 : vector<256x128xi1>
      %eq3A_896 = arith.constant dense<true> : vector<256x128xi1>
      %eq3A_897 = arith.xori %eq3A_895, %eq3A_896 : vector<256x128xi1>
      %eq3A_898 = arith.xori %eq3A_897, %or3A_894 : vector<256x128xi1>
      %eq3A_899 = arith.constant dense<true> : vector<256x128xi1>
      %eq3A_900 = arith.xori %eq3A_898, %eq3A_899 : vector<256x128xi1>
      %select_n3A_901 = arith.select %eq3A_900, %select_n3A_868, %select_n3A_888 : vector<256x128xi1>, vector<256x128xf32>
      %select_n3A_902 = arith.select %eq3A_900, %select_n3A_869, %select_n3A_889 : vector<256x128xi1>, vector<256x128xi32>
      %slice3A_903 = vector.extract_strided_slice %select_n3A_901 {offsets = [0, 4], sizes = [256, 124], strides = [1, 1]} : vector<256x128xf32> to vector<256x124xf32>
      %slice3A_904 = vector.extract_strided_slice %select_n3A_901 {offsets = [0, 0], sizes = [256, 4], strides = [1, 1]} : vector<256x128xf32> to vector<256x4xf32>
      %concatenate3A_905 = tpu.concatenate %slice3A_903, %slice3A_904 in 1 : vector<256x124xf32>, vector<256x4xf32> -> vector<256x128xf32>
      %slice3A_906 = vector.extract_strided_slice %select_n3A_901 {offsets = [0, 124], sizes = [256, 4], strides = [1, 1]} : vector<256x128xf32> to vector<256x4xf32>
      %slice3A_907 = vector.extract_strided_slice %select_n3A_901 {offsets = [0, 0], sizes = [256, 124], strides = [1, 1]} : vector<256x128xf32> to vector<256x124xf32>
      %concatenate3A_908 = tpu.concatenate %slice3A_906, %slice3A_907 in 1 : vector<256x4xf32>, vector<256x124xf32> -> vector<256x128xf32>
      %slice3A_909 = vector.extract_strided_slice %select_n3A_902 {offsets = [0, 4], sizes = [256, 124], strides = [1, 1]} : vector<256x128xi32> to vector<256x124xi32>
      %slice3A_910 = vector.extract_strided_slice %select_n3A_902 {offsets = [0, 0], sizes = [256, 4], strides = [1, 1]} : vector<256x128xi32> to vector<256x4xi32>
      %concatenate3A_911 = tpu.concatenate %slice3A_909, %slice3A_910 in 1 : vector<256x124xi32>, vector<256x4xi32> -> vector<256x128xi32>
      %slice3A_912 = vector.extract_strided_slice %select_n3A_902 {offsets = [0, 124], sizes = [256, 4], strides = [1, 1]} : vector<256x128xi32> to vector<256x4xi32>
      %slice3A_913 = vector.extract_strided_slice %select_n3A_902 {offsets = [0, 0], sizes = [256, 124], strides = [1, 1]} : vector<256x128xi32> to vector<256x124xi32>
      %concatenate3A_914 = tpu.concatenate %slice3A_912, %slice3A_913 in 1 : vector<256x4xi32>, vector<256x124xi32> -> vector<256x128xi32>
      %and3A_915 = arith.constant 4 : i32
      %and3A_916 = vector.broadcast %and3A_915 : i32 to vector<256x128xi32>
      %and3A_917 = arith.andi %iota3A, %and3A_916 : vector<256x128xi32>
      %eq3A_918 = arith.constant 0 : i32
      %eq3A_919 = vector.broadcast %eq3A_918 : i32 to vector<256x128xi32>
      %eq3A_920 = arith.cmpi eq, %and3A_917, %eq3A_919 : vector<256x128xi32>
      %select_n3A_921 = arith.select %eq3A_920, %concatenate3A_905, %concatenate3A_908 : vector<256x128xi1>, vector<256x128xf32>
      %select_n3A_922 = arith.select %eq3A_920, %concatenate3A_911, %concatenate3A_914 : vector<256x128xi1>, vector<256x128xi32>
      %lt3A_923 = arith.cmpf olt, %select_n3A_901, %select_n3A_921 : vector<256x128xf32>
      %eq3A_924 = arith.cmpf oeq, %select_n3A_901, %select_n3A_921 : vector<256x128xf32>
      %lt3A_925 = arith.cmpi slt, %select_n3A_902, %select_n3A_922 : vector<256x128xi32>
      %and3A_926 = arith.andi %eq3A_924, %lt3A_925 : vector<256x128xi1>
      %or3A_927 = arith.ori %lt3A_923, %and3A_926 : vector<256x128xi1>
      %eq3A_928 = arith.xori %eq3A_920, %not3A_770 : vector<256x128xi1>
      %eq3A_929 = arith.constant dense<true> : vector<256x128xi1>
      %eq3A_930 = arith.xori %eq3A_928, %eq3A_929 : vector<256x128xi1>
      %eq3A_931 = arith.xori %eq3A_930, %or3A_927 : vector<256x128xi1>
      %eq3A_932 = arith.constant dense<true> : vector<256x128xi1>
      %eq3A_933 = arith.xori %eq3A_931, %eq3A_932 : vector<256x128xi1>
      %select_n3A_934 = arith.select %eq3A_933, %select_n3A_901, %select_n3A_921 : vector<256x128xi1>, vector<256x128xf32>
      %select_n3A_935 = arith.select %eq3A_933, %select_n3A_902, %select_n3A_922 : vector<256x128xi1>, vector<256x128xi32>
      %slice3A_936 = vector.extract_strided_slice %select_n3A_934 {offsets = [0, 2], sizes = [256, 126], strides = [1, 1]} : vector<256x128xf32> to vector<256x126xf32>
      %slice3A_937 = vector.extract_strided_slice %select_n3A_934 {offsets = [0, 0], sizes = [256, 2], strides = [1, 1]} : vector<256x128xf32> to vector<256x2xf32>
      %concatenate3A_938 = tpu.concatenate %slice3A_936, %slice3A_937 in 1 : vector<256x126xf32>, vector<256x2xf32> -> vector<256x128xf32>
      %slice3A_939 = vector.extract_strided_slice %select_n3A_934 {offsets = [0, 126], sizes = [256, 2], strides = [1, 1]} : vector<256x128xf32> to vector<256x2xf32>
      %slice3A_940 = vector.extract_strided_slice %select_n3A_934 {offsets = [0, 0], sizes = [256, 126], strides = [1, 1]} : vector<256x128xf32> to vector<256x126xf32>
      %concatenate3A_941 = tpu.concatenate %slice3A_939, %slice3A_940 in 1 : vector<256x2xf32>, vector<256x126xf32> -> vector<256x128xf32>
      %slice3A_942 = vector.extract_strided_slice %select_n3A_935 {offsets = [0, 2], sizes = [256, 126], strides = [1, 1]} : vector<256x128xi32> to vector<256x126xi32>
      %slice3A_943 = vector.extract_strided_slice %select_n3A_935 {offsets = [0, 0], sizes = [256, 2], strides = [1, 1]} : vector<256x128xi32> to vector<256x2xi32>
      %concatenate3A_944 = tpu.concatenate %slice3A_942, %slice3A_943 in 1 : vector<256x126xi32>, vector<256x2xi32> -> vector<256x128xi32>
      %slice3A_945 = vector.extract_strided_slice %select_n3A_935 {offsets = [0, 126], sizes = [256, 2], strides = [1, 1]} : vector<256x128xi32> to vector<256x2xi32>
      %slice3A_946 = vector.extract_strided_slice %select_n3A_935 {offsets = [0, 0], sizes = [256, 126], strides = [1, 1]} : vector<256x128xi32> to vector<256x126xi32>
      %concatenate3A_947 = tpu.concatenate %slice3A_945, %slice3A_946 in 1 : vector<256x2xi32>, vector<256x126xi32> -> vector<256x128xi32>
      %and3A_948 = arith.constant 2 : i32
      %and3A_949 = vector.broadcast %and3A_948 : i32 to vector<256x128xi32>
      %and3A_950 = arith.andi %iota3A, %and3A_949 : vector<256x128xi32>
      %eq3A_951 = arith.constant 0 : i32
      %eq3A_952 = vector.broadcast %eq3A_951 : i32 to vector<256x128xi32>
      %eq3A_953 = arith.cmpi eq, %and3A_950, %eq3A_952 : vector<256x128xi32>
      %select_n3A_954 = arith.select %eq3A_953, %concatenate3A_938, %concatenate3A_941 : vector<256x128xi1>, vector<256x128xf32>
      %select_n3A_955 = arith.select %eq3A_953, %concatenate3A_944, %concatenate3A_947 : vector<256x128xi1>, vector<256x128xi32>
      %lt3A_956 = arith.cmpf olt, %select_n3A_934, %select_n3A_954 : vector<256x128xf32>
      %eq3A_957 = arith.cmpf oeq, %select_n3A_934, %select_n3A_954 : vector<256x128xf32>
      %lt3A_958 = arith.cmpi slt, %select_n3A_935, %select_n3A_955 : vector<256x128xi32>
      %and3A_959 = arith.andi %eq3A_957, %lt3A_958 : vector<256x128xi1>
      %or3A_960 = arith.ori %lt3A_956, %and3A_959 : vector<256x128xi1>
      %eq3A_961 = arith.xori %eq3A_953, %not3A_770 : vector<256x128xi1>
      %eq3A_962 = arith.constant dense<true> : vector<256x128xi1>
      %eq3A_963 = arith.xori %eq3A_961, %eq3A_962 : vector<256x128xi1>
      %eq3A_964 = arith.xori %eq3A_963, %or3A_960 : vector<256x128xi1>
      %eq3A_965 = arith.constant dense<true> : vector<256x128xi1>
      %eq3A_966 = arith.xori %eq3A_964, %eq3A_965 : vector<256x128xi1>
      %select_n3A_967 = arith.select %eq3A_966, %select_n3A_934, %select_n3A_954 : vector<256x128xi1>, vector<256x128xf32>
      %select_n3A_968 = arith.select %eq3A_966, %select_n3A_935, %select_n3A_955 : vector<256x128xi1>, vector<256x128xi32>
      %slice3A_969 = vector.extract_strided_slice %select_n3A_967 {offsets = [0, 1], sizes = [256, 127], strides = [1, 1]} : vector<256x128xf32> to vector<256x127xf32>
      %slice3A_970 = vector.extract_strided_slice %select_n3A_967 {offsets = [0, 0], sizes = [256, 1], strides = [1, 1]} : vector<256x128xf32> to vector<256x1xf32>
      %concatenate3A_971 = tpu.concatenate %slice3A_969, %slice3A_970 in 1 : vector<256x127xf32>, vector<256x1xf32> -> vector<256x128xf32>
      %slice3A_972 = vector.extract_strided_slice %select_n3A_967 {offsets = [0, 127], sizes = [256, 1], strides = [1, 1]} : vector<256x128xf32> to vector<256x1xf32>
      %slice3A_973 = vector.extract_strided_slice %select_n3A_967 {offsets = [0, 0], sizes = [256, 127], strides = [1, 1]} : vector<256x128xf32> to vector<256x127xf32>
      %concatenate3A_974 = tpu.concatenate %slice3A_972, %slice3A_973 in 1 : vector<256x1xf32>, vector<256x127xf32> -> vector<256x128xf32>
      %slice3A_975 = vector.extract_strided_slice %select_n3A_968 {offsets = [0, 1], sizes = [256, 127], strides = [1, 1]} : vector<256x128xi32> to vector<256x127xi32>
      %slice3A_976 = vector.extract_strided_slice %select_n3A_968 {offsets = [0, 0], sizes = [256, 1], strides = [1, 1]} : vector<256x128xi32> to vector<256x1xi32>
      %concatenate3A_977 = tpu.concatenate %slice3A_975, %slice3A_976 in 1 : vector<256x127xi32>, vector<256x1xi32> -> vector<256x128xi32>
      %slice3A_978 = vector.extract_strided_slice %select_n3A_968 {offsets = [0, 127], sizes = [256, 1], strides = [1, 1]} : vector<256x128xi32> to vector<256x1xi32>
      %slice3A_979 = vector.extract_strided_slice %select_n3A_968 {offsets = [0, 0], sizes = [256, 127], strides = [1, 1]} : vector<256x128xi32> to vector<256x127xi32>
      %concatenate3A_980 = tpu.concatenate %slice3A_978, %slice3A_979 in 1 : vector<256x1xi32>, vector<256x127xi32> -> vector<256x128xi32>
      %and3A_981 = arith.constant 1 : i32
      %and3A_982 = vector.broadcast %and3A_981 : i32 to vector<256x128xi32>
      %and3A_983 = arith.andi %iota3A, %and3A_982 : vector<256x128xi32>
      %eq3A_984 = arith.constant 0 : i32
      %eq3A_985 = vector.broadcast %eq3A_984 : i32 to vector<256x128xi32>
      %eq3A_986 = arith.cmpi eq, %and3A_983, %eq3A_985 : vector<256x128xi32>
      %select_n3A_987 = arith.select %eq3A_986, %concatenate3A_971, %concatenate3A_974 : vector<256x128xi1>, vector<256x128xf32>
      %select_n3A_988 = arith.select %eq3A_986, %concatenate3A_977, %concatenate3A_980 : vector<256x128xi1>, vector<256x128xi32>
      %lt3A_989 = arith.cmpf olt, %select_n3A_967, %select_n3A_987 : vector<256x128xf32>
      %eq3A_990 = arith.cmpf oeq, %select_n3A_967, %select_n3A_987 : vector<256x128xf32>
      %lt3A_991 = arith.cmpi slt, %select_n3A_968, %select_n3A_988 : vector<256x128xi32>
      %and3A_992 = arith.andi %eq3A_990, %lt3A_991 : vector<256x128xi1>
      %or3A_993 = arith.ori %lt3A_989, %and3A_992 : vector<256x128xi1>
      %eq3A_994 = arith.xori %eq3A_986, %not3A_770 : vector<256x128xi1>
      %eq3A_995 = arith.constant dense<true> : vector<256x128xi1>
      %eq3A_996 = arith.xori %eq3A_994, %eq3A_995 : vector<256x128xi1>
      %eq3A_997 = arith.xori %eq3A_996, %or3A_993 : vector<256x128xi1>
      %eq3A_998 = arith.constant dense<true> : vector<256x128xi1>
      %eq3A_999 = arith.xori %eq3A_997, %eq3A_998 : vector<256x128xi1>
      %select_n3A_1000 = arith.select %eq3A_999, %select_n3A_967, %select_n3A_987 : vector<256x128xi1>, vector<256x128xf32>
      %select_n3A_1001 = arith.select %eq3A_999, %select_n3A_968, %select_n3A_988 : vector<256x128xi1>, vector<256x128xi32>
      %get3A_1002 = arith.constant 0 : index
      %get3A_1003 = arith.constant 0 : index
      %get3A_1004 = vector.load %arg6[%get3A_1002, %get3A_1003] : memref<256x128xf32, #tpu.memory_space<vmem>>, vector<256x128xf32>
      %get3A_1005 = arith.constant 0 : index
      %get3A_1006 = arith.constant 0 : index
      %get3A_1007 = vector.load %arg7[%get3A_1005, %get3A_1006] : memref<256x128xi32, #tpu.memory_space<vmem>>, vector<256x128xi32>
      %lt3A_1008 = arith.cmpf olt, %get3A_1004, %select_n3A_1000 : vector<256x128xf32>
      %eq3A_1009 = arith.cmpf oeq, %get3A_1004, %select_n3A_1000 : vector<256x128xf32>
      %lt3A_1010 = arith.cmpi slt, %get3A_1007, %select_n3A_1001 : vector<256x128xi32>
      %and3A_1011 = arith.andi %eq3A_1009, %lt3A_1010 : vector<256x128xi1>
      %or3A_1012 = arith.ori %lt3A_1008, %and3A_1011 : vector<256x128xi1>
      %select_n3A_1013 = arith.select %or3A_1012, %get3A_1004, %select_n3A_1000 : vector<256x128xi1>, vector<256x128xf32>
      %select_n3A_1014 = arith.select %or3A_1012, %get3A_1007, %select_n3A_1001 : vector<256x128xi1>, vector<256x128xi32>
      %ge3A = arith.constant 0 : i32
      %ge3A_1015 = vector.broadcast %ge3A : i32 to vector<256x128xi32>
      %ge3A_1016 = arith.cmpi sge, %iota3A, %ge3A_1015 : vector<256x128xi32>
      %slice3A_1017 = vector.extract_strided_slice %select_n3A_1013 {offsets = [0, 64], sizes = [256, 64], strides = [1, 1]} : vector<256x128xf32> to vector<256x64xf32>
      %slice3A_1018 = vector.extract_strided_slice %select_n3A_1013 {offsets = [0, 0], sizes = [256, 64], strides = [1, 1]} : vector<256x128xf32> to vector<256x64xf32>
      %concatenate3A_1019 = tpu.concatenate %slice3A_1017, %slice3A_1018 in 1 : vector<256x64xf32>, vector<256x64xf32> -> vector<256x128xf32>
      %slice3A_1020 = vector.extract_strided_slice %select_n3A_1013 {offsets = [0, 64], sizes = [256, 64], strides = [1, 1]} : vector<256x128xf32> to vector<256x64xf32>
      %slice3A_1021 = vector.extract_strided_slice %select_n3A_1013 {offsets = [0, 0], sizes = [256, 64], strides = [1, 1]} : vector<256x128xf32> to vector<256x64xf32>
      %concatenate3A_1022 = tpu.concatenate %slice3A_1020, %slice3A_1021 in 1 : vector<256x64xf32>, vector<256x64xf32> -> vector<256x128xf32>
      %slice3A_1023 = vector.extract_strided_slice %select_n3A_1014 {offsets = [0, 64], sizes = [256, 64], strides = [1, 1]} : vector<256x128xi32> to vector<256x64xi32>
      %slice3A_1024 = vector.extract_strided_slice %select_n3A_1014 {offsets = [0, 0], sizes = [256, 64], strides = [1, 1]} : vector<256x128xi32> to vector<256x64xi32>
      %concatenate3A_1025 = tpu.concatenate %slice3A_1023, %slice3A_1024 in 1 : vector<256x64xi32>, vector<256x64xi32> -> vector<256x128xi32>
      %slice3A_1026 = vector.extract_strided_slice %select_n3A_1014 {offsets = [0, 64], sizes = [256, 64], strides = [1, 1]} : vector<256x128xi32> to vector<256x64xi32>
      %slice3A_1027 = vector.extract_strided_slice %select_n3A_1014 {offsets = [0, 0], sizes = [256, 64], strides = [1, 1]} : vector<256x128xi32> to vector<256x64xi32>
      %concatenate3A_1028 = tpu.concatenate %slice3A_1026, %slice3A_1027 in 1 : vector<256x64xi32>, vector<256x64xi32> -> vector<256x128xi32>
      %and3A_1029 = arith.constant 64 : i32
      %and3A_1030 = vector.broadcast %and3A_1029 : i32 to vector<256x128xi32>
      %and3A_1031 = arith.andi %iota3A, %and3A_1030 : vector<256x128xi32>
      %eq3A_1032 = arith.constant 0 : i32
      %eq3A_1033 = vector.broadcast %eq3A_1032 : i32 to vector<256x128xi32>
      %eq3A_1034 = arith.cmpi eq, %and3A_1031, %eq3A_1033 : vector<256x128xi32>
      %select_n3A_1035 = arith.select %eq3A_1034, %concatenate3A_1019, %concatenate3A_1022 : vector<256x128xi1>, vector<256x128xf32>
      %select_n3A_1036 = arith.select %eq3A_1034, %concatenate3A_1025, %concatenate3A_1028 : vector<256x128xi1>, vector<256x128xi32>
      %lt3A_1037 = arith.cmpf olt, %select_n3A_1013, %select_n3A_1035 : vector<256x128xf32>
      %eq3A_1038 = arith.cmpf oeq, %select_n3A_1013, %select_n3A_1035 : vector<256x128xf32>
      %lt3A_1039 = arith.cmpi slt, %select_n3A_1014, %select_n3A_1036 : vector<256x128xi32>
      %and3A_1040 = arith.andi %eq3A_1038, %lt3A_1039 : vector<256x128xi1>
      %or3A_1041 = arith.ori %lt3A_1037, %and3A_1040 : vector<256x128xi1>
      %eq3A_1042 = arith.xori %eq3A_1034, %ge3A_1016 : vector<256x128xi1>
      %eq3A_1043 = arith.constant dense<true> : vector<256x128xi1>
      %eq3A_1044 = arith.xori %eq3A_1042, %eq3A_1043 : vector<256x128xi1>
      %eq3A_1045 = arith.xori %eq3A_1044, %or3A_1041 : vector<256x128xi1>
      %eq3A_1046 = arith.constant dense<true> : vector<256x128xi1>
      %eq3A_1047 = arith.xori %eq3A_1045, %eq3A_1046 : vector<256x128xi1>
      %select_n3A_1048 = arith.select %eq3A_1047, %select_n3A_1013, %select_n3A_1035 : vector<256x128xi1>, vector<256x128xf32>
      %select_n3A_1049 = arith.select %eq3A_1047, %select_n3A_1014, %select_n3A_1036 : vector<256x128xi1>, vector<256x128xi32>
      %slice3A_1050 = vector.extract_strided_slice %select_n3A_1048 {offsets = [0, 32], sizes = [256, 96], strides = [1, 1]} : vector<256x128xf32> to vector<256x96xf32>
      %slice3A_1051 = vector.extract_strided_slice %select_n3A_1048 {offsets = [0, 0], sizes = [256, 32], strides = [1, 1]} : vector<256x128xf32> to vector<256x32xf32>
      %concatenate3A_1052 = tpu.concatenate %slice3A_1050, %slice3A_1051 in 1 : vector<256x96xf32>, vector<256x32xf32> -> vector<256x128xf32>
      %slice3A_1053 = vector.extract_strided_slice %select_n3A_1048 {offsets = [0, 96], sizes = [256, 32], strides = [1, 1]} : vector<256x128xf32> to vector<256x32xf32>
      %slice3A_1054 = vector.extract_strided_slice %select_n3A_1048 {offsets = [0, 0], sizes = [256, 96], strides = [1, 1]} : vector<256x128xf32> to vector<256x96xf32>
      %concatenate3A_1055 = tpu.concatenate %slice3A_1053, %slice3A_1054 in 1 : vector<256x32xf32>, vector<256x96xf32> -> vector<256x128xf32>
      %slice3A_1056 = vector.extract_strided_slice %select_n3A_1049 {offsets = [0, 32], sizes = [256, 96], strides = [1, 1]} : vector<256x128xi32> to vector<256x96xi32>
      %slice3A_1057 = vector.extract_strided_slice %select_n3A_1049 {offsets = [0, 0], sizes = [256, 32], strides = [1, 1]} : vector<256x128xi32> to vector<256x32xi32>
      %concatenate3A_1058 = tpu.concatenate %slice3A_1056, %slice3A_1057 in 1 : vector<256x96xi32>, vector<256x32xi32> -> vector<256x128xi32>
      %slice3A_1059 = vector.extract_strided_slice %select_n3A_1049 {offsets = [0, 96], sizes = [256, 32], strides = [1, 1]} : vector<256x128xi32> to vector<256x32xi32>
      %slice3A_1060 = vector.extract_strided_slice %select_n3A_1049 {offsets = [0, 0], sizes = [256, 96], strides = [1, 1]} : vector<256x128xi32> to vector<256x96xi32>
      %concatenate3A_1061 = tpu.concatenate %slice3A_1059, %slice3A_1060 in 1 : vector<256x32xi32>, vector<256x96xi32> -> vector<256x128xi32>
      %and3A_1062 = arith.constant 32 : i32
      %and3A_1063 = vector.broadcast %and3A_1062 : i32 to vector<256x128xi32>
      %and3A_1064 = arith.andi %iota3A, %and3A_1063 : vector<256x128xi32>
      %eq3A_1065 = arith.constant 0 : i32
      %eq3A_1066 = vector.broadcast %eq3A_1065 : i32 to vector<256x128xi32>
      %eq3A_1067 = arith.cmpi eq, %and3A_1064, %eq3A_1066 : vector<256x128xi32>
      %select_n3A_1068 = arith.select %eq3A_1067, %concatenate3A_1052, %concatenate3A_1055 : vector<256x128xi1>, vector<256x128xf32>
      %select_n3A_1069 = arith.select %eq3A_1067, %concatenate3A_1058, %concatenate3A_1061 : vector<256x128xi1>, vector<256x128xi32>
      %lt3A_1070 = arith.cmpf olt, %select_n3A_1048, %select_n3A_1068 : vector<256x128xf32>
      %eq3A_1071 = arith.cmpf oeq, %select_n3A_1048, %select_n3A_1068 : vector<256x128xf32>
      %lt3A_1072 = arith.cmpi slt, %select_n3A_1049, %select_n3A_1069 : vector<256x128xi32>
      %and3A_1073 = arith.andi %eq3A_1071, %lt3A_1072 : vector<256x128xi1>
      %or3A_1074 = arith.ori %lt3A_1070, %and3A_1073 : vector<256x128xi1>
      %eq3A_1075 = arith.xori %eq3A_1067, %ge3A_1016 : vector<256x128xi1>
      %eq3A_1076 = arith.constant dense<true> : vector<256x128xi1>
      %eq3A_1077 = arith.xori %eq3A_1075, %eq3A_1076 : vector<256x128xi1>
      %eq3A_1078 = arith.xori %eq3A_1077, %or3A_1074 : vector<256x128xi1>
      %eq3A_1079 = arith.constant dense<true> : vector<256x128xi1>
      %eq3A_1080 = arith.xori %eq3A_1078, %eq3A_1079 : vector<256x128xi1>
      %select_n3A_1081 = arith.select %eq3A_1080, %select_n3A_1048, %select_n3A_1068 : vector<256x128xi1>, vector<256x128xf32>
      %select_n3A_1082 = arith.select %eq3A_1080, %select_n3A_1049, %select_n3A_1069 : vector<256x128xi1>, vector<256x128xi32>
      %slice3A_1083 = vector.extract_strided_slice %select_n3A_1081 {offsets = [0, 16], sizes = [256, 112], strides = [1, 1]} : vector<256x128xf32> to vector<256x112xf32>
      %slice3A_1084 = vector.extract_strided_slice %select_n3A_1081 {offsets = [0, 0], sizes = [256, 16], strides = [1, 1]} : vector<256x128xf32> to vector<256x16xf32>
      %concatenate3A_1085 = tpu.concatenate %slice3A_1083, %slice3A_1084 in 1 : vector<256x112xf32>, vector<256x16xf32> -> vector<256x128xf32>
      %slice3A_1086 = vector.extract_strided_slice %select_n3A_1081 {offsets = [0, 112], sizes = [256, 16], strides = [1, 1]} : vector<256x128xf32> to vector<256x16xf32>
      %slice3A_1087 = vector.extract_strided_slice %select_n3A_1081 {offsets = [0, 0], sizes = [256, 112], strides = [1, 1]} : vector<256x128xf32> to vector<256x112xf32>
      %concatenate3A_1088 = tpu.concatenate %slice3A_1086, %slice3A_1087 in 1 : vector<256x16xf32>, vector<256x112xf32> -> vector<256x128xf32>
      %slice3A_1089 = vector.extract_strided_slice %select_n3A_1082 {offsets = [0, 16], sizes = [256, 112], strides = [1, 1]} : vector<256x128xi32> to vector<256x112xi32>
      %slice3A_1090 = vector.extract_strided_slice %select_n3A_1082 {offsets = [0, 0], sizes = [256, 16], strides = [1, 1]} : vector<256x128xi32> to vector<256x16xi32>
      %concatenate3A_1091 = tpu.concatenate %slice3A_1089, %slice3A_1090 in 1 : vector<256x112xi32>, vector<256x16xi32> -> vector<256x128xi32>
      %slice3A_1092 = vector.extract_strided_slice %select_n3A_1082 {offsets = [0, 112], sizes = [256, 16], strides = [1, 1]} : vector<256x128xi32> to vector<256x16xi32>
      %slice3A_1093 = vector.extract_strided_slice %select_n3A_1082 {offsets = [0, 0], sizes = [256, 112], strides = [1, 1]} : vector<256x128xi32> to vector<256x112xi32>
      %concatenate3A_1094 = tpu.concatenate %slice3A_1092, %slice3A_1093 in 1 : vector<256x16xi32>, vector<256x112xi32> -> vector<256x128xi32>
      %and3A_1095 = arith.constant 16 : i32
      %and3A_1096 = vector.broadcast %and3A_1095 : i32 to vector<256x128xi32>
      %and3A_1097 = arith.andi %iota3A, %and3A_1096 : vector<256x128xi32>
      %eq3A_1098 = arith.constant 0 : i32
      %eq3A_1099 = vector.broadcast %eq3A_1098 : i32 to vector<256x128xi32>
      %eq3A_1100 = arith.cmpi eq, %and3A_1097, %eq3A_1099 : vector<256x128xi32>
      %select_n3A_1101 = arith.select %eq3A_1100, %concatenate3A_1085, %concatenate3A_1088 : vector<256x128xi1>, vector<256x128xf32>
      %select_n3A_1102 = arith.select %eq3A_1100, %concatenate3A_1091, %concatenate3A_1094 : vector<256x128xi1>, vector<256x128xi32>
      %lt3A_1103 = arith.cmpf olt, %select_n3A_1081, %select_n3A_1101 : vector<256x128xf32>
      %eq3A_1104 = arith.cmpf oeq, %select_n3A_1081, %select_n3A_1101 : vector<256x128xf32>
      %lt3A_1105 = arith.cmpi slt, %select_n3A_1082, %select_n3A_1102 : vector<256x128xi32>
      %and3A_1106 = arith.andi %eq3A_1104, %lt3A_1105 : vector<256x128xi1>
      %or3A_1107 = arith.ori %lt3A_1103, %and3A_1106 : vector<256x128xi1>
      %eq3A_1108 = arith.xori %eq3A_1100, %ge3A_1016 : vector<256x128xi1>
      %eq3A_1109 = arith.constant dense<true> : vector<256x128xi1>
      %eq3A_1110 = arith.xori %eq3A_1108, %eq3A_1109 : vector<256x128xi1>
      %eq3A_1111 = arith.xori %eq3A_1110, %or3A_1107 : vector<256x128xi1>
      %eq3A_1112 = arith.constant dense<true> : vector<256x128xi1>
      %eq3A_1113 = arith.xori %eq3A_1111, %eq3A_1112 : vector<256x128xi1>
      %select_n3A_1114 = arith.select %eq3A_1113, %select_n3A_1081, %select_n3A_1101 : vector<256x128xi1>, vector<256x128xf32>
      %select_n3A_1115 = arith.select %eq3A_1113, %select_n3A_1082, %select_n3A_1102 : vector<256x128xi1>, vector<256x128xi32>
      %slice3A_1116 = vector.extract_strided_slice %select_n3A_1114 {offsets = [0, 8], sizes = [256, 120], strides = [1, 1]} : vector<256x128xf32> to vector<256x120xf32>
      %slice3A_1117 = vector.extract_strided_slice %select_n3A_1114 {offsets = [0, 0], sizes = [256, 8], strides = [1, 1]} : vector<256x128xf32> to vector<256x8xf32>
      %concatenate3A_1118 = tpu.concatenate %slice3A_1116, %slice3A_1117 in 1 : vector<256x120xf32>, vector<256x8xf32> -> vector<256x128xf32>
      %slice3A_1119 = vector.extract_strided_slice %select_n3A_1114 {offsets = [0, 120], sizes = [256, 8], strides = [1, 1]} : vector<256x128xf32> to vector<256x8xf32>
      %slice3A_1120 = vector.extract_strided_slice %select_n3A_1114 {offsets = [0, 0], sizes = [256, 120], strides = [1, 1]} : vector<256x128xf32> to vector<256x120xf32>
      %concatenate3A_1121 = tpu.concatenate %slice3A_1119, %slice3A_1120 in 1 : vector<256x8xf32>, vector<256x120xf32> -> vector<256x128xf32>
      %slice3A_1122 = vector.extract_strided_slice %select_n3A_1115 {offsets = [0, 8], sizes = [256, 120], strides = [1, 1]} : vector<256x128xi32> to vector<256x120xi32>
      %slice3A_1123 = vector.extract_strided_slice %select_n3A_1115 {offsets = [0, 0], sizes = [256, 8], strides = [1, 1]} : vector<256x128xi32> to vector<256x8xi32>
      %concatenate3A_1124 = tpu.concatenate %slice3A_1122, %slice3A_1123 in 1 : vector<256x120xi32>, vector<256x8xi32> -> vector<256x128xi32>
      %slice3A_1125 = vector.extract_strided_slice %select_n3A_1115 {offsets = [0, 120], sizes = [256, 8], strides = [1, 1]} : vector<256x128xi32> to vector<256x8xi32>
      %slice3A_1126 = vector.extract_strided_slice %select_n3A_1115 {offsets = [0, 0], sizes = [256, 120], strides = [1, 1]} : vector<256x128xi32> to vector<256x120xi32>
      %concatenate3A_1127 = tpu.concatenate %slice3A_1125, %slice3A_1126 in 1 : vector<256x8xi32>, vector<256x120xi32> -> vector<256x128xi32>
      %and3A_1128 = arith.constant 8 : i32
      %and3A_1129 = vector.broadcast %and3A_1128 : i32 to vector<256x128xi32>
      %and3A_1130 = arith.andi %iota3A, %and3A_1129 : vector<256x128xi32>
      %eq3A_1131 = arith.constant 0 : i32
      %eq3A_1132 = vector.broadcast %eq3A_1131 : i32 to vector<256x128xi32>
      %eq3A_1133 = arith.cmpi eq, %and3A_1130, %eq3A_1132 : vector<256x128xi32>
      %select_n3A_1134 = arith.select %eq3A_1133, %concatenate3A_1118, %concatenate3A_1121 : vector<256x128xi1>, vector<256x128xf32>
      %select_n3A_1135 = arith.select %eq3A_1133, %concatenate3A_1124, %concatenate3A_1127 : vector<256x128xi1>, vector<256x128xi32>
      %lt3A_1136 = arith.cmpf olt, %select_n3A_1114, %select_n3A_1134 : vector<256x128xf32>
      %eq3A_1137 = arith.cmpf oeq, %select_n3A_1114, %select_n3A_1134 : vector<256x128xf32>
      %lt3A_1138 = arith.cmpi slt, %select_n3A_1115, %select_n3A_1135 : vector<256x128xi32>
      %and3A_1139 = arith.andi %eq3A_1137, %lt3A_1138 : vector<256x128xi1>
      %or3A_1140 = arith.ori %lt3A_1136, %and3A_1139 : vector<256x128xi1>
      %eq3A_1141 = arith.xori %eq3A_1133, %ge3A_1016 : vector<256x128xi1>
      %eq3A_1142 = arith.constant dense<true> : vector<256x128xi1>
      %eq3A_1143 = arith.xori %eq3A_1141, %eq3A_1142 : vector<256x128xi1>
      %eq3A_1144 = arith.xori %eq3A_1143, %or3A_1140 : vector<256x128xi1>
      %eq3A_1145 = arith.constant dense<true> : vector<256x128xi1>
      %eq3A_1146 = arith.xori %eq3A_1144, %eq3A_1145 : vector<256x128xi1>
      %select_n3A_1147 = arith.select %eq3A_1146, %select_n3A_1114, %select_n3A_1134 : vector<256x128xi1>, vector<256x128xf32>
      %select_n3A_1148 = arith.select %eq3A_1146, %select_n3A_1115, %select_n3A_1135 : vector<256x128xi1>, vector<256x128xi32>
      %slice3A_1149 = vector.extract_strided_slice %select_n3A_1147 {offsets = [0, 4], sizes = [256, 124], strides = [1, 1]} : vector<256x128xf32> to vector<256x124xf32>
      %slice3A_1150 = vector.extract_strided_slice %select_n3A_1147 {offsets = [0, 0], sizes = [256, 4], strides = [1, 1]} : vector<256x128xf32> to vector<256x4xf32>
      %concatenate3A_1151 = tpu.concatenate %slice3A_1149, %slice3A_1150 in 1 : vector<256x124xf32>, vector<256x4xf32> -> vector<256x128xf32>
      %slice3A_1152 = vector.extract_strided_slice %select_n3A_1147 {offsets = [0, 124], sizes = [256, 4], strides = [1, 1]} : vector<256x128xf32> to vector<256x4xf32>
      %slice3A_1153 = vector.extract_strided_slice %select_n3A_1147 {offsets = [0, 0], sizes = [256, 124], strides = [1, 1]} : vector<256x128xf32> to vector<256x124xf32>
      %concatenate3A_1154 = tpu.concatenate %slice3A_1152, %slice3A_1153 in 1 : vector<256x4xf32>, vector<256x124xf32> -> vector<256x128xf32>
      %slice3A_1155 = vector.extract_strided_slice %select_n3A_1148 {offsets = [0, 4], sizes = [256, 124], strides = [1, 1]} : vector<256x128xi32> to vector<256x124xi32>
      %slice3A_1156 = vector.extract_strided_slice %select_n3A_1148 {offsets = [0, 0], sizes = [256, 4], strides = [1, 1]} : vector<256x128xi32> to vector<256x4xi32>
      %concatenate3A_1157 = tpu.concatenate %slice3A_1155, %slice3A_1156 in 1 : vector<256x124xi32>, vector<256x4xi32> -> vector<256x128xi32>
      %slice3A_1158 = vector.extract_strided_slice %select_n3A_1148 {offsets = [0, 124], sizes = [256, 4], strides = [1, 1]} : vector<256x128xi32> to vector<256x4xi32>
      %slice3A_1159 = vector.extract_strided_slice %select_n3A_1148 {offsets = [0, 0], sizes = [256, 124], strides = [1, 1]} : vector<256x128xi32> to vector<256x124xi32>
      %concatenate3A_1160 = tpu.concatenate %slice3A_1158, %slice3A_1159 in 1 : vector<256x4xi32>, vector<256x124xi32> -> vector<256x128xi32>
      %and3A_1161 = arith.constant 4 : i32
      %and3A_1162 = vector.broadcast %and3A_1161 : i32 to vector<256x128xi32>
      %and3A_1163 = arith.andi %iota3A, %and3A_1162 : vector<256x128xi32>
      %eq3A_1164 = arith.constant 0 : i32
      %eq3A_1165 = vector.broadcast %eq3A_1164 : i32 to vector<256x128xi32>
      %eq3A_1166 = arith.cmpi eq, %and3A_1163, %eq3A_1165 : vector<256x128xi32>
      %select_n3A_1167 = arith.select %eq3A_1166, %concatenate3A_1151, %concatenate3A_1154 : vector<256x128xi1>, vector<256x128xf32>
      %select_n3A_1168 = arith.select %eq3A_1166, %concatenate3A_1157, %concatenate3A_1160 : vector<256x128xi1>, vector<256x128xi32>
      %lt3A_1169 = arith.cmpf olt, %select_n3A_1147, %select_n3A_1167 : vector<256x128xf32>
      %eq3A_1170 = arith.cmpf oeq, %select_n3A_1147, %select_n3A_1167 : vector<256x128xf32>
      %lt3A_1171 = arith.cmpi slt, %select_n3A_1148, %select_n3A_1168 : vector<256x128xi32>
      %and3A_1172 = arith.andi %eq3A_1170, %lt3A_1171 : vector<256x128xi1>
      %or3A_1173 = arith.ori %lt3A_1169, %and3A_1172 : vector<256x128xi1>
      %eq3A_1174 = arith.xori %eq3A_1166, %ge3A_1016 : vector<256x128xi1>
      %eq3A_1175 = arith.constant dense<true> : vector<256x128xi1>
      %eq3A_1176 = arith.xori %eq3A_1174, %eq3A_1175 : vector<256x128xi1>
      %eq3A_1177 = arith.xori %eq3A_1176, %or3A_1173 : vector<256x128xi1>
      %eq3A_1178 = arith.constant dense<true> : vector<256x128xi1>
      %eq3A_1179 = arith.xori %eq3A_1177, %eq3A_1178 : vector<256x128xi1>
      %select_n3A_1180 = arith.select %eq3A_1179, %select_n3A_1147, %select_n3A_1167 : vector<256x128xi1>, vector<256x128xf32>
      %select_n3A_1181 = arith.select %eq3A_1179, %select_n3A_1148, %select_n3A_1168 : vector<256x128xi1>, vector<256x128xi32>
      %slice3A_1182 = vector.extract_strided_slice %select_n3A_1180 {offsets = [0, 2], sizes = [256, 126], strides = [1, 1]} : vector<256x128xf32> to vector<256x126xf32>
      %slice3A_1183 = vector.extract_strided_slice %select_n3A_1180 {offsets = [0, 0], sizes = [256, 2], strides = [1, 1]} : vector<256x128xf32> to vector<256x2xf32>
      %concatenate3A_1184 = tpu.concatenate %slice3A_1182, %slice3A_1183 in 1 : vector<256x126xf32>, vector<256x2xf32> -> vector<256x128xf32>
      %slice3A_1185 = vector.extract_strided_slice %select_n3A_1180 {offsets = [0, 126], sizes = [256, 2], strides = [1, 1]} : vector<256x128xf32> to vector<256x2xf32>
      %slice3A_1186 = vector.extract_strided_slice %select_n3A_1180 {offsets = [0, 0], sizes = [256, 126], strides = [1, 1]} : vector<256x128xf32> to vector<256x126xf32>
      %concatenate3A_1187 = tpu.concatenate %slice3A_1185, %slice3A_1186 in 1 : vector<256x2xf32>, vector<256x126xf32> -> vector<256x128xf32>
      %slice3A_1188 = vector.extract_strided_slice %select_n3A_1181 {offsets = [0, 2], sizes = [256, 126], strides = [1, 1]} : vector<256x128xi32> to vector<256x126xi32>
      %slice3A_1189 = vector.extract_strided_slice %select_n3A_1181 {offsets = [0, 0], sizes = [256, 2], strides = [1, 1]} : vector<256x128xi32> to vector<256x2xi32>
      %concatenate3A_1190 = tpu.concatenate %slice3A_1188, %slice3A_1189 in 1 : vector<256x126xi32>, vector<256x2xi32> -> vector<256x128xi32>
      %slice3A_1191 = vector.extract_strided_slice %select_n3A_1181 {offsets = [0, 126], sizes = [256, 2], strides = [1, 1]} : vector<256x128xi32> to vector<256x2xi32>
      %slice3A_1192 = vector.extract_strided_slice %select_n3A_1181 {offsets = [0, 0], sizes = [256, 126], strides = [1, 1]} : vector<256x128xi32> to vector<256x126xi32>
      %concatenate3A_1193 = tpu.concatenate %slice3A_1191, %slice3A_1192 in 1 : vector<256x2xi32>, vector<256x126xi32> -> vector<256x128xi32>
      %and3A_1194 = arith.constant 2 : i32
      %and3A_1195 = vector.broadcast %and3A_1194 : i32 to vector<256x128xi32>
      %and3A_1196 = arith.andi %iota3A, %and3A_1195 : vector<256x128xi32>
      %eq3A_1197 = arith.constant 0 : i32
      %eq3A_1198 = vector.broadcast %eq3A_1197 : i32 to vector<256x128xi32>
      %eq3A_1199 = arith.cmpi eq, %and3A_1196, %eq3A_1198 : vector<256x128xi32>
      %select_n3A_1200 = arith.select %eq3A_1199, %concatenate3A_1184, %concatenate3A_1187 : vector<256x128xi1>, vector<256x128xf32>
      %select_n3A_1201 = arith.select %eq3A_1199, %concatenate3A_1190, %concatenate3A_1193 : vector<256x128xi1>, vector<256x128xi32>
      %lt3A_1202 = arith.cmpf olt, %select_n3A_1180, %select_n3A_1200 : vector<256x128xf32>
      %eq3A_1203 = arith.cmpf oeq, %select_n3A_1180, %select_n3A_1200 : vector<256x128xf32>
      %lt3A_1204 = arith.cmpi slt, %select_n3A_1181, %select_n3A_1201 : vector<256x128xi32>
      %and3A_1205 = arith.andi %eq3A_1203, %lt3A_1204 : vector<256x128xi1>
      %or3A_1206 = arith.ori %lt3A_1202, %and3A_1205 : vector<256x128xi1>
      %eq3A_1207 = arith.xori %eq3A_1199, %ge3A_1016 : vector<256x128xi1>
      %eq3A_1208 = arith.constant dense<true> : vector<256x128xi1>
      %eq3A_1209 = arith.xori %eq3A_1207, %eq3A_1208 : vector<256x128xi1>
      %eq3A_1210 = arith.xori %eq3A_1209, %or3A_1206 : vector<256x128xi1>
      %eq3A_1211 = arith.constant dense<true> : vector<256x128xi1>
      %eq3A_1212 = arith.xori %eq3A_1210, %eq3A_1211 : vector<256x128xi1>
      %select_n3A_1213 = arith.select %eq3A_1212, %select_n3A_1180, %select_n3A_1200 : vector<256x128xi1>, vector<256x128xf32>
      %select_n3A_1214 = arith.select %eq3A_1212, %select_n3A_1181, %select_n3A_1201 : vector<256x128xi1>, vector<256x128xi32>
      %slice3A_1215 = vector.extract_strided_slice %select_n3A_1213 {offsets = [0, 1], sizes = [256, 127], strides = [1, 1]} : vector<256x128xf32> to vector<256x127xf32>
      %slice3A_1216 = vector.extract_strided_slice %select_n3A_1213 {offsets = [0, 0], sizes = [256, 1], strides = [1, 1]} : vector<256x128xf32> to vector<256x1xf32>
      %concatenate3A_1217 = tpu.concatenate %slice3A_1215, %slice3A_1216 in 1 : vector<256x127xf32>, vector<256x1xf32> -> vector<256x128xf32>
      %slice3A_1218 = vector.extract_strided_slice %select_n3A_1213 {offsets = [0, 127], sizes = [256, 1], strides = [1, 1]} : vector<256x128xf32> to vector<256x1xf32>
      %slice3A_1219 = vector.extract_strided_slice %select_n3A_1213 {offsets = [0, 0], sizes = [256, 127], strides = [1, 1]} : vector<256x128xf32> to vector<256x127xf32>
      %concatenate3A_1220 = tpu.concatenate %slice3A_1218, %slice3A_1219 in 1 : vector<256x1xf32>, vector<256x127xf32> -> vector<256x128xf32>
      %slice3A_1221 = vector.extract_strided_slice %select_n3A_1214 {offsets = [0, 1], sizes = [256, 127], strides = [1, 1]} : vector<256x128xi32> to vector<256x127xi32>
      %slice3A_1222 = vector.extract_strided_slice %select_n3A_1214 {offsets = [0, 0], sizes = [256, 1], strides = [1, 1]} : vector<256x128xi32> to vector<256x1xi32>
      %concatenate3A_1223 = tpu.concatenate %slice3A_1221, %slice3A_1222 in 1 : vector<256x127xi32>, vector<256x1xi32> -> vector<256x128xi32>
      %slice3A_1224 = vector.extract_strided_slice %select_n3A_1214 {offsets = [0, 127], sizes = [256, 1], strides = [1, 1]} : vector<256x128xi32> to vector<256x1xi32>
      %slice3A_1225 = vector.extract_strided_slice %select_n3A_1214 {offsets = [0, 0], sizes = [256, 127], strides = [1, 1]} : vector<256x128xi32> to vector<256x127xi32>
      %concatenate3A_1226 = tpu.concatenate %slice3A_1224, %slice3A_1225 in 1 : vector<256x1xi32>, vector<256x127xi32> -> vector<256x128xi32>
      %and3A_1227 = arith.constant 1 : i32
      %and3A_1228 = vector.broadcast %and3A_1227 : i32 to vector<256x128xi32>
      %and3A_1229 = arith.andi %iota3A, %and3A_1228 : vector<256x128xi32>
      %eq3A_1230 = arith.constant 0 : i32
      %eq3A_1231 = vector.broadcast %eq3A_1230 : i32 to vector<256x128xi32>
      %eq3A_1232 = arith.cmpi eq, %and3A_1229, %eq3A_1231 : vector<256x128xi32>
      %select_n3A_1233 = arith.select %eq3A_1232, %concatenate3A_1217, %concatenate3A_1220 : vector<256x128xi1>, vector<256x128xf32>
      %select_n3A_1234 = arith.select %eq3A_1232, %concatenate3A_1223, %concatenate3A_1226 : vector<256x128xi1>, vector<256x128xi32>
      %lt3A_1235 = arith.cmpf olt, %select_n3A_1213, %select_n3A_1233 : vector<256x128xf32>
      %eq3A_1236 = arith.cmpf oeq, %select_n3A_1213, %select_n3A_1233 : vector<256x128xf32>
      %lt3A_1237 = arith.cmpi slt, %select_n3A_1214, %select_n3A_1234 : vector<256x128xi32>
      %and3A_1238 = arith.andi %eq3A_1236, %lt3A_1237 : vector<256x128xi1>
      %or3A_1239 = arith.ori %lt3A_1235, %and3A_1238 : vector<256x128xi1>
      %eq3A_1240 = arith.xori %eq3A_1232, %ge3A_1016 : vector<256x128xi1>
      %eq3A_1241 = arith.constant dense<true> : vector<256x128xi1>
      %eq3A_1242 = arith.xori %eq3A_1240, %eq3A_1241 : vector<256x128xi1>
      %eq3A_1243 = arith.xori %eq3A_1242, %or3A_1239 : vector<256x128xi1>
      %eq3A_1244 = arith.constant dense<true> : vector<256x128xi1>
      %eq3A_1245 = arith.xori %eq3A_1243, %eq3A_1244 : vector<256x128xi1>
      %select_n3A_1246 = arith.select %eq3A_1245, %select_n3A_1213, %select_n3A_1233 : vector<256x128xi1>, vector<256x128xf32>
      %select_n3A_1247 = arith.select %eq3A_1245, %select_n3A_1214, %select_n3A_1234 : vector<256x128xi1>, vector<256x128xi32>
      %swap3A = arith.constant 0 : index
      %swap3A_1248 = arith.constant 0 : index
      %swap3A_1249 = vector.load %arg6[%swap3A, %swap3A_1248] : memref<256x128xf32, #tpu.memory_space<vmem>>, vector<256x128xf32>
      tpu.vector_store %arg6[%swap3A, %swap3A_1248], %select_n3A_1246 {strides = array<i32>} : memref<256x128xf32, #tpu.memory_space<vmem>>, vector<256x128xf32>,
      %swap3A_1250 = arith.constant 0 : index
      %swap3A_1251 = arith.constant 0 : index
      %swap3A_1252 = vector.load %arg7[%swap3A_1250, %swap3A_1251] : memref<256x128xi32, #tpu.memory_space<vmem>>, vector<256x128xi32>
      tpu.vector_store %arg7[%swap3A_1250, %swap3A_1251], %select_n3A_1247 {strides = array<i32>} : memref<256x128xi32, #tpu.memory_space<vmem>>, vector<256x128xi32>,
    } else {
    }
    %eq3A_20 = arith.constant 31 : i32
    %eq3A_21 = arith.cmpi eq, %arg1, %eq3A_20 : i32
    %convert_element_type3A_22 = arith.extui %eq3A_21 : i1 to i32
    %cond3A_23 = arith.constant 0 : i32
    %cond3A_24 = arith.cmpi ne, %convert_element_type3A_22, %cond3A_23 : i32
    scf.if %cond3A_24 {
      %get3A_25 = arith.constant 0 : index
      %get3A_26 = arith.constant 0 : index
      %get3A_27 = vector.load %arg6[%get3A_25, %get3A_26] : memref<256x128xf32, #tpu.memory_space<vmem>>, vector<256x128xf32>
      %swap3A = arith.constant 0 : index
      %swap3A_28 = arith.constant 0 : index
      %swap3A_29 = vector.load %arg4[%swap3A, %swap3A_28] : memref<256x128xf32, #tpu.memory_space<vmem>>, vector<256x128xf32>
      tpu.vector_store %arg4[%swap3A, %swap3A_28], %get3A_27 {strides = array<i32>} : memref<256x128xf32, #tpu.memory_space<vmem>>, vector<256x128xf32>,
      %get3A_30 = arith.constant 0 : index
      %get3A_31 = arith.constant 0 : index
      %get3A_32 = vector.load %arg7[%get3A_30, %get3A_31] : memref<256x128xi32, #tpu.memory_space<vmem>>, vector<256x128xi32>
      %swap3A_33 = arith.constant 0 : index
      %swap3A_34 = arith.constant 0 : index
      %swap3A_35 = vector.load %arg5[%swap3A_33, %swap3A_34] : memref<256x128xi32, #tpu.memory_space<vmem>>, vector<256x128xi32>
      tpu.vector_store %arg5[%swap3A_33, %swap3A_34], %get3A_32 {strides = array<i32>} : memref<256x128xi32, #tpu.memory_space<vmem>>, vector<256x128xi32>,
    } else {
    }
    return
  }
  func.func @transform_0(%arg0: i32, %arg1: i32) -> (i32, i32) {
    %c0_i32 = arith.constant 0 : i32
    return %arg0, %arg1 : i32, i32
  }
  func.func @transform_1(%arg0: i32, %arg1: i32) -> (i32, i32) {
    %c0_i32 = arith.constant 0 : i32
    return %arg0, %arg1 : i32, i32
  }
  func.func @transform_2(%arg0: i32, %arg1: i32) -> (i32, i32) {
    %c0_i32 = arith.constant 0 : i32
    %c0_i32_0 = arith.constant 0 : i32
    return %arg0, %c0_i32 : i32, i32
  }
  func.func @transform_3(%arg0: i32, %arg1: i32) -> (i32, i32) {
    %c0_i32 = arith.constant 0 : i32
    %c0_i32_0 = arith.constant 0 : i32
    return %arg0, %c0_i32 : i32, i32
  }
}

</mosaic_0001>

<sc_bundles>
// kernel: kernel.14.cloned.1.call-start
scs
__scs_entry_jumppad:
0x0: {  	(pc) =	sbr.rel $0x88, $3  }
0x1: {  	(tag) =	ssettag $0x0;
	lr =	simm.s32 $0x1  }
0x2: {  	[smem:$0x3F9F] =	sst lr;
	_ =	strace $0xD0000000  }
0x3: {  	_ = 	snop  }
0x4: {  	_ = 	snop  }
0x5: {  	_ = 	snop  }
0x6: {  	_ = 	snop  }
0x7: {  	_ = 	snop  }
__scs_overlays_trampoline_lowered:
0x8: {  	[smem:$0x3FAE] =	sst s0  }
0x9: {  	[smem:$0x3FAF] =	sst s1  }
0xa: {  	[smem:$0x3FB0] =	sst s2  }
0xb: {  	[smem:$0x3FB1] =	sst s3  }
0xc: {  	[smem:$0x3FB2] =	sst s4  }
0xd: {  	[smem:$0x3FB3] =	sst s5  }
0xe: {  	[smem:$0x3FB4] =	sst s6  }
0xf: {  	[smem:$0x3FB5] =	sst s7  }
0x10: {  	[smem:$0x3FB6] =	sst s8  }
0x11: {  	[smem:$0x3FB7] =	sst s9;
	s0 =	simm.s32 @!p0 $0x0  }
0x12: {  	s1 =	sld [smem:$0x3F9D];
	s0 =	simm.s32 @p0 $0x1  }
0x13: {  	[smem:$0x3FB8] =	sst s0;
	s0 =	simm.s32 @!p1 $0x0  }
0x14: {  	s2 =	sld [smem:$0x3F9C];
	s0 =	simm.s32 @p1 $0x1  }
0x15: {  	[smem:$0x3FB9] =	sst s0;
	s0 =	simm.s32 @!p2 $0x0  }
0x16: {  	s3 =	sld [smem:$0x3FDB];
	s0 =	simm.s32 @p2 $0x1  }
0x17: {  	s4 =	simm.s32 $0x1BF5;
	[smem:$0x3FBB] =	sst s0  }
0x18: {  	s0 =	sld [smem:$0x3F9E];
	_ =	swait.ge [sflag:s4], $0x0  }
0x19: {  	s7 =	sld [smem:$0x3F9F]  }
0x1a: {  	s8 =	sadd.s32 $0xFFFFE003, lr  }
0x1b: {  	s9 =	sadd.s32 $0xFFFFFEF7, lr;
	s5 =	simm.s32 $0xFFFFFFFF;
	p2 =	slt.u32 s8, $0xFFFFF086  }
0x1c: {  	p1 =	slt.u32 s9, $0xF7A;
	s5 =	simm.s32 @!p2 $0x0  }
0x1d: {  	s5 =	simm.s32 @p1 $0x1;
	p0 =	seq.s32 s7, s2  }
0x1e: {  	s7 =	smul.u32 @!p0 $0xF7A, s2;
	p2 =	seq.s32 @!p0 s5, $0x0  }
0x1f: {  	s9 =	smul.u32 $0xF7A, s1;
	s8 =	simm.s32 @!p0 $0x1BF5;
	p2 =	por !p2, p0  }
0x20: {  	[sflag:s8] =	ssyncset.s32 @!p0 $0xFFFFF086;
	s6 =	sadd.s32 @!p0 s3, s7;
	s7 =	simm.s32 @!p0 $0x108  }
0x21: {  	s3 =	sadd.s32 s3, s9;
	s6 =	sadd.s32 @!p0 $0x88, s6;
	s7 =	simm.s32 @p2 $0x1082  }
0x22: {  	[simem:s7], [sflag:s8] =	dma.local @!p0 [hbm:s6], $0xF7A  }
0x23: {  	s9 =	sor.u32 $0xD0000000, s2;
	s6 =	simm.s32 $0x108;
	_ =	swait.ge @!p0 [sflag:s8], $0x0  }
0x24: {  	s3 =	sadd.s32 $0x88, s3;
	s6 =	simm.s32 @!p1 $0x1082;
	[sflag:s4] =	ssyncset.s32 $0xFFFFF086  }
0x25: {  	[simem:s6], [sflag:s4] =	dma.local [hbm:s3], $0xF7A  }
0x26: {  	[smem:$0x3F9F] =	sst s1;
	(tag) =	ssettag s2;
	_ =	strace s9  }
0x27: {  	s1 =	sld [smem:$0x3FAF]  }
0x28: {  	s2 =	sld [smem:$0x3FB0]  }
0x29: {  	s4 =	sld [smem:$0x3FB2]  }
0x2a: {  	p0 =	seq.s32 s5, $0x0;
	s5 =	sld [smem:$0x3FB3]  }
0x2b: {  	s6 =	sld [smem:$0x3FB4]  }
0x2c: {  	s7 =	sld [smem:$0x3FB5]  }
0x2d: {  	s3 =	simm.s32 $0x108;
	s8 =	sld [smem:$0x3FB6]  }
0x2e: {  	s3 =	simm.s32 @!p0 $0x1082;
	s9 =	sld [smem:$0x3FB7]  }
0x2f: {  	lr =	sadd.s32 s0, s3;
	s0 =	sld [smem:$0x3FAE]  }
0x30: {  	s3 =	sld [smem:$0x3FB1]  }
0x31: {  	[smem:$0x3FBA] =	sst s10  }
0x32: {  	s10 =	sld [smem:$0x3FB8];
	_ =	sdelay $0x3  }
0x33: {  	p0 =	seq.s32 s10, $0x1;
	s10 =	sld [smem:$0x3FBA];
	_ =	sdelay $0x3  }
0x34: {  	[smem:$0x3FBA] =	sst s10  }
0x35: {  	s10 =	sld [smem:$0x3FB9];
	_ =	sdelay $0x3  }
0x36: {  	p1 =	seq.s32 s10, $0x1;
	s10 =	sld [smem:$0x3FBA];
	_ =	sdelay $0x3  }
0x37: {  	[smem:$0x3FBA] =	sst s10  }
0x38: {  	s10 =	sld [smem:$0x3FBB]  }
0x39: {  	_ = 	snop;
	(pc) =	sbr.ind lr, $3  }
0x3a: {  	_ = 	snop  }
0x3b: {  	_ = 	snop  }
0x3c: {  	p2 =	seq.s32 s10, $0x1;
	s10 =	sld [smem:$0x3FBA]  }
0x3d: {  	_ =	shalt  }
0x3e: {  	_ =	shalt  }
0x3f: {  	_ =	shalt  }
0x40: {  	_ =	shalt  }
0x41: {  	_ =	shalt  }
0x42: {  	_ =	shalt  }
0x43: {  	_ =	shalt  }
0x44: {  	_ =	shalt  }
0x45: {  	_ =	shalt  }
0x46: {  	_ =	shalt  }
0x47: {  	_ =	shalt  }
0x48: {  	_ =	shalt  }
0x49: {  	_ =	shalt  }
0x4a: {  	_ =	shalt  }
0x4b: {  	_ =	shalt  }
0x4c: {  	_ =	shalt  }
0x4d: {  	_ =	shalt  }
0x4e: {  	_ =	shalt  }
0x4f: {  	_ =	shalt  }
0x50: {  	_ =	shalt  }
0x51: {  	_ =	shalt  }
0x52: {  	_ =	shalt  }
0x53: {  	_ =	shalt  }
0x54: {  	_ =	shalt  }
0x55: {  	_ =	shalt  }
0x56: {  	_ =	shalt  }
0x57: {  	_ =	shalt  }
0x58: {  	_ =	shalt  }
0x59: {  	_ =	shalt  }
0x5a: {  	_ =	shalt  }
0x5b: {  	_ =	shalt  }
0x5c: {  	_ =	shalt  }
0x5d: {  	_ =	shalt  }
0x5e: {  	_ =	shalt  }
0x5f: {  	_ =	shalt  }
0x60: {  	_ =	shalt  }
0x61: {  	_ =	shalt  }
0x62: {  	_ =	shalt  }
0x63: {  	_ =	shalt  }
0x64: {  	_ =	shalt  }
0x65: {  	_ =	shalt  }
0x66: {  	_ =	shalt  }
0x67: {  	_ =	shalt  }
0x68: {  	_ =	shalt  }
0x69: {  	_ =	shalt  }
0x6a: {  	_ =	shalt  }
0x6b: {  	_ =	shalt  }
0x6c: {  	_ =	shalt  }
0x6d: {  	_ =	shalt  }
0x6e: {  	_ =	shalt  }
0x6f: {  	_ =	shalt  }
0x70: {  	_ =	shalt  }
0x71: {  	_ =	shalt  }
0x72: {  	_ =	shalt  }
0x73: {  	_ =	shalt  }
0x74: {  	_ =	shalt  }
0x75: {  	_ =	shalt  }
0x76: {  	_ =	shalt  }
0x77: {  	_ =	shalt  }
0x78: {  	_ =	shalt  }
0x79: {  	_ =	shalt  }
0x7a: {  	_ =	shalt  }
0x7b: {  	_ =	shalt  }
0x7c: {  	_ =	shalt  }
0x7d: {  	_ =	shalt  }
0x7e: {  	_ =	shalt  }
0x7f: {  	_ =	shalt  }
0x80: {  	_ =	shalt  }
0x81: {  	_ =	shalt  }
0x82: {  	_ =	shalt  }
0x83: {  	_ =	shalt  }
0x84: {  	_ =	shalt  }
0x85: {  	_ =	shalt  }
0x86: {  	_ =	shalt  }
0x87: {  	_ =	shalt  }
.Lfunc_end0:
.L_simem_size_0:
called_computation_lowered:
.L_overlay_start_0:
0x88: {  	s2 =	sld [smem:$0x3FD9]  }
0x89: {  	s3 =	sld [smem:$0x3FFE];
	_ =	sdelay $0x1  }
0x8a: {  	s1 =	srdreg.scid  }
0x8b: {  	s0 =	sand.u32 $0x1, s1  }
0x8c: {  	s15 =	sshll.u32 s0, $0xA;
	s2 =	sadd.s32 s3, s2  }
0x8d: {  	s2 =	sadd.s32 s2, s15  }
0x8e: {  	[smem:$0x3FC6] =	sst s2  }
0x8f: {  	_ = 	snop  }
0x90: {  	s2 =	sld [smem:$0x3FD0];
	_ =	sdelay $0x2  }
0x91: {  	s16 =	simm.s32 $0xD;
	s4 =	simm.s32 $0x10  }
0x92: {  	[smem:s4], [sflag:s16] =	dma.local [hbm:s2], $0x1  }
0x93: {  	_ =	swait.eq [sflag:s16], $0x1  }
0x94: {  	[sflag:s16] =	ssyncset.done $0x0  }
0x95: {  	[sflag:s16] =	ssyncadd.s32 $0xFFFFFFFF  }
0x96: {  	s17 =	sld [smem:$0x12];
	(tm) =	ssettm $0x1  }
0x97: {  	s18 =	sld [smem:$0x3FFB];
	_ =	sdelay $0x3  }
0x98: {  	_ =	strace s18  }
0x99: {  	s2 =	sld [smem:$0x3FFC];
	_ =	sdelay $0x3  }
0x9a: {  	_ =	strace s2  }
0x9b: {  	s2 =	sld [smem:$0x3FFD];
	_ =	sdelay $0x3  }
0x9c: {  	_ =	strace s2  }
0x9d: {  	_ =	strace $0x8FFFFFFF  }
0x9e: {  	s19 =	sld [smem:$0x3FDB];
	_ =	sdelay $0x1  }
0x9f: {  	s20 =	simm.s32 $_scs_section_size  }
0xa0: {  	s5 =	simm.s32 $_size__tile_overlayer_lowered;
	s6 =	simm.s32 $_tile_overlayer_lowered  }
0xa1: {  	s7 =	simm.s32 $0x1BFF;
	s21 =	sshll.u32 s6, $0x1;
	s4 =	sadd.s32 s20, s19  }
0xa2: {  	s22 =	simm.s32 $0x0;
	s5 =	sshll.u32 s5, $0x1;
	s6 =	sadd.s32 s21, s4  }
0xa3: {  	[timem:s22], [sflag:s7] =	dma.local [hbm:s6], s5  }
0xa4: {  	_ =	swait.ge [sflag:s7], s5  }
0xa5: {  	s5 =	ssub.s32 $0x0, s5;
	[sflag:s7] =	ssyncset.done $0x0  }
0xa6: {  	[sflag:s7] =	ssyncadd.s32 s5;
	_ =	sdelay $0x1  }
0xa7: {  	s23 =	simm.s32 $0x1B8B  }
0xa8: {  	_ =	swait.ge [sflag:s23], $0x1  }
0xa9: {  	[sflag:s23] =	ssyncset.done $0x0  }
0xaa: {  	[sflag:s23] =	ssyncadd.s32 $0xFFFFFFFF  }
0xab: {  	s5 =	sld [smem:$0x0]  }
0xac: {  	s6 =	sand.u32 $0xFFFFFFFE, s1  }
0xad: {  	p0 =	sne.s32 s1, s6  }
0xae: {  	s6 =	sshll.u32 @p0 s6, $0xE  }
0xaf: {  	s6 =	sadd.s32 @p0 $0x11B8D, s6;
	s7 =	sshll.u32 @p0 s5, $0x11  }
0xb0: {  	s6 =	sor.u32 @p0 s7, s6  }
0xb1: {  	[sflag:s6] =	ssyncadd.remote.s32 @p0 $0x1;
	_ =	sdelay $0x1  }
0xb2: {  	s6 =	simm.s32 @p0 $0x1B8D  }
0xb3: {  	_ =	swait.eq @p0 [sflag:s6], $0x1  }
0xb4: {  	[sflag:s6] =	ssyncadd.s32 @p0 $0xFFFFFFFF  }
0xb5: {  	s7 =	sshll.u32 @!p0 s1, $0xE  }
0xb6: {  	s7 =	sor.u32 @!p0 $0x4000, s7;
	s6 =	simm.s32 @!p0 $0x1B8D  }
0xb7: {  	s5 =	sshll.u32 @!p0 s5, $0x11;
	s7 =	sadd.s32 @!p0 $0x11B8D, s7;
	_ =	swait.eq @!p0 [sflag:s6], $0x1  }
0xb8: {  	s5 =	sor.u32 @!p0 s5, s7;
	[sflag:s6] =	ssyncadd.s32 @!p0 $0xFFFFFFFF  }
0xb9: {  	s25 =	simm.s32 $0x1B8E;
	s24 =	sld [smem:$0x3FFE];
	[sflag:s5] =	ssyncadd.remote.s32 @!p0 $0x1  }
0xba: {  	s26 =	simm.s32 $execute0_lowered;
	[smem:$0x3FD2] =	sst s25  }
0xbb: {  	s6 =	sshll.u32 s26, $0x1;
	_ =	strace $0x8000004F;
	[dreg:$0x1] =	wrdreg $0xFFFFFFFF  }
0xbc: {  	s28 =	simm.s32 $_size_execute0_lowered;
	s4 =	sadd.s32 s4, s6;
	[dreg:$0x0] =	wrdreg $0x0  }
0xbd: {  	s6 =	sshll.u32 s28, $0x1;
	[dreg:$0x2] =	wrdreg s4  }
0xbe: {  	[dreg:$0x3] =	wrdreg s6  }
0xbf: {  	[dreg:$0x4] =	wrdreg $0xC0  }
0xc0: {  	_ =	task [dreg:s22], $0x5FFFF  }
0xc1: {  	[dreg:$0x1] =	wrdreg $0xFFFFFFFF  }
0xc2: {  	[dreg:$0x0] =	wrdreg $0x60  }
0xc3: {  	[dreg:$0x2] =	wrdreg s24  }
0xc4: {  	[dreg:$0x3] =	wrdreg s17  }
0xc5: {  	[dreg:$0x4] =	wrdreg $0x9  }
0xc6: {  	_ =	task.clear_ibuf [dreg:s22], $0x5FFFF;
	_ =	strace $0x9000004F  }
0xc7: {  	s29 =	simm.s32 $0x9;
	_ =	strace $0x80000051  }
0xc8: {  	_ =	swait.ge [sflag:s29], $0x1  }
0xc9: {  	[sflag:s29] =	ssyncadd.s32 $0xFFFFFFFF  }
0xca: {  	_ =	strace $0x90000051  }
0xcb: {  	_ =	sfence  }
0xcc: {  	s30 =	sld [smem:$0x0];
	_ =	sdelay $0x2  }
0xcd: {  	s31 =	sshll.u32 s1, $0xD;
	s1 =	sshrl.u32 s1, $0x2  }
0xce: {  	s4 =	sand.u32 $0x4000, s31;
	s1 =	sadd.s32 s1, s30  }
0xcf: {  	s0 =	sor.u32 s4, s0;
	s1 =	sshll.u32 s1, $0x11  }
0xd0: {  	s0 =	sor.u32 s1, s0  }
0xd1: {  	s0 =	sadd.s32 $0x8F2B, s0  }
0xd2: {  	[sflag:s0] =	ssyncadd.remote.s32 $0x1  }
0xd3: {  	_ =	sfence.sel $0xFFFF  }
0xd4: {  	[dreg:$0x0] =	wrdreg $0xFFFFFFFF;
	(pc) =	sbr.abs _section_cstart, $3  }
0xd5: {  	[dreg:$0x1] =	wrdreg $0xFFFFFFFF  }
0xd6: {  	_ =	task.clear_ibuf [dreg:s22], $0x2FFFF;
	_ =	strace $0x9FFFFFFF  }
0xd7: {  	(tm) =	ssettm $0x7FFFFFFF  }
tec
execute0_lowered:
.L_overlay_start_1:
0x0: {  	(tag) =	ssettag $0x1  }
0x1: {  	s5 =	rddreg [dreg:$0x0]  }
0x2: {  	s6 =	rddreg [dreg:$0x1]  }
0x3: {  	s0 =	rddreg [dreg:$0x2]  }
0x4: {  	s2 =	simm.s32 $0x0;
	s3 =	srdreg.scid;
	s1 =	stileid.u32  }
0x5: {  	s11 =	simm.s32 $0x1;
	s12 =	simm.s32 $0x80;
	s13 =	simm.s32 $0x400  }
0x6: {  	s14 =	simm.s32 $0x18880;
	s15 =	simm.s32 $0x19900;
	s16 =	simm.s32 $0x0  }
0x7: {  	[smem:$0x7FF] =	sst s2;
	s7 =	sand.u32 $0x1, s3;
	s3 =	sadd.s32 $0xB7B200, s5  }
0x8: {  	s8 =	sshll.u32 s1, $0x4;
	s4 =	sadd.s32 $0x2C00, s5;
	s9 =	sshll.u32 s7, $0x3  }
0x9: {  	s5 =	sadd.s32 $0x22C00, s5;
	s7 =	ssub.s32 $0x2, s7;
	s8 =	sor.u32 s9, s8  }
0xa: {  	_ =	strace $0x80000050;
	s31 =	sshrl.u32 s7, $0x1;
	s10 =	sshrl.u32 s8, $0x3  }
0xb: {  	s9 =	ssub.s32 s7, s31;
	s8 =	sshll.u32 s8, $0xC;
	s6 =	sadd.s32 s6, s10  }
0xc: {  	v0 =	vimm.f32 $+Inf;
	v1 =	vimm.s32 $0x40000000;
	v2 =	vlaneseq.u32;
	s7 =	smul.u32 $0xC4000, s10;
	s9 =	smax.u32 s9, $0x1;
	s10 =	simm.s32 $0x18800  }
.LBB2_1:
0xd: {  	[tilespmem:s10], [sflag:$0x1] =	stream.linear.gather [hbm4b:s6+s2], $0x8, $0x38;
	[tilespmem:$0x1A980] =	vst v63  }
0xe: {  	_ =	swait.ge [sflag:s11], $0x8  }
0xf: {  	[sflag:s11] =	ssyncset.done $0x0  }
0x10: {  	s17 =	simm.s32 $0x0;
	[sflag:s11] =	ssyncadd.s32 $0xFFFFFFF8  }
.LBB2_2:
0x11: {  	s18 =	sshll.u32 s17, $0x7  }
0x12: {  	s19 =	sadd.s32 s7, s18  }
0x13: {  	s19 =	sshrl.u32 s19, $0x3  }
0x14: {  	s20 =	simm.s32 $0x0;
	s19 =	sadd.s32 s3, s19  }
0x15: {  	[tilespmem:s20], [sflag:$0x1] =	stream.strided.gather [hbm4b:s19+s12], $0x18800, s13, s12, $0x38;
	[tilespmem:$0x1A980] =	vst v63  }
0x16: {  	_ =	swait.ge [sflag:s11], $0x18800  }
0x17: {  	[sflag:s11] =	ssyncset.done $0x0  }
0x18: {  	[sflag:s11] =	ssyncadd.s32 $0xFFFE7800  }
0x19: {  	s19 =	simm.s32 $0x40;
	s20 =	simm.s32 $0x0;
	v3 =	vld [tilespmem:$0x18800]  }
.LBB2_3:
0x1a: {  	p0 =	seq.s32 s19, $0x4000;
	[tilespmem:s20+$0x18880] =	vst v0;
	s21 =	smov.u32 s19;
	s19 =	sadd.s32 $0x40, s19  }
.Ltmp0:
0x1b: {  	[tilespmem:s20+$0x19900] =	vst v1;
	(pc) =	sbr.rel @!p0 .LBB2_3-.Ltmp0, $2  }
0x1c: {  	_ =	sdelay $0x2  }
0x1d: {  	s20 =	sshra.s32 s21, $0x2  }
0x1e: {  	v4 =	vmov s17  }
0x1f: {  	vm0 =	veq.s32 v4, v2  }
0x20: {  	v3 =	vnsel vm0, $0xFF800000, v3  }
0x21: {  	(xrf0) =	vmax.scan.msk.f32 $0xffff, v3;
	_ =	sdelay $0x1  }
0x22: {  	[tilespmem:s20+$0x18880] =	vst v0  }
0x23: {  	[tilespmem:s20+$0x19900] =	vst v1;
	s21 =	simm.s32 $0x40  }
0x24: {  	v4 =	vld [tilespmem:s21+$0xFFFFFFC0];
	_ =	sdelay $0x1  }
0x25: {  	v3, _, _ =	vpop (xrf0)  }
0x26: {  	v3 =	vbroadcast v3, $0xF  }
0x27: {  	v5 =	vld [tilespmem:s21+$0xFFFFFFD0]  }
0x28: {  	vm6 =	vle.f32 v4, v3  }
0x29: {  	v6 =	vmpcnt.ones.xlane vm6;
	_ =	sdelay $0x1  }
0x2a: {  	v7 =	vld [tilespmem:s21+$0xFFFFFFE0];
	v6 =	vxor.u32 $0x80000000, v6  }
0x2b: {  	vm2 =	vle.f32 v5, v3;
	(xrf0) =	vmax.scan.msk.u32 $0xffff, v6  }
0x2c: {  	v6 =	vmpcnt.ones.xlane vm2;
	_ =	sdelay $0x1  }
0x2d: {  	v8 =	vld [tilespmem:s21+$0xFFFFFFF0];
	v6 =	vxor.u32 $0x80000000, v6  }
0x2e: {  	vm15 =	vle.f32 v7, v3;
	(xrf0) =	vmax.scan.msk.u32 $0xffff, v6  }
0x2f: {  	v6 =	vmpcnt.ones.xlane vm15  }
0x30: {  	v9, _, _ =	vpop (xrf0)  }
0x31: {  	v10 =	vld [tilespmem:s21+$0x0];
	v6 =	vxor.u32 $0x80000000, v6;
	(v2sf) =	vpush v9, $0xF  }
0x32: {  	vm1 =	vle.f32 v8, v3;
	(xrf0) =	vmax.scan.msk.u32 $0xffff, v6  }
0x33: {  	v6 =	vmpcnt.ones.xlane vm1  }
0x34: {  	v59, _, _ =	vpop (xrf0)  }
0x35: {  	v11 =	vld [tilespmem:s21+$0x10];
	v6 =	vxor.u32 $0x80000000, v6;
	(v2sf) =	vpush v59, $0xF  }
0x36: {  	vm3 =	vle.f32 v10, v3;
	(xrf0) =	vmax.scan.msk.u32 $0xffff, v6  }
0x37: {  	v6 =	vmpcnt.ones.xlane vm3  }
0x38: {  	v60, _, _ =	vpop (xrf0)  }
0x39: {  	v12 =	vld [tilespmem:s21+$0x20];
	v6 =	vxor.u32 $0x80000000, v6;
	(v2sf) =	vpush v60, $0xF  }
0x3a: {  	vm4 =	vle.f32 v11, v3;
	(xrf0) =	vmax.scan.msk.u32 $0xffff, v6  }
0x3b: {  	v6 =	vmpcnt.ones.xlane vm4  }
0x3c: {  	v61, _, _ =	vpop (xrf0)  }
0x3d: {  	v13 =	vld [tilespmem:s21+$0x30];
	v6 =	vxor.u32 $0x80000000, v6;
	(v2sf) =	vpush v61, $0xF  }
0x3e: {  	vm5 =	vle.f32 v12, v3;
	(xrf0) =	vmax.scan.msk.u32 $0xffff, v6  }
0x3f: {  	v6 =	vmpcnt.ones.xlane vm5  }
0x40: {  	v62, _, _ =	vpop (xrf0);
	s29 =	spop (v2sf)  }
0x41: {  	v6 =	vxor.u32 $0x80000000, v6;
	(v2sf) =	vpush v62, $0xF;
	s21 =	sadd.s32 $0x0, s29  }
0x42: {  	vm7 =	vle.f32 v13, v3;
	(xrf0) =	vmax.scan.msk.u32 $0xffff, v6;
	s21 =	sadd.s32 $0x80000000, s21  }
0x43: {  	v6 =	vmpcnt.ones.xlane vm7;
	p0 =	slt.s32 s21, $0x1000  }
0x44: {  	v63, _, _ =	vpop (xrf0);
	s22 =	spop (v2sf);
	s21 =	simm.s32 @!p0 $0x1000  }
0x45: {  	v6 =	vxor.u32 $0x80000000, v6;
	(v2sf) =	vpush v63, $0xF;
	s22 =	sadd.s32 s22, s21  }
0x46: {  	(xrf0) =	vmax.scan.msk.u32 $0xffff, v6;
	s22 =	sadd.s32 $0x80000000, s22  }
0x47: {  	p0 =	slt.s32 s22, $0x1000  }
0x48: {  	v6, _, _ =	vpop (xrf0);
	s23 =	spop (v2sf);
	s22 =	simm.s32 @!p0 $0x1000  }
0x49: {  	(v2sf) =	vpush v6, $0xF;
	s23 =	sadd.s32 s23, s22  }
0x4a: {  	s23 =	sadd.s32 $0x80000000, s23  }
0x4b: {  	p0 =	slt.s32 s23, $0x1000  }
0x4c: {  	v6, _, _ =	vpop (xrf0);
	s24 =	spop (v2sf);
	s23 =	simm.s32 @!p0 $0x1000  }
0x4d: {  	(v2sf) =	vpush v6, $0xF;
	s24 =	sadd.s32 s24, s23  }
0x4e: {  	s28 =	simm.s32 $0x0;
	s25 =	simm.s32 $0x0;
	s24 =	sadd.s32 $0x80000000, s24  }
0x4f: {  	[tilespmem:s28+$0x18880] =	vst.msk vm6, v4;
	v6 =	vor.u32 s25, v2;
	p0 =	slt.s32 s24, $0x1000  }
0x50: {  	s30 =	simm.s32 $0x10;
	[tilespmem:s28+$0x19900] =	vst.msk vm6, v6;
	s31 =	spop (v2sf);
	s24 =	simm.s32 @!p0 $0x1000  }
0x51: {  	v4 =	vor.u32 s30, v2;
	[tilespmem:s21+$0x18880] =	vst.msk vm2, v5;
	s20 =	sadd.s32 s31, s24  }
0x52: {  	s26 =	simm.s32 $0x20;
	[tilespmem:s21+$0x19900] =	vst.msk vm2, v4;
	s20 =	sadd.s32 $0x80000000, s20  }
0x53: {  	v4 =	vor.u32 s26, v2;
	[tilespmem:s22+$0x18880] =	vst.msk vm15, v7;
	p0 =	slt.s32 s20, $0x1000  }
0x54: {  	s28 =	simm.s32 $0x30;
	[tilespmem:s22+$0x19900] =	vst.msk vm15, v4;
	s29 =	spop (v2sf);
	s20 =	simm.s32 @!p0 $0x1000  }
0x55: {  	v4 =	vor.u32 s28, v2;
	[tilespmem:s23+$0x18880] =	vst.msk vm1, v8;
	s30 =	sadd.s32 s29, s20  }
0x56: {  	[tilespmem:s23+$0x19900] =	vst.msk vm1, v4;
	s31 =	simm.s32 $0x40;
	s21 =	sadd.s32 $0x80000000, s30  }
0x57: {  	[tilespmem:s24+$0x18880] =	vst.msk vm3, v10;
	v4 =	vor.u32 s31, v2;
	p0 =	slt.s32 s21, $0x1000  }
0x58: {  	s25 =	simm.s32 $0x50;
	[tilespmem:s24+$0x19900] =	vst.msk vm3, v4;
	s26 =	spop (v2sf);
	s21 =	simm.s32 @!p0 $0x1000  }
0x59: {  	v4 =	vor.u32 s25, v2;
	[tilespmem:s20+$0x18880] =	vst.msk vm4, v11;
	s28 =	sadd.s32 s26, s21  }
0x5a: {  	s29 =	simm.s32 $0x60;
	[tilespmem:s20+$0x19900] =	vst.msk vm4, v4;
	s20 =	sadd.s32 $0x80000000, s28  }
0x5b: {  	v4 =	vor.u32 s29, v2;
	[tilespmem:s21+$0x18880] =	vst.msk vm5, v12;
	p0 =	slt.s32 s20, $0x1000  }
0x5c: {  	s19 =	simm.s32 $0x70;
	s30 =	spop (v2sf);
	[tilespmem:s21+$0x19900] =	vst.msk vm5, v4;
	s20 =	simm.s32 @!p0 $0x1000  }
0x5d: {  	v4 =	vor.u32 s19, v2;
	[tilespmem:s20+$0x18880] =	vst.msk vm7, v13;
	s31 =	sadd.s32 s30, s20  }
0x5e: {  	[tilespmem:s20+$0x19900] =	vst.msk vm7, v4;
	s21 =	sadd.s32 $0x80000000, s31;
	s20 =	simm.s32 $0xC0  }
0x5f: {  	s22 =	simm.s32 $0x170;
	s19 =	simm.s32 $0xF0;
	v4 =	vld [tilespmem:s20+$0xFFFFFFC0];
	p1 =	slt.s32 s21, $0x1000  }
.LBB2_5:
0x60: {  	p0 =	sne.s32 s22, $0x187F0  }
0x61: {  	s21 =	simm.s32 @!p1 $0x1000;
	s23 =	smov.u32 s22;
	s22 =	sadd.s32 $0x80, s22  }
0x62: {  	_ =	sdelay $0x1  }
0x63: {  	v5 =	vld [tilespmem:s20+$0xFFFFFFD0]  }
0x64: {  	vm1 =	vle.f32 v4, v3  }
0x65: {  	v6 =	vmpcnt.ones.xlane vm1;
	_ =	sdelay $0x1  }
0x66: {  	v6 =	vxor.u32 $0x80000000, v6;
	v7 =	vld [tilespmem:s20+$0xFFFFFFE0]  }
0x67: {  	vm0 =	vle.f32 v5, v3;
	(xrf0) =	vmax.scan.msk.u32 $0xffff, v6  }
0x68: {  	v6 =	vmpcnt.ones.xlane vm0;
	_ =	sdelay $0x1  }
0x69: {  	v6 =	vxor.u32 $0x80000000, v6;
	v8 =	vld [tilespmem:s20+$0xFFFFFFF0]  }
0x6a: {  	vm2 =	vle.f32 v7, v3;
	(xrf0) =	vmax.scan.msk.u32 $0xffff, v6  }
0x6b: {  	v6 =	vmpcnt.ones.xlane vm2  }
0x6c: {  	v9, _, _ =	vpop (xrf0)  }
0x6d: {  	v6 =	vxor.u32 $0x80000000, v6;
	v10 =	vld [tilespmem:s20+$0x0];
	(v2sf) =	vpush v9, $0xF  }
0x6e: {  	vm3 =	vle.f32 v8, v3;
	(xrf0) =	vmax.scan.msk.u32 $0xffff, v6  }
0x6f: {  	v6 =	vmpcnt.ones.xlane vm3  }
0x70: {  	v9, _, _ =	vpop (xrf0)  }
0x71: {  	v6 =	vxor.u32 $0x80000000, v6;
	v11 =	vld [tilespmem:s20+$0x10];
	(v2sf) =	vpush v9, $0xF  }
0x72: {  	vm4 =	vle.f32 v10, v3;
	(xrf0) =	vmax.scan.msk.u32 $0xffff, v6  }
0x73: {  	v6 =	vmpcnt.ones.xlane vm4  }
0x74: {  	v9, _, _ =	vpop (xrf0)  }
0x75: {  	v6 =	vxor.u32 $0x80000000, v6;
	v12 =	vld [tilespmem:s20+$0x20];
	(v2sf) =	vpush v9, $0xF  }
0x76: {  	vm5 =	vle.f32 v11, v3;
	(xrf0) =	vmax.scan.msk.u32 $0xffff, v6  }
0x77: {  	v6 =	vmpcnt.ones.xlane vm5  }
0x78: {  	v9, _, _ =	vpop (xrf0)  }
0x79: {  	v6 =	vxor.u32 $0x80000000, v6;
	v13 =	vld [tilespmem:s20+$0x30];
	(v2sf) =	vpush v9, $0xF  }
0x7a: {  	vm6 =	vle.f32 v12, v3;
	(xrf0) =	vmax.scan.msk.u32 $0xffff, v6  }
0x7b: {  	v6 =	vmpcnt.ones.xlane vm6  }
0x7c: {  	s24 =	spop (v2sf);
	v9, _, _ =	vpop (xrf0)  }
0x7d: {  	v6 =	vxor.u32 $0x80000000, v6;
	s24 =	sadd.s32 s24, s21;
	(v2sf) =	vpush v9, $0xF  }
0x7e: {  	vm7 =	vle.f32 v13, v3;
	s24 =	sadd.s32 $0x80000000, s24;
	(xrf0) =	vmax.scan.msk.u32 $0xffff, v6  }
0x7f: {  	v6 =	vmpcnt.ones.xlane vm7;
	p1 =	slt.s32 s24, $0x1000  }
0x80: {  	s24 =	simm.s32 @!p1 $0x1000;
	s25 =	spop (v2sf);
	v9, _, _ =	vpop (xrf0)  }
0x81: {  	v6 =	vxor.u32 $0x80000000, v6;
	s25 =	sadd.s32 s25, s24;
	(v2sf) =	vpush v9, $0xF  }
0x82: {  	s25 =	sadd.s32 $0x80000000, s25;
	(xrf0) =	vmax.scan.msk.u32 $0xffff, v6  }
0x83: {  	p1 =	slt.s32 s25, $0x1000  }
0x84: {  	s25 =	simm.s32 @!p1 $0x1000;
	s26 =	spop (v2sf);
	v6, _, _ =	vpop (xrf0)  }
0x85: {  	s26 =	sadd.s32 s26, s25;
	(v2sf) =	vpush v6, $0xF  }
0x86: {  	s26 =	sadd.s32 $0x80000000, s26  }
0x87: {  	p1 =	slt.s32 s26, $0x1000  }
0x88: {  	s26 =	simm.s32 @!p1 $0x1000;
	s28 =	spop (v2sf);
	v6, _, _ =	vpop (xrf0)  }
0x89: {  	s28 =	sadd.s32 s28, s26;
	(v2sf) =	vpush v6, $0xF  }
0x8a: {  	s29 =	sadd.s32 $0xFFFFFF90, s19;
	s28 =	sadd.s32 $0x80000000, s28  }
0x8b: {  	v6 =	vor.u32 s29, v2;
	[tilespmem:s21+$0x18880] =	vst.msk vm1, v4;
	p1 =	slt.s32 s28, $0x1000  }
0x8c: {  	s29 =	sadd.s32 $0xFFFFFFA0, s19;
	[tilespmem:s21+$0x19900] =	vst.msk vm1, v6;
	s28 =	simm.s32 @!p1 $0x1000;
	s21 =	spop (v2sf)  }
0x8d: {  	v4 =	vor.u32 s29, v2;
	[tilespmem:s24+$0x18880] =	vst.msk vm0, v5;
	s21 =	sadd.s32 s21, s28  }
0x8e: {  	s29 =	sadd.s32 $0xFFFFFFB0, s19;
	[tilespmem:s24+$0x19900] =	vst.msk vm0, v4;
	s21 =	sadd.s32 $0x80000000, s21  }
0x8f: {  	v4 =	vor.u32 s29, v2;
	[tilespmem:s25+$0x18880] =	vst.msk vm2, v7;
	p1 =	slt.s32 s21, $0x1000  }
0x90: {  	s24 =	sadd.s32 $0xFFFFFFC0, s19;
	[tilespmem:s25+$0x19900] =	vst.msk vm2, v4;
	s21 =	simm.s32 @!p1 $0x1000;
	s25 =	spop (v2sf)  }
0x91: {  	v4 =	vor.u32 s24, v2;
	[tilespmem:s26+$0x18880] =	vst.msk vm3, v8;
	s24 =	sadd.s32 s25, s21  }
0x92: {  	s25 =	sadd.s32 $0xFFFFFFD0, s19;
	[tilespmem:s26+$0x19900] =	vst.msk vm3, v4;
	s24 =	sadd.s32 $0x80000000, s24  }
0x93: {  	v4 =	vor.u32 s25, v2;
	[tilespmem:s28+$0x18880] =	vst.msk vm4, v10;
	p1 =	slt.s32 s24, $0x1000  }
0x94: {  	s25 =	sadd.s32 $0xFFFFFFE0, s19;
	[tilespmem:s28+$0x19900] =	vst.msk vm4, v4;
	s24 =	simm.s32 @!p1 $0x1000;
	s26 =	spop (v2sf)  }
0x95: {  	v4 =	vor.u32 s25, v2;
	[tilespmem:s21+$0x18880] =	vst.msk vm5, v11;
	s25 =	sadd.s32 s26, s24  }
0x96: {  	s26 =	sadd.s32 $0xFFFFFFF0, s19;
	[tilespmem:s21+$0x19900] =	vst.msk vm5, v4;
	s21 =	sadd.s32 $0x80000000, s25  }
.Ltmp1:
0x97: {  	v4 =	vor.u32 s26, v2;
	[tilespmem:s24+$0x18880] =	vst.msk vm6, v12;
	p1 =	slt.s32 s21, $0x1000;
	(pc) =	sbr.rel @p0 .LBB2_5-.Ltmp1, $4  }
0x98: {  	[tilespmem:s24+$0x19900] =	vst.msk vm6, v4;
	s21 =	simm.s32 @!p1 $0x1000;
	s24 =	spop (v2sf)  }
0x99: {  	v4 =	vor.u32 s19, v2;
	s19 =	smov.u32 s23;
	[tilespmem:s21+$0x18880] =	vst.msk vm7, v13;
	s24 =	sadd.s32 s24, s21  }
0x9a: {  	s20 =	sadd.s32 $0x80, s20;
	[tilespmem:s21+$0x19900] =	vst.msk vm7, v4;
	s21 =	sadd.s32 $0x80000000, s24  }
0x9b: {  	v4 =	vld [tilespmem:s20+$0xFFFFFFC0];
	p1 =	slt.s32 s21, $0x1000  }
0x9c: {  	_ =	sdelay $0x2  }
0x9d: {  	v5 =	vld [tilespmem:s20+$0xFFFFFFD0]  }
0x9e: {  	vm6 =	vle.f32 v4, v3  }
0x9f: {  	v6 =	vmpcnt.ones.xlane vm6;
	_ =	sdelay $0x1  }
0xa0: {  	v7 =	vld [tilespmem:s20+$0xFFFFFFE0];
	v6 =	vxor.u32 $0x80000000, v6  }
0xa1: {  	vm2 =	vle.f32 v5, v3;
	(xrf0) =	vmax.scan.msk.u32 $0xffff, v6  }
0xa2: {  	v53 =	vmpcnt.ones.xlane vm2;
	_ =	sdelay $0x1  }
0xa3: {  	v8 =	vld [tilespmem:s20+$0xFFFFFFF0];
	v6 =	vxor.u32 $0x80000000, v53  }
0xa4: {  	vm0 =	vle.f32 v7, v3;
	(xrf0) =	vmax.scan.msk.u32 $0xffff, v6  }
0xa5: {  	v54 =	vmpcnt.ones.xlane vm0  }
0xa6: {  	v9, _, _ =	vpop (xrf0)  }
0xa7: {  	v10 =	vld [tilespmem:s20+$0x0];
	v6 =	vxor.u32 $0x80000000, v54;
	(v2sf) =	vpush v9, $0xF  }
0xa8: {  	vm1 =	vle.f32 v8, v3;
	(xrf0) =	vmax.scan.msk.u32 $0xffff, v6  }
0xa9: {  	v55 =	vmpcnt.ones.xlane vm1  }
0xaa: {  	v56, _, _ =	vpop (xrf0)  }
0xab: {  	v11 =	vld [tilespmem:s20+$0x10];
	v6 =	vxor.u32 $0x80000000, v55;
	(v2sf) =	vpush v56, $0xF  }
0xac: {  	vm3 =	vle.f32 v10, v3;
	(xrf0) =	vmax.scan.msk.u32 $0xffff, v6  }
0xad: {  	v57 =	vmpcnt.ones.xlane vm3  }
0xae: {  	v58, _, _ =	vpop (xrf0)  }
0xaf: {  	v12 =	vld [tilespmem:s20+$0x20];
	v6 =	vxor.u32 $0x80000000, v57;
	(v2sf) =	vpush v58, $0xF  }
0xb0: {  	vm4 =	vle.f32 v11, v3;
	(xrf0) =	vmax.scan.msk.u32 $0xffff, v6  }
0xb1: {  	v59 =	vmpcnt.ones.xlane vm4  }
0xb2: {  	v60, _, _ =	vpop (xrf0)  }
0xb3: {  	v61 =	vld [tilespmem:s20+$0x30];
	v6 =	vxor.u32 $0x80000000, v59;
	(v2sf) =	vpush v60, $0xF  }
0xb4: {  	vm5 =	vle.f32 v12, v3;
	(xrf0) =	vmax.scan.msk.u32 $0xffff, v6  }
0xb5: {  	v62 =	vmpcnt.ones.xlane vm5  }
0xb6: {  	s21 =	simm.s32 @!p1 $0x1000;
	v13, _, _ =	vpop (xrf0);
	s25 =	spop (v2sf)  }
0xb7: {  	v9 =	vxor.u32 $0x80000000, v62;
	(v2sf) =	vpush v13, $0xF;
	s20 =	sadd.s32 s25, s21  }
0xb8: {  	vm7 =	vle.f32 v61, v3;
	(xrf0) =	vmax.scan.msk.u32 $0xffff, v9;
	s20 =	sadd.s32 $0x80000000, s20  }
0xb9: {  	v63 =	vmpcnt.ones.xlane vm7;
	p0 =	slt.s32 s20, $0x1000  }
0xba: {  	v3, _, _ =	vpop (xrf0);
	s22 =	spop (v2sf);
	s20 =	simm.s32 @!p0 $0x1000  }
0xbb: {  	(v2sf) =	vpush v3, $0xF;
	v3 =	vxor.u32 $0x80000000, v63;
	s22 =	sadd.s32 s22, s20  }
0xbc: {  	s22 =	sadd.s32 $0x80000000, s22  }
0xbd: {  	p0 =	slt.s32 s22, $0x1000  }
0xbe: {  	(xrf0) =	vmax.scan.msk.u32 $0xffff, v3;
	v3, _, _ =	vpop (xrf0);
	s23 =	spop (v2sf);
	s22 =	simm.s32 @!p0 $0x1000  }
0xbf: {  	(v2sf) =	vpush v3, $0xF;
	s23 =	sadd.s32 s23, s22  }
0xc0: {  	s23 =	sadd.s32 $0x80000000, s23  }
0xc1: {  	p0 =	slt.s32 s23, $0x1000  }
0xc2: {  	s24 =	spop (v2sf);
	s23 =	simm.s32 @!p0 $0x1000  }
0xc3: {  	s24 =	sadd.s32 s24, s23  }
0xc4: {  	s25 =	sadd.s32 $0xFFFFFF90, s19;
	v3, _, _ =	vpop (xrf0);
	s24 =	sadd.s32 $0x80000000, s24  }
0xc5: {  	[tilespmem:s21+$0x18880] =	vst.msk vm6, v4;
	(v2sf) =	vpush v3, $0xF;
	v3 =	vor.u32 s25, v2;
	p0 =	slt.s32 s24, $0x1000  }
0xc6: {  	s26 =	sadd.s32 $0xFFFFFFA0, s19;
	[tilespmem:s21+$0x19900] =	vst.msk vm6, v3;
	s28 =	spop (v2sf);
	s24 =	simm.s32 @!p0 $0x1000  }
0xc7: {  	v3 =	vor.u32 s26, v2;
	[tilespmem:s20+$0x18880] =	vst.msk vm2, v5;
	s21 =	sadd.s32 s28, s24  }
0xc8: {  	s29 =	sadd.s32 $0xFFFFFFB0, s19;
	[tilespmem:s20+$0x19900] =	vst.msk vm2, v3;
	s20 =	sadd.s32 $0x80000000, s21  }
0xc9: {  	v3 =	vor.u32 s29, v2;
	[tilespmem:s22+$0x18880] =	vst.msk vm0, v7;
	p0 =	slt.s32 s20, $0x1000  }
0xca: {  	s30 =	sadd.s32 $0xFFFFFFC0, s19;
	[tilespmem:s22+$0x19900] =	vst.msk vm0, v3;
	s31 =	spop (v2sf);
	s20 =	simm.s32 @!p0 $0x1000  }
0xcb: {  	v3 =	vor.u32 s30, v2;
	[tilespmem:s23+$0x18880] =	vst.msk vm1, v8;
	s22 =	sadd.s32 s31, s20  }
0xcc: {  	s25 =	sadd.s32 $0xFFFFFFD0, s19;
	[tilespmem:s23+$0x19900] =	vst.msk vm1, v3;
	s21 =	sadd.s32 $0x80000000, s22  }
0xcd: {  	v3 =	vor.u32 s25, v2;
	[tilespmem:s24+$0x18880] =	vst.msk vm3, v10;
	p0 =	slt.s32 s21, $0x1000  }
0xce: {  	s26 =	sadd.s32 $0xFFFFFFE0, s19;
	[tilespmem:s24+$0x19900] =	vst.msk vm3, v3;
	s28 =	spop (v2sf);
	s21 =	simm.s32 @!p0 $0x1000  }
0xcf: {  	v3 =	vor.u32 s26, v2;
	[tilespmem:s20+$0x18880] =	vst.msk vm4, v11;
	s29 =	sadd.s32 s28, s21  }
0xd0: {  	s30 =	sadd.s32 $0xFFFFFFF0, s19;
	[tilespmem:s20+$0x19900] =	vst.msk vm4, v3;
	s20 =	sadd.s32 $0x80000000, s29  }
0xd1: {  	v3 =	vor.u32 s30, v2;
	[tilespmem:s21+$0x18880] =	vst.msk vm5, v12;
	p0 =	slt.s32 s20, $0x1000  }
0xd2: {  	s18 =	sadd.s32 s8, s18;
	[tilespmem:s21+$0x19900] =	vst.msk vm5, v3;
	s20 =	simm.s32 @!p0 $0x1000  }
0xd3: {  	s18 =	sshrl.u32 s18, $0x3;
	v3 =	vor.u32 s19, v2;
	[tilespmem:s20+$0x18880] =	vst.msk vm7, v61  }
0xd4: {  	s31 =	spop (v2sf);
	s19 =	sadd.s32 s4, s18;
	[tilespmem:s20+$0x19900] =	vst.msk vm7, v3  }
0xd5: {  	[hbm4b:s19+s12] =	stream.strided.scatter [tilespmem:s14], [sflag:$0x1], $0x1000, s13, s12, $0x38;
	[tilespmem:$0x1A980] =	vst v63  }
0xd6: {  	s17 =	sadd.s32 $0x1, s17;
	_ =	swait.ge [sflag:s11], $0x1000  }
0xd7: {  	p0 =	sne.s32 s17, $0x8;
	[sflag:s11] =	ssyncset.done $0x0  }
.Ltmp2:
0xd8: {  	s18 =	sadd.s32 s5, s18;
	[sflag:s11] =	ssyncadd.s32 $0xFFFFF000;
	(pc) =	sbr.rel @p0 .LBB2_2-.Ltmp2, $4  }
0xd9: {  	[hbm4b:s18+s12] =	stream.strided.scatter [tilespmem:s15], [sflag:$0x1], $0x1000, s13, s12, $0x38;
	[tilespmem:$0x1A980] =	vst v63  }
0xda: {  	_ =	swait.ge [sflag:s11], $0x1000  }
0xdb: {  	[sflag:s11] =	ssyncset.done $0x0  }
0xdc: {  	[sflag:s11] =	ssyncadd.s32 $0xFFFFF000  }
0xdd: {  	s16 =	sadd.s32 $0x1, s16  }
0xde: {  	p0 =	sne.s32 s16, s9  }
.Ltmp3:
0xdf: {  	_ = 	snop;
	(pc) =	sbr.rel @p0 .LBB2_1-.Ltmp3, $1  }
0xe0: {  	_ =	sdelay $0x3  }
0xe1: {  	_ =	sfence.sel $0x180000  }
0xe2: {  	[bflag:$0x0] =	sbarrier.arrive $0xFFFF  }
0xe3: {  	p0 =	sne.s32 s1, $0x0;
	_ =	strace $0x90000050  }
0xe4: {  	s0 =	sadd.s32 @!p0 $0x100000, s0;
	[bflag:$0x2] =	sbarrier.arrive $0xFFFF  }
0xe5: {  	[sflag:s0] =	ssyncadd.tile.s32 @!p0 $0x1;
	_ =	shalt  }
.Lfunc_end2:
_tile_overlayer_lowered:
.L_overlay_start_2:
0xe6: {  	(tag) =	ssettag $0x2  }
0xe7: {  	s0 =	rddreg [dreg:$0x0];
	s2 =	stileid.u32  }
0xe8: {  	s1 =	rddreg [dreg:$0x1];
	p0 =	sne.s32 s2, $0x0  }
0xe9: {  	s3 =	rddreg [dreg:$0x2];
	[bflag:$0x3] =	sbarrier.arrive $0xFFFF;
	s2 =	simm.s32 @!p0 $0x1C01  }
0xea: {  	[timem:s3], [sflag:s2] =	dma.local @!p0 [hbm:s0], s1  }
0xeb: {  	s0 =	simm.s32 @!p0 $0x1  }
0xec: {  	_ =	swait.ge @!p0 [sflag:s0], s1  }
0xed: {  	s1 =	ssub.s32 @!p0 $0x0, s1;
	[sflag:s0] =	ssyncset.done @!p0 $0x0  }
0xee: {  	[sflag:s0] =	ssyncadd.s32 @!p0 s1  }
0xef: {  	[bflag:$0x3] =	sbarrier.arrive $0xFFFF  }
0xf0: {  	_ =	shalt  }

// kernel: kernel.17.cloned.1.call-start
scs
__scs_entry_jumppad:
0x0: {  	(pc) =	sbr.rel $0x88, $3  }
0x1: {  	(tag) =	ssettag $0x0;
	lr =	simm.s32 $0x1  }
0x2: {  	[smem:$0x3F9F] =	sst lr;
	_ =	strace $0xD0000000  }
0x3: {  	_ = 	snop  }
0x4: {  	_ = 	snop  }
0x5: {  	_ = 	snop  }
0x6: {  	_ = 	snop  }
0x7: {  	_ = 	snop  }
__scs_overlays_trampoline_lowered:
0x8: {  	[smem:$0x3FAE] =	sst s0  }
0x9: {  	[smem:$0x3FAF] =	sst s1  }
0xa: {  	[smem:$0x3FB0] =	sst s2  }
0xb: {  	[smem:$0x3FB1] =	sst s3  }
0xc: {  	[smem:$0x3FB2] =	sst s4  }
0xd: {  	[smem:$0x3FB3] =	sst s5  }
0xe: {  	[smem:$0x3FB4] =	sst s6  }
0xf: {  	[smem:$0x3FB5] =	sst s7  }
0x10: {  	[smem:$0x3FB6] =	sst s8  }
0x11: {  	[smem:$0x3FB7] =	sst s9;
	s0 =	simm.s32 @!p0 $0x0  }
0x12: {  	s1 =	sld [smem:$0x3F9D];
	s0 =	simm.s32 @p0 $0x1  }
0x13: {  	[smem:$0x3FB8] =	sst s0;
	s0 =	simm.s32 @!p1 $0x0  }
0x14: {  	s2 =	sld [smem:$0x3F9C];
	s0 =	simm.s32 @p1 $0x1  }
0x15: {  	[smem:$0x3FB9] =	sst s0;
	s0 =	simm.s32 @!p2 $0x0  }
0x16: {  	s3 =	sld [smem:$0x3FDB];
	s0 =	simm.s32 @p2 $0x1  }
0x17: {  	s4 =	simm.s32 $0x1BF5;
	[smem:$0x3FBB] =	sst s0  }
0x18: {  	s0 =	sld [smem:$0x3F9E];
	_ =	swait.ge [sflag:s4], $0x0  }
0x19: {  	s7 =	sld [smem:$0x3F9F]  }
0x1a: {  	s8 =	sadd.s32 $0xFFFFE003, lr  }
0x1b: {  	s9 =	sadd.s32 $0xFFFFFEF7, lr;
	s5 =	simm.s32 $0xFFFFFFFF;
	p2 =	slt.u32 s8, $0xFFFFF086  }
0x1c: {  	p1 =	slt.u32 s9, $0xF7A;
	s5 =	simm.s32 @!p2 $0x0  }
0x1d: {  	s5 =	simm.s32 @p1 $0x1;
	p0 =	seq.s32 s7, s2  }
0x1e: {  	s7 =	smul.u32 @!p0 $0xF7A, s2;
	p2 =	seq.s32 @!p0 s5, $0x0  }
0x1f: {  	s9 =	smul.u32 $0xF7A, s1;
	s8 =	simm.s32 @!p0 $0x1BF5;
	p2 =	por !p2, p0  }
0x20: {  	[sflag:s8] =	ssyncset.s32 @!p0 $0xFFFFF086;
	s6 =	sadd.s32 @!p0 s3, s7;
	s7 =	simm.s32 @!p0 $0x108  }
0x21: {  	s3 =	sadd.s32 s3, s9;
	s6 =	sadd.s32 @!p0 $0x88, s6;
	s7 =	simm.s32 @p2 $0x1082  }
0x22: {  	[simem:s7], [sflag:s8] =	dma.local @!p0 [hbm:s6], $0xF7A  }
0x23: {  	s9 =	sor.u32 $0xD0000000, s2;
	s6 =	simm.s32 $0x108;
	_ =	swait.ge @!p0 [sflag:s8], $0x0  }
0x24: {  	s3 =	sadd.s32 $0x88, s3;
	s6 =	simm.s32 @!p1 $0x1082;
	[sflag:s4] =	ssyncset.s32 $0xFFFFF086  }
0x25: {  	[simem:s6], [sflag:s4] =	dma.local [hbm:s3], $0xF7A  }
0x26: {  	[smem:$0x3F9F] =	sst s1;
	(tag) =	ssettag s2;
	_ =	strace s9  }
0x27: {  	s1 =	sld [smem:$0x3FAF]  }
0x28: {  	s2 =	sld [smem:$0x3FB0]  }
0x29: {  	s4 =	sld [smem:$0x3FB2]  }
0x2a: {  	p0 =	seq.s32 s5, $0x0;
	s5 =	sld [smem:$0x3FB3]  }
0x2b: {  	s6 =	sld [smem:$0x3FB4]  }
0x2c: {  	s7 =	sld [smem:$0x3FB5]  }
0x2d: {  	s3 =	simm.s32 $0x108;
	s8 =	sld [smem:$0x3FB6]  }
0x2e: {  	s3 =	simm.s32 @!p0 $0x1082;
	s9 =	sld [smem:$0x3FB7]  }
0x2f: {  	lr =	sadd.s32 s0, s3;
	s0 =	sld [smem:$0x3FAE]  }
0x30: {  	s3 =	sld [smem:$0x3FB1]  }
0x31: {  	[smem:$0x3FBA] =	sst s10  }
0x32: {  	s10 =	sld [smem:$0x3FB8];
	_ =	sdelay $0x3  }
0x33: {  	p0 =	seq.s32 s10, $0x1;
	s10 =	sld [smem:$0x3FBA];
	_ =	sdelay $0x3  }
0x34: {  	[smem:$0x3FBA] =	sst s10  }
0x35: {  	s10 =	sld [smem:$0x3FB9];
	_ =	sdelay $0x3  }
0x36: {  	p1 =	seq.s32 s10, $0x1;
	s10 =	sld [smem:$0x3FBA];
	_ =	sdelay $0x3  }
0x37: {  	[smem:$0x3FBA] =	sst s10  }
0x38: {  	s10 =	sld [smem:$0x3FBB]  }
0x39: {  	_ = 	snop;
	(pc) =	sbr.ind lr, $3  }
0x3a: {  	_ = 	snop  }
0x3b: {  	_ = 	snop  }
0x3c: {  	p2 =	seq.s32 s10, $0x1;
	s10 =	sld [smem:$0x3FBA]  }
0x3d: {  	_ =	shalt  }
0x3e: {  	_ =	shalt  }
0x3f: {  	_ =	shalt  }
0x40: {  	_ =	shalt  }
0x41: {  	_ =	shalt  }
0x42: {  	_ =	shalt  }
0x43: {  	_ =	shalt  }
0x44: {  	_ =	shalt  }
0x45: {  	_ =	shalt  }
0x46: {  	_ =	shalt  }
0x47: {  	_ =	shalt  }
0x48: {  	_ =	shalt  }
0x49: {  	_ =	shalt  }
0x4a: {  	_ =	shalt  }
0x4b: {  	_ =	shalt  }
0x4c: {  	_ =	shalt  }
0x4d: {  	_ =	shalt  }
0x4e: {  	_ =	shalt  }
0x4f: {  	_ =	shalt  }
0x50: {  	_ =	shalt  }
0x51: {  	_ =	shalt  }
0x52: {  	_ =	shalt  }
0x53: {  	_ =	shalt  }
0x54: {  	_ =	shalt  }
0x55: {  	_ =	shalt  }
0x56: {  	_ =	shalt  }
0x57: {  	_ =	shalt  }
0x58: {  	_ =	shalt  }
0x59: {  	_ =	shalt  }
0x5a: {  	_ =	shalt  }
0x5b: {  	_ =	shalt  }
0x5c: {  	_ =	shalt  }
0x5d: {  	_ =	shalt  }
0x5e: {  	_ =	shalt  }
0x5f: {  	_ =	shalt  }
0x60: {  	_ =	shalt  }
0x61: {  	_ =	shalt  }
0x62: {  	_ =	shalt  }
0x63: {  	_ =	shalt  }
0x64: {  	_ =	shalt  }
0x65: {  	_ =	shalt  }
0x66: {  	_ =	shalt  }
0x67: {  	_ =	shalt  }
0x68: {  	_ =	shalt  }
0x69: {  	_ =	shalt  }
0x6a: {  	_ =	shalt  }
0x6b: {  	_ =	shalt  }
0x6c: {  	_ =	shalt  }
0x6d: {  	_ =	shalt  }
0x6e: {  	_ =	shalt  }
0x6f: {  	_ =	shalt  }
0x70: {  	_ =	shalt  }
0x71: {  	_ =	shalt  }
0x72: {  	_ =	shalt  }
0x73: {  	_ =	shalt  }
0x74: {  	_ =	shalt  }
0x75: {  	_ =	shalt  }
0x76: {  	_ =	shalt  }
0x77: {  	_ =	shalt  }
0x78: {  	_ =	shalt  }
0x79: {  	_ =	shalt  }
0x7a: {  	_ =	shalt  }
0x7b: {  	_ =	shalt  }
0x7c: {  	_ =	shalt  }
0x7d: {  	_ =	shalt  }
0x7e: {  	_ =	shalt  }
0x7f: {  	_ =	shalt  }
0x80: {  	_ =	shalt  }
0x81: {  	_ =	shalt  }
0x82: {  	_ =	shalt  }
0x83: {  	_ =	shalt  }
0x84: {  	_ =	shalt  }
0x85: {  	_ =	shalt  }
0x86: {  	_ =	shalt  }
0x87: {  	_ =	shalt  }
.Lfunc_end0:
.L_simem_size_0:
called_computation.1_lowered:
.L_overlay_start_0:
0x88: {  	s2 =	sld [smem:$0x3FD9]  }
0x89: {  	s3 =	sld [smem:$0x3FFE];
	_ =	sdelay $0x1  }
0x8a: {  	s1 =	srdreg.scid  }
0x8b: {  	s0 =	sand.u32 $0x1, s1  }
0x8c: {  	s16 =	sshll.u32 s0, $0xA;
	s2 =	sadd.s32 s3, s2  }
0x8d: {  	s2 =	sadd.s32 s2, s16  }
0x8e: {  	[smem:$0x3FC6] =	sst s2  }
0x8f: {  	_ = 	snop  }
0x90: {  	(tm) =	ssettm $0x1  }
0x91: {  	s17 =	sld [smem:$0x3FFB];
	_ =	sdelay $0x3  }
0x92: {  	_ =	strace s17  }
0x93: {  	s2 =	sld [smem:$0x3FFC];
	_ =	sdelay $0x3  }
0x94: {  	_ =	strace s2  }
0x95: {  	s2 =	sld [smem:$0x3FFD];
	_ =	sdelay $0x3  }
0x96: {  	_ =	strace s2  }
0x97: {  	_ =	strace $0x8FFFFFFF  }
0x98: {  	s18 =	sld [smem:$0x3FDB];
	_ =	sdelay $0x1  }
0x99: {  	s19 =	simm.s32 $_scs_section_size  }
0x9a: {  	s4 =	simm.s32 $_size__tile_overlayer_lowered;
	s5 =	simm.s32 $_tile_overlayer_lowered  }
0x9b: {  	s22 =	simm.s32 $0x1BFF;
	s21 =	sshll.u32 s5, $0x1;
	s2 =	sadd.s32 s19, s18  }
0x9c: {  	s6 =	simm.s32 $0x0;
	s20 =	sshll.u32 s4, $0x1;
	s4 =	sadd.s32 s21, s2  }
0x9d: {  	[timem:s6], [sflag:s22] =	dma.local [hbm:s4], s20  }
0x9e: {  	_ =	swait.ge [sflag:s22], s20  }
0x9f: {  	s3 =	ssub.s32 $0x0, s20;
	[sflag:s22] =	ssyncset.done $0x0  }
0xa0: {  	[sflag:s22] =	ssyncadd.s32 s3;
	_ =	sdelay $0x1  }
0xa1: {  	s23 =	simm.s32 $0x1B8B  }
0xa2: {  	_ =	swait.ge [sflag:s23], $0x1  }
0xa3: {  	[sflag:s23] =	ssyncset.done $0x0  }
0xa4: {  	s25 =	simm.s32 $0x1B8E;
	s24 =	sld [smem:$0x3FFE];
	[sflag:s23] =	ssyncadd.s32 $0xFFFFFFFF  }
0xa5: {  	s26 =	simm.s32 $execute0_lowered;
	[smem:$0x3FD2] =	sst s25  }
0xa6: {  	s4 =	sshll.u32 s26, $0x1;
	_ =	strace $0x80000046;
	[dreg:$0x1] =	wrdreg $0xFFFFFFFF  }
0xa7: {  	s28 =	simm.s32 $_size_execute0_lowered;
	s2 =	sadd.s32 s2, s4;
	[dreg:$0x0] =	wrdreg $0x0  }
0xa8: {  	s4 =	sshll.u32 s28, $0x1;
	[dreg:$0x2] =	wrdreg s2  }
0xa9: {  	[dreg:$0x3] =	wrdreg s4  }
0xaa: {  	[dreg:$0x4] =	wrdreg $0xC0  }
0xab: {  	_ =	task [dreg:s6], $0x5FFFF  }
0xac: {  	[dreg:$0x1] =	wrdreg $0xFFFFFFFF  }
0xad: {  	[dreg:$0x0] =	wrdreg $0x60  }
0xae: {  	[dreg:$0x2] =	wrdreg s24  }
0xaf: {  	[dreg:$0x3] =	wrdreg $0xA  }
0xb0: {  	_ =	task.clear_ibuf [dreg:s6], $0x4FFFF;
	_ =	strace $0x90000046  }
0xb1: {  	s29 =	simm.s32 $0xA;
	_ =	strace $0x80000048  }
0xb2: {  	_ =	swait.ge [sflag:s29], $0x1  }
0xb3: {  	[sflag:s29] =	ssyncadd.s32 $0xFFFFFFFF  }
0xb4: {  	_ =	strace $0x90000048  }
0xb5: {  	_ =	sfence  }
0xb6: {  	s30 =	sld [smem:$0x0];
	_ =	sdelay $0x2  }
0xb7: {  	s31 =	sshll.u32 s1, $0xD;
	s1 =	sshrl.u32 s1, $0x2  }
0xb8: {  	s3 =	sand.u32 $0x4000, s31;
	s1 =	sadd.s32 s1, s30  }
0xb9: {  	s0 =	sor.u32 s3, s0;
	s1 =	sshll.u32 s1, $0x11  }
0xba: {  	s0 =	sor.u32 s1, s0  }
0xbb: {  	s0 =	sadd.s32 $0x8F2B, s0  }
0xbc: {  	[sflag:s0] =	ssyncadd.remote.s32 $0x1  }
0xbd: {  	_ =	sfence.sel $0xFFFF  }
0xbe: {  	[dreg:$0x0] =	wrdreg $0xFFFFFFFF;
	(pc) =	sbr.abs _section_cstart, $3  }
0xbf: {  	[dreg:$0x1] =	wrdreg $0xFFFFFFFF  }
0xc0: {  	_ =	task.clear_ibuf [dreg:s6], $0x2FFFF;
	_ =	strace $0x9FFFFFFF  }
0xc1: {  	(tm) =	ssettm $0x7FFFFFFF  }
tec
execute0_lowered:
.L_overlay_start_1:
0x0: {  	(tag) =	ssettag $0x1  }
0x1: {  	s5 =	rddreg [dreg:$0x0]  }
0x2: {  	s2 =	srdreg.scid;
	s0 =	rddreg [dreg:$0x1]  }
0x3: {  	s1 =	stileid.u32;
	s11 =	simm.s32 $0x1;
	s12 =	simm.s32 $0x80  }
0x4: {  	s13 =	simm.s32 $0x400;
	s14 =	simm.s32 $0x18880;
	s15 =	simm.s32 $0x19900  }
0x5: {  	s16 =	simm.s32 $0x0;
	s4 =	sand.u32 $0x1, s2;
	s2 =	simm.s32 $0x0  }
0x6: {  	s3 =	sshll.u32 s1, $0x4;
	s6 =	sshll.u32 s4, $0x3;
	[smem:$0x7FF] =	sst s2  }
0x7: {  	s9 =	ssub.s32 $0x2, s4;
	s4 =	sadd.s32 $0x49B000, s5;
	s8 =	sor.u32 s6, s3  }
0x8: {  	_ =	strace $0x80000047;
	s3 =	sadd.s32 $0x18AE00, s5;
	s10 =	sshrl.u32 s9, $0x1  }
0x9: {  	s7 =	sshrl.u32 s8, $0x3;
	s9 =	ssub.s32 s9, s10;
	s8 =	sshll.u32 s8, $0xC  }
0xa: {  	s10 =	simm.s32 $0x18800;
	s31 =	sadd.s32 s7, s5;
	s5 =	sadd.s32 $0x4BB000, s5  }
0xb: {  	v0 =	vimm.f32 $+Inf;
	v1 =	vimm.s32 $0x40000000;
	v2 =	vlaneseq.u32;
	s7 =	smul.u32 $0xC4000, s7;
	s9 =	smax.u32 s9, $0x1;
	s6 =	sadd.s32 $0x49AE00, s31  }
.LBB2_1:
0xc: {  	[tilespmem:s10], [sflag:$0x1] =	stream.linear.gather [hbm4b:s6+s2], $0x8, $0x38;
	[tilespmem:$0x1A980] =	vst v63  }
0xd: {  	_ =	swait.ge [sflag:s11], $0x8  }
0xe: {  	[sflag:s11] =	ssyncset.done $0x0  }
0xf: {  	s17 =	simm.s32 $0x0;
	[sflag:s11] =	ssyncadd.s32 $0xFFFFFFF8  }
.LBB2_2:
0x10: {  	s18 =	sshll.u32 s17, $0x7  }
0x11: {  	s19 =	sadd.s32 s7, s18  }
0x12: {  	s19 =	sshrl.u32 s19, $0x3  }
0x13: {  	s20 =	simm.s32 $0x0;
	s19 =	sadd.s32 s3, s19  }
0x14: {  	[tilespmem:s20], [sflag:$0x1] =	stream.strided.gather [hbm4b:s19+s12], $0x18800, s13, s12, $0x38;
	[tilespmem:$0x1A980] =	vst v63  }
0x15: {  	_ =	swait.ge [sflag:s11], $0x18800  }
0x16: {  	[sflag:s11] =	ssyncset.done $0x0  }
0x17: {  	[sflag:s11] =	ssyncadd.s32 $0xFFFE7800  }
0x18: {  	s19 =	simm.s32 $0x40;
	s20 =	simm.s32 $0x0;
	v3 =	vld [tilespmem:$0x18800]  }
.LBB2_3:
0x19: {  	p0 =	seq.s32 s19, $0x4000;
	[tilespmem:s20+$0x18880] =	vst v0;
	s21 =	smov.u32 s19;
	s19 =	sadd.s32 $0x40, s19  }
.Ltmp0:
0x1a: {  	[tilespmem:s20+$0x19900] =	vst v1;
	(pc) =	sbr.rel @!p0 .LBB2_3-.Ltmp0, $2  }
0x1b: {  	_ =	sdelay $0x2  }
0x1c: {  	s20 =	sshra.s32 s21, $0x2  }
0x1d: {  	v4 =	vmov s17  }
0x1e: {  	vm0 =	veq.s32 v4, v2  }
0x1f: {  	v3 =	vnsel vm0, $0xFF800000, v3  }
0x20: {  	(xrf0) =	vmax.scan.msk.f32 $0xffff, v3;
	_ =	sdelay $0x1  }
0x21: {  	[tilespmem:s20+$0x18880] =	vst v0  }
0x22: {  	[tilespmem:s20+$0x19900] =	vst v1;
	s21 =	simm.s32 $0x40  }
0x23: {  	v4 =	vld [tilespmem:s21+$0xFFFFFFC0];
	_ =	sdelay $0x1  }
0x24: {  	v3, _, _ =	vpop (xrf0)  }
0x25: {  	v3 =	vbroadcast v3, $0xF  }
0x26: {  	v5 =	vld [tilespmem:s21+$0xFFFFFFD0]  }
0x27: {  	vm6 =	vle.f32 v4, v3  }
0x28: {  	v6 =	vmpcnt.ones.xlane vm6;
	_ =	sdelay $0x1  }
0x29: {  	v7 =	vld [tilespmem:s21+$0xFFFFFFE0];
	v6 =	vxor.u32 $0x80000000, v6  }
0x2a: {  	vm2 =	vle.f32 v5, v3;
	(xrf0) =	vmax.scan.msk.u32 $0xffff, v6  }
0x2b: {  	v6 =	vmpcnt.ones.xlane vm2;
	_ =	sdelay $0x1  }
0x2c: {  	v8 =	vld [tilespmem:s21+$0xFFFFFFF0];
	v6 =	vxor.u32 $0x80000000, v6  }
0x2d: {  	vm15 =	vle.f32 v7, v3;
	(xrf0) =	vmax.scan.msk.u32 $0xffff, v6  }
0x2e: {  	v6 =	vmpcnt.ones.xlane vm15  }
0x2f: {  	v9, _, _ =	vpop (xrf0)  }
0x30: {  	v10 =	vld [tilespmem:s21+$0x0];
	v6 =	vxor.u32 $0x80000000, v6;
	(v2sf) =	vpush v9, $0xF  }
0x31: {  	vm1 =	vle.f32 v8, v3;
	(xrf0) =	vmax.scan.msk.u32 $0xffff, v6  }
0x32: {  	v6 =	vmpcnt.ones.xlane vm1  }
0x33: {  	v59, _, _ =	vpop (xrf0)  }
0x34: {  	v11 =	vld [tilespmem:s21+$0x10];
	v6 =	vxor.u32 $0x80000000, v6;
	(v2sf) =	vpush v59, $0xF  }
0x35: {  	vm3 =	vle.f32 v10, v3;
	(xrf0) =	vmax.scan.msk.u32 $0xffff, v6  }
0x36: {  	v6 =	vmpcnt.ones.xlane vm3  }
0x37: {  	v60, _, _ =	vpop (xrf0)  }
0x38: {  	v12 =	vld [tilespmem:s21+$0x20];
	v6 =	vxor.u32 $0x80000000, v6;
	(v2sf) =	vpush v60, $0xF  }
0x39: {  	vm4 =	vle.f32 v11, v3;
	(xrf0) =	vmax.scan.msk.u32 $0xffff, v6  }
0x3a: {  	v6 =	vmpcnt.ones.xlane vm4  }
0x3b: {  	v61, _, _ =	vpop (xrf0)  }
0x3c: {  	v13 =	vld [tilespmem:s21+$0x30];
	v6 =	vxor.u32 $0x80000000, v6;
	(v2sf) =	vpush v61, $0xF  }
0x3d: {  	vm5 =	vle.f32 v12, v3;
	(xrf0) =	vmax.scan.msk.u32 $0xffff, v6  }
0x3e: {  	v6 =	vmpcnt.ones.xlane vm5  }
0x3f: {  	v62, _, _ =	vpop (xrf0);
	s29 =	spop (v2sf)  }
0x40: {  	v6 =	vxor.u32 $0x80000000, v6;
	(v2sf) =	vpush v62, $0xF;
	s21 =	sadd.s32 $0x0, s29  }
0x41: {  	vm7 =	vle.f32 v13, v3;
	(xrf0) =	vmax.scan.msk.u32 $0xffff, v6;
	s21 =	sadd.s32 $0x80000000, s21  }
0x42: {  	v6 =	vmpcnt.ones.xlane vm7;
	p0 =	slt.s32 s21, $0x1000  }
0x43: {  	v63, _, _ =	vpop (xrf0);
	s22 =	spop (v2sf);
	s21 =	simm.s32 @!p0 $0x1000  }
0x44: {  	v6 =	vxor.u32 $0x80000000, v6;
	(v2sf) =	vpush v63, $0xF;
	s22 =	sadd.s32 s22, s21  }
0x45: {  	(xrf0) =	vmax.scan.msk.u32 $0xffff, v6;
	s22 =	sadd.s32 $0x80000000, s22  }
0x46: {  	p0 =	slt.s32 s22, $0x1000  }
0x47: {  	v6, _, _ =	vpop (xrf0);
	s23 =	spop (v2sf);
	s22 =	simm.s32 @!p0 $0x1000  }
0x48: {  	(v2sf) =	vpush v6, $0xF;
	s23 =	sadd.s32 s23, s22  }
0x49: {  	s23 =	sadd.s32 $0x80000000, s23  }
0x4a: {  	p0 =	slt.s32 s23, $0x1000  }
0x4b: {  	v6, _, _ =	vpop (xrf0);
	s24 =	spop (v2sf);
	s23 =	simm.s32 @!p0 $0x1000  }
0x4c: {  	(v2sf) =	vpush v6, $0xF;
	s24 =	sadd.s32 s24, s23  }
0x4d: {  	s28 =	simm.s32 $0x0;
	s25 =	simm.s32 $0x0;
	s24 =	sadd.s32 $0x80000000, s24  }
0x4e: {  	[tilespmem:s28+$0x18880] =	vst.msk vm6, v4;
	v6 =	vor.u32 s25, v2;
	p0 =	slt.s32 s24, $0x1000  }
0x4f: {  	s30 =	simm.s32 $0x10;
	[tilespmem:s28+$0x19900] =	vst.msk vm6, v6;
	s31 =	spop (v2sf);
	s24 =	simm.s32 @!p0 $0x1000  }
0x50: {  	v4 =	vor.u32 s30, v2;
	[tilespmem:s21+$0x18880] =	vst.msk vm2, v5;
	s20 =	sadd.s32 s31, s24  }
0x51: {  	s26 =	simm.s32 $0x20;
	[tilespmem:s21+$0x19900] =	vst.msk vm2, v4;
	s20 =	sadd.s32 $0x80000000, s20  }
0x52: {  	v4 =	vor.u32 s26, v2;
	[tilespmem:s22+$0x18880] =	vst.msk vm15, v7;
	p0 =	slt.s32 s20, $0x1000  }
0x53: {  	s28 =	simm.s32 $0x30;
	[tilespmem:s22+$0x19900] =	vst.msk vm15, v4;
	s29 =	spop (v2sf);
	s20 =	simm.s32 @!p0 $0x1000  }
0x54: {  	v4 =	vor.u32 s28, v2;
	[tilespmem:s23+$0x18880] =	vst.msk vm1, v8;
	s30 =	sadd.s32 s29, s20  }
0x55: {  	[tilespmem:s23+$0x19900] =	vst.msk vm1, v4;
	s31 =	simm.s32 $0x40;
	s21 =	sadd.s32 $0x80000000, s30  }
0x56: {  	[tilespmem:s24+$0x18880] =	vst.msk vm3, v10;
	v4 =	vor.u32 s31, v2;
	p0 =	slt.s32 s21, $0x1000  }
0x57: {  	s25 =	simm.s32 $0x50;
	[tilespmem:s24+$0x19900] =	vst.msk vm3, v4;
	s26 =	spop (v2sf);
	s21 =	simm.s32 @!p0 $0x1000  }
0x58: {  	v4 =	vor.u32 s25, v2;
	[tilespmem:s20+$0x18880] =	vst.msk vm4, v11;
	s28 =	sadd.s32 s26, s21  }
0x59: {  	s29 =	simm.s32 $0x60;
	[tilespmem:s20+$0x19900] =	vst.msk vm4, v4;
	s20 =	sadd.s32 $0x80000000, s28  }
0x5a: {  	v4 =	vor.u32 s29, v2;
	[tilespmem:s21+$0x18880] =	vst.msk vm5, v12;
	p0 =	slt.s32 s20, $0x1000  }
0x5b: {  	s19 =	simm.s32 $0x70;
	s30 =	spop (v2sf);
	[tilespmem:s21+$0x19900] =	vst.msk vm5, v4;
	s20 =	simm.s32 @!p0 $0x1000  }
0x5c: {  	v4 =	vor.u32 s19, v2;
	[tilespmem:s20+$0x18880] =	vst.msk vm7, v13;
	s31 =	sadd.s32 s30, s20  }
0x5d: {  	[tilespmem:s20+$0x19900] =	vst.msk vm7, v4;
	s21 =	sadd.s32 $0x80000000, s31;
	s20 =	simm.s32 $0xC0  }
0x5e: {  	s22 =	simm.s32 $0x170;
	s19 =	simm.s32 $0xF0;
	v4 =	vld [tilespmem:s20+$0xFFFFFFC0];
	p1 =	slt.s32 s21, $0x1000  }
.LBB2_5:
0x5f: {  	p0 =	sne.s32 s22, $0x187F0  }
0x60: {  	s21 =	simm.s32 @!p1 $0x1000;
	s23 =	smov.u32 s22;
	s22 =	sadd.s32 $0x80, s22  }
0x61: {  	_ =	sdelay $0x1  }
0x62: {  	v5 =	vld [tilespmem:s20+$0xFFFFFFD0]  }
0x63: {  	vm1 =	vle.f32 v4, v3  }
0x64: {  	v6 =	vmpcnt.ones.xlane vm1;
	_ =	sdelay $0x1  }
0x65: {  	v6 =	vxor.u32 $0x80000000, v6;
	v7 =	vld [tilespmem:s20+$0xFFFFFFE0]  }
0x66: {  	vm0 =	vle.f32 v5, v3;
	(xrf0) =	vmax.scan.msk.u32 $0xffff, v6  }
0x67: {  	v6 =	vmpcnt.ones.xlane vm0;
	_ =	sdelay $0x1  }
0x68: {  	v6 =	vxor.u32 $0x80000000, v6;
	v8 =	vld [tilespmem:s20+$0xFFFFFFF0]  }
0x69: {  	vm2 =	vle.f32 v7, v3;
	(xrf0) =	vmax.scan.msk.u32 $0xffff, v6  }
0x6a: {  	v6 =	vmpcnt.ones.xlane vm2  }
0x6b: {  	v9, _, _ =	vpop (xrf0)  }
0x6c: {  	v6 =	vxor.u32 $0x80000000, v6;
	v10 =	vld [tilespmem:s20+$0x0];
	(v2sf) =	vpush v9, $0xF  }
0x6d: {  	vm3 =	vle.f32 v8, v3;
	(xrf0) =	vmax.scan.msk.u32 $0xffff, v6  }
0x6e: {  	v6 =	vmpcnt.ones.xlane vm3  }
0x6f: {  	v9, _, _ =	vpop (xrf0)  }
0x70: {  	v6 =	vxor.u32 $0x80000000, v6;
	v11 =	vld [tilespmem:s20+$0x10];
	(v2sf) =	vpush v9, $0xF  }
0x71: {  	vm4 =	vle.f32 v10, v3;
	(xrf0) =	vmax.scan.msk.u32 $0xffff, v6  }
0x72: {  	v6 =	vmpcnt.ones.xlane vm4  }
0x73: {  	v9, _, _ =	vpop (xrf0)  }
0x74: {  	v6 =	vxor.u32 $0x80000000, v6;
	v12 =	vld [tilespmem:s20+$0x20];
	(v2sf) =	vpush v9, $0xF  }
0x75: {  	vm5 =	vle.f32 v11, v3;
	(xrf0) =	vmax.scan.msk.u32 $0xffff, v6  }
0x76: {  	v6 =	vmpcnt.ones.xlane vm5  }
0x77: {  	v9, _, _ =	vpop (xrf0)  }
0x78: {  	v6 =	vxor.u32 $0x80000000, v6;
	v13 =	vld [tilespmem:s20+$0x30];
	(v2sf) =	vpush v9, $0xF  }
0x79: {  	vm6 =	vle.f32 v12, v3;
	(xrf0) =	vmax.scan.msk.u32 $0xffff, v6  }
0x7a: {  	v6 =	vmpcnt.ones.xlane vm6  }
0x7b: {  	s24 =	spop (v2sf);
	v9, _, _ =	vpop (xrf0)  }
0x7c: {  	v6 =	vxor.u32 $0x80000000, v6;
	s24 =	sadd.s32 s24, s21;
	(v2sf) =	vpush v9, $0xF  }
0x7d: {  	vm7 =	vle.f32 v13, v3;
	s24 =	sadd.s32 $0x80000000, s24;
	(xrf0) =	vmax.scan.msk.u32 $0xffff, v6  }
0x7e: {  	v6 =	vmpcnt.ones.xlane vm7;
	p1 =	slt.s32 s24, $0x1000  }
0x7f: {  	s24 =	simm.s32 @!p1 $0x1000;
	s25 =	spop (v2sf);
	v9, _, _ =	vpop (xrf0)  }
0x80: {  	v6 =	vxor.u32 $0x80000000, v6;
	s25 =	sadd.s32 s25, s24;
	(v2sf) =	vpush v9, $0xF  }
0x81: {  	s25 =	sadd.s32 $0x80000000, s25;
	(xrf0) =	vmax.scan.msk.u32 $0xffff, v6  }
0x82: {  	p1 =	slt.s32 s25, $0x1000  }
0x83: {  	s25 =	simm.s32 @!p1 $0x1000;
	s26 =	spop (v2sf);
	v6, _, _ =	vpop (xrf0)  }
0x84: {  	s26 =	sadd.s32 s26, s25;
	(v2sf) =	vpush v6, $0xF  }
0x85: {  	s26 =	sadd.s32 $0x80000000, s26  }
0x86: {  	p1 =	slt.s32 s26, $0x1000  }
0x87: {  	s26 =	simm.s32 @!p1 $0x1000;
	s28 =	spop (v2sf);
	v6, _, _ =	vpop (xrf0)  }
0x88: {  	s28 =	sadd.s32 s28, s26;
	(v2sf) =	vpush v6, $0xF  }
0x89: {  	s29 =	sadd.s32 $0xFFFFFF90, s19;
	s28 =	sadd.s32 $0x80000000, s28  }
0x8a: {  	v6 =	vor.u32 s29, v2;
	[tilespmem:s21+$0x18880] =	vst.msk vm1, v4;
	p1 =	slt.s32 s28, $0x1000  }
0x8b: {  	s29 =	sadd.s32 $0xFFFFFFA0, s19;
	[tilespmem:s21+$0x19900] =	vst.msk vm1, v6;
	s28 =	simm.s32 @!p1 $0x1000;
	s21 =	spop (v2sf)  }
0x8c: {  	v4 =	vor.u32 s29, v2;
	[tilespmem:s24+$0x18880] =	vst.msk vm0, v5;
	s21 =	sadd.s32 s21, s28  }
0x8d: {  	s29 =	sadd.s32 $0xFFFFFFB0, s19;
	[tilespmem:s24+$0x19900] =	vst.msk vm0, v4;
	s21 =	sadd.s32 $0x80000000, s21  }
0x8e: {  	v4 =	vor.u32 s29, v2;
	[tilespmem:s25+$0x18880] =	vst.msk vm2, v7;
	p1 =	slt.s32 s21, $0x1000  }
0x8f: {  	s24 =	sadd.s32 $0xFFFFFFC0, s19;
	[tilespmem:s25+$0x19900] =	vst.msk vm2, v4;
	s21 =	simm.s32 @!p1 $0x1000;
	s25 =	spop (v2sf)  }
0x90: {  	v4 =	vor.u32 s24, v2;
	[tilespmem:s26+$0x18880] =	vst.msk vm3, v8;
	s24 =	sadd.s32 s25, s21  }
0x91: {  	s25 =	sadd.s32 $0xFFFFFFD0, s19;
	[tilespmem:s26+$0x19900] =	vst.msk vm3, v4;
	s24 =	sadd.s32 $0x80000000, s24  }
0x92: {  	v4 =	vor.u32 s25, v2;
	[tilespmem:s28+$0x18880] =	vst.msk vm4, v10;
	p1 =	slt.s32 s24, $0x1000  }
0x93: {  	s25 =	sadd.s32 $0xFFFFFFE0, s19;
	[tilespmem:s28+$0x19900] =	vst.msk vm4, v4;
	s24 =	simm.s32 @!p1 $0x1000;
	s26 =	spop (v2sf)  }
0x94: {  	v4 =	vor.u32 s25, v2;
	[tilespmem:s21+$0x18880] =	vst.msk vm5, v11;
	s25 =	sadd.s32 s26, s24  }
0x95: {  	s26 =	sadd.s32 $0xFFFFFFF0, s19;
	[tilespmem:s21+$0x19900] =	vst.msk vm5, v4;
	s21 =	sadd.s32 $0x80000000, s25  }
.Ltmp1:
0x96: {  	v4 =	vor.u32 s26, v2;
	[tilespmem:s24+$0x18880] =	vst.msk vm6, v12;
	p1 =	slt.s32 s21, $0x1000;
	(pc) =	sbr.rel @p0 .LBB2_5-.Ltmp1, $4  }
0x97: {  	[tilespmem:s24+$0x19900] =	vst.msk vm6, v4;
	s21 =	simm.s32 @!p1 $0x1000;
	s24 =	spop (v2sf)  }
0x98: {  	v4 =	vor.u32 s19, v2;
	s19 =	smov.u32 s23;
	[tilespmem:s21+$0x18880] =	vst.msk vm7, v13;
	s24 =	sadd.s32 s24, s21  }
0x99: {  	s20 =	sadd.s32 $0x80, s20;
	[tilespmem:s21+$0x19900] =	vst.msk vm7, v4;
	s21 =	sadd.s32 $0x80000000, s24  }
0x9a: {  	v4 =	vld [tilespmem:s20+$0xFFFFFFC0];
	p1 =	slt.s32 s21, $0x1000  }
0x9b: {  	_ =	sdelay $0x2  }
0x9c: {  	v5 =	vld [tilespmem:s20+$0xFFFFFFD0]  }
0x9d: {  	vm6 =	vle.f32 v4, v3  }
0x9e: {  	v6 =	vmpcnt.ones.xlane vm6;
	_ =	sdelay $0x1  }
0x9f: {  	v7 =	vld [tilespmem:s20+$0xFFFFFFE0];
	v6 =	vxor.u32 $0x80000000, v6  }
0xa0: {  	vm2 =	vle.f32 v5, v3;
	(xrf0) =	vmax.scan.msk.u32 $0xffff, v6  }
0xa1: {  	v53 =	vmpcnt.ones.xlane vm2;
	_ =	sdelay $0x1  }
0xa2: {  	v8 =	vld [tilespmem:s20+$0xFFFFFFF0];
	v6 =	vxor.u32 $0x80000000, v53  }
0xa3: {  	vm0 =	vle.f32 v7, v3;
	(xrf0) =	vmax.scan.msk.u32 $0xffff, v6  }
0xa4: {  	v54 =	vmpcnt.ones.xlane vm0  }
0xa5: {  	v9, _, _ =	vpop (xrf0)  }
0xa6: {  	v10 =	vld [tilespmem:s20+$0x0];
	v6 =	vxor.u32 $0x80000000, v54;
	(v2sf) =	vpush v9, $0xF  }
0xa7: {  	vm1 =	vle.f32 v8, v3;
	(xrf0) =	vmax.scan.msk.u32 $0xffff, v6  }
0xa8: {  	v55 =	vmpcnt.ones.xlane vm1  }
0xa9: {  	v56, _, _ =	vpop (xrf0)  }
0xaa: {  	v11 =	vld [tilespmem:s20+$0x10];
	v6 =	vxor.u32 $0x80000000, v55;
	(v2sf) =	vpush v56, $0xF  }
0xab: {  	vm3 =	vle.f32 v10, v3;
	(xrf0) =	vmax.scan.msk.u32 $0xffff, v6  }
0xac: {  	v57 =	vmpcnt.ones.xlane vm3  }
0xad: {  	v58, _, _ =	vpop (xrf0)  }
0xae: {  	v12 =	vld [tilespmem:s20+$0x20];
	v6 =	vxor.u32 $0x80000000, v57;
	(v2sf) =	vpush v58, $0xF  }
0xaf: {  	vm4 =	vle.f32 v11, v3;
	(xrf0) =	vmax.scan.msk.u32 $0xffff, v6  }
0xb0: {  	v59 =	vmpcnt.ones.xlane vm4  }
0xb1: {  	v60, _, _ =	vpop (xrf0)  }
0xb2: {  	v61 =	vld [tilespmem:s20+$0x30];
	v6 =	vxor.u32 $0x80000000, v59;
	(v2sf) =	vpush v60, $0xF  }
0xb3: {  	vm5 =	vle.f32 v12, v3;
	(xrf0) =	vmax.scan.msk.u32 $0xffff, v6  }
0xb4: {  	v62 =	vmpcnt.ones.xlane vm5  }
0xb5: {  	s21 =	simm.s32 @!p1 $0x1000;
	v13, _, _ =	vpop (xrf0);
	s25 =	spop (v2sf)  }
0xb6: {  	v9 =	vxor.u32 $0x80000000, v62;
	(v2sf) =	vpush v13, $0xF;
	s20 =	sadd.s32 s25, s21  }
0xb7: {  	vm7 =	vle.f32 v61, v3;
	(xrf0) =	vmax.scan.msk.u32 $0xffff, v9;
	s20 =	sadd.s32 $0x80000000, s20  }
0xb8: {  	v63 =	vmpcnt.ones.xlane vm7;
	p0 =	slt.s32 s20, $0x1000  }
0xb9: {  	v3, _, _ =	vpop (xrf0);
	s22 =	spop (v2sf);
	s20 =	simm.s32 @!p0 $0x1000  }
0xba: {  	(v2sf) =	vpush v3, $0xF;
	v3 =	vxor.u32 $0x80000000, v63;
	s22 =	sadd.s32 s22, s20  }
0xbb: {  	s22 =	sadd.s32 $0x80000000, s22  }
0xbc: {  	p0 =	slt.s32 s22, $0x1000  }
0xbd: {  	(xrf0) =	vmax.scan.msk.u32 $0xffff, v3;
	v3, _, _ =	vpop (xrf0);
	s23 =	spop (v2sf);
	s22 =	simm.s32 @!p0 $0x1000  }
0xbe: {  	(v2sf) =	vpush v3, $0xF;
	s23 =	sadd.s32 s23, s22  }
0xbf: {  	s23 =	sadd.s32 $0x80000000, s23  }
0xc0: {  	p0 =	slt.s32 s23, $0x1000  }
0xc1: {  	s24 =	spop (v2sf);
	s23 =	simm.s32 @!p0 $0x1000  }
0xc2: {  	s24 =	sadd.s32 s24, s23  }
0xc3: {  	s25 =	sadd.s32 $0xFFFFFF90, s19;
	v3, _, _ =	vpop (xrf0);
	s24 =	sadd.s32 $0x80000000, s24  }
0xc4: {  	[tilespmem:s21+$0x18880] =	vst.msk vm6, v4;
	(v2sf) =	vpush v3, $0xF;
	v3 =	vor.u32 s25, v2;
	p0 =	slt.s32 s24, $0x1000  }
0xc5: {  	s26 =	sadd.s32 $0xFFFFFFA0, s19;
	[tilespmem:s21+$0x19900] =	vst.msk vm6, v3;
	s28 =	spop (v2sf);
	s24 =	simm.s32 @!p0 $0x1000  }
0xc6: {  	v3 =	vor.u32 s26, v2;
	[tilespmem:s20+$0x18880] =	vst.msk vm2, v5;
	s21 =	sadd.s32 s28, s24  }
0xc7: {  	s29 =	sadd.s32 $0xFFFFFFB0, s19;
	[tilespmem:s20+$0x19900] =	vst.msk vm2, v3;
	s20 =	sadd.s32 $0x80000000, s21  }
0xc8: {  	v3 =	vor.u32 s29, v2;
	[tilespmem:s22+$0x18880] =	vst.msk vm0, v7;
	p0 =	slt.s32 s20, $0x1000  }
0xc9: {  	s30 =	sadd.s32 $0xFFFFFFC0, s19;
	[tilespmem:s22+$0x19900] =	vst.msk vm0, v3;
	s31 =	spop (v2sf);
	s20 =	simm.s32 @!p0 $0x1000  }
0xca: {  	v3 =	vor.u32 s30, v2;
	[tilespmem:s23+$0x18880] =	vst.msk vm1, v8;
	s22 =	sadd.s32 s31, s20  }
0xcb: {  	s25 =	sadd.s32 $0xFFFFFFD0, s19;
	[tilespmem:s23+$0x19900] =	vst.msk vm1, v3;
	s21 =	sadd.s32 $0x80000000, s22  }
0xcc: {  	v3 =	vor.u32 s25, v2;
	[tilespmem:s24+$0x18880] =	vst.msk vm3, v10;
	p0 =	slt.s32 s21, $0x1000  }
0xcd: {  	s26 =	sadd.s32 $0xFFFFFFE0, s19;
	[tilespmem:s24+$0x19900] =	vst.msk vm3, v3;
	s28 =	spop (v2sf);
	s21 =	simm.s32 @!p0 $0x1000  }
0xce: {  	v3 =	vor.u32 s26, v2;
	[tilespmem:s20+$0x18880] =	vst.msk vm4, v11;
	s29 =	sadd.s32 s28, s21  }
0xcf: {  	s30 =	sadd.s32 $0xFFFFFFF0, s19;
	[tilespmem:s20+$0x19900] =	vst.msk vm4, v3;
	s20 =	sadd.s32 $0x80000000, s29  }
0xd0: {  	v3 =	vor.u32 s30, v2;
	[tilespmem:s21+$0x18880] =	vst.msk vm5, v12;
	p0 =	slt.s32 s20, $0x1000  }
0xd1: {  	s18 =	sadd.s32 s8, s18;
	[tilespmem:s21+$0x19900] =	vst.msk vm5, v3;
	s20 =	simm.s32 @!p0 $0x1000  }
0xd2: {  	s18 =	sshrl.u32 s18, $0x3;
	v3 =	vor.u32 s19, v2;
	[tilespmem:s20+$0x18880] =	vst.msk vm7, v61  }
0xd3: {  	s31 =	spop (v2sf);
	s19 =	sadd.s32 s4, s18;
	[tilespmem:s20+$0x19900] =	vst.msk vm7, v3  }
0xd4: {  	[hbm4b:s19+s12] =	stream.strided.scatter [tilespmem:s14], [sflag:$0x1], $0x1000, s13, s12, $0x38;
	[tilespmem:$0x1A980] =	vst v63  }
0xd5: {  	s17 =	sadd.s32 $0x1, s17;
	_ =	swait.ge [sflag:s11], $0x1000  }
0xd6: {  	p0 =	sne.s32 s17, $0x8;
	[sflag:s11] =	ssyncset.done $0x0  }
.Ltmp2:
0xd7: {  	s18 =	sadd.s32 s5, s18;
	[sflag:s11] =	ssyncadd.s32 $0xFFFFF000;
	(pc) =	sbr.rel @p0 .LBB2_2-.Ltmp2, $4  }
0xd8: {  	[hbm4b:s18+s12] =	stream.strided.scatter [tilespmem:s15], [sflag:$0x1], $0x1000, s13, s12, $0x38;
	[tilespmem:$0x1A980] =	vst v63  }
0xd9: {  	_ =	swait.ge [sflag:s11], $0x1000  }
0xda: {  	[sflag:s11] =	ssyncset.done $0x0  }
0xdb: {  	[sflag:s11] =	ssyncadd.s32 $0xFFFFF000  }
0xdc: {  	s16 =	sadd.s32 $0x1, s16  }
0xdd: {  	p0 =	sne.s32 s16, s9  }
.Ltmp3:
0xde: {  	_ = 	snop;
	(pc) =	sbr.rel @p0 .LBB2_1-.Ltmp3, $1  }
0xdf: {  	_ =	sdelay $0x3  }
0xe0: {  	_ =	sfence.sel $0x180000  }
0xe1: {  	[bflag:$0x0] =	sbarrier.arrive $0xFFFF  }
0xe2: {  	p0 =	sne.s32 s1, $0x0;
	_ =	strace $0x90000047  }
0xe3: {  	s0 =	sadd.s32 @!p0 $0x100000, s0;
	[bflag:$0x2] =	sbarrier.arrive $0xFFFF  }
0xe4: {  	[sflag:s0] =	ssyncadd.tile.s32 @!p0 $0x1;
	_ =	shalt  }
.Lfunc_end2:
_tile_overlayer_lowered:
.L_overlay_start_2:
0xe5: {  	(tag) =	ssettag $0x2  }
0xe6: {  	s0 =	rddreg [dreg:$0x0];
	s2 =	stileid.u32  }
0xe7: {  	s1 =	rddreg [dreg:$0x1];
	p0 =	sne.s32 s2, $0x0  }
0xe8: {  	s3 =	rddreg [dreg:$0x2];
	[bflag:$0x3] =	sbarrier.arrive $0xFFFF;
	s2 =	simm.s32 @!p0 $0x1C01  }
0xe9: {  	[timem:s3], [sflag:s2] =	dma.local @!p0 [hbm:s0], s1  }
0xea: {  	s0 =	simm.s32 @!p0 $0x1  }
0xeb: {  	_ =	swait.ge @!p0 [sflag:s0], s1  }
0xec: {  	s1 =	ssub.s32 @!p0 $0x0, s1;
	[sflag:s0] =	ssyncset.done @!p0 $0x0  }
0xed: {  	[sflag:s0] =	ssyncadd.s32 @!p0 s1  }
0xee: {  	[bflag:$0x3] =	sbarrier.arrive $0xFFFF  }
0xef: {  	_ =	shalt  }

// kernel: kernel.20.cloned.1.call-start
scs
__scs_entry_jumppad:
0x0: {  	(pc) =	sbr.rel $0x88, $3  }
0x1: {  	(tag) =	ssettag $0x0;
	lr =	simm.s32 $0x1  }
0x2: {  	[smem:$0x3F9F] =	sst lr;
	_ =	strace $0xD0000000  }
0x3: {  	_ = 	snop  }
0x4: {  	_ = 	snop  }
0x5: {  	_ = 	snop  }
0x6: {  	_ = 	snop  }
0x7: {  	_ = 	snop  }
__scs_overlays_trampoline_lowered:
0x8: {  	[smem:$0x3FAE] =	sst s0  }
0x9: {  	[smem:$0x3FAF] =	sst s1  }
0xa: {  	[smem:$0x3FB0] =	sst s2  }
0xb: {  	[smem:$0x3FB1] =	sst s3  }
0xc: {  	[smem:$0x3FB2] =	sst s4  }
0xd: {  	[smem:$0x3FB3] =	sst s5  }
0xe: {  	[smem:$0x3FB4] =	sst s6  }
0xf: {  	[smem:$0x3FB5] =	sst s7  }
0x10: {  	[smem:$0x3FB6] =	sst s8  }
0x11: {  	[smem:$0x3FB7] =	sst s9;
	s0 =	simm.s32 @!p0 $0x0  }
0x12: {  	s1 =	sld [smem:$0x3F9D];
	s0 =	simm.s32 @p0 $0x1  }
0x13: {  	[smem:$0x3FB8] =	sst s0;
	s0 =	simm.s32 @!p1 $0x0  }
0x14: {  	s2 =	sld [smem:$0x3F9C];
	s0 =	simm.s32 @p1 $0x1  }
0x15: {  	[smem:$0x3FB9] =	sst s0;
	s0 =	simm.s32 @!p2 $0x0  }
0x16: {  	s3 =	sld [smem:$0x3FDB];
	s0 =	simm.s32 @p2 $0x1  }
0x17: {  	s4 =	simm.s32 $0x1BF5;
	[smem:$0x3FBB] =	sst s0  }
0x18: {  	s0 =	sld [smem:$0x3F9E];
	_ =	swait.ge [sflag:s4], $0x0  }
0x19: {  	s7 =	sld [smem:$0x3F9F]  }
0x1a: {  	s8 =	sadd.s32 $0xFFFFE003, lr  }
0x1b: {  	s9 =	sadd.s32 $0xFFFFFEF7, lr;
	s5 =	simm.s32 $0xFFFFFFFF;
	p2 =	slt.u32 s8, $0xFFFFF086  }
0x1c: {  	p1 =	slt.u32 s9, $0xF7A;
	s5 =	simm.s32 @!p2 $0x0  }
0x1d: {  	s5 =	simm.s32 @p1 $0x1;
	p0 =	seq.s32 s7, s2  }
0x1e: {  	s7 =	smul.u32 @!p0 $0xF7A, s2;
	p2 =	seq.s32 @!p0 s5, $0x0  }
0x1f: {  	s9 =	smul.u32 $0xF7A, s1;
	s8 =	simm.s32 @!p0 $0x1BF5;
	p2 =	por !p2, p0  }
0x20: {  	[sflag:s8] =	ssyncset.s32 @!p0 $0xFFFFF086;
	s6 =	sadd.s32 @!p0 s3, s7;
	s7 =	simm.s32 @!p0 $0x108  }
0x21: {  	s3 =	sadd.s32 s3, s9;
	s6 =	sadd.s32 @!p0 $0x88, s6;
	s7 =	simm.s32 @p2 $0x1082  }
0x22: {  	[simem:s7], [sflag:s8] =	dma.local @!p0 [hbm:s6], $0xF7A  }
0x23: {  	s9 =	sor.u32 $0xD0000000, s2;
	s6 =	simm.s32 $0x108;
	_ =	swait.ge @!p0 [sflag:s8], $0x0  }
0x24: {  	s3 =	sadd.s32 $0x88, s3;
	s6 =	simm.s32 @!p1 $0x1082;
	[sflag:s4] =	ssyncset.s32 $0xFFFFF086  }
0x25: {  	[simem:s6], [sflag:s4] =	dma.local [hbm:s3], $0xF7A  }
0x26: {  	[smem:$0x3F9F] =	sst s1;
	(tag) =	ssettag s2;
	_ =	strace s9  }
0x27: {  	s1 =	sld [smem:$0x3FAF]  }
0x28: {  	s2 =	sld [smem:$0x3FB0]  }
0x29: {  	s4 =	sld [smem:$0x3FB2]  }
0x2a: {  	p0 =	seq.s32 s5, $0x0;
	s5 =	sld [smem:$0x3FB3]  }
0x2b: {  	s6 =	sld [smem:$0x3FB4]  }
0x2c: {  	s7 =	sld [smem:$0x3FB5]  }
0x2d: {  	s3 =	simm.s32 $0x108;
	s8 =	sld [smem:$0x3FB6]  }
0x2e: {  	s3 =	simm.s32 @!p0 $0x1082;
	s9 =	sld [smem:$0x3FB7]  }
0x2f: {  	lr =	sadd.s32 s0, s3;
	s0 =	sld [smem:$0x3FAE]  }
0x30: {  	s3 =	sld [smem:$0x3FB1]  }
0x31: {  	[smem:$0x3FBA] =	sst s10  }
0x32: {  	s10 =	sld [smem:$0x3FB8];
	_ =	sdelay $0x3  }
0x33: {  	p0 =	seq.s32 s10, $0x1;
	s10 =	sld [smem:$0x3FBA];
	_ =	sdelay $0x3  }
0x34: {  	[smem:$0x3FBA] =	sst s10  }
0x35: {  	s10 =	sld [smem:$0x3FB9];
	_ =	sdelay $0x3  }
0x36: {  	p1 =	seq.s32 s10, $0x1;
	s10 =	sld [smem:$0x3FBA];
	_ =	sdelay $0x3  }
0x37: {  	[smem:$0x3FBA] =	sst s10  }
0x38: {  	s10 =	sld [smem:$0x3FBB]  }
0x39: {  	_ = 	snop;
	(pc) =	sbr.ind lr, $3  }
0x3a: {  	_ = 	snop  }
0x3b: {  	_ = 	snop  }
0x3c: {  	p2 =	seq.s32 s10, $0x1;
	s10 =	sld [smem:$0x3FBA]  }
0x3d: {  	_ =	shalt  }
0x3e: {  	_ =	shalt  }
0x3f: {  	_ =	shalt  }
0x40: {  	_ =	shalt  }
0x41: {  	_ =	shalt  }
0x42: {  	_ =	shalt  }
0x43: {  	_ =	shalt  }
0x44: {  	_ =	shalt  }
0x45: {  	_ =	shalt  }
0x46: {  	_ =	shalt  }
0x47: {  	_ =	shalt  }
0x48: {  	_ =	shalt  }
0x49: {  	_ =	shalt  }
0x4a: {  	_ =	shalt  }
0x4b: {  	_ =	shalt  }
0x4c: {  	_ =	shalt  }
0x4d: {  	_ =	shalt  }
0x4e: {  	_ =	shalt  }
0x4f: {  	_ =	shalt  }
0x50: {  	_ =	shalt  }
0x51: {  	_ =	shalt  }
0x52: {  	_ =	shalt  }
0x53: {  	_ =	shalt  }
0x54: {  	_ =	shalt  }
0x55: {  	_ =	shalt  }
0x56: {  	_ =	shalt  }
0x57: {  	_ =	shalt  }
0x58: {  	_ =	shalt  }
0x59: {  	_ =	shalt  }
0x5a: {  	_ =	shalt  }
0x5b: {  	_ =	shalt  }
0x5c: {  	_ =	shalt  }
0x5d: {  	_ =	shalt  }
0x5e: {  	_ =	shalt  }
0x5f: {  	_ =	shalt  }
0x60: {  	_ =	shalt  }
0x61: {  	_ =	shalt  }
0x62: {  	_ =	shalt  }
0x63: {  	_ =	shalt  }
0x64: {  	_ =	shalt  }
0x65: {  	_ =	shalt  }
0x66: {  	_ =	shalt  }
0x67: {  	_ =	shalt  }
0x68: {  	_ =	shalt  }
0x69: {  	_ =	shalt  }
0x6a: {  	_ =	shalt  }
0x6b: {  	_ =	shalt  }
0x6c: {  	_ =	shalt  }
0x6d: {  	_ =	shalt  }
0x6e: {  	_ =	shalt  }
0x6f: {  	_ =	shalt  }
0x70: {  	_ =	shalt  }
0x71: {  	_ =	shalt  }
0x72: {  	_ =	shalt  }
0x73: {  	_ =	shalt  }
0x74: {  	_ =	shalt  }
0x75: {  	_ =	shalt  }
0x76: {  	_ =	shalt  }
0x77: {  	_ =	shalt  }
0x78: {  	_ =	shalt  }
0x79: {  	_ =	shalt  }
0x7a: {  	_ =	shalt  }
0x7b: {  	_ =	shalt  }
0x7c: {  	_ =	shalt  }
0x7d: {  	_ =	shalt  }
0x7e: {  	_ =	shalt  }
0x7f: {  	_ =	shalt  }
0x80: {  	_ =	shalt  }
0x81: {  	_ =	shalt  }
0x82: {  	_ =	shalt  }
0x83: {  	_ =	shalt  }
0x84: {  	_ =	shalt  }
0x85: {  	_ =	shalt  }
0x86: {  	_ =	shalt  }
0x87: {  	_ =	shalt  }
.Lfunc_end0:
.L_simem_size_0:
called_computation.2_lowered:
.L_overlay_start_0:
0x88: {  	s2 =	sld [smem:$0x3FD9]  }
0x89: {  	s3 =	sld [smem:$0x3FFE];
	_ =	sdelay $0x1  }
0x8a: {  	s1 =	srdreg.scid  }
0x8b: {  	s0 =	sand.u32 $0x1, s1  }
0x8c: {  	s17 =	sshll.u32 s0, $0xA;
	s2 =	sadd.s32 s3, s2  }
0x8d: {  	s2 =	sadd.s32 s2, s17  }
0x8e: {  	[smem:$0x3FC6] =	sst s2  }
0x8f: {  	_ = 	snop  }
0x90: {  	(tm) =	ssettm $0x1  }
0x91: {  	s18 =	sld [smem:$0x3FFB];
	_ =	sdelay $0x3  }
0x92: {  	_ =	strace s18  }
0x93: {  	s2 =	sld [smem:$0x3FFC];
	_ =	sdelay $0x3  }
0x94: {  	_ =	strace s2  }
0x95: {  	s2 =	sld [smem:$0x3FFD];
	_ =	sdelay $0x3  }
0x96: {  	_ =	strace s2  }
0x97: {  	_ =	strace $0x8FFFFFFF  }
0x98: {  	s19 =	sld [smem:$0x3FDB];
	_ =	sdelay $0x1  }
0x99: {  	s20 =	simm.s32 $_scs_section_size  }
0x9a: {  	s4 =	simm.s32 $_size__tile_overlayer_lowered;
	s5 =	simm.s32 $_tile_overlayer_lowered  }
0x9b: {  	s6 =	simm.s32 $0x1BFF;
	s21 =	sshll.u32 s5, $0x1;
	s3 =	sadd.s32 s20, s19  }
0x9c: {  	s22 =	simm.s32 $0x0;
	s4 =	sshll.u32 s4, $0x1;
	s5 =	sadd.s32 s21, s3  }
0x9d: {  	[timem:s22], [sflag:s6] =	dma.local [hbm:s5], s4  }
0x9e: {  	_ =	swait.ge [sflag:s6], s4  }
0x9f: {  	s4 =	ssub.s32 $0x0, s4;
	[sflag:s6] =	ssyncset.done $0x0  }
0xa0: {  	[sflag:s6] =	ssyncadd.s32 s4;
	_ =	sdelay $0x1  }
0xa1: {  	s23 =	simm.s32 $0x1B8B  }
0xa2: {  	_ =	swait.ge [sflag:s23], $0x1  }
0xa3: {  	[sflag:s23] =	ssyncset.done $0x0  }
0xa4: {  	[sflag:s23] =	ssyncadd.s32 $0xFFFFFFFF  }
0xa5: {  	s4 =	sld [smem:$0x0]  }
0xa6: {  	s5 =	sand.u32 $0xFFFFFFFE, s1  }
0xa7: {  	p0 =	sne.s32 s1, s5  }
0xa8: {  	s5 =	sshll.u32 @p0 s5, $0xE  }
0xa9: {  	s5 =	sadd.s32 @p0 $0x11B8D, s5;
	s6 =	sshll.u32 @p0 s4, $0x11  }
0xaa: {  	s5 =	sor.u32 @p0 s6, s5  }
0xab: {  	[sflag:s5] =	ssyncadd.remote.s32 @p0 $0x1;
	_ =	sdelay $0x1  }
0xac: {  	s5 =	simm.s32 @p0 $0x1B8D  }
0xad: {  	_ =	swait.eq @p0 [sflag:s5], $0x1  }
0xae: {  	[sflag:s5] =	ssyncadd.s32 @p0 $0xFFFFFFFF  }
0xaf: {  	s6 =	sshll.u32 @!p0 s1, $0xE  }
0xb0: {  	s6 =	sor.u32 @!p0 $0x4000, s6;
	s5 =	simm.s32 @!p0 $0x1B8D  }
0xb1: {  	s4 =	sshll.u32 @!p0 s4, $0x11;
	s6 =	sadd.s32 @!p0 $0x11B8D, s6;
	_ =	swait.eq @!p0 [sflag:s5], $0x1  }
0xb2: {  	s4 =	sor.u32 @!p0 s4, s6;
	[sflag:s5] =	ssyncadd.s32 @!p0 $0xFFFFFFFF  }
0xb3: {  	s25 =	simm.s32 $0x1B8E;
	s24 =	sld [smem:$0x3FFE];
	[sflag:s4] =	ssyncadd.remote.s32 @!p0 $0x1  }
0xb4: {  	s26 =	simm.s32 $execute0_lowered;
	[smem:$0x3FD2] =	sst s25  }
0xb5: {  	s5 =	sshll.u32 s26, $0x1;
	_ =	strace $0x80000049;
	[dreg:$0x1] =	wrdreg $0xFFFFFFFF  }
0xb6: {  	s28 =	simm.s32 $_size_execute0_lowered;
	s3 =	sadd.s32 s3, s5;
	[dreg:$0x0] =	wrdreg $0x0  }
0xb7: {  	s5 =	sshll.u32 s28, $0x1;
	[dreg:$0x2] =	wrdreg s3  }
0xb8: {  	[dreg:$0x3] =	wrdreg s5  }
0xb9: {  	[dreg:$0x4] =	wrdreg $0xC0  }
0xba: {  	_ =	task [dreg:s22], $0x5FFFF  }
0xbb: {  	[dreg:$0x1] =	wrdreg $0xFFFFFFFF  }
0xbc: {  	[dreg:$0x0] =	wrdreg $0x60  }
0xbd: {  	[dreg:$0x2] =	wrdreg s24  }
0xbe: {  	[dreg:$0x3] =	wrdreg $0xB  }
0xbf: {  	_ =	task.clear_ibuf [dreg:s22], $0x4FFFF;
	_ =	strace $0x90000049  }
0xc0: {  	s29 =	simm.s32 $0xB;
	_ =	strace $0x8000004B  }
0xc1: {  	_ =	swait.ge [sflag:s29], $0x1  }
0xc2: {  	[sflag:s29] =	ssyncadd.s32 $0xFFFFFFFF  }
0xc3: {  	_ =	strace $0x9000004B  }
0xc4: {  	_ =	sfence  }
0xc5: {  	s30 =	sld [smem:$0x0];
	_ =	sdelay $0x2  }
0xc6: {  	s31 =	sshll.u32 s1, $0xD;
	s1 =	sshrl.u32 s1, $0x2  }
0xc7: {  	s4 =	sand.u32 $0x4000, s31;
	s1 =	sadd.s32 s1, s30  }
0xc8: {  	s0 =	sor.u32 s4, s0;
	s1 =	sshll.u32 s1, $0x11  }
0xc9: {  	s0 =	sor.u32 s1, s0  }
0xca: {  	s0 =	sadd.s32 $0x8F2B, s0  }
0xcb: {  	[sflag:s0] =	ssyncadd.remote.s32 $0x1  }
0xcc: {  	_ =	sfence.sel $0xFFFF  }
0xcd: {  	[dreg:$0x0] =	wrdreg $0xFFFFFFFF;
	(pc) =	sbr.abs _section_cstart, $3  }
0xce: {  	[dreg:$0x1] =	wrdreg $0xFFFFFFFF  }
0xcf: {  	_ =	task.clear_ibuf [dreg:s22], $0x2FFFF;
	_ =	strace $0x9FFFFFFF  }
0xd0: {  	(tm) =	ssettm $0x7FFFFFFF  }
0xd1: {  	_ =	shalt  }
tec
execute0_lowered:
.L_overlay_start_1:
0x0: {  	(tag) =	ssettag $0x1  }
0x1: {  	s5 =	rddreg [dreg:$0x0]  }
0x2: {  	s2 =	srdreg.scid;
	s0 =	rddreg [dreg:$0x1]  }
0x3: {  	s1 =	stileid.u32;
	s11 =	simm.s32 $0x1;
	s12 =	simm.s32 $0x80  }
0x4: {  	s13 =	simm.s32 $0x400;
	s14 =	simm.s32 $0x18880;
	s15 =	simm.s32 $0x19900  }
0x5: {  	s16 =	simm.s32 $0x0;
	s4 =	sand.u32 $0x1, s2;
	s2 =	simm.s32 $0x0  }
0x6: {  	s3 =	sshll.u32 s1, $0x4;
	s6 =	sshll.u32 s4, $0x3;
	[smem:$0x7FF] =	sst s2  }
0x7: {  	s9 =	ssub.s32 $0x2, s4;
	s4 =	sadd.s32 $0x7EB200, s5;
	s8 =	sor.u32 s6, s3  }
0x8: {  	_ =	strace $0x8000004A;
	s3 =	sadd.s32 $0x4DB000, s5;
	s10 =	sshrl.u32 s9, $0x1  }
0x9: {  	s7 =	sshrl.u32 s8, $0x3;
	s9 =	ssub.s32 s9, s10;
	s8 =	sshll.u32 s8, $0xC  }
0xa: {  	s10 =	simm.s32 $0x18800;
	s31 =	sadd.s32 s7, s5;
	s5 =	sadd.s32 $0x80B200, s5  }
0xb: {  	v0 =	vimm.f32 $+Inf;
	v1 =	vimm.s32 $0x40000000;
	v2 =	vlaneseq.u32;
	s7 =	smul.u32 $0xC4000, s7;
	s9 =	smax.u32 s9, $0x1;
	s6 =	sadd.s32 $0x7EB000, s31  }
.LBB2_1:
0xc: {  	[tilespmem:s10], [sflag:$0x1] =	stream.linear.gather [hbm4b:s6+s2], $0x8, $0x38;
	[tilespmem:$0x1A980] =	vst v63  }
0xd: {  	_ =	swait.ge [sflag:s11], $0x8  }
0xe: {  	[sflag:s11] =	ssyncset.done $0x0  }
0xf: {  	s17 =	simm.s32 $0x0;
	[sflag:s11] =	ssyncadd.s32 $0xFFFFFFF8  }
.LBB2_2:
0x10: {  	s18 =	sshll.u32 s17, $0x7  }
0x11: {  	s19 =	sadd.s32 s7, s18  }
0x12: {  	s19 =	sshrl.u32 s19, $0x3  }
0x13: {  	s20 =	simm.s32 $0x0;
	s19 =	sadd.s32 s3, s19  }
0x14: {  	[tilespmem:s20], [sflag:$0x1] =	stream.strided.gather [hbm4b:s19+s12], $0x18800, s13, s12, $0x38;
	[tilespmem:$0x1A980] =	vst v63  }
0x15: {  	_ =	swait.ge [sflag:s11], $0x18800  }
0x16: {  	[sflag:s11] =	ssyncset.done $0x0  }
0x17: {  	[sflag:s11] =	ssyncadd.s32 $0xFFFE7800  }
0x18: {  	s19 =	simm.s32 $0x40;
	s20 =	simm.s32 $0x0;
	v3 =	vld [tilespmem:$0x18800]  }
.LBB2_3:
0x19: {  	p0 =	seq.s32 s19, $0x4000;
	[tilespmem:s20+$0x18880] =	vst v0;
	s21 =	smov.u32 s19;
	s19 =	sadd.s32 $0x40, s19  }
.Ltmp0:
0x1a: {  	[tilespmem:s20+$0x19900] =	vst v1;
	(pc) =	sbr.rel @!p0 .LBB2_3-.Ltmp0, $2  }
0x1b: {  	_ =	sdelay $0x2  }
0x1c: {  	s20 =	sshra.s32 s21, $0x2  }
0x1d: {  	v4 =	vmov s17  }
0x1e: {  	vm0 =	veq.s32 v4, v2  }
0x1f: {  	v3 =	vnsel vm0, $0xFF800000, v3  }
0x20: {  	(xrf0) =	vmax.scan.msk.f32 $0xffff, v3;
	_ =	sdelay $0x1  }
0x21: {  	[tilespmem:s20+$0x18880] =	vst v0  }
0x22: {  	[tilespmem:s20+$0x19900] =	vst v1;
	s21 =	simm.s32 $0x40  }
0x23: {  	v4 =	vld [tilespmem:s21+$0xFFFFFFC0];
	_ =	sdelay $0x1  }
0x24: {  	v3, _, _ =	vpop (xrf0)  }
0x25: {  	v3 =	vbroadcast v3, $0xF  }
0x26: {  	v5 =	vld [tilespmem:s21+$0xFFFFFFD0]  }
0x27: {  	vm6 =	vle.f32 v4, v3  }
0x28: {  	v6 =	vmpcnt.ones.xlane vm6;
	_ =	sdelay $0x1  }
0x29: {  	v7 =	vld [tilespmem:s21+$0xFFFFFFE0];
	v6 =	vxor.u32 $0x80000000, v6  }
0x2a: {  	vm2 =	vle.f32 v5, v3;
	(xrf0) =	vmax.scan.msk.u32 $0xffff, v6  }
0x2b: {  	v6 =	vmpcnt.ones.xlane vm2;
	_ =	sdelay $0x1  }
0x2c: {  	v8 =	vld [tilespmem:s21+$0xFFFFFFF0];
	v6 =	vxor.u32 $0x80000000, v6  }
0x2d: {  	vm15 =	vle.f32 v7, v3;
	(xrf0) =	vmax.scan.msk.u32 $0xffff, v6  }
0x2e: {  	v6 =	vmpcnt.ones.xlane vm15  }
0x2f: {  	v9, _, _ =	vpop (xrf0)  }
0x30: {  	v10 =	vld [tilespmem:s21+$0x0];
	v6 =	vxor.u32 $0x80000000, v6;
	(v2sf) =	vpush v9, $0xF  }
0x31: {  	vm1 =	vle.f32 v8, v3;
	(xrf0) =	vmax.scan.msk.u32 $0xffff, v6  }
0x32: {  	v6 =	vmpcnt.ones.xlane vm1  }
0x33: {  	v59, _, _ =	vpop (xrf0)  }
0x34: {  	v11 =	vld [tilespmem:s21+$0x10];
	v6 =	vxor.u32 $0x80000000, v6;
	(v2sf) =	vpush v59, $0xF  }
0x35: {  	vm3 =	vle.f32 v10, v3;
	(xrf0) =	vmax.scan.msk.u32 $0xffff, v6  }
0x36: {  	v6 =	vmpcnt.ones.xlane vm3  }
0x37: {  	v60, _, _ =	vpop (xrf0)  }
0x38: {  	v12 =	vld [tilespmem:s21+$0x20];
	v6 =	vxor.u32 $0x80000000, v6;
	(v2sf) =	vpush v60, $0xF  }
0x39: {  	vm4 =	vle.f32 v11, v3;
	(xrf0) =	vmax.scan.msk.u32 $0xffff, v6  }
0x3a: {  	v6 =	vmpcnt.ones.xlane vm4  }
0x3b: {  	v61, _, _ =	vpop (xrf0)  }
0x3c: {  	v13 =	vld [tilespmem:s21+$0x30];
	v6 =	vxor.u32 $0x80000000, v6;
	(v2sf) =	vpush v61, $0xF  }
0x3d: {  	vm5 =	vle.f32 v12, v3;
	(xrf0) =	vmax.scan.msk.u32 $0xffff, v6  }
0x3e: {  	v6 =	vmpcnt.ones.xlane vm5  }
0x3f: {  	v62, _, _ =	vpop (xrf0);
	s29 =	spop (v2sf)  }
0x40: {  	v6 =	vxor.u32 $0x80000000, v6;
	(v2sf) =	vpush v62, $0xF;
	s21 =	sadd.s32 $0x0, s29  }
0x41: {  	vm7 =	vle.f32 v13, v3;
	(xrf0) =	vmax.scan.msk.u32 $0xffff, v6;
	s21 =	sadd.s32 $0x80000000, s21  }
0x42: {  	v6 =	vmpcnt.ones.xlane vm7;
	p0 =	slt.s32 s21, $0x1000  }
0x43: {  	v63, _, _ =	vpop (xrf0);
	s22 =	spop (v2sf);
	s21 =	simm.s32 @!p0 $0x1000  }
0x44: {  	v6 =	vxor.u32 $0x80000000, v6;
	(v2sf) =	vpush v63, $0xF;
	s22 =	sadd.s32 s22, s21  }
0x45: {  	(xrf0) =	vmax.scan.msk.u32 $0xffff, v6;
	s22 =	sadd.s32 $0x80000000, s22  }
0x46: {  	p0 =	slt.s32 s22, $0x1000  }
0x47: {  	v6, _, _ =	vpop (xrf0);
	s23 =	spop (v2sf);
	s22 =	simm.s32 @!p0 $0x1000  }
0x48: {  	(v2sf) =	vpush v6, $0xF;
	s23 =	sadd.s32 s23, s22  }
0x49: {  	s23 =	sadd.s32 $0x80000000, s23  }
0x4a: {  	p0 =	slt.s32 s23, $0x1000  }
0x4b: {  	v6, _, _ =	vpop (xrf0);
	s24 =	spop (v2sf);
	s23 =	simm.s32 @!p0 $0x1000  }
0x4c: {  	(v2sf) =	vpush v6, $0xF;
	s24 =	sadd.s32 s24, s23  }
0x4d: {  	s28 =	simm.s32 $0x0;
	s25 =	simm.s32 $0x0;
	s24 =	sadd.s32 $0x80000000, s24  }
0x4e: {  	[tilespmem:s28+$0x18880] =	vst.msk vm6, v4;
	v6 =	vor.u32 s25, v2;
	p0 =	slt.s32 s24, $0x1000  }
0x4f: {  	s30 =	simm.s32 $0x10;
	[tilespmem:s28+$0x19900] =	vst.msk vm6, v6;
	s31 =	spop (v2sf);
	s24 =	simm.s32 @!p0 $0x1000  }
0x50: {  	v4 =	vor.u32 s30, v2;
	[tilespmem:s21+$0x18880] =	vst.msk vm2, v5;
	s20 =	sadd.s32 s31, s24  }
0x51: {  	s26 =	simm.s32 $0x20;
	[tilespmem:s21+$0x19900] =	vst.msk vm2, v4;
	s20 =	sadd.s32 $0x80000000, s20  }
0x52: {  	v4 =	vor.u32 s26, v2;
	[tilespmem:s22+$0x18880] =	vst.msk vm15, v7;
	p0 =	slt.s32 s20, $0x1000  }
0x53: {  	s28 =	simm.s32 $0x30;
	[tilespmem:s22+$0x19900] =	vst.msk vm15, v4;
	s29 =	spop (v2sf);
	s20 =	simm.s32 @!p0 $0x1000  }
0x54: {  	v4 =	vor.u32 s28, v2;
	[tilespmem:s23+$0x18880] =	vst.msk vm1, v8;
	s30 =	sadd.s32 s29, s20  }
0x55: {  	[tilespmem:s23+$0x19900] =	vst.msk vm1, v4;
	s31 =	simm.s32 $0x40;
	s21 =	sadd.s32 $0x80000000, s30  }
0x56: {  	[tilespmem:s24+$0x18880] =	vst.msk vm3, v10;
	v4 =	vor.u32 s31, v2;
	p0 =	slt.s32 s21, $0x1000  }
0x57: {  	s25 =	simm.s32 $0x50;
	[tilespmem:s24+$0x19900] =	vst.msk vm3, v4;
	s26 =	spop (v2sf);
	s21 =	simm.s32 @!p0 $0x1000  }
0x58: {  	v4 =	vor.u32 s25, v2;
	[tilespmem:s20+$0x18880] =	vst.msk vm4, v11;
	s28 =	sadd.s32 s26, s21  }
0x59: {  	s29 =	simm.s32 $0x60;
	[tilespmem:s20+$0x19900] =	vst.msk vm4, v4;
	s20 =	sadd.s32 $0x80000000, s28  }
0x5a: {  	v4 =	vor.u32 s29, v2;
	[tilespmem:s21+$0x18880] =	vst.msk vm5, v12;
	p0 =	slt.s32 s20, $0x1000  }
0x5b: {  	s19 =	simm.s32 $0x70;
	s30 =	spop (v2sf);
	[tilespmem:s21+$0x19900] =	vst.msk vm5, v4;
	s20 =	simm.s32 @!p0 $0x1000  }
0x5c: {  	v4 =	vor.u32 s19, v2;
	[tilespmem:s20+$0x18880] =	vst.msk vm7, v13;
	s31 =	sadd.s32 s30, s20  }
0x5d: {  	[tilespmem:s20+$0x19900] =	vst.msk vm7, v4;
	s21 =	sadd.s32 $0x80000000, s31;
	s20 =	simm.s32 $0xC0  }
0x5e: {  	s22 =	simm.s32 $0x170;
	s19 =	simm.s32 $0xF0;
	v4 =	vld [tilespmem:s20+$0xFFFFFFC0];
	p1 =	slt.s32 s21, $0x1000  }
.LBB2_5:
0x5f: {  	p0 =	sne.s32 s22, $0x187F0  }
0x60: {  	s21 =	simm.s32 @!p1 $0x1000;
	s23 =	smov.u32 s22;
	s22 =	sadd.s32 $0x80, s22  }
0x61: {  	_ =	sdelay $0x1  }
0x62: {  	v5 =	vld [tilespmem:s20+$0xFFFFFFD0]  }
0x63: {  	vm1 =	vle.f32 v4, v3  }
0x64: {  	v6 =	vmpcnt.ones.xlane vm1;
	_ =	sdelay $0x1  }
0x65: {  	v6 =	vxor.u32 $0x80000000, v6;
	v7 =	vld [tilespmem:s20+$0xFFFFFFE0]  }
0x66: {  	vm0 =	vle.f32 v5, v3;
	(xrf0) =	vmax.scan.msk.u32 $0xffff, v6  }
0x67: {  	v6 =	vmpcnt.ones.xlane vm0;
	_ =	sdelay $0x1  }
0x68: {  	v6 =	vxor.u32 $0x80000000, v6;
	v8 =	vld [tilespmem:s20+$0xFFFFFFF0]  }
0x69: {  	vm2 =	vle.f32 v7, v3;
	(xrf0) =	vmax.scan.msk.u32 $0xffff, v6  }
0x6a: {  	v6 =	vmpcnt.ones.xlane vm2  }
0x6b: {  	v9, _, _ =	vpop (xrf0)  }
0x6c: {  	v6 =	vxor.u32 $0x80000000, v6;
	v10 =	vld [tilespmem:s20+$0x0];
	(v2sf) =	vpush v9, $0xF  }
0x6d: {  	vm3 =	vle.f32 v8, v3;
	(xrf0) =	vmax.scan.msk.u32 $0xffff, v6  }
0x6e: {  	v6 =	vmpcnt.ones.xlane vm3  }
0x6f: {  	v9, _, _ =	vpop (xrf0)  }
0x70: {  	v6 =	vxor.u32 $0x80000000, v6;
	v11 =	vld [tilespmem:s20+$0x10];
	(v2sf) =	vpush v9, $0xF  }
0x71: {  	vm4 =	vle.f32 v10, v3;
	(xrf0) =	vmax.scan.msk.u32 $0xffff, v6  }
0x72: {  	v6 =	vmpcnt.ones.xlane vm4  }
0x73: {  	v9, _, _ =	vpop (xrf0)  }
0x74: {  	v6 =	vxor.u32 $0x80000000, v6;
	v12 =	vld [tilespmem:s20+$0x20];
	(v2sf) =	vpush v9, $0xF  }
0x75: {  	vm5 =	vle.f32 v11, v3;
	(xrf0) =	vmax.scan.msk.u32 $0xffff, v6  }
0x76: {  	v6 =	vmpcnt.ones.xlane vm5  }
0x77: {  	v9, _, _ =	vpop (xrf0)  }
0x78: {  	v6 =	vxor.u32 $0x80000000, v6;
	v13 =	vld [tilespmem:s20+$0x30];
	(v2sf) =	vpush v9, $0xF  }
0x79: {  	vm6 =	vle.f32 v12, v3;
	(xrf0) =	vmax.scan.msk.u32 $0xffff, v6  }
0x7a: {  	v6 =	vmpcnt.ones.xlane vm6  }
0x7b: {  	s24 =	spop (v2sf);
	v9, _, _ =	vpop (xrf0)  }
0x7c: {  	v6 =	vxor.u32 $0x80000000, v6;
	s24 =	sadd.s32 s24, s21;
	(v2sf) =	vpush v9, $0xF  }
0x7d: {  	vm7 =	vle.f32 v13, v3;
	s24 =	sadd.s32 $0x80000000, s24;
	(xrf0) =	vmax.scan.msk.u32 $0xffff, v6  }
0x7e: {  	v6 =	vmpcnt.ones.xlane vm7;
	p1 =	slt.s32 s24, $0x1000  }
0x7f: {  	s24 =	simm.s32 @!p1 $0x1000;
	s25 =	spop (v2sf);
	v9, _, _ =	vpop (xrf0)  }
0x80: {  	v6 =	vxor.u32 $0x80000000, v6;
	s25 =	sadd.s32 s25, s24;
	(v2sf) =	vpush v9, $0xF  }
0x81: {  	s25 =	sadd.s32 $0x80000000, s25;
	(xrf0) =	vmax.scan.msk.u32 $0xffff, v6  }
0x82: {  	p1 =	slt.s32 s25, $0x1000  }
0x83: {  	s25 =	simm.s32 @!p1 $0x1000;
	s26 =	spop (v2sf);
	v6, _, _ =	vpop (xrf0)  }
0x84: {  	s26 =	sadd.s32 s26, s25;
	(v2sf) =	vpush v6, $0xF  }
0x85: {  	s26 =	sadd.s32 $0x80000000, s26  }
0x86: {  	p1 =	slt.s32 s26, $0x1000  }
0x87: {  	s26 =	simm.s32 @!p1 $0x1000;
	s28 =	spop (v2sf);
	v6, _, _ =	vpop (xrf0)  }
0x88: {  	s28 =	sadd.s32 s28, s26;
	(v2sf) =	vpush v6, $0xF  }
0x89: {  	s29 =	sadd.s32 $0xFFFFFF90, s19;
	s28 =	sadd.s32 $0x80000000, s28  }
0x8a: {  	v6 =	vor.u32 s29, v2;
	[tilespmem:s21+$0x18880] =	vst.msk vm1, v4;
	p1 =	slt.s32 s28, $0x1000  }
0x8b: {  	s29 =	sadd.s32 $0xFFFFFFA0, s19;
	[tilespmem:s21+$0x19900] =	vst.msk vm1, v6;
	s28 =	simm.s32 @!p1 $0x1000;
	s21 =	spop (v2sf)  }
0x8c: {  	v4 =	vor.u32 s29, v2;
	[tilespmem:s24+$0x18880] =	vst.msk vm0, v5;
	s21 =	sadd.s32 s21, s28  }
0x8d: {  	s29 =	sadd.s32 $0xFFFFFFB0, s19;
	[tilespmem:s24+$0x19900] =	vst.msk vm0, v4;
	s21 =	sadd.s32 $0x80000000, s21  }
0x8e: {  	v4 =	vor.u32 s29, v2;
	[tilespmem:s25+$0x18880] =	vst.msk vm2, v7;
	p1 =	slt.s32 s21, $0x1000  }
0x8f: {  	s24 =	sadd.s32 $0xFFFFFFC0, s19;
	[tilespmem:s25+$0x19900] =	vst.msk vm2, v4;
	s21 =	simm.s32 @!p1 $0x1000;
	s25 =	spop (v2sf)  }
0x90: {  	v4 =	vor.u32 s24, v2;
	[tilespmem:s26+$0x18880] =	vst.msk vm3, v8;
	s24 =	sadd.s32 s25, s21  }
0x91: {  	s25 =	sadd.s32 $0xFFFFFFD0, s19;
	[tilespmem:s26+$0x19900] =	vst.msk vm3, v4;
	s24 =	sadd.s32 $0x80000000, s24  }
0x92: {  	v4 =	vor.u32 s25, v2;
	[tilespmem:s28+$0x18880] =	vst.msk vm4, v10;
	p1 =	slt.s32 s24, $0x1000  }
0x93: {  	s25 =	sadd.s32 $0xFFFFFFE0, s19;
	[tilespmem:s28+$0x19900] =	vst.msk vm4, v4;
	s24 =	simm.s32 @!p1 $0x1000;
	s26 =	spop (v2sf)  }
0x94: {  	v4 =	vor.u32 s25, v2;
	[tilespmem:s21+$0x18880] =	vst.msk vm5, v11;
	s25 =	sadd.s32 s26, s24  }
0x95: {  	s26 =	sadd.s32 $0xFFFFFFF0, s19;
	[tilespmem:s21+$0x19900] =	vst.msk vm5, v4;
	s21 =	sadd.s32 $0x80000000, s25  }
.Ltmp1:
0x96: {  	v4 =	vor.u32 s26, v2;
	[tilespmem:s24+$0x18880] =	vst.msk vm6, v12;
	p1 =	slt.s32 s21, $0x1000;
	(pc) =	sbr.rel @p0 .LBB2_5-.Ltmp1, $4  }
0x97: {  	[tilespmem:s24+$0x19900] =	vst.msk vm6, v4;
	s21 =	simm.s32 @!p1 $0x1000;
	s24 =	spop (v2sf)  }
0x98: {  	v4 =	vor.u32 s19, v2;
	s19 =	smov.u32 s23;
	[tilespmem:s21+$0x18880] =	vst.msk vm7, v13;
	s24 =	sadd.s32 s24, s21  }
0x99: {  	s20 =	sadd.s32 $0x80, s20;
	[tilespmem:s21+$0x19900] =	vst.msk vm7, v4;
	s21 =	sadd.s32 $0x80000000, s24  }
0x9a: {  	v4 =	vld [tilespmem:s20+$0xFFFFFFC0];
	p1 =	slt.s32 s21, $0x1000  }
0x9b: {  	_ =	sdelay $0x2  }
0x9c: {  	v5 =	vld [tilespmem:s20+$0xFFFFFFD0]  }
0x9d: {  	vm6 =	vle.f32 v4, v3  }
0x9e: {  	v6 =	vmpcnt.ones.xlane vm6;
	_ =	sdelay $0x1  }
0x9f: {  	v7 =	vld [tilespmem:s20+$0xFFFFFFE0];
	v6 =	vxor.u32 $0x80000000, v6  }
0xa0: {  	vm2 =	vle.f32 v5, v3;
	(xrf0) =	vmax.scan.msk.u32 $0xffff, v6  }
0xa1: {  	v53 =	vmpcnt.ones.xlane vm2;
	_ =	sdelay $0x1  }
0xa2: {  	v8 =	vld [tilespmem:s20+$0xFFFFFFF0];
	v6 =	vxor.u32 $0x80000000, v53  }
0xa3: {  	vm0 =	vle.f32 v7, v3;
	(xrf0) =	vmax.scan.msk.u32 $0xffff, v6  }
0xa4: {  	v54 =	vmpcnt.ones.xlane vm0  }
0xa5: {  	v9, _, _ =	vpop (xrf0)  }
0xa6: {  	v10 =	vld [tilespmem:s20+$0x0];
	v6 =	vxor.u32 $0x80000000, v54;
	(v2sf) =	vpush v9, $0xF  }
0xa7: {  	vm1 =	vle.f32 v8, v3;
	(xrf0) =	vmax.scan.msk.u32 $0xffff, v6  }
0xa8: {  	v55 =	vmpcnt.ones.xlane vm1  }
0xa9: {  	v56, _, _ =	vpop (xrf0)  }
0xaa: {  	v11 =	vld [tilespmem:s20+$0x10];
	v6 =	vxor.u32 $0x80000000, v55;
	(v2sf) =	vpush v56, $0xF  }
0xab: {  	vm3 =	vle.f32 v10, v3;
	(xrf0) =	vmax.scan.msk.u32 $0xffff, v6  }
0xac: {  	v57 =	vmpcnt.ones.xlane vm3  }
0xad: {  	v58, _, _ =	vpop (xrf0)  }
0xae: {  	v12 =	vld [tilespmem:s20+$0x20];
	v6 =	vxor.u32 $0x80000000, v57;
	(v2sf) =	vpush v58, $0xF  }
0xaf: {  	vm4 =	vle.f32 v11, v3;
	(xrf0) =	vmax.scan.msk.u32 $0xffff, v6  }
0xb0: {  	v59 =	vmpcnt.ones.xlane vm4  }
0xb1: {  	v60, _, _ =	vpop (xrf0)  }
0xb2: {  	v61 =	vld [tilespmem:s20+$0x30];
	v6 =	vxor.u32 $0x80000000, v59;
	(v2sf) =	vpush v60, $0xF  }
0xb3: {  	vm5 =	vle.f32 v12, v3;
	(xrf0) =	vmax.scan.msk.u32 $0xffff, v6  }
0xb4: {  	v62 =	vmpcnt.ones.xlane vm5  }
0xb5: {  	s21 =	simm.s32 @!p1 $0x1000;
	v13, _, _ =	vpop (xrf0);
	s25 =	spop (v2sf)  }
0xb6: {  	v9 =	vxor.u32 $0x80000000, v62;
	(v2sf) =	vpush v13, $0xF;
	s20 =	sadd.s32 s25, s21  }
0xb7: {  	vm7 =	vle.f32 v61, v3;
	(xrf0) =	vmax.scan.msk.u32 $0xffff, v9;
	s20 =	sadd.s32 $0x80000000, s20  }
0xb8: {  	v63 =	vmpcnt.ones.xlane vm7;
	p0 =	slt.s32 s20, $0x1000  }
0xb9: {  	v3, _, _ =	vpop (xrf0);
	s22 =	spop (v2sf);
	s20 =	simm.s32 @!p0 $0x1000  }
0xba: {  	(v2sf) =	vpush v3, $0xF;
	v3 =	vxor.u32 $0x80000000, v63;
	s22 =	sadd.s32 s22, s20  }
0xbb: {  	s22 =	sadd.s32 $0x80000000, s22  }
0xbc: {  	p0 =	slt.s32 s22, $0x1000  }
0xbd: {  	(xrf0) =	vmax.scan.msk.u32 $0xffff, v3;
	v3, _, _ =	vpop (xrf0);
	s23 =	spop (v2sf);
	s22 =	simm.s32 @!p0 $0x1000  }
0xbe: {  	(v2sf) =	vpush v3, $0xF;
	s23 =	sadd.s32 s23, s22  }
0xbf: {  	s23 =	sadd.s32 $0x80000000, s23  }
0xc0: {  	p0 =	slt.s32 s23, $0x1000  }
0xc1: {  	s24 =	spop (v2sf);
	s23 =	simm.s32 @!p0 $0x1000  }
0xc2: {  	s24 =	sadd.s32 s24, s23  }
0xc3: {  	s25 =	sadd.s32 $0xFFFFFF90, s19;
	v3, _, _ =	vpop (xrf0);
	s24 =	sadd.s32 $0x80000000, s24  }
0xc4: {  	[tilespmem:s21+$0x18880] =	vst.msk vm6, v4;
	(v2sf) =	vpush v3, $0xF;
	v3 =	vor.u32 s25, v2;
	p0 =	slt.s32 s24, $0x1000  }
0xc5: {  	s26 =	sadd.s32 $0xFFFFFFA0, s19;
	[tilespmem:s21+$0x19900] =	vst.msk vm6, v3;
	s28 =	spop (v2sf);
	s24 =	simm.s32 @!p0 $0x1000  }
0xc6: {  	v3 =	vor.u32 s26, v2;
	[tilespmem:s20+$0x18880] =	vst.msk vm2, v5;
	s21 =	sadd.s32 s28, s24  }
0xc7: {  	s29 =	sadd.s32 $0xFFFFFFB0, s19;
	[tilespmem:s20+$0x19900] =	vst.msk vm2, v3;
	s20 =	sadd.s32 $0x80000000, s21  }
0xc8: {  	v3 =	vor.u32 s29, v2;
	[tilespmem:s22+$0x18880] =	vst.msk vm0, v7;
	p0 =	slt.s32 s20, $0x1000  }
0xc9: {  	s30 =	sadd.s32 $0xFFFFFFC0, s19;
	[tilespmem:s22+$0x19900] =	vst.msk vm0, v3;
	s31 =	spop (v2sf);
	s20 =	simm.s32 @!p0 $0x1000  }
0xca: {  	v3 =	vor.u32 s30, v2;
	[tilespmem:s23+$0x18880] =	vst.msk vm1, v8;
	s22 =	sadd.s32 s31, s20  }
0xcb: {  	s25 =	sadd.s32 $0xFFFFFFD0, s19;
	[tilespmem:s23+$0x19900] =	vst.msk vm1, v3;
	s21 =	sadd.s32 $0x80000000, s22  }
0xcc: {  	v3 =	vor.u32 s25, v2;
	[tilespmem:s24+$0x18880] =	vst.msk vm3, v10;
	p0 =	slt.s32 s21, $0x1000  }
0xcd: {  	s26 =	sadd.s32 $0xFFFFFFE0, s19;
	[tilespmem:s24+$0x19900] =	vst.msk vm3, v3;
	s28 =	spop (v2sf);
	s21 =	simm.s32 @!p0 $0x1000  }
0xce: {  	v3 =	vor.u32 s26, v2;
	[tilespmem:s20+$0x18880] =	vst.msk vm4, v11;
	s29 =	sadd.s32 s28, s21  }
0xcf: {  	s30 =	sadd.s32 $0xFFFFFFF0, s19;
	[tilespmem:s20+$0x19900] =	vst.msk vm4, v3;
	s20 =	sadd.s32 $0x80000000, s29  }
0xd0: {  	v3 =	vor.u32 s30, v2;
	[tilespmem:s21+$0x18880] =	vst.msk vm5, v12;
	p0 =	slt.s32 s20, $0x1000  }
0xd1: {  	s18 =	sadd.s32 s8, s18;
	[tilespmem:s21+$0x19900] =	vst.msk vm5, v3;
	s20 =	simm.s32 @!p0 $0x1000  }
0xd2: {  	s18 =	sshrl.u32 s18, $0x3;
	v3 =	vor.u32 s19, v2;
	[tilespmem:s20+$0x18880] =	vst.msk vm7, v61  }
0xd3: {  	s31 =	spop (v2sf);
	s19 =	sadd.s32 s4, s18;
	[tilespmem:s20+$0x19900] =	vst.msk vm7, v3  }
0xd4: {  	[hbm4b:s19+s12] =	stream.strided.scatter [tilespmem:s14], [sflag:$0x1], $0x1000, s13, s12, $0x38;
	[tilespmem:$0x1A980] =	vst v63  }
0xd5: {  	s17 =	sadd.s32 $0x1, s17;
	_ =	swait.ge [sflag:s11], $0x1000  }
0xd6: {  	p0 =	sne.s32 s17, $0x8;
	[sflag:s11] =	ssyncset.done $0x0  }
.Ltmp2:
0xd7: {  	s18 =	sadd.s32 s5, s18;
	[sflag:s11] =	ssyncadd.s32 $0xFFFFF000;
	(pc) =	sbr.rel @p0 .LBB2_2-.Ltmp2, $4  }
0xd8: {  	[hbm4b:s18+s12] =	stream.strided.scatter [tilespmem:s15], [sflag:$0x1], $0x1000, s13, s12, $0x38;
	[tilespmem:$0x1A980] =	vst v63  }
0xd9: {  	_ =	swait.ge [sflag:s11], $0x1000  }
0xda: {  	[sflag:s11] =	ssyncset.done $0x0  }
0xdb: {  	[sflag:s11] =	ssyncadd.s32 $0xFFFFF000  }
0xdc: {  	s16 =	sadd.s32 $0x1, s16  }
0xdd: {  	p0 =	sne.s32 s16, s9  }
.Ltmp3:
0xde: {  	_ = 	snop;
	(pc) =	sbr.rel @p0 .LBB2_1-.Ltmp3, $1  }
0xdf: {  	_ =	sdelay $0x3  }
0xe0: {  	_ =	sfence.sel $0x180000  }
0xe1: {  	[bflag:$0x0] =	sbarrier.arrive $0xFFFF  }
0xe2: {  	p0 =	sne.s32 s1, $0x0;
	_ =	strace $0x9000004A  }
0xe3: {  	s0 =	sadd.s32 @!p0 $0x100000, s0;
	[bflag:$0x2] =	sbarrier.arrive $0xFFFF  }
0xe4: {  	[sflag:s0] =	ssyncadd.tile.s32 @!p0 $0x1;
	_ =	shalt  }
.Lfunc_end2:
_tile_overlayer_lowered:
.L_overlay_start_2:
0xe5: {  	(tag) =	ssettag $0x2  }
0xe6: {  	s0 =	rddreg [dreg:$0x0];
	s2 =	stileid.u32  }
0xe7: {  	s1 =	rddreg [dreg:$0x1];
	p0 =	sne.s32 s2, $0x0  }
0xe8: {  	s3 =	rddreg [dreg:$0x2];
	[bflag:$0x3] =	sbarrier.arrive $0xFFFF;
	s2 =	simm.s32 @!p0 $0x1C01  }
0xe9: {  	[timem:s3], [sflag:s2] =	dma.local @!p0 [hbm:s0], s1  }
0xea: {  	s0 =	simm.s32 @!p0 $0x1  }
0xeb: {  	_ =	swait.ge @!p0 [sflag:s0], s1  }
0xec: {  	s1 =	ssub.s32 @!p0 $0x0, s1;
	[sflag:s0] =	ssyncset.done @!p0 $0x0  }
0xed: {  	[sflag:s0] =	ssyncadd.s32 @!p0 s1  }
0xee: {  	[bflag:$0x3] =	sbarrier.arrive $0xFFFF  }
0xef: {  	_ =	shalt  }

// kernel: kernel.23.cloned.1.call-start
scs
__scs_entry_jumppad:
0x0: {  	(pc) =	sbr.rel $0x88, $3  }
0x1: {  	(tag) =	ssettag $0x0;
	lr =	simm.s32 $0x1  }
0x2: {  	[smem:$0x3F9F] =	sst lr;
	_ =	strace $0xD0000000  }
0x3: {  	_ = 	snop  }
0x4: {  	_ = 	snop  }
0x5: {  	_ = 	snop  }
0x6: {  	_ = 	snop  }
0x7: {  	_ = 	snop  }
__scs_overlays_trampoline_lowered:
0x8: {  	[smem:$0x3FAE] =	sst s0  }
0x9: {  	[smem:$0x3FAF] =	sst s1  }
0xa: {  	[smem:$0x3FB0] =	sst s2  }
0xb: {  	[smem:$0x3FB1] =	sst s3  }
0xc: {  	[smem:$0x3FB2] =	sst s4  }
0xd: {  	[smem:$0x3FB3] =	sst s5  }
0xe: {  	[smem:$0x3FB4] =	sst s6  }
0xf: {  	[smem:$0x3FB5] =	sst s7  }
0x10: {  	[smem:$0x3FB6] =	sst s8  }
0x11: {  	[smem:$0x3FB7] =	sst s9;
	s0 =	simm.s32 @!p0 $0x0  }
0x12: {  	s1 =	sld [smem:$0x3F9D];
	s0 =	simm.s32 @p0 $0x1  }
0x13: {  	[smem:$0x3FB8] =	sst s0;
	s0 =	simm.s32 @!p1 $0x0  }
0x14: {  	s2 =	sld [smem:$0x3F9C];
	s0 =	simm.s32 @p1 $0x1  }
0x15: {  	[smem:$0x3FB9] =	sst s0;
	s0 =	simm.s32 @!p2 $0x0  }
0x16: {  	s3 =	sld [smem:$0x3FDB];
	s0 =	simm.s32 @p2 $0x1  }
0x17: {  	s4 =	simm.s32 $0x1BF5;
	[smem:$0x3FBB] =	sst s0  }
0x18: {  	s0 =	sld [smem:$0x3F9E];
	_ =	swait.ge [sflag:s4], $0x0  }
0x19: {  	s7 =	sld [smem:$0x3F9F]  }
0x1a: {  	s8 =	sadd.s32 $0xFFFFE003, lr  }
0x1b: {  	s9 =	sadd.s32 $0xFFFFFEF7, lr;
	s5 =	simm.s32 $0xFFFFFFFF;
	p2 =	slt.u32 s8, $0xFFFFF086  }
0x1c: {  	p1 =	slt.u32 s9, $0xF7A;
	s5 =	simm.s32 @!p2 $0x0  }
0x1d: {  	s5 =	simm.s32 @p1 $0x1;
	p0 =	seq.s32 s7, s2  }
0x1e: {  	s7 =	smul.u32 @!p0 $0xF7A, s2;
	p2 =	seq.s32 @!p0 s5, $0x0  }
0x1f: {  	s9 =	smul.u32 $0xF7A, s1;
	s8 =	simm.s32 @!p0 $0x1BF5;
	p2 =	por !p2, p0  }
0x20: {  	[sflag:s8] =	ssyncset.s32 @!p0 $0xFFFFF086;
	s6 =	sadd.s32 @!p0 s3, s7;
	s7 =	simm.s32 @!p0 $0x108  }
0x21: {  	s3 =	sadd.s32 s3, s9;
	s6 =	sadd.s32 @!p0 $0x88, s6;
	s7 =	simm.s32 @p2 $0x1082  }
0x22: {  	[simem:s7], [sflag:s8] =	dma.local @!p0 [hbm:s6], $0xF7A  }
0x23: {  	s9 =	sor.u32 $0xD0000000, s2;
	s6 =	simm.s32 $0x108;
	_ =	swait.ge @!p0 [sflag:s8], $0x0  }
0x24: {  	s3 =	sadd.s32 $0x88, s3;
	s6 =	simm.s32 @!p1 $0x1082;
	[sflag:s4] =	ssyncset.s32 $0xFFFFF086  }
0x25: {  	[simem:s6], [sflag:s4] =	dma.local [hbm:s3], $0xF7A  }
0x26: {  	[smem:$0x3F9F] =	sst s1;
	(tag) =	ssettag s2;
	_ =	strace s9  }
0x27: {  	s1 =	sld [smem:$0x3FAF]  }
0x28: {  	s2 =	sld [smem:$0x3FB0]  }
0x29: {  	s4 =	sld [smem:$0x3FB2]  }
0x2a: {  	p0 =	seq.s32 s5, $0x0;
	s5 =	sld [smem:$0x3FB3]  }
0x2b: {  	s6 =	sld [smem:$0x3FB4]  }
0x2c: {  	s7 =	sld [smem:$0x3FB5]  }
0x2d: {  	s3 =	simm.s32 $0x108;
	s8 =	sld [smem:$0x3FB6]  }
0x2e: {  	s3 =	simm.s32 @!p0 $0x1082;
	s9 =	sld [smem:$0x3FB7]  }
0x2f: {  	lr =	sadd.s32 s0, s3;
	s0 =	sld [smem:$0x3FAE]  }
0x30: {  	s3 =	sld [smem:$0x3FB1]  }
0x31: {  	[smem:$0x3FBA] =	sst s10  }
0x32: {  	s10 =	sld [smem:$0x3FB8];
	_ =	sdelay $0x3  }
0x33: {  	p0 =	seq.s32 s10, $0x1;
	s10 =	sld [smem:$0x3FBA];
	_ =	sdelay $0x3  }
0x34: {  	[smem:$0x3FBA] =	sst s10  }
0x35: {  	s10 =	sld [smem:$0x3FB9];
	_ =	sdelay $0x3  }
0x36: {  	p1 =	seq.s32 s10, $0x1;
	s10 =	sld [smem:$0x3FBA];
	_ =	sdelay $0x3  }
0x37: {  	[smem:$0x3FBA] =	sst s10  }
0x38: {  	s10 =	sld [smem:$0x3FBB]  }
0x39: {  	_ = 	snop;
	(pc) =	sbr.ind lr, $3  }
0x3a: {  	_ = 	snop  }
0x3b: {  	_ = 	snop  }
0x3c: {  	p2 =	seq.s32 s10, $0x1;
	s10 =	sld [smem:$0x3FBA]  }
0x3d: {  	_ =	shalt  }
0x3e: {  	_ =	shalt  }
0x3f: {  	_ =	shalt  }
0x40: {  	_ =	shalt  }
0x41: {  	_ =	shalt  }
0x42: {  	_ =	shalt  }
0x43: {  	_ =	shalt  }
0x44: {  	_ =	shalt  }
0x45: {  	_ =	shalt  }
0x46: {  	_ =	shalt  }
0x47: {  	_ =	shalt  }
0x48: {  	_ =	shalt  }
0x49: {  	_ =	shalt  }
0x4a: {  	_ =	shalt  }
0x4b: {  	_ =	shalt  }
0x4c: {  	_ =	shalt  }
0x4d: {  	_ =	shalt  }
0x4e: {  	_ =	shalt  }
0x4f: {  	_ =	shalt  }
0x50: {  	_ =	shalt  }
0x51: {  	_ =	shalt  }
0x52: {  	_ =	shalt  }
0x53: {  	_ =	shalt  }
0x54: {  	_ =	shalt  }
0x55: {  	_ =	shalt  }
0x56: {  	_ =	shalt  }
0x57: {  	_ =	shalt  }
0x58: {  	_ =	shalt  }
0x59: {  	_ =	shalt  }
0x5a: {  	_ =	shalt  }
0x5b: {  	_ =	shalt  }
0x5c: {  	_ =	shalt  }
0x5d: {  	_ =	shalt  }
0x5e: {  	_ =	shalt  }
0x5f: {  	_ =	shalt  }
0x60: {  	_ =	shalt  }
0x61: {  	_ =	shalt  }
0x62: {  	_ =	shalt  }
0x63: {  	_ =	shalt  }
0x64: {  	_ =	shalt  }
0x65: {  	_ =	shalt  }
0x66: {  	_ =	shalt  }
0x67: {  	_ =	shalt  }
0x68: {  	_ =	shalt  }
0x69: {  	_ =	shalt  }
0x6a: {  	_ =	shalt  }
0x6b: {  	_ =	shalt  }
0x6c: {  	_ =	shalt  }
0x6d: {  	_ =	shalt  }
0x6e: {  	_ =	shalt  }
0x6f: {  	_ =	shalt  }
0x70: {  	_ =	shalt  }
0x71: {  	_ =	shalt  }
0x72: {  	_ =	shalt  }
0x73: {  	_ =	shalt  }
0x74: {  	_ =	shalt  }
0x75: {  	_ =	shalt  }
0x76: {  	_ =	shalt  }
0x77: {  	_ =	shalt  }
0x78: {  	_ =	shalt  }
0x79: {  	_ =	shalt  }
0x7a: {  	_ =	shalt  }
0x7b: {  	_ =	shalt  }
0x7c: {  	_ =	shalt  }
0x7d: {  	_ =	shalt  }
0x7e: {  	_ =	shalt  }
0x7f: {  	_ =	shalt  }
0x80: {  	_ =	shalt  }
0x81: {  	_ =	shalt  }
0x82: {  	_ =	shalt  }
0x83: {  	_ =	shalt  }
0x84: {  	_ =	shalt  }
0x85: {  	_ =	shalt  }
0x86: {  	_ =	shalt  }
0x87: {  	_ =	shalt  }
.Lfunc_end0:
.L_simem_size_0:
called_computation.3_lowered:
.L_overlay_start_0:
0x88: {  	s2 =	sld [smem:$0x3FD9]  }
0x89: {  	s3 =	sld [smem:$0x3FFE];
	_ =	sdelay $0x1  }
0x8a: {  	s1 =	srdreg.scid  }
0x8b: {  	s0 =	sand.u32 $0x1, s1  }
0x8c: {  	s15 =	sshll.u32 s0, $0xA;
	s2 =	sadd.s32 s3, s2  }
0x8d: {  	s2 =	sadd.s32 s2, s15  }
0x8e: {  	[smem:$0x3FC6] =	sst s2  }
0x8f: {  	_ = 	snop  }
0x90: {  	s2 =	sld [smem:$0x3FD0];
	_ =	sdelay $0x2  }
0x91: {  	s16 =	simm.s32 $0xD;
	s4 =	simm.s32 $0x10  }
0x92: {  	[smem:s4], [sflag:s16] =	dma.local [hbm:s2], $0x1  }
0x93: {  	_ =	swait.eq [sflag:s16], $0x1  }
0x94: {  	[sflag:s16] =	ssyncset.done $0x0  }
0x95: {  	[sflag:s16] =	ssyncadd.s32 $0xFFFFFFFF  }
0x96: {  	s17 =	sld [smem:$0x11];
	(tm) =	ssettm $0x1  }
0x97: {  	s18 =	sld [smem:$0x3FFB];
	_ =	sdelay $0x3  }
0x98: {  	_ =	strace s18  }
0x99: {  	s2 =	sld [smem:$0x3FFC];
	_ =	sdelay $0x3  }
0x9a: {  	_ =	strace s2  }
0x9b: {  	s2 =	sld [smem:$0x3FFD];
	_ =	sdelay $0x3  }
0x9c: {  	_ =	strace s2  }
0x9d: {  	_ =	strace $0x8FFFFFFF  }
0x9e: {  	s19 =	sld [smem:$0x3FDB];
	_ =	sdelay $0x1  }
0x9f: {  	s20 =	simm.s32 $_scs_section_size  }
0xa0: {  	s5 =	simm.s32 $_size__tile_overlayer_lowered;
	s6 =	simm.s32 $_tile_overlayer_lowered  }
0xa1: {  	s7 =	simm.s32 $0x1BFF;
	s21 =	sshll.u32 s6, $0x1;
	s4 =	sadd.s32 s20, s19  }
0xa2: {  	s22 =	simm.s32 $0x0;
	s5 =	sshll.u32 s5, $0x1;
	s6 =	sadd.s32 s21, s4  }
0xa3: {  	[timem:s22], [sflag:s7] =	dma.local [hbm:s6], s5  }
0xa4: {  	_ =	swait.ge [sflag:s7], s5  }
0xa5: {  	s5 =	ssub.s32 $0x0, s5;
	[sflag:s7] =	ssyncset.done $0x0  }
0xa6: {  	[sflag:s7] =	ssyncadd.s32 s5;
	_ =	sdelay $0x1  }
0xa7: {  	s23 =	simm.s32 $0x1B8B  }
0xa8: {  	_ =	swait.ge [sflag:s23], $0x1  }
0xa9: {  	[sflag:s23] =	ssyncset.done $0x0  }
0xaa: {  	[sflag:s23] =	ssyncadd.s32 $0xFFFFFFFF  }
0xab: {  	s5 =	sld [smem:$0x0]  }
0xac: {  	s6 =	sand.u32 $0xFFFFFFFE, s1  }
0xad: {  	p0 =	sne.s32 s1, s6  }
0xae: {  	s6 =	sshll.u32 @p0 s6, $0xE  }
0xaf: {  	s6 =	sadd.s32 @p0 $0x11B8D, s6;
	s7 =	sshll.u32 @p0 s5, $0x11  }
0xb0: {  	s6 =	sor.u32 @p0 s7, s6  }
0xb1: {  	[sflag:s6] =	ssyncadd.remote.s32 @p0 $0x1;
	_ =	sdelay $0x1  }
0xb2: {  	s6 =	simm.s32 @p0 $0x1B8D  }
0xb3: {  	_ =	swait.eq @p0 [sflag:s6], $0x1  }
0xb4: {  	[sflag:s6] =	ssyncadd.s32 @p0 $0xFFFFFFFF  }
0xb5: {  	s7 =	sshll.u32 @!p0 s1, $0xE  }
0xb6: {  	s7 =	sor.u32 @!p0 $0x4000, s7;
	s6 =	simm.s32 @!p0 $0x1B8D  }
0xb7: {  	s5 =	sshll.u32 @!p0 s5, $0x11;
	s7 =	sadd.s32 @!p0 $0x11B8D, s7;
	_ =	swait.eq @!p0 [sflag:s6], $0x1  }
0xb8: {  	s5 =	sor.u32 @!p0 s5, s7;
	[sflag:s6] =	ssyncadd.s32 @!p0 $0xFFFFFFFF  }
0xb9: {  	s25 =	simm.s32 $0x1B8E;
	s24 =	sld [smem:$0x3FFE];
	[sflag:s5] =	ssyncadd.remote.s32 @!p0 $0x1  }
0xba: {  	s26 =	simm.s32 $execute0_lowered;
	[smem:$0x3FD2] =	sst s25  }
0xbb: {  	s6 =	sshll.u32 s26, $0x1;
	_ =	strace $0x8000004C;
	[dreg:$0x1] =	wrdreg $0xFFFFFFFF  }
0xbc: {  	s28 =	simm.s32 $_size_execute0_lowered;
	s4 =	sadd.s32 s4, s6;
	[dreg:$0x0] =	wrdreg $0x0  }
0xbd: {  	s6 =	sshll.u32 s28, $0x1;
	[dreg:$0x2] =	wrdreg s4  }
0xbe: {  	[dreg:$0x3] =	wrdreg s6  }
0xbf: {  	[dreg:$0x4] =	wrdreg $0xC0  }
0xc0: {  	_ =	task [dreg:s22], $0x5FFFF  }
0xc1: {  	[dreg:$0x1] =	wrdreg $0xFFFFFFFF  }
0xc2: {  	[dreg:$0x0] =	wrdreg $0x60  }
0xc3: {  	[dreg:$0x2] =	wrdreg s24  }
0xc4: {  	[dreg:$0x3] =	wrdreg s17  }
0xc5: {  	[dreg:$0x4] =	wrdreg $0xC  }
0xc6: {  	_ =	task.clear_ibuf [dreg:s22], $0x5FFFF;
	_ =	strace $0x9000004C  }
0xc7: {  	s29 =	simm.s32 $0xC;
	_ =	strace $0x8000004E  }
0xc8: {  	_ =	swait.ge [sflag:s29], $0x1  }
0xc9: {  	[sflag:s29] =	ssyncadd.s32 $0xFFFFFFFF  }
0xca: {  	_ =	strace $0x9000004E  }
0xcb: {  	_ =	sfence  }
0xcc: {  	s30 =	sld [smem:$0x0];
	_ =	sdelay $0x2  }
0xcd: {  	s31 =	sshll.u32 s1, $0xD;
	s1 =	sshrl.u32 s1, $0x2  }
0xce: {  	s4 =	sand.u32 $0x4000, s31;
	s1 =	sadd.s32 s1, s30  }
0xcf: {  	s0 =	sor.u32 s4, s0;
	s1 =	sshll.u32 s1, $0x11  }
0xd0: {  	s0 =	sor.u32 s1, s0  }
0xd1: {  	s0 =	sadd.s32 $0x8F2B, s0  }
0xd2: {  	[sflag:s0] =	ssyncadd.remote.s32 $0x1  }
0xd3: {  	_ =	sfence.sel $0xFFFF  }
0xd4: {  	[dreg:$0x0] =	wrdreg $0xFFFFFFFF;
	(pc) =	sbr.abs _section_cstart, $3  }
0xd5: {  	[dreg:$0x1] =	wrdreg $0xFFFFFFFF  }
0xd6: {  	_ =	task.clear_ibuf [dreg:s22], $0x2FFFF;
	_ =	strace $0x9FFFFFFF  }
0xd7: {  	(tm) =	ssettm $0x7FFFFFFF  }
tec
execute0_lowered:
.L_overlay_start_1:
0x0: {  	(tag) =	ssettag $0x1  }
0x1: {  	s5 =	rddreg [dreg:$0x0]  }
0x2: {  	s6 =	rddreg [dreg:$0x1]  }
0x3: {  	s0 =	rddreg [dreg:$0x2]  }
0x4: {  	s2 =	simm.s32 $0x0;
	s3 =	srdreg.scid;
	s1 =	stileid.u32  }
0x5: {  	s11 =	simm.s32 $0x1;
	s12 =	simm.s32 $0x80;
	s13 =	simm.s32 $0x400  }
0x6: {  	s14 =	simm.s32 $0x18880;
	s15 =	simm.s32 $0x19900;
	s16 =	simm.s32 $0x0  }
0x7: {  	[smem:$0x7FF] =	sst s2;
	s7 =	sand.u32 $0x1, s3;
	s3 =	sadd.s32 $0x82B200, s5  }
0x8: {  	s8 =	sshll.u32 s1, $0x4;
	s4 =	sadd.s32 $0xB3B200, s5;
	s9 =	sshll.u32 s7, $0x3  }
0x9: {  	s5 =	sadd.s32 $0xB5B200, s5;
	s7 =	ssub.s32 $0x2, s7;
	s8 =	sor.u32 s9, s8  }
0xa: {  	_ =	strace $0x8000004D;
	s31 =	sshrl.u32 s7, $0x1;
	s10 =	sshrl.u32 s8, $0x3  }
0xb: {  	s9 =	ssub.s32 s7, s31;
	s8 =	sshll.u32 s8, $0xC;
	s6 =	sadd.s32 s6, s10  }
0xc: {  	v0 =	vimm.f32 $+Inf;
	v1 =	vimm.s32 $0x40000000;
	v2 =	vlaneseq.u32;
	s7 =	smul.u32 $0xC4000, s10;
	s9 =	smax.u32 s9, $0x1;
	s10 =	simm.s32 $0x18800  }
.LBB2_1:
0xd: {  	[tilespmem:s10], [sflag:$0x1] =	stream.linear.gather [hbm4b:s6+s2], $0x8, $0x38;
	[tilespmem:$0x1A980] =	vst v63  }
0xe: {  	_ =	swait.ge [sflag:s11], $0x8  }
0xf: {  	[sflag:s11] =	ssyncset.done $0x0  }
0x10: {  	s17 =	simm.s32 $0x0;
	[sflag:s11] =	ssyncadd.s32 $0xFFFFFFF8  }
.LBB2_2:
0x11: {  	s18 =	sshll.u32 s17, $0x7  }
0x12: {  	s19 =	sadd.s32 s7, s18  }
0x13: {  	s19 =	sshrl.u32 s19, $0x3  }
0x14: {  	s20 =	simm.s32 $0x0;
	s19 =	sadd.s32 s3, s19  }
0x15: {  	[tilespmem:s20], [sflag:$0x1] =	stream.strided.gather [hbm4b:s19+s12], $0x18800, s13, s12, $0x38;
	[tilespmem:$0x1A980] =	vst v63  }
0x16: {  	_ =	swait.ge [sflag:s11], $0x18800  }
0x17: {  	[sflag:s11] =	ssyncset.done $0x0  }
0x18: {  	[sflag:s11] =	ssyncadd.s32 $0xFFFE7800  }
0x19: {  	s19 =	simm.s32 $0x40;
	s20 =	simm.s32 $0x0;
	v3 =	vld [tilespmem:$0x18800]  }
.LBB2_3:
0x1a: {  	p0 =	seq.s32 s19, $0x4000;
	[tilespmem:s20+$0x18880] =	vst v0;
	s21 =	smov.u32 s19;
	s19 =	sadd.s32 $0x40, s19  }
.Ltmp0:
0x1b: {  	[tilespmem:s20+$0x19900] =	vst v1;
	(pc) =	sbr.rel @!p0 .LBB2_3-.Ltmp0, $2  }
0x1c: {  	_ =	sdelay $0x2  }
0x1d: {  	s20 =	sshra.s32 s21, $0x2  }
0x1e: {  	v4 =	vmov s17  }
0x1f: {  	vm0 =	veq.s32 v4, v2  }
0x20: {  	v3 =	vnsel vm0, $0xFF800000, v3  }
0x21: {  	(xrf0) =	vmax.scan.msk.f32 $0xffff, v3;
	_ =	sdelay $0x1  }
0x22: {  	[tilespmem:s20+$0x18880] =	vst v0  }
0x23: {  	[tilespmem:s20+$0x19900] =	vst v1;
	s21 =	simm.s32 $0x40  }
0x24: {  	v4 =	vld [tilespmem:s21+$0xFFFFFFC0];
	_ =	sdelay $0x1  }
0x25: {  	v3, _, _ =	vpop (xrf0)  }
0x26: {  	v3 =	vbroadcast v3, $0xF  }
0x27: {  	v5 =	vld [tilespmem:s21+$0xFFFFFFD0]  }
0x28: {  	vm6 =	vle.f32 v4, v3  }
0x29: {  	v6 =	vmpcnt.ones.xlane vm6;
	_ =	sdelay $0x1  }
0x2a: {  	v7 =	vld [tilespmem:s21+$0xFFFFFFE0];
	v6 =	vxor.u32 $0x80000000, v6  }
0x2b: {  	vm2 =	vle.f32 v5, v3;
	(xrf0) =	vmax.scan.msk.u32 $0xffff, v6  }
0x2c: {  	v6 =	vmpcnt.ones.xlane vm2;
	_ =	sdelay $0x1  }
0x2d: {  	v8 =	vld [tilespmem:s21+$0xFFFFFFF0];
	v6 =	vxor.u32 $0x80000000, v6  }
0x2e: {  	vm15 =	vle.f32 v7, v3;
	(xrf0) =	vmax.scan.msk.u32 $0xffff, v6  }
0x2f: {  	v6 =	vmpcnt.ones.xlane vm15  }
0x30: {  	v9, _, _ =	vpop (xrf0)  }
0x31: {  	v10 =	vld [tilespmem:s21+$0x0];
	v6 =	vxor.u32 $0x80000000, v6;
	(v2sf) =	vpush v9, $0xF  }
0x32: {  	vm1 =	vle.f32 v8, v3;
	(xrf0) =	vmax.scan.msk.u32 $0xffff, v6  }
0x33: {  	v6 =	vmpcnt.ones.xlane vm1  }
0x34: {  	v59, _, _ =	vpop (xrf0)  }
0x35: {  	v11 =	vld [tilespmem:s21+$0x10];
	v6 =	vxor.u32 $0x80000000, v6;
	(v2sf) =	vpush v59, $0xF  }
0x36: {  	vm3 =	vle.f32 v10, v3;
	(xrf0) =	vmax.scan.msk.u32 $0xffff, v6  }
0x37: {  	v6 =	vmpcnt.ones.xlane vm3  }
0x38: {  	v60, _, _ =	vpop (xrf0)  }
0x39: {  	v12 =	vld [tilespmem:s21+$0x20];
	v6 =	vxor.u32 $0x80000000, v6;
	(v2sf) =	vpush v60, $0xF  }
0x3a: {  	vm4 =	vle.f32 v11, v3;
	(xrf0) =	vmax.scan.msk.u32 $0xffff, v6  }
0x3b: {  	v6 =	vmpcnt.ones.xlane vm4  }
0x3c: {  	v61, _, _ =	vpop (xrf0)  }
0x3d: {  	v13 =	vld [tilespmem:s21+$0x30];
	v6 =	vxor.u32 $0x80000000, v6;
	(v2sf) =	vpush v61, $0xF  }
0x3e: {  	vm5 =	vle.f32 v12, v3;
	(xrf0) =	vmax.scan.msk.u32 $0xffff, v6  }
0x3f: {  	v6 =	vmpcnt.ones.xlane vm5  }
0x40: {  	v62, _, _ =	vpop (xrf0);
	s29 =	spop (v2sf)  }
0x41: {  	v6 =	vxor.u32 $0x80000000, v6;
	(v2sf) =	vpush v62, $0xF;
	s21 =	sadd.s32 $0x0, s29  }
0x42: {  	vm7 =	vle.f32 v13, v3;
	(xrf0) =	vmax.scan.msk.u32 $0xffff, v6;
	s21 =	sadd.s32 $0x80000000, s21  }
0x43: {  	v6 =	vmpcnt.ones.xlane vm7;
	p0 =	slt.s32 s21, $0x1000  }
0x44: {  	v63, _, _ =	vpop (xrf0);
	s22 =	spop (v2sf);
	s21 =	simm.s32 @!p0 $0x1000  }
0x45: {  	v6 =	vxor.u32 $0x80000000, v6;
	(v2sf) =	vpush v63, $0xF;
	s22 =	sadd.s32 s22, s21  }
0x46: {  	(xrf0) =	vmax.scan.msk.u32 $0xffff, v6;
	s22 =	sadd.s32 $0x80000000, s22  }
0x47: {  	p0 =	slt.s32 s22, $0x1000  }
0x48: {  	v6, _, _ =	vpop (xrf0);
	s23 =	spop (v2sf);
	s22 =	simm.s32 @!p0 $0x1000  }
0x49: {  	(v2sf) =	vpush v6, $0xF;
	s23 =	sadd.s32 s23, s22  }
0x4a: {  	s23 =	sadd.s32 $0x80000000, s23  }
0x4b: {  	p0 =	slt.s32 s23, $0x1000  }
0x4c: {  	v6, _, _ =	vpop (xrf0);
	s24 =	spop (v2sf);
	s23 =	simm.s32 @!p0 $0x1000  }
0x4d: {  	(v2sf) =	vpush v6, $0xF;
	s24 =	sadd.s32 s24, s23  }
0x4e: {  	s28 =	simm.s32 $0x0;
	s25 =	simm.s32 $0x0;
	s24 =	sadd.s32 $0x80000000, s24  }
0x4f: {  	[tilespmem:s28+$0x18880] =	vst.msk vm6, v4;
	v6 =	vor.u32 s25, v2;
	p0 =	slt.s32 s24, $0x1000  }
0x50: {  	s30 =	simm.s32 $0x10;
	[tilespmem:s28+$0x19900] =	vst.msk vm6, v6;
	s31 =	spop (v2sf);
	s24 =	simm.s32 @!p0 $0x1000  }
0x51: {  	v4 =	vor.u32 s30, v2;
	[tilespmem:s21+$0x18880] =	vst.msk vm2, v5;
	s20 =	sadd.s32 s31, s24  }
0x52: {  	s26 =	simm.s32 $0x20;
	[tilespmem:s21+$0x19900] =	vst.msk vm2, v4;
	s20 =	sadd.s32 $0x80000000, s20  }
0x53: {  	v4 =	vor.u32 s26, v2;
	[tilespmem:s22+$0x18880] =	vst.msk vm15, v7;
	p0 =	slt.s32 s20, $0x1000  }
0x54: {  	s28 =	simm.s32 $0x30;
	[tilespmem:s22+$0x19900] =	vst.msk vm15, v4;
	s29 =	spop (v2sf);
	s20 =	simm.s32 @!p0 $0x1000  }
0x55: {  	v4 =	vor.u32 s28, v2;
	[tilespmem:s23+$0x18880] =	vst.msk vm1, v8;
	s30 =	sadd.s32 s29, s20  }
0x56: {  	[tilespmem:s23+$0x19900] =	vst.msk vm1, v4;
	s31 =	simm.s32 $0x40;
	s21 =	sadd.s32 $0x80000000, s30  }
0x57: {  	[tilespmem:s24+$0x18880] =	vst.msk vm3, v10;
	v4 =	vor.u32 s31, v2;
	p0 =	slt.s32 s21, $0x1000  }
0x58: {  	s25 =	simm.s32 $0x50;
	[tilespmem:s24+$0x19900] =	vst.msk vm3, v4;
	s26 =	spop (v2sf);
	s21 =	simm.s32 @!p0 $0x1000  }
0x59: {  	v4 =	vor.u32 s25, v2;
	[tilespmem:s20+$0x18880] =	vst.msk vm4, v11;
	s28 =	sadd.s32 s26, s21  }
0x5a: {  	s29 =	simm.s32 $0x60;
	[tilespmem:s20+$0x19900] =	vst.msk vm4, v4;
	s20 =	sadd.s32 $0x80000000, s28  }
0x5b: {  	v4 =	vor.u32 s29, v2;
	[tilespmem:s21+$0x18880] =	vst.msk vm5, v12;
	p0 =	slt.s32 s20, $0x1000  }
0x5c: {  	s19 =	simm.s32 $0x70;
	s30 =	spop (v2sf);
	[tilespmem:s21+$0x19900] =	vst.msk vm5, v4;
	s20 =	simm.s32 @!p0 $0x1000  }
0x5d: {  	v4 =	vor.u32 s19, v2;
	[tilespmem:s20+$0x18880] =	vst.msk vm7, v13;
	s31 =	sadd.s32 s30, s20  }
0x5e: {  	[tilespmem:s20+$0x19900] =	vst.msk vm7, v4;
	s21 =	sadd.s32 $0x80000000, s31;
	s20 =	simm.s32 $0xC0  }
0x5f: {  	s22 =	simm.s32 $0x170;
	s19 =	simm.s32 $0xF0;
	v4 =	vld [tilespmem:s20+$0xFFFFFFC0];
	p1 =	slt.s32 s21, $0x1000  }
.LBB2_5:
0x60: {  	p0 =	sne.s32 s22, $0x187F0  }
0x61: {  	s21 =	simm.s32 @!p1 $0x1000;
	s23 =	smov.u32 s22;
	s22 =	sadd.s32 $0x80, s22  }
0x62: {  	_ =	sdelay $0x1  }
0x63: {  	v5 =	vld [tilespmem:s20+$0xFFFFFFD0]  }
0x64: {  	vm1 =	vle.f32 v4, v3  }
0x65: {  	v6 =	vmpcnt.ones.xlane vm1;
	_ =	sdelay $0x1  }
0x66: {  	v6 =	vxor.u32 $0x80000000, v6;
	v7 =	vld [tilespmem:s20+$0xFFFFFFE0]  }
0x67: {  	vm0 =	vle.f32 v5, v3;
	(xrf0) =	vmax.scan.msk.u32 $0xffff, v6  }
0x68: {  	v6 =	vmpcnt.ones.xlane vm0;
	_ =	sdelay $0x1  }
0x69: {  	v6 =	vxor.u32 $0x80000000, v6;
	v8 =	vld [tilespmem:s20+$0xFFFFFFF0]  }
0x6a: {  	vm2 =	vle.f32 v7, v3;
	(xrf0) =	vmax.scan.msk.u32 $0xffff, v6  }
0x6b: {  	v6 =	vmpcnt.ones.xlane vm2  }
0x6c: {  	v9, _, _ =	vpop (xrf0)  }
0x6d: {  	v6 =	vxor.u32 $0x80000000, v6;
	v10 =	vld [tilespmem:s20+$0x0];
	(v2sf) =	vpush v9, $0xF  }
0x6e: {  	vm3 =	vle.f32 v8, v3;
	(xrf0) =	vmax.scan.msk.u32 $0xffff, v6  }
0x6f: {  	v6 =	vmpcnt.ones.xlane vm3  }
0x70: {  	v9, _, _ =	vpop (xrf0)  }
0x71: {  	v6 =	vxor.u32 $0x80000000, v6;
	v11 =	vld [tilespmem:s20+$0x10];
	(v2sf) =	vpush v9, $0xF  }
0x72: {  	vm4 =	vle.f32 v10, v3;
	(xrf0) =	vmax.scan.msk.u32 $0xffff, v6  }
0x73: {  	v6 =	vmpcnt.ones.xlane vm4  }
0x74: {  	v9, _, _ =	vpop (xrf0)  }
0x75: {  	v6 =	vxor.u32 $0x80000000, v6;
	v12 =	vld [tilespmem:s20+$0x20];
	(v2sf) =	vpush v9, $0xF  }
0x76: {  	vm5 =	vle.f32 v11, v3;
	(xrf0) =	vmax.scan.msk.u32 $0xffff, v6  }
0x77: {  	v6 =	vmpcnt.ones.xlane vm5  }
0x78: {  	v9, _, _ =	vpop (xrf0)  }
0x79: {  	v6 =	vxor.u32 $0x80000000, v6;
	v13 =	vld [tilespmem:s20+$0x30];
	(v2sf) =	vpush v9, $0xF  }
0x7a: {  	vm6 =	vle.f32 v12, v3;
	(xrf0) =	vmax.scan.msk.u32 $0xffff, v6  }
0x7b: {  	v6 =	vmpcnt.ones.xlane vm6  }
0x7c: {  	s24 =	spop (v2sf);
	v9, _, _ =	vpop (xrf0)  }
0x7d: {  	v6 =	vxor.u32 $0x80000000, v6;
	s24 =	sadd.s32 s24, s21;
	(v2sf) =	vpush v9, $0xF  }
0x7e: {  	vm7 =	vle.f32 v13, v3;
	s24 =	sadd.s32 $0x80000000, s24;
	(xrf0) =	vmax.scan.msk.u32 $0xffff, v6  }
0x7f: {  	v6 =	vmpcnt.ones.xlane vm7;
	p1 =	slt.s32 s24, $0x1000  }
0x80: {  	s24 =	simm.s32 @!p1 $0x1000;
	s25 =	spop (v2sf);
	v9, _, _ =	vpop (xrf0)  }
0x81: {  	v6 =	vxor.u32 $0x80000000, v6;
	s25 =	sadd.s32 s25, s24;
	(v2sf) =	vpush v9, $0xF  }
0x82: {  	s25 =	sadd.s32 $0x80000000, s25;
	(xrf0) =	vmax.scan.msk.u32 $0xffff, v6  }
0x83: {  	p1 =	slt.s32 s25, $0x1000  }
0x84: {  	s25 =	simm.s32 @!p1 $0x1000;
	s26 =	spop (v2sf);
	v6, _, _ =	vpop (xrf0)  }
0x85: {  	s26 =	sadd.s32 s26, s25;
	(v2sf) =	vpush v6, $0xF  }
0x86: {  	s26 =	sadd.s32 $0x80000000, s26  }
0x87: {  	p1 =	slt.s32 s26, $0x1000  }
0x88: {  	s26 =	simm.s32 @!p1 $0x1000;
	s28 =	spop (v2sf);
	v6, _, _ =	vpop (xrf0)  }
0x89: {  	s28 =	sadd.s32 s28, s26;
	(v2sf) =	vpush v6, $0xF  }
0x8a: {  	s29 =	sadd.s32 $0xFFFFFF90, s19;
	s28 =	sadd.s32 $0x80000000, s28  }
0x8b: {  	v6 =	vor.u32 s29, v2;
	[tilespmem:s21+$0x18880] =	vst.msk vm1, v4;
	p1 =	slt.s32 s28, $0x1000  }
0x8c: {  	s29 =	sadd.s32 $0xFFFFFFA0, s19;
	[tilespmem:s21+$0x19900] =	vst.msk vm1, v6;
	s28 =	simm.s32 @!p1 $0x1000;
	s21 =	spop (v2sf)  }
0x8d: {  	v4 =	vor.u32 s29, v2;
	[tilespmem:s24+$0x18880] =	vst.msk vm0, v5;
	s21 =	sadd.s32 s21, s28  }
0x8e: {  	s29 =	sadd.s32 $0xFFFFFFB0, s19;
	[tilespmem:s24+$0x19900] =	vst.msk vm0, v4;
	s21 =	sadd.s32 $0x80000000, s21  }
0x8f: {  	v4 =	vor.u32 s29, v2;
	[tilespmem:s25+$0x18880] =	vst.msk vm2, v7;
	p1 =	slt.s32 s21, $0x1000  }
0x90: {  	s24 =	sadd.s32 $0xFFFFFFC0, s19;
	[tilespmem:s25+$0x19900] =	vst.msk vm2, v4;
	s21 =	simm.s32 @!p1 $0x1000;
	s25 =	spop (v2sf)  }
0x91: {  	v4 =	vor.u32 s24, v2;
	[tilespmem:s26+$0x18880] =	vst.msk vm3, v8;
	s24 =	sadd.s32 s25, s21  }
0x92: {  	s25 =	sadd.s32 $0xFFFFFFD0, s19;
	[tilespmem:s26+$0x19900] =	vst.msk vm3, v4;
	s24 =	sadd.s32 $0x80000000, s24  }
0x93: {  	v4 =	vor.u32 s25, v2;
	[tilespmem:s28+$0x18880] =	vst.msk vm4, v10;
	p1 =	slt.s32 s24, $0x1000  }
0x94: {  	s25 =	sadd.s32 $0xFFFFFFE0, s19;
	[tilespmem:s28+$0x19900] =	vst.msk vm4, v4;
	s24 =	simm.s32 @!p1 $0x1000;
	s26 =	spop (v2sf)  }
0x95: {  	v4 =	vor.u32 s25, v2;
	[tilespmem:s21+$0x18880] =	vst.msk vm5, v11;
	s25 =	sadd.s32 s26, s24  }
0x96: {  	s26 =	sadd.s32 $0xFFFFFFF0, s19;
	[tilespmem:s21+$0x19900] =	vst.msk vm5, v4;
	s21 =	sadd.s32 $0x80000000, s25  }
.Ltmp1:
0x97: {  	v4 =	vor.u32 s26, v2;
	[tilespmem:s24+$0x18880] =	vst.msk vm6, v12;
	p1 =	slt.s32 s21, $0x1000;
	(pc) =	sbr.rel @p0 .LBB2_5-.Ltmp1, $4  }
0x98: {  	[tilespmem:s24+$0x19900] =	vst.msk vm6, v4;
	s21 =	simm.s32 @!p1 $0x1000;
	s24 =	spop (v2sf)  }
0x99: {  	v4 =	vor.u32 s19, v2;
	s19 =	smov.u32 s23;
	[tilespmem:s21+$0x18880] =	vst.msk vm7, v13;
	s24 =	sadd.s32 s24, s21  }
0x9a: {  	s20 =	sadd.s32 $0x80, s20;
	[tilespmem:s21+$0x19900] =	vst.msk vm7, v4;
	s21 =	sadd.s32 $0x80000000, s24  }
0x9b: {  	v4 =	vld [tilespmem:s20+$0xFFFFFFC0];
	p1 =	slt.s32 s21, $0x1000  }
0x9c: {  	_ =	sdelay $0x2  }
0x9d: {  	v5 =	vld [tilespmem:s20+$0xFFFFFFD0]  }
0x9e: {  	vm6 =	vle.f32 v4, v3  }
0x9f: {  	v6 =	vmpcnt.ones.xlane vm6;
	_ =	sdelay $0x1  }
0xa0: {  	v7 =	vld [tilespmem:s20+$0xFFFFFFE0];
	v6 =	vxor.u32 $0x80000000, v6  }
0xa1: {  	vm2 =	vle.f32 v5, v3;
	(xrf0) =	vmax.scan.msk.u32 $0xffff, v6  }
0xa2: {  	v53 =	vmpcnt.ones.xlane vm2;
	_ =	sdelay $0x1  }
0xa3: {  	v8 =	vld [tilespmem:s20+$0xFFFFFFF0];
	v6 =	vxor.u32 $0x80000000, v53  }
0xa4: {  	vm0 =	vle.f32 v7, v3;
	(xrf0) =	vmax.scan.msk.u32 $0xffff, v6  }
0xa5: {  	v54 =	vmpcnt.ones.xlane vm0  }
0xa6: {  	v9, _, _ =	vpop (xrf0)  }
0xa7: {  	v10 =	vld [tilespmem:s20+$0x0];
	v6 =	vxor.u32 $0x80000000, v54;
	(v2sf) =	vpush v9, $0xF  }
0xa8: {  	vm1 =	vle.f32 v8, v3;
	(xrf0) =	vmax.scan.msk.u32 $0xffff, v6  }
0xa9: {  	v55 =	vmpcnt.ones.xlane vm1  }
0xaa: {  	v56, _, _ =	vpop (xrf0)  }
0xab: {  	v11 =	vld [tilespmem:s20+$0x10];
	v6 =	vxor.u32 $0x80000000, v55;
	(v2sf) =	vpush v56, $0xF  }
0xac: {  	vm3 =	vle.f32 v10, v3;
	(xrf0) =	vmax.scan.msk.u32 $0xffff, v6  }
0xad: {  	v57 =	vmpcnt.ones.xlane vm3  }
0xae: {  	v58, _, _ =	vpop (xrf0)  }
0xaf: {  	v12 =	vld [tilespmem:s20+$0x20];
	v6 =	vxor.u32 $0x80000000, v57;
	(v2sf) =	vpush v58, $0xF  }
0xb0: {  	vm4 =	vle.f32 v11, v3;
	(xrf0) =	vmax.scan.msk.u32 $0xffff, v6  }
0xb1: {  	v59 =	vmpcnt.ones.xlane vm4  }
0xb2: {  	v60, _, _ =	vpop (xrf0)  }
0xb3: {  	v61 =	vld [tilespmem:s20+$0x30];
	v6 =	vxor.u32 $0x80000000, v59;
	(v2sf) =	vpush v60, $0xF  }
0xb4: {  	vm5 =	vle.f32 v12, v3;
	(xrf0) =	vmax.scan.msk.u32 $0xffff, v6  }
0xb5: {  	v62 =	vmpcnt.ones.xlane vm5  }
0xb6: {  	s21 =	simm.s32 @!p1 $0x1000;
	v13, _, _ =	vpop (xrf0);
	s25 =	spop (v2sf)  }
0xb7: {  	v9 =	vxor.u32 $0x80000000, v62;
	(v2sf) =	vpush v13, $0xF;
	s20 =	sadd.s32 s25, s21  }
0xb8: {  	vm7 =	vle.f32 v61, v3;
	(xrf0) =	vmax.scan.msk.u32 $0xffff, v9;
	s20 =	sadd.s32 $0x80000000, s20  }
0xb9: {  	v63 =	vmpcnt.ones.xlane vm7;
	p0 =	slt.s32 s20, $0x1000  }
0xba: {  	v3, _, _ =	vpop (xrf0);
	s22 =	spop (v2sf);
	s20 =	simm.s32 @!p0 $0x1000  }
0xbb: {  	(v2sf) =	vpush v3, $0xF;
	v3 =	vxor.u32 $0x80000000, v63;
	s22 =	sadd.s32 s22, s20  }
0xbc: {  	s22 =	sadd.s32 $0x80000000, s22  }
0xbd: {  	p0 =	slt.s32 s22, $0x1000  }
0xbe: {  	(xrf0) =	vmax.scan.msk.u32 $0xffff, v3;
	v3, _, _ =	vpop (xrf0);
	s23 =	spop (v2sf);
	s22 =	simm.s32 @!p0 $0x1000  }
0xbf: {  	(v2sf) =	vpush v3, $0xF;
	s23 =	sadd.s32 s23, s22  }
0xc0: {  	s23 =	sadd.s32 $0x80000000, s23  }
0xc1: {  	p0 =	slt.s32 s23, $0x1000  }
0xc2: {  	s24 =	spop (v2sf);
	s23 =	simm.s32 @!p0 $0x1000  }
0xc3: {  	s24 =	sadd.s32 s24, s23  }
0xc4: {  	s25 =	sadd.s32 $0xFFFFFF90, s19;
	v3, _, _ =	vpop (xrf0);
	s24 =	sadd.s32 $0x80000000, s24  }
0xc5: {  	[tilespmem:s21+$0x18880] =	vst.msk vm6, v4;
	(v2sf) =	vpush v3, $0xF;
	v3 =	vor.u32 s25, v2;
	p0 =	slt.s32 s24, $0x1000  }
0xc6: {  	s26 =	sadd.s32 $0xFFFFFFA0, s19;
	[tilespmem:s21+$0x19900] =	vst.msk vm6, v3;
	s28 =	spop (v2sf);
	s24 =	simm.s32 @!p0 $0x1000  }
0xc7: {  	v3 =	vor.u32 s26, v2;
	[tilespmem:s20+$0x18880] =	vst.msk vm2, v5;
	s21 =	sadd.s32 s28, s24  }
0xc8: {  	s29 =	sadd.s32 $0xFFFFFFB0, s19;
	[tilespmem:s20+$0x19900] =	vst.msk vm2, v3;
	s20 =	sadd.s32 $0x80000000, s21  }
0xc9: {  	v3 =	vor.u32 s29, v2;
	[tilespmem:s22+$0x18880] =	vst.msk vm0, v7;
	p0 =	slt.s32 s20, $0x1000  }
0xca: {  	s30 =	sadd.s32 $0xFFFFFFC0, s19;
	[tilespmem:s22+$0x19900] =	vst.msk vm0, v3;
	s31 =	spop (v2sf);
	s20 =	simm.s32 @!p0 $0x1000  }
0xcb: {  	v3 =	vor.u32 s30, v2;
	[tilespmem:s23+$0x18880] =	vst.msk vm1, v8;
	s22 =	sadd.s32 s31, s20  }
0xcc: {  	s25 =	sadd.s32 $0xFFFFFFD0, s19;
	[tilespmem:s23+$0x19900] =	vst.msk vm1, v3;
	s21 =	sadd.s32 $0x80000000, s22  }
0xcd: {  	v3 =	vor.u32 s25, v2;
	[tilespmem:s24+$0x18880] =	vst.msk vm3, v10;
	p0 =	slt.s32 s21, $0x1000  }
0xce: {  	s26 =	sadd.s32 $0xFFFFFFE0, s19;
	[tilespmem:s24+$0x19900] =	vst.msk vm3, v3;
	s28 =	spop (v2sf);
	s21 =	simm.s32 @!p0 $0x1000  }
0xcf: {  	v3 =	vor.u32 s26, v2;
	[tilespmem:s20+$0x18880] =	vst.msk vm4, v11;
	s29 =	sadd.s32 s28, s21  }
0xd0: {  	s30 =	sadd.s32 $0xFFFFFFF0, s19;
	[tilespmem:s20+$0x19900] =	vst.msk vm4, v3;
	s20 =	sadd.s32 $0x80000000, s29  }
0xd1: {  	v3 =	vor.u32 s30, v2;
	[tilespmem:s21+$0x18880] =	vst.msk vm5, v12;
	p0 =	slt.s32 s20, $0x1000  }
0xd2: {  	s18 =	sadd.s32 s8, s18;
	[tilespmem:s21+$0x19900] =	vst.msk vm5, v3;
	s20 =	simm.s32 @!p0 $0x1000  }
0xd3: {  	s18 =	sshrl.u32 s18, $0x3;
	v3 =	vor.u32 s19, v2;
	[tilespmem:s20+$0x18880] =	vst.msk vm7, v61  }
0xd4: {  	s31 =	spop (v2sf);
	s19 =	sadd.s32 s4, s18;
	[tilespmem:s20+$0x19900] =	vst.msk vm7, v3  }
0xd5: {  	[hbm4b:s19+s12] =	stream.strided.scatter [tilespmem:s14], [sflag:$0x1], $0x1000, s13, s12, $0x38;
	[tilespmem:$0x1A980] =	vst v63  }
0xd6: {  	s17 =	sadd.s32 $0x1, s17;
	_ =	swait.ge [sflag:s11], $0x1000  }
0xd7: {  	p0 =	sne.s32 s17, $0x8;
	[sflag:s11] =	ssyncset.done $0x0  }
.Ltmp2:
0xd8: {  	s18 =	sadd.s32 s5, s18;
	[sflag:s11] =	ssyncadd.s32 $0xFFFFF000;
	(pc) =	sbr.rel @p0 .LBB2_2-.Ltmp2, $4  }
0xd9: {  	[hbm4b:s18+s12] =	stream.strided.scatter [tilespmem:s15], [sflag:$0x1], $0x1000, s13, s12, $0x38;
	[tilespmem:$0x1A980] =	vst v63  }
0xda: {  	_ =	swait.ge [sflag:s11], $0x1000  }
0xdb: {  	[sflag:s11] =	ssyncset.done $0x0  }
0xdc: {  	[sflag:s11] =	ssyncadd.s32 $0xFFFFF000  }
0xdd: {  	s16 =	sadd.s32 $0x1, s16  }
0xde: {  	p0 =	sne.s32 s16, s9  }
.Ltmp3:
0xdf: {  	_ = 	snop;
	(pc) =	sbr.rel @p0 .LBB2_1-.Ltmp3, $1  }
0xe0: {  	_ =	sdelay $0x3  }
0xe1: {  	_ =	sfence.sel $0x180000  }
0xe2: {  	[bflag:$0x0] =	sbarrier.arrive $0xFFFF  }
0xe3: {  	p0 =	sne.s32 s1, $0x0;
	_ =	strace $0x9000004D  }
0xe4: {  	s0 =	sadd.s32 @!p0 $0x100000, s0;
	[bflag:$0x2] =	sbarrier.arrive $0xFFFF  }
0xe5: {  	[sflag:s0] =	ssyncadd.tile.s32 @!p0 $0x1;
	_ =	shalt  }
.Lfunc_end2:
_tile_overlayer_lowered:
.L_overlay_start_2:
0xe6: {  	(tag) =	ssettag $0x2  }
0xe7: {  	s0 =	rddreg [dreg:$0x0];
	s2 =	stileid.u32  }
0xe8: {  	s1 =	rddreg [dreg:$0x1];
	p0 =	sne.s32 s2, $0x0  }
0xe9: {  	s3 =	rddreg [dreg:$0x2];
	[bflag:$0x3] =	sbarrier.arrive $0xFFFF;
	s2 =	simm.s32 @!p0 $0x1C01  }
0xea: {  	[timem:s3], [sflag:s2] =	dma.local @!p0 [hbm:s0], s1  }
0xeb: {  	s0 =	simm.s32 @!p0 $0x1  }
0xec: {  	_ =	swait.ge @!p0 [sflag:s0], s1  }
0xed: {  	s1 =	ssub.s32 @!p0 $0x0, s1;
	[sflag:s0] =	ssyncset.done @!p0 $0x0  }
0xee: {  	[sflag:s0] =	ssyncadd.s32 @!p0 s1  }
0xef: {  	[bflag:$0x3] =	sbarrier.arrive $0xFFFF  }
0xf0: {  	_ =	shalt  }

</sc_bundles>
